<compile_context>
chip_gen: v7x
topology: tpu7x:2x2x1
jax: 0.10.2.dev20260603
libtpu: 0.0.44.dev20260713+nightly
codegen_flags: <defaults>
</compile_context>

<pallas_src>
import functools

import jax
import jax.numpy as jnp
from jax import lax
from jax.experimental import pallas as pl
from jax.experimental.pallas import tpu as pltpu
from jax.experimental.pallas import tpu_sc as plsc

_NC = 2
_NS = 16
_L = 16

_GROUP = 128
_GB = 4


def _matmul_body(x_ref, w_ref, b_ref, o_ref):
  d_half = o_ref.shape[2]
  h = (jnp.dot(x_ref[...], w_ref[...], preferred_element_type=jnp.float32)
       + b_ref[...])
  o_ref[0] = h[:, :d_half]
  o_ref[1] = h[:, d_half:]


def _linear_split(x, W, b):
  n, d_in = x.shape
  d_out = W.shape[1]
  blk = 1000
  return pl.pallas_call(
      _matmul_body,
      grid=(n // blk,),
      in_specs=[
          pl.BlockSpec((blk, d_in), lambda i: (i, 0)),
          pl.BlockSpec((d_in, d_out), lambda i: (0, 0)),
          pl.BlockSpec((1, d_out), lambda i: (0, 0)),
      ],
      out_specs=pl.BlockSpec((_NC, blk, d_out // _NC), lambda i: (0, i, 0)),
      out_shape=jax.ShapeDtypeStruct((_NC, n, d_out // _NC), jnp.float32),
  )(x, W, b.reshape(1, d_out))


def _sc_body(n_pad, nb, h_hbm, src_hbm, dst_hbm, adj_hbm, out_hbm,
             sidx, didx, adjv, rows, tmp, acc, gsem):
  c = lax.axis_index("c")
  s = lax.axis_index("s")
  dh = h_hbm.shape[2]
  rows_per_sub = n_pad // _NS
  chunk = 128
  nchunk = rows_per_sub // chunk
  r0 = s * rows_per_sub

  def _zrow(i, _):
    for k in range(dh // _L):
      tmp[i, pl.ds(k * _L, _L)] = jnp.zeros((_L,), jnp.float32)
    return 0
  lax.fori_loop(0, chunk, _zrow, 0)
  for k in range(nchunk):
    pltpu.sync_copy(tmp, acc.at[pl.ds(r0 + k * chunk, chunk)])
  plsc.subcore_barrier()

  def _batch(bidx, _):
    g0 = bidx * _GB
    pltpu.sync_copy(src_hbm.at[s, pl.ds(g0, _GB)], sidx)
    pltpu.sync_copy(dst_hbm.at[s, pl.ds(g0, _GB)], didx)
    pltpu.sync_copy(adj_hbm.at[s, pl.ds(g0, _GB)], adjv)
    cps = [pltpu.async_copy(h_hbm.at[c].at[sidx.at[j]], rows.at[j], gsem)
           for j in range(_GB)]
    for cp in cps:
      cp.wait()
    for j in range(_GB):
      def _scale(t, _):
        a_vec = adjv[j, pl.ds(t * _L, _L)]
        for e in range(_L):
          a = a_vec[e]
          i = t * _L + e
          for k in range(dh // _L):
            rows[j, i, pl.ds(k * _L, _L)] = rows[j, i, pl.ds(k * _L, _L)] * a
        return 0
      lax.fori_loop(0, _GROUP // _L, _scale, 0)
    for j in range(_GB):
      pltpu.sync_copy(rows.at[j], acc.at[didx.at[j]], add=True)
    return 0

  lax.fori_loop(0, nb, _batch, 0)
  plsc.subcore_barrier()

  for k in range(nchunk):
    pltpu.sync_copy(acc.at[pl.ds(r0 + k * chunk, chunk)], tmp)
    pltpu.sync_copy(tmp, out_hbm.at[c, pl.ds(r0 + k * chunk, chunk)])


def _sc_spmm(h_split, src, dst, adj):
  _, n, dh = h_split.shape
  n_pad = ((n + _NS * 128 - 1) // (_NS * 128)) * (_NS * 128)
  e = src.shape[0]
  batch_edges = _GROUP * _GB
  per_w = ((e + _NS * batch_edges - 1) // (_NS * batch_edges)) * batch_edges
  nb = per_w // batch_edges
  e_pad = per_w * _NS
  pad = e_pad - e
  src_p = jnp.concatenate([src, jnp.zeros((pad,), jnp.int32)])
  dst_p = jnp.concatenate([dst, jnp.zeros((pad,), jnp.int32)])
  adj_p = jnp.concatenate([adj, jnp.zeros((pad,), jnp.float32)])
  ng = per_w // _GROUP
  src3 = src_p.reshape(_NS, ng, _GROUP)
  dst3 = dst_p.reshape(_NS, ng, _GROUP)
  adj3 = adj_p.reshape(_NS, ng, _GROUP)

  mesh = plsc.VectorSubcoreMesh(
      core_axis_name="c", subcore_axis_name="s",
      num_cores=_NC, num_subcores=_NS)
  fn = pl.kernel(
      functools.partial(_sc_body, n_pad, nb),
      out_type=jax.ShapeDtypeStruct((_NC, n_pad, dh), jnp.float32),
      mesh=mesh,
      compiler_params=pltpu.CompilerParams(use_tc_tiling_on_sc=False),
      scratch_types=[
          pltpu.VMEM((_GB, _GROUP), jnp.int32),
          pltpu.VMEM((_GB, _GROUP), jnp.int32),
          pltpu.VMEM((_GB, _GROUP), jnp.float32),
          pltpu.VMEM((_GB, _GROUP, dh), jnp.float32),
          pltpu.VMEM((128, dh), jnp.float32),
          pltpu.VMEM_SHARED((n_pad, dh), jnp.float32),
          pltpu.SemaphoreType.DMA,
      ],
  )
  return fn(h_split, src3, dst3, adj3)


def _combine_body(p_ref, o_ref):
  t = jnp.concatenate([p_ref[0], p_ref[1]], axis=1)
  o_ref[...] = jnp.where(t > 0, t, jnp.exp(t) - 1.0)


def _combine(partials, n):
  dh = partials.shape[2]
  blk = 1000
  return pl.pallas_call(
      _combine_body,
      grid=(n // blk,),
      in_specs=[pl.BlockSpec((_NC, blk, dh), lambda i: (0, i, 0))],
      out_specs=pl.BlockSpec((blk, _NC * dh), lambda i: (i, 0)),
      out_shape=jax.ShapeDtypeStruct((n, _NC * dh), jnp.float32),
  )(partials)


def kernel(x, edge_index, adj_values, W, b):
  h_split = _linear_split(x, W, b)
  partials = _sc_spmm(h_split, edge_index[1], edge_index[0], adj_values)
  return _combine(partials, x.shape[0])

# --- scband reference (transcript-rebuilt; emitter-appended) ---
"""Pipeline reference for scband-graph-convolution-3135326126427 (READ-ONLY COPY).

The authoritative reference and input builder live on the scoring server;
editing this copy changes nothing except your own understanding.
"""

import jax, jax.numpy as jnp
import numpy as np

N = 10000
E = 320000
D_IN = 128
D_OUT = 128


def setup_inputs(seed: int = 0) -> dict:
    key = jax.random.key(seed)
    k1, k2, k3, k4 = jax.random.split(key, 4)
    x = jax.random.normal(k1, (N, D_IN), dtype=jnp.float32)
    edge_index = jax.random.randint(k2, (2, E), 0, N, dtype=jnp.int32)
    adj_values = jax.random.uniform(k3, (E,), dtype=jnp.float32)
    # Learned params of nn.Linear(n_in, n_out, bias=True)
    W = jax.random.normal(k4, (D_IN, D_OUT), dtype=jnp.float32) * (1.0 / np.sqrt(D_IN))
    b = jnp.zeros((D_OUT,), dtype=jnp.float32)
    return {"x": x, "edge_index": edge_index, "adj_values": adj_values, "W": W, "b": b}


def reference(x, edge_index, adj_values, W, b):
    # x = self.linear(x)
    h = x @ W + b
    # torch.spmm(adj, h): out[i] = sum_j adj[i, j] * h[j]
    # adj given in COO form: edge_index[0] = row (dst), edge_index[1] = col (src)
    dst = edge_index[0]
    src = edge_index[1]
    msgs = adj_values[:, None] * jnp.take(h, src, axis=0)
    agg = jax.ops.segment_sum(msgs, dst, num_segments=N)
    # F.elu
    return jax.nn.elu(agg)

if __name__ == "__main__":
    import jax
    _d = setup_inputs()
    print(jax.jit(kernel)(*tuple(_d.values())))

</pallas_src>

<mosaic_0001>
#map = affine_map<(d0, d1) -> (0, 0, 0)>
module attributes {stable_mosaic.version = 14 : i64} {
  func.func @_sc_body(%arg0: i32, %arg1: i32, %arg2: memref<2x10000x64xf32, #tpu.memory_space<hbm>>, %arg3: memref<16x160x128xi32, #tpu.memory_space<hbm>>, %arg4: memref<16x160x128xi32, #tpu.memory_space<hbm>>, %arg5: memref<16x160x128xf32, #tpu.memory_space<hbm>>, %arg6: memref<2x10240x64xf32, #tpu.memory_space<hbm>>, %arg7: memref<4x128xi32, #tpu.memory_space<vmem>>, %arg8: memref<4x128xi32, #tpu.memory_space<vmem>>, %arg9: memref<4x128xf32, #tpu.memory_space<vmem>>, %arg10: memref<4x128x64xf32, #tpu.memory_space<vmem>>, %arg11: memref<128x64xf32, #tpu.memory_space<vmem>>, %arg12: memref<10240x64xf32, #tpu.memory_space<vmem_shared>>, %arg13: memref<!tpu.dma_semaphore, #tpu.memory_space<semaphore_mem>>) attributes {dimension_semantics = [#tpu.dimension_semantics<core_parallel>, #tpu.dimension_semantics<subcore_parallel>], iteration_bounds = array<i64: 2, 16>, scalar_prefetch = 0 : i64, scratch_operands = 7 : i64, tpu.core_type = #tpu.core_type<sc_vector_subcore>, window_params = [{transform_indices = #map}, {transform_indices = #map}, {transform_indices = #map}, {transform_indices = #map}, {transform_indices = #map}]} {
    %mul3A = arith.constant 640 : i32
    %mul3A_0 = arith.muli %arg1, %mul3A : i32
    %scan3A = arith.constant 0 : i32
    %scan3A_1 = arith.constant 0 : i32
    %scan3A_2 = arith.constant 128 : i32
    %scan3A_3 = arith.addi %scan3A_1, %scan3A_2 : i32
    %scan3A_4 = arith.constant 1 : i32
    %scan3A_5 = scf.for %scan3A_44 = %scan3A_1 to %scan3A_3 step %scan3A_4 iter_args(%scan3A_45 = %scan3A) -> (i32)  : i32 {
      %broadcast_in_dim3A = arith.constant 0.000000e+00 : f32
      %broadcast_in_dim3A_46 = vector.broadcast %broadcast_in_dim3A : f32 to vector<16xf32>
      %swap3A = arith.index_cast %scan3A_44 : i32 to index
      %swap3A_47 = arith.constant 0 : index
      %swap3A_48 = tpu.vector_load %arg11[%swap3A, %swap3A_47] {strides = array<i32>} : memref<128x64xf32, #tpu.memory_space<vmem>>, vector<1x16xf32>,
      %swap3A_49 = vector.shape_cast %swap3A_48 : vector<1x16xf32> to vector<16xf32>
      %swap3A_50 = vector.shape_cast %broadcast_in_dim3A_46 : vector<16xf32> to vector<1x16xf32>
      tpu.vector_store %arg11[%swap3A, %swap3A_47], %swap3A_50 {strides = array<i32>} : memref<128x64xf32, #tpu.memory_space<vmem>>, vector<1x16xf32>,
      %broadcast_in_dim3A_51 = arith.constant 0.000000e+00 : f32
      %broadcast_in_dim3A_52 = vector.broadcast %broadcast_in_dim3A_51 : f32 to vector<16xf32>
      %swap3A_53 = arith.index_cast %scan3A_44 : i32 to index
      %swap3A_54 = arith.constant 16 : index
      %swap3A_55 = tpu.vector_load %arg11[%swap3A_53, %swap3A_54] {strides = array<i32>} : memref<128x64xf32, #tpu.memory_space<vmem>>, vector<1x16xf32>,
      %swap3A_56 = vector.shape_cast %swap3A_55 : vector<1x16xf32> to vector<16xf32>
      %swap3A_57 = vector.shape_cast %broadcast_in_dim3A_52 : vector<16xf32> to vector<1x16xf32>
      tpu.vector_store %arg11[%swap3A_53, %swap3A_54], %swap3A_57 {strides = array<i32>} : memref<128x64xf32, #tpu.memory_space<vmem>>, vector<1x16xf32>,
      %broadcast_in_dim3A_58 = arith.constant 0.000000e+00 : f32
      %broadcast_in_dim3A_59 = vector.broadcast %broadcast_in_dim3A_58 : f32 to vector<16xf32>
      %swap3A_60 = arith.index_cast %scan3A_44 : i32 to index
      %swap3A_61 = arith.constant 32 : index
      %swap3A_62 = tpu.vector_load %arg11[%swap3A_60, %swap3A_61] {strides = array<i32>} : memref<128x64xf32, #tpu.memory_space<vmem>>, vector<1x16xf32>,
      %swap3A_63 = vector.shape_cast %swap3A_62 : vector<1x16xf32> to vector<16xf32>
      %swap3A_64 = vector.shape_cast %broadcast_in_dim3A_59 : vector<16xf32> to vector<1x16xf32>
      tpu.vector_store %arg11[%swap3A_60, %swap3A_61], %swap3A_64 {strides = array<i32>} : memref<128x64xf32, #tpu.memory_space<vmem>>, vector<1x16xf32>,
      %broadcast_in_dim3A_65 = arith.constant 0.000000e+00 : f32
      %broadcast_in_dim3A_66 = vector.broadcast %broadcast_in_dim3A_65 : f32 to vector<16xf32>
      %swap3A_67 = arith.index_cast %scan3A_44 : i32 to index
      %swap3A_68 = arith.constant 48 : index
      %swap3A_69 = tpu.vector_load %arg11[%swap3A_67, %swap3A_68] {strides = array<i32>} : memref<128x64xf32, #tpu.memory_space<vmem>>, vector<1x16xf32>,
      %swap3A_70 = vector.shape_cast %swap3A_69 : vector<1x16xf32> to vector<16xf32>
      %swap3A_71 = vector.shape_cast %broadcast_in_dim3A_66 : vector<16xf32> to vector<1x16xf32>
      tpu.vector_store %arg11[%swap3A_67, %swap3A_68], %swap3A_71 {strides = array<i32>} : memref<128x64xf32, #tpu.memory_space<vmem>>, vector<1x16xf32>,
      %scan3A_72 = arith.constant 0 : i32
      scf.yield %scan3A_72 : i32
    }
    %scan3A_6 = arith.constant 128 : i32
    %add3A = arith.constant 0 : i32
    %add3A_7 = arith.addi %mul3A_0, %add3A : i32
    "tpu.region"() ({
      %run_scoped3A = tpu.sem_alloc : memref<!tpu.dma_semaphore, #tpu.memory_space<semaphore_mem>>
      %dma_start3A = arith.constant 0 : i32
      %dma_start3A_44 = tpu.memref_slice %arg12[%add3A_7, %dma_start3A] : memref<10240x64xf32, #tpu.memory_space<vmem_shared>> -> memref<128x64xf32, #tpu.memory_space<vmem_shared>>
      %dma_start3A_45 = arith.constant 0 : i32
      %dma_start3A_46 = tpu.memref_slice %arg12[%add3A_7, %dma_start3A_45] : memref<10240x64xf32, #tpu.memory_space<vmem_shared>> -> memref<128x64xf32, #tpu.memory_space<vmem_shared>>
      tpu.enqueue_dma source(%arg11 : memref<128x64xf32, #tpu.memory_space<vmem>>) target(%dma_start3A_46 : memref<128x64xf32, #tpu.memory_space<vmem_shared>>) target_semaphore(%run_scoped3A : memref<!tpu.dma_semaphore, #tpu.memory_space<semaphore_mem>>)
      %dma_wait3A = arith.constant 0 : i32
      %dma_wait3A_47 = tpu.memref_slice %arg12[%add3A_7, %dma_wait3A] : memref<10240x64xf32, #tpu.memory_space<vmem_shared>> -> memref<128x64xf32, #tpu.memory_space<vmem_shared>>
      %dma_wait3A_48 = arith.constant 0 : i32
      %dma_wait3A_49 = tpu.memref_slice %arg12[%add3A_7, %dma_wait3A_48] : memref<10240x64xf32, #tpu.memory_space<vmem_shared>> -> memref<128x64xf32, #tpu.memory_space<vmem_shared>>
      tpu.wait_dma2 semaphore(%run_scoped3A : memref<!tpu.dma_semaphore, #tpu.memory_space<semaphore_mem>>) src(%arg11 : memref<128x64xf32, #tpu.memory_space<vmem>>) dst(%dma_wait3A_49 : memref<128x64xf32, #tpu.memory_space<vmem_shared>>)
      tpu.yield
    }) : () -> ()
    %add3A_8 = arith.constant 128 : i32
    %add3A_9 = arith.addi %mul3A_0, %add3A_8 : i32
    "tpu.region"() ({
      %run_scoped3A = tpu.sem_alloc : memref<!tpu.dma_semaphore, #tpu.memory_space<semaphore_mem>>
      %dma_start3A = arith.constant 0 : i32
      %dma_start3A_44 = tpu.memref_slice %arg12[%add3A_9, %dma_start3A] : memref<10240x64xf32, #tpu.memory_space<vmem_shared>> -> memref<128x64xf32, #tpu.memory_space<vmem_shared>>
      %dma_start3A_45 = arith.constant 0 : i32
      %dma_start3A_46 = tpu.memref_slice %arg12[%add3A_9, %dma_start3A_45] : memref<10240x64xf32, #tpu.memory_space<vmem_shared>> -> memref<128x64xf32, #tpu.memory_space<vmem_shared>>
      tpu.enqueue_dma source(%arg11 : memref<128x64xf32, #tpu.memory_space<vmem>>) target(%dma_start3A_46 : memref<128x64xf32, #tpu.memory_space<vmem_shared>>) target_semaphore(%run_scoped3A : memref<!tpu.dma_semaphore, #tpu.memory_space<semaphore_mem>>)
      %dma_wait3A = arith.constant 0 : i32
      %dma_wait3A_47 = tpu.memref_slice %arg12[%add3A_9, %dma_wait3A] : memref<10240x64xf32, #tpu.memory_space<vmem_shared>> -> memref<128x64xf32, #tpu.memory_space<vmem_shared>>
      %dma_wait3A_48 = arith.constant 0 : i32
      %dma_wait3A_49 = tpu.memref_slice %arg12[%add3A_9, %dma_wait3A_48] : memref<10240x64xf32, #tpu.memory_space<vmem_shared>> -> memref<128x64xf32, #tpu.memory_space<vmem_shared>>
      tpu.wait_dma2 semaphore(%run_scoped3A : memref<!tpu.dma_semaphore, #tpu.memory_space<semaphore_mem>>) src(%arg11 : memref<128x64xf32, #tpu.memory_space<vmem>>) dst(%dma_wait3A_49 : memref<128x64xf32, #tpu.memory_space<vmem_shared>>)
      tpu.yield
    }) : () -> ()
    %add3A_10 = arith.constant 256 : i32
    %add3A_11 = arith.addi %mul3A_0, %add3A_10 : i32
    "tpu.region"() ({
      %run_scoped3A = tpu.sem_alloc : memref<!tpu.dma_semaphore, #tpu.memory_space<semaphore_mem>>
      %dma_start3A = arith.constant 0 : i32
      %dma_start3A_44 = tpu.memref_slice %arg12[%add3A_11, %dma_start3A] : memref<10240x64xf32, #tpu.memory_space<vmem_shared>> -> memref<128x64xf32, #tpu.memory_space<vmem_shared>>
      %dma_start3A_45 = arith.constant 0 : i32
      %dma_start3A_46 = tpu.memref_slice %arg12[%add3A_11, %dma_start3A_45] : memref<10240x64xf32, #tpu.memory_space<vmem_shared>> -> memref<128x64xf32, #tpu.memory_space<vmem_shared>>
      tpu.enqueue_dma source(%arg11 : memref<128x64xf32, #tpu.memory_space<vmem>>) target(%dma_start3A_46 : memref<128x64xf32, #tpu.memory_space<vmem_shared>>) target_semaphore(%run_scoped3A : memref<!tpu.dma_semaphore, #tpu.memory_space<semaphore_mem>>)
      %dma_wait3A = arith.constant 0 : i32
      %dma_wait3A_47 = tpu.memref_slice %arg12[%add3A_11, %dma_wait3A] : memref<10240x64xf32, #tpu.memory_space<vmem_shared>> -> memref<128x64xf32, #tpu.memory_space<vmem_shared>>
      %dma_wait3A_48 = arith.constant 0 : i32
      %dma_wait3A_49 = tpu.memref_slice %arg12[%add3A_11, %dma_wait3A_48] : memref<10240x64xf32, #tpu.memory_space<vmem_shared>> -> memref<128x64xf32, #tpu.memory_space<vmem_shared>>
      tpu.wait_dma2 semaphore(%run_scoped3A : memref<!tpu.dma_semaphore, #tpu.memory_space<semaphore_mem>>) src(%arg11 : memref<128x64xf32, #tpu.memory_space<vmem>>) dst(%dma_wait3A_49 : memref<128x64xf32, #tpu.memory_space<vmem_shared>>)
      tpu.yield
    }) : () -> ()
    %add3A_12 = arith.constant 384 : i32
    %add3A_13 = arith.addi %mul3A_0, %add3A_12 : i32
    "tpu.region"() ({
      %run_scoped3A = tpu.sem_alloc : memref<!tpu.dma_semaphore, #tpu.memory_space<semaphore_mem>>
      %dma_start3A = arith.constant 0 : i32
      %dma_start3A_44 = tpu.memref_slice %arg12[%add3A_13, %dma_start3A] : memref<10240x64xf32, #tpu.memory_space<vmem_shared>> -> memref<128x64xf32, #tpu.memory_space<vmem_shared>>
      %dma_start3A_45 = arith.constant 0 : i32
      %dma_start3A_46 = tpu.memref_slice %arg12[%add3A_13, %dma_start3A_45] : memref<10240x64xf32, #tpu.memory_space<vmem_shared>> -> memref<128x64xf32, #tpu.memory_space<vmem_shared>>
      tpu.enqueue_dma source(%arg11 : memref<128x64xf32, #tpu.memory_space<vmem>>) target(%dma_start3A_46 : memref<128x64xf32, #tpu.memory_space<vmem_shared>>) target_semaphore(%run_scoped3A : memref<!tpu.dma_semaphore, #tpu.memory_space<semaphore_mem>>)
      %dma_wait3A = arith.constant 0 : i32
      %dma_wait3A_47 = tpu.memref_slice %arg12[%add3A_13, %dma_wait3A] : memref<10240x64xf32, #tpu.memory_space<vmem_shared>> -> memref<128x64xf32, #tpu.memory_space<vmem_shared>>
      %dma_wait3A_48 = arith.constant 0 : i32
      %dma_wait3A_49 = tpu.memref_slice %arg12[%add3A_13, %dma_wait3A_48] : memref<10240x64xf32, #tpu.memory_space<vmem_shared>> -> memref<128x64xf32, #tpu.memory_space<vmem_shared>>
      tpu.wait_dma2 semaphore(%run_scoped3A : memref<!tpu.dma_semaphore, #tpu.memory_space<semaphore_mem>>) src(%arg11 : memref<128x64xf32, #tpu.memory_space<vmem>>) dst(%dma_wait3A_49 : memref<128x64xf32, #tpu.memory_space<vmem_shared>>)
      tpu.yield
    }) : () -> ()
    %add3A_14 = arith.constant 512 : i32
    %add3A_15 = arith.addi %mul3A_0, %add3A_14 : i32
    "tpu.region"() ({
      %run_scoped3A = tpu.sem_alloc : memref<!tpu.dma_semaphore, #tpu.memory_space<semaphore_mem>>
      %dma_start3A = arith.constant 0 : i32
      %dma_start3A_44 = tpu.memref_slice %arg12[%add3A_15, %dma_start3A] : memref<10240x64xf32, #tpu.memory_space<vmem_shared>> -> memref<128x64xf32, #tpu.memory_space<vmem_shared>>
      %dma_start3A_45 = arith.constant 0 : i32
      %dma_start3A_46 = tpu.memref_slice %arg12[%add3A_15, %dma_start3A_45] : memref<10240x64xf32, #tpu.memory_space<vmem_shared>> -> memref<128x64xf32, #tpu.memory_space<vmem_shared>>
      tpu.enqueue_dma source(%arg11 : memref<128x64xf32, #tpu.memory_space<vmem>>) target(%dma_start3A_46 : memref<128x64xf32, #tpu.memory_space<vmem_shared>>) target_semaphore(%run_scoped3A : memref<!tpu.dma_semaphore, #tpu.memory_space<semaphore_mem>>)
      %dma_wait3A = arith.constant 0 : i32
      %dma_wait3A_47 = tpu.memref_slice %arg12[%add3A_15, %dma_wait3A] : memref<10240x64xf32, #tpu.memory_space<vmem_shared>> -> memref<128x64xf32, #tpu.memory_space<vmem_shared>>
      %dma_wait3A_48 = arith.constant 0 : i32
      %dma_wait3A_49 = tpu.memref_slice %arg12[%add3A_15, %dma_wait3A_48] : memref<10240x64xf32, #tpu.memory_space<vmem_shared>> -> memref<128x64xf32, #tpu.memory_space<vmem_shared>>
      tpu.wait_dma2 semaphore(%run_scoped3A : memref<!tpu.dma_semaphore, #tpu.memory_space<semaphore_mem>>) src(%arg11 : memref<128x64xf32, #tpu.memory_space<vmem>>) dst(%dma_wait3A_49 : memref<128x64xf32, #tpu.memory_space<vmem_shared>>)
      tpu.yield
    }) : () -> ()
    %barrier3A = arith.constant 0 : index
    tpu.barrier barrier_id(%barrier3A)
    %scan3A_16 = arith.constant 0 : i32
    %scan3A_17 = arith.constant 0 : i32
    %scan3A_18 = arith.constant 40 : i32
    %scan3A_19 = arith.addi %scan3A_17, %scan3A_18 : i32
    %scan3A_20 = arith.constant 1 : i32
    %scan3A_21 = scf.for %scan3A_44 = %scan3A_17 to %scan3A_19 step %scan3A_20 iter_args(%scan3A_45 = %scan3A_16) -> (i32)  : i32 {
      %mul3A_46 = arith.constant 4 : i32
      %mul3A_47 = arith.muli %scan3A_44, %mul3A_46 : i32
      "tpu.region"() ({
        %run_scoped3A_210 = tpu.sem_alloc : memref<!tpu.dma_semaphore, #tpu.memory_space<semaphore_mem>>
        %dma_start3A_211 = arith.constant 0 : i32
        %dma_start3A_212 = tpu.memref_slice %arg3[%arg1, %mul3A_47, %dma_start3A_211] : memref<16x160x128xi32, #tpu.memory_space<hbm>> -> memref<1x4x128xi32, #tpu.memory_space<hbm>>
        %dma_start3A_213 = tpu.memref_squeeze %dma_start3A_212 : memref<1x4x128xi32, #tpu.memory_space<hbm>> -> memref<4x128xi32, #tpu.memory_space<hbm>>
        %dma_start3A_214 = arith.constant 0 : i32
        %dma_start3A_215 = tpu.memref_slice %arg3[%arg1, %mul3A_47, %dma_start3A_214] : memref<16x160x128xi32, #tpu.memory_space<hbm>> -> memref<1x4x128xi32, #tpu.memory_space<hbm>>
        %dma_start3A_216 = tpu.memref_squeeze %dma_start3A_215 : memref<1x4x128xi32, #tpu.memory_space<hbm>> -> memref<4x128xi32, #tpu.memory_space<hbm>>
        tpu.enqueue_dma source(%dma_start3A_216 : memref<4x128xi32, #tpu.memory_space<hbm>>) target(%arg7 : memref<4x128xi32, #tpu.memory_space<vmem>>) target_semaphore(%run_scoped3A_210 : memref<!tpu.dma_semaphore, #tpu.memory_space<semaphore_mem>>)
        %dma_wait3A_217 = arith.constant 0 : i32
        %dma_wait3A_218 = tpu.memref_slice %arg3[%arg1, %mul3A_47, %dma_wait3A_217] : memref<16x160x128xi32, #tpu.memory_space<hbm>> -> memref<1x4x128xi32, #tpu.memory_space<hbm>>
        %dma_wait3A_219 = tpu.memref_squeeze %dma_wait3A_218 : memref<1x4x128xi32, #tpu.memory_space<hbm>> -> memref<4x128xi32, #tpu.memory_space<hbm>>
        %dma_wait3A_220 = arith.constant 0 : i32
        %dma_wait3A_221 = tpu.memref_slice %arg3[%arg1, %mul3A_47, %dma_wait3A_220] : memref<16x160x128xi32, #tpu.memory_space<hbm>> -> memref<1x4x128xi32, #tpu.memory_space<hbm>>
        %dma_wait3A_222 = tpu.memref_squeeze %dma_wait3A_221 : memref<1x4x128xi32, #tpu.memory_space<hbm>> -> memref<4x128xi32, #tpu.memory_space<hbm>>
        tpu.wait_dma2 semaphore(%run_scoped3A_210 : memref<!tpu.dma_semaphore, #tpu.memory_space<semaphore_mem>>) src(%dma_wait3A_222 : memref<4x128xi32, #tpu.memory_space<hbm>>) dst(%arg7 : memref<4x128xi32, #tpu.memory_space<vmem>>)
        tpu.yield
      }) : () -> ()
      "tpu.region"() ({
        %run_scoped3A_210 = tpu.sem_alloc : memref<!tpu.dma_semaphore, #tpu.memory_space<semaphore_mem>>
        %dma_start3A_211 = arith.constant 0 : i32
        %dma_start3A_212 = tpu.memref_slice %arg4[%arg1, %mul3A_47, %dma_start3A_211] : memref<16x160x128xi32, #tpu.memory_space<hbm>> -> memref<1x4x128xi32, #tpu.memory_space<hbm>>
        %dma_start3A_213 = tpu.memref_squeeze %dma_start3A_212 : memref<1x4x128xi32, #tpu.memory_space<hbm>> -> memref<4x128xi32, #tpu.memory_space<hbm>>
        %dma_start3A_214 = arith.constant 0 : i32
        %dma_start3A_215 = tpu.memref_slice %arg4[%arg1, %mul3A_47, %dma_start3A_214] : memref<16x160x128xi32, #tpu.memory_space<hbm>> -> memref<1x4x128xi32, #tpu.memory_space<hbm>>
        %dma_start3A_216 = tpu.memref_squeeze %dma_start3A_215 : memref<1x4x128xi32, #tpu.memory_space<hbm>> -> memref<4x128xi32, #tpu.memory_space<hbm>>
        tpu.enqueue_dma source(%dma_start3A_216 : memref<4x128xi32, #tpu.memory_space<hbm>>) target(%arg8 : memref<4x128xi32, #tpu.memory_space<vmem>>) target_semaphore(%run_scoped3A_210 : memref<!tpu.dma_semaphore, #tpu.memory_space<semaphore_mem>>)
        %dma_wait3A_217 = arith.constant 0 : i32
        %dma_wait3A_218 = tpu.memref_slice %arg4[%arg1, %mul3A_47, %dma_wait3A_217] : memref<16x160x128xi32, #tpu.memory_space<hbm>> -> memref<1x4x128xi32, #tpu.memory_space<hbm>>
        %dma_wait3A_219 = tpu.memref_squeeze %dma_wait3A_218 : memref<1x4x128xi32, #tpu.memory_space<hbm>> -> memref<4x128xi32, #tpu.memory_space<hbm>>
        %dma_wait3A_220 = arith.constant 0 : i32
        %dma_wait3A_221 = tpu.memref_slice %arg4[%arg1, %mul3A_47, %dma_wait3A_220] : memref<16x160x128xi32, #tpu.memory_space<hbm>> -> memref<1x4x128xi32, #tpu.memory_space<hbm>>
        %dma_wait3A_222 = tpu.memref_squeeze %dma_wait3A_221 : memref<1x4x128xi32, #tpu.memory_space<hbm>> -> memref<4x128xi32, #tpu.memory_space<hbm>>
        tpu.wait_dma2 semaphore(%run_scoped3A_210 : memref<!tpu.dma_semaphore, #tpu.memory_space<semaphore_mem>>) src(%dma_wait3A_222 : memref<4x128xi32, #tpu.memory_space<hbm>>) dst(%arg8 : memref<4x128xi32, #tpu.memory_space<vmem>>)
        tpu.yield
      }) : () -> ()
      "tpu.region"() ({
        %run_scoped3A_210 = tpu.sem_alloc : memref<!tpu.dma_semaphore, #tpu.memory_space<semaphore_mem>>
        %dma_start3A_211 = arith.constant 0 : i32
        %dma_start3A_212 = tpu.memref_slice %arg5[%arg1, %mul3A_47, %dma_start3A_211] : memref<16x160x128xf32, #tpu.memory_space<hbm>> -> memref<1x4x128xf32, #tpu.memory_space<hbm>>
        %dma_start3A_213 = tpu.memref_squeeze %dma_start3A_212 : memref<1x4x128xf32, #tpu.memory_space<hbm>> -> memref<4x128xf32, #tpu.memory_space<hbm>>
        %dma_start3A_214 = arith.constant 0 : i32
        %dma_start3A_215 = tpu.memref_slice %arg5[%arg1, %mul3A_47, %dma_start3A_214] : memref<16x160x128xf32, #tpu.memory_space<hbm>> -> memref<1x4x128xf32, #tpu.memory_space<hbm>>
        %dma_start3A_216 = tpu.memref_squeeze %dma_start3A_215 : memref<1x4x128xf32, #tpu.memory_space<hbm>> -> memref<4x128xf32, #tpu.memory_space<hbm>>
        tpu.enqueue_dma source(%dma_start3A_216 : memref<4x128xf32, #tpu.memory_space<hbm>>) target(%arg9 : memref<4x128xf32, #tpu.memory_space<vmem>>) target_semaphore(%run_scoped3A_210 : memref<!tpu.dma_semaphore, #tpu.memory_space<semaphore_mem>>)
        %dma_wait3A_217 = arith.constant 0 : i32
        %dma_wait3A_218 = tpu.memref_slice %arg5[%arg1, %mul3A_47, %dma_wait3A_217] : memref<16x160x128xf32, #tpu.memory_space<hbm>> -> memref<1x4x128xf32, #tpu.memory_space<hbm>>
        %dma_wait3A_219 = tpu.memref_squeeze %dma_wait3A_218 : memref<1x4x128xf32, #tpu.memory_space<hbm>> -> memref<4x128xf32, #tpu.memory_space<hbm>>
        %dma_wait3A_220 = arith.constant 0 : i32
        %dma_wait3A_221 = tpu.memref_slice %arg5[%arg1, %mul3A_47, %dma_wait3A_220] : memref<16x160x128xf32, #tpu.memory_space<hbm>> -> memref<1x4x128xf32, #tpu.memory_space<hbm>>
        %dma_wait3A_222 = tpu.memref_squeeze %dma_wait3A_221 : memref<1x4x128xf32, #tpu.memory_space<hbm>> -> memref<4x128xf32, #tpu.memory_space<hbm>>
        tpu.wait_dma2 semaphore(%run_scoped3A_210 : memref<!tpu.dma_semaphore, #tpu.memory_space<semaphore_mem>>) src(%dma_wait3A_222 : memref<4x128xf32, #tpu.memory_space<hbm>>) dst(%arg9 : memref<4x128xf32, #tpu.memory_space<vmem>>)
        tpu.yield
      }) : () -> ()
      %dma_start3A = arith.constant 0 : i32
      %dma_start3A_48 = arith.constant 0 : i32
      %dma_start3A_49 = arith.constant 0 : i32
      %dma_start3A_50 = arith.constant 0 : i32
      %dma_start3A_51 = tpu.memref_slice %arg10[%dma_start3A_48, %dma_start3A_49, %dma_start3A_50] : memref<4x128x64xf32, #tpu.memory_space<vmem>> -> memref<1x128x64xf32, #tpu.memory_space<vmem>>
      %dma_start3A_52 = tpu.memref_squeeze %dma_start3A_51 : memref<1x128x64xf32, #tpu.memory_space<vmem>> -> memref<128x64xf32, #tpu.memory_space<vmem>>
      %dma_start3A_53 = arith.constant 0 : i32
      %dma_start3A_54 = tpu.memref_slice %arg7[%dma_start3A, %dma_start3A_53] : memref<4x128xi32, #tpu.memory_space<vmem>> -> memref<1x128xi32, #tpu.memory_space<vmem>>
      %dma_start3A_55 = tpu.memref_squeeze %dma_start3A_54 : memref<1x128xi32, #tpu.memory_space<vmem>> -> memref<128xi32, #tpu.memory_space<vmem>>
      %dma_start3A_56 = arith.constant 0 : i32
      %dma_start3A_57 = arith.constant 0 : i32
      %dma_start3A_58 = tpu.memref_slice %arg2[%arg0, %dma_start3A_56, %dma_start3A_57] : memref<2x10000x64xf32, #tpu.memory_space<hbm>> -> memref<1x10000x64xf32, #tpu.memory_space<hbm>>
      %dma_start3A_59 = tpu.memref_squeeze %dma_start3A_58 : memref<1x10000x64xf32, #tpu.memory_space<hbm>> -> memref<10000x64xf32, #tpu.memory_space<hbm>>
      %dma_start3A_60 = arith.constant 0 : i32
      %dma_start3A_61 = arith.constant 0 : i32
      %dma_start3A_62 = tpu.memref_slice %dma_start3A_59[%dma_start3A_60, %dma_start3A_61] : memref<10000x64xf32, #tpu.memory_space<hbm>> -> memref<10000x64xf32, #tpu.memory_space<hbm>>
      tpu.enqueue_indirect_dma source(%dma_start3A_62 : memref<10000x64xf32, #tpu.memory_space<hbm>>) target(%dma_start3A_52 : memref<128x64xf32, #tpu.memory_space<vmem>>) offsets(%dma_start3A_55 : memref<128xi32, #tpu.memory_space<vmem>>) semaphore(%arg13 : memref<!tpu.dma_semaphore, #tpu.memory_space<semaphore_mem>>)
      %dma_start3A_63 = arith.constant 1 : i32
      %dma_start3A_64 = arith.constant 1 : i32
      %dma_start3A_65 = arith.constant 0 : i32
      %dma_start3A_66 = arith.constant 0 : i32
      %dma_start3A_67 = tpu.memref_slice %arg10[%dma_start3A_64, %dma_start3A_65, %dma_start3A_66] : memref<4x128x64xf32, #tpu.memory_space<vmem>> -> memref<1x128x64xf32, #tpu.memory_space<vmem>>
      %dma_start3A_68 = tpu.memref_squeeze %dma_start3A_67 : memref<1x128x64xf32, #tpu.memory_space<vmem>> -> memref<128x64xf32, #tpu.memory_space<vmem>>
      %dma_start3A_69 = arith.constant 0 : i32
      %dma_start3A_70 = tpu.memref_slice %arg7[%dma_start3A_63, %dma_start3A_69] : memref<4x128xi32, #tpu.memory_space<vmem>> -> memref<1x128xi32, #tpu.memory_space<vmem>>
      %dma_start3A_71 = tpu.memref_squeeze %dma_start3A_70 : memref<1x128xi32, #tpu.memory_space<vmem>> -> memref<128xi32, #tpu.memory_space<vmem>>
      %dma_start3A_72 = arith.constant 0 : i32
      %dma_start3A_73 = arith.constant 0 : i32
      %dma_start3A_74 = tpu.memref_slice %arg2[%arg0, %dma_start3A_72, %dma_start3A_73] : memref<2x10000x64xf32, #tpu.memory_space<hbm>> -> memref<1x10000x64xf32, #tpu.memory_space<hbm>>
      %dma_start3A_75 = tpu.memref_squeeze %dma_start3A_74 : memref<1x10000x64xf32, #tpu.memory_space<hbm>> -> memref<10000x64xf32, #tpu.memory_space<hbm>>
      %dma_start3A_76 = arith.constant 0 : i32
      %dma_start3A_77 = arith.constant 0 : i32
      %dma_start3A_78 = tpu.memref_slice %dma_start3A_75[%dma_start3A_76, %dma_start3A_77] : memref<10000x64xf32, #tpu.memory_space<hbm>> -> memref<10000x64xf32, #tpu.memory_space<hbm>>
      tpu.enqueue_indirect_dma source(%dma_start3A_78 : memref<10000x64xf32, #tpu.memory_space<hbm>>) target(%dma_start3A_68 : memref<128x64xf32, #tpu.memory_space<vmem>>) offsets(%dma_start3A_71 : memref<128xi32, #tpu.memory_space<vmem>>) semaphore(%arg13 : memref<!tpu.dma_semaphore, #tpu.memory_space<semaphore_mem>>)
      %dma_start3A_79 = arith.constant 2 : i32
      %dma_start3A_80 = arith.constant 2 : i32
      %dma_start3A_81 = arith.constant 0 : i32
      %dma_start3A_82 = arith.constant 0 : i32
      %dma_start3A_83 = tpu.memref_slice %arg10[%dma_start3A_80, %dma_start3A_81, %dma_start3A_82] : memref<4x128x64xf32, #tpu.memory_space<vmem>> -> memref<1x128x64xf32, #tpu.memory_space<vmem>>
      %dma_start3A_84 = tpu.memref_squeeze %dma_start3A_83 : memref<1x128x64xf32, #tpu.memory_space<vmem>> -> memref<128x64xf32, #tpu.memory_space<vmem>>
      %dma_start3A_85 = arith.constant 0 : i32
      %dma_start3A_86 = tpu.memref_slice %arg7[%dma_start3A_79, %dma_start3A_85] : memref<4x128xi32, #tpu.memory_space<vmem>> -> memref<1x128xi32, #tpu.memory_space<vmem>>
      %dma_start3A_87 = tpu.memref_squeeze %dma_start3A_86 : memref<1x128xi32, #tpu.memory_space<vmem>> -> memref<128xi32, #tpu.memory_space<vmem>>
      %dma_start3A_88 = arith.constant 0 : i32
      %dma_start3A_89 = arith.constant 0 : i32
      %dma_start3A_90 = tpu.memref_slice %arg2[%arg0, %dma_start3A_88, %dma_start3A_89] : memref<2x10000x64xf32, #tpu.memory_space<hbm>> -> memref<1x10000x64xf32, #tpu.memory_space<hbm>>
      %dma_start3A_91 = tpu.memref_squeeze %dma_start3A_90 : memref<1x10000x64xf32, #tpu.memory_space<hbm>> -> memref<10000x64xf32, #tpu.memory_space<hbm>>
      %dma_start3A_92 = arith.constant 0 : i32
      %dma_start3A_93 = arith.constant 0 : i32
      %dma_start3A_94 = tpu.memref_slice %dma_start3A_91[%dma_start3A_92, %dma_start3A_93] : memref<10000x64xf32, #tpu.memory_space<hbm>> -> memref<10000x64xf32, #tpu.memory_space<hbm>>
      tpu.enqueue_indirect_dma source(%dma_start3A_94 : memref<10000x64xf32, #tpu.memory_space<hbm>>) target(%dma_start3A_84 : memref<128x64xf32, #tpu.memory_space<vmem>>) offsets(%dma_start3A_87 : memref<128xi32, #tpu.memory_space<vmem>>) semaphore(%arg13 : memref<!tpu.dma_semaphore, #tpu.memory_space<semaphore_mem>>)
      %dma_start3A_95 = arith.constant 3 : i32
      %dma_start3A_96 = arith.constant 3 : i32
      %dma_start3A_97 = arith.constant 0 : i32
      %dma_start3A_98 = arith.constant 0 : i32
      %dma_start3A_99 = tpu.memref_slice %arg10[%dma_start3A_96, %dma_start3A_97, %dma_start3A_98] : memref<4x128x64xf32, #tpu.memory_space<vmem>> -> memref<1x128x64xf32, #tpu.memory_space<vmem>>
      %dma_start3A_100 = tpu.memref_squeeze %dma_start3A_99 : memref<1x128x64xf32, #tpu.memory_space<vmem>> -> memref<128x64xf32, #tpu.memory_space<vmem>>
      %dma_start3A_101 = arith.constant 0 : i32
      %dma_start3A_102 = tpu.memref_slice %arg7[%dma_start3A_95, %dma_start3A_101] : memref<4x128xi32, #tpu.memory_space<vmem>> -> memref<1x128xi32, #tpu.memory_space<vmem>>
      %dma_start3A_103 = tpu.memref_squeeze %dma_start3A_102 : memref<1x128xi32, #tpu.memory_space<vmem>> -> memref<128xi32, #tpu.memory_space<vmem>>
      %dma_start3A_104 = arith.constant 0 : i32
      %dma_start3A_105 = arith.constant 0 : i32
      %dma_start3A_106 = tpu.memref_slice %arg2[%arg0, %dma_start3A_104, %dma_start3A_105] : memref<2x10000x64xf32, #tpu.memory_space<hbm>> -> memref<1x10000x64xf32, #tpu.memory_space<hbm>>
      %dma_start3A_107 = tpu.memref_squeeze %dma_start3A_106 : memref<1x10000x64xf32, #tpu.memory_space<hbm>> -> memref<10000x64xf32, #tpu.memory_space<hbm>>
      %dma_start3A_108 = arith.constant 0 : i32
      %dma_start3A_109 = arith.constant 0 : i32
      %dma_start3A_110 = tpu.memref_slice %dma_start3A_107[%dma_start3A_108, %dma_start3A_109] : memref<10000x64xf32, #tpu.memory_space<hbm>> -> memref<10000x64xf32, #tpu.memory_space<hbm>>
      tpu.enqueue_indirect_dma source(%dma_start3A_110 : memref<10000x64xf32, #tpu.memory_space<hbm>>) target(%dma_start3A_100 : memref<128x64xf32, #tpu.memory_space<vmem>>) offsets(%dma_start3A_103 : memref<128xi32, #tpu.memory_space<vmem>>) semaphore(%arg13 : memref<!tpu.dma_semaphore, #tpu.memory_space<semaphore_mem>>)
      %dma_wait3A = arith.constant 0 : i32
      %dma_wait3A_111 = arith.constant 0 : i32
      %dma_wait3A_112 = arith.constant 0 : i32
      %dma_wait3A_113 = arith.constant 0 : i32
      %dma_wait3A_114 = tpu.memref_slice %arg10[%dma_wait3A_111, %dma_wait3A_112, %dma_wait3A_113] : memref<4x128x64xf32, #tpu.memory_space<vmem>> -> memref<1x128x64xf32, #tpu.memory_space<vmem>>
      %dma_wait3A_115 = tpu.memref_squeeze %dma_wait3A_114 : memref<1x128x64xf32, #tpu.memory_space<vmem>> -> memref<128x64xf32, #tpu.memory_space<vmem>>
      %dma_wait3A_116 = arith.constant 0 : i32
      %dma_wait3A_117 = tpu.memref_slice %arg7[%dma_wait3A, %dma_wait3A_116] : memref<4x128xi32, #tpu.memory_space<vmem>> -> memref<1x128xi32, #tpu.memory_space<vmem>>
      %dma_wait3A_118 = tpu.memref_squeeze %dma_wait3A_117 : memref<1x128xi32, #tpu.memory_space<vmem>> -> memref<128xi32, #tpu.memory_space<vmem>>
      %dma_wait3A_119 = arith.constant 0 : i32
      %dma_wait3A_120 = arith.constant 0 : i32
      %dma_wait3A_121 = tpu.memref_slice %arg2[%arg0, %dma_wait3A_119, %dma_wait3A_120] : memref<2x10000x64xf32, #tpu.memory_space<hbm>> -> memref<1x10000x64xf32, #tpu.memory_space<hbm>>
      %dma_wait3A_122 = tpu.memref_squeeze %dma_wait3A_121 : memref<1x10000x64xf32, #tpu.memory_space<hbm>> -> memref<10000x64xf32, #tpu.memory_space<hbm>>
      %dma_wait3A_123 = arith.constant 0 : i32
      %dma_wait3A_124 = arith.constant 0 : i32
      %dma_wait3A_125 = tpu.memref_slice %dma_wait3A_122[%dma_wait3A_123, %dma_wait3A_124] : memref<10000x64xf32, #tpu.memory_space<hbm>> -> memref<10000x64xf32, #tpu.memory_space<hbm>>
      tpu.wait_indirect_dma semaphore(%arg13 : memref<!tpu.dma_semaphore, #tpu.memory_space<semaphore_mem>>) src(%dma_wait3A_125 : memref<10000x64xf32, #tpu.memory_space<hbm>>) dst(%dma_wait3A_115 : memref<128x64xf32, #tpu.memory_space<vmem>>)
      %dma_wait3A_126 = arith.constant 1 : i32
      %dma_wait3A_127 = arith.constant 1 : i32
      %dma_wait3A_128 = arith.constant 0 : i32
      %dma_wait3A_129 = arith.constant 0 : i32
      %dma_wait3A_130 = tpu.memref_slice %arg10[%dma_wait3A_127, %dma_wait3A_128, %dma_wait3A_129] : memref<4x128x64xf32, #tpu.memory_space<vmem>> -> memref<1x128x64xf32, #tpu.memory_space<vmem>>
      %dma_wait3A_131 = tpu.memref_squeeze %dma_wait3A_130 : memref<1x128x64xf32, #tpu.memory_space<vmem>> -> memref<128x64xf32, #tpu.memory_space<vmem>>
      %dma_wait3A_132 = arith.constant 0 : i32
      %dma_wait3A_133 = tpu.memref_slice %arg7[%dma_wait3A_126, %dma_wait3A_132] : memref<4x128xi32, #tpu.memory_space<vmem>> -> memref<1x128xi32, #tpu.memory_space<vmem>>
      %dma_wait3A_134 = tpu.memref_squeeze %dma_wait3A_133 : memref<1x128xi32, #tpu.memory_space<vmem>> -> memref<128xi32, #tpu.memory_space<vmem>>
      %dma_wait3A_135 = arith.constant 0 : i32
      %dma_wait3A_136 = arith.constant 0 : i32
      %dma_wait3A_137 = tpu.memref_slice %arg2[%arg0, %dma_wait3A_135, %dma_wait3A_136] : memref<2x10000x64xf32, #tpu.memory_space<hbm>> -> memref<1x10000x64xf32, #tpu.memory_space<hbm>>
      %dma_wait3A_138 = tpu.memref_squeeze %dma_wait3A_137 : memref<1x10000x64xf32, #tpu.memory_space<hbm>> -> memref<10000x64xf32, #tpu.memory_space<hbm>>
      %dma_wait3A_139 = arith.constant 0 : i32
      %dma_wait3A_140 = arith.constant 0 : i32
      %dma_wait3A_141 = tpu.memref_slice %dma_wait3A_138[%dma_wait3A_139, %dma_wait3A_140] : memref<10000x64xf32, #tpu.memory_space<hbm>> -> memref<10000x64xf32, #tpu.memory_space<hbm>>
      tpu.wait_indirect_dma semaphore(%arg13 : memref<!tpu.dma_semaphore, #tpu.memory_space<semaphore_mem>>) src(%dma_wait3A_141 : memref<10000x64xf32, #tpu.memory_space<hbm>>) dst(%dma_wait3A_131 : memref<128x64xf32, #tpu.memory_space<vmem>>)
      %dma_wait3A_142 = arith.constant 2 : i32
      %dma_wait3A_143 = arith.constant 2 : i32
      %dma_wait3A_144 = arith.constant 0 : i32
      %dma_wait3A_145 = arith.constant 0 : i32
      %dma_wait3A_146 = tpu.memref_slice %arg10[%dma_wait3A_143, %dma_wait3A_144, %dma_wait3A_145] : memref<4x128x64xf32, #tpu.memory_space<vmem>> -> memref<1x128x64xf32, #tpu.memory_space<vmem>>
      %dma_wait3A_147 = tpu.memref_squeeze %dma_wait3A_146 : memref<1x128x64xf32, #tpu.memory_space<vmem>> -> memref<128x64xf32, #tpu.memory_space<vmem>>
      %dma_wait3A_148 = arith.constant 0 : i32
      %dma_wait3A_149 = tpu.memref_slice %arg7[%dma_wait3A_142, %dma_wait3A_148] : memref<4x128xi32, #tpu.memory_space<vmem>> -> memref<1x128xi32, #tpu.memory_space<vmem>>
      %dma_wait3A_150 = tpu.memref_squeeze %dma_wait3A_149 : memref<1x128xi32, #tpu.memory_space<vmem>> -> memref<128xi32, #tpu.memory_space<vmem>>
      %dma_wait3A_151 = arith.constant 0 : i32
      %dma_wait3A_152 = arith.constant 0 : i32
      %dma_wait3A_153 = tpu.memref_slice %arg2[%arg0, %dma_wait3A_151, %dma_wait3A_152] : memref<2x10000x64xf32, #tpu.memory_space<hbm>> -> memref<1x10000x64xf32, #tpu.memory_space<hbm>>
      %dma_wait3A_154 = tpu.memref_squeeze %dma_wait3A_153 : memref<1x10000x64xf32, #tpu.memory_space<hbm>> -> memref<10000x64xf32, #tpu.memory_space<hbm>>
      %dma_wait3A_155 = arith.constant 0 : i32
      %dma_wait3A_156 = arith.constant 0 : i32
      %dma_wait3A_157 = tpu.memref_slice %dma_wait3A_154[%dma_wait3A_155, %dma_wait3A_156] : memref<10000x64xf32, #tpu.memory_space<hbm>> -> memref<10000x64xf32, #tpu.memory_space<hbm>>
      tpu.wait_indirect_dma semaphore(%arg13 : memref<!tpu.dma_semaphore, #tpu.memory_space<semaphore_mem>>) src(%dma_wait3A_157 : memref<10000x64xf32, #tpu.memory_space<hbm>>) dst(%dma_wait3A_147 : memref<128x64xf32, #tpu.memory_space<vmem>>)
      %dma_wait3A_158 = arith.constant 3 : i32
      %dma_wait3A_159 = arith.constant 3 : i32
      %dma_wait3A_160 = arith.constant 0 : i32
      %dma_wait3A_161 = arith.constant 0 : i32
      %dma_wait3A_162 = tpu.memref_slice %arg10[%dma_wait3A_159, %dma_wait3A_160, %dma_wait3A_161] : memref<4x128x64xf32, #tpu.memory_space<vmem>> -> memref<1x128x64xf32, #tpu.memory_space<vmem>>
      %dma_wait3A_163 = tpu.memref_squeeze %dma_wait3A_162 : memref<1x128x64xf32, #tpu.memory_space<vmem>> -> memref<128x64xf32, #tpu.memory_space<vmem>>
      %dma_wait3A_164 = arith.constant 0 : i32
      %dma_wait3A_165 = tpu.memref_slice %arg7[%dma_wait3A_158, %dma_wait3A_164] : memref<4x128xi32, #tpu.memory_space<vmem>> -> memref<1x128xi32, #tpu.memory_space<vmem>>
      %dma_wait3A_166 = tpu.memref_squeeze %dma_wait3A_165 : memref<1x128xi32, #tpu.memory_space<vmem>> -> memref<128xi32, #tpu.memory_space<vmem>>
      %dma_wait3A_167 = arith.constant 0 : i32
      %dma_wait3A_168 = arith.constant 0 : i32
      %dma_wait3A_169 = tpu.memref_slice %arg2[%arg0, %dma_wait3A_167, %dma_wait3A_168] : memref<2x10000x64xf32, #tpu.memory_space<hbm>> -> memref<1x10000x64xf32, #tpu.memory_space<hbm>>
      %dma_wait3A_170 = tpu.memref_squeeze %dma_wait3A_169 : memref<1x10000x64xf32, #tpu.memory_space<hbm>> -> memref<10000x64xf32, #tpu.memory_space<hbm>>
      %dma_wait3A_171 = arith.constant 0 : i32
      %dma_wait3A_172 = arith.constant 0 : i32
      %dma_wait3A_173 = tpu.memref_slice %dma_wait3A_170[%dma_wait3A_171, %dma_wait3A_172] : memref<10000x64xf32, #tpu.memory_space<hbm>> -> memref<10000x64xf32, #tpu.memory_space<hbm>>
      tpu.wait_indirect_dma semaphore(%arg13 : memref<!tpu.dma_semaphore, #tpu.memory_space<semaphore_mem>>) src(%dma_wait3A_173 : memref<10000x64xf32, #tpu.memory_space<hbm>>) dst(%dma_wait3A_163 : memref<128x64xf32, #tpu.memory_space<vmem>>)
      %scan3A_174 = arith.constant 0 : i32
      %scan3A_175 = arith.constant 0 : i32
      %scan3A_176 = arith.constant 8 : i32
      %scan3A_177 = arith.addi %scan3A_175, %scan3A_176 : i32
      %scan3A_178 = arith.constant 1 : i32
      %scan3A_179 = scf.for %scan3A_210 = %scan3A_175 to %scan3A_177 step %scan3A_178 iter_args(%scan3A_211 = %scan3A_174) -> (i32)  : i32 {
        %mul3A_212 = arith.constant 16 : i32
        %mul3A_213 = arith.muli %scan3A_210, %mul3A_212 : i32
        %get3A = arith.constant 0 : i32
        %get3A_214 = arith.index_cast %get3A : i32 to index
        %get3A_215 = arith.index_cast %mul3A_213 : i32 to index
        %get3A_216 = tpu.vector_load %arg9[%get3A_214, %get3A_215] {strides = array<i32>} : memref<4x128xf32, #tpu.memory_space<vmem>>, vector<1x16xf32>,
        %get3A_217 = vector.shape_cast %get3A_216 : vector<1x16xf32> to vector<16xf32>
        %slice3A = vector.extract_strided_slice %get3A_217 {offsets = [0], sizes = [1], strides = [1]} : vector<16xf32> to vector<1xf32>
        %squeeze3A = vector.extract %slice3A[0] : f32 from vector<1xf32>
        %mul3A_218 = arith.constant 16 : i32
        %mul3A_219 = arith.muli %scan3A_210, %mul3A_218 : i32
        %add3A_220 = arith.constant 0 : i32
        %add3A_221 = arith.addi %mul3A_219, %add3A_220 : i32
        %get3A_222 = arith.constant 0 : i32
        %get3A_223 = arith.index_cast %get3A_222 : i32 to index
        %get3A_224 = arith.index_cast %add3A_221 : i32 to index
        %get3A_225 = arith.constant 0 : index
        %get3A_226 = tpu.vector_load %arg10[%get3A_223, %get3A_224, %get3A_225] {strides = array<i32>} : memref<4x128x64xf32, #tpu.memory_space<vmem>>, vector<1x1x16xf32>,
        %get3A_227 = vector.shape_cast %get3A_226 : vector<1x1x16xf32> to vector<16xf32>
        %mul3A_228 = vector.broadcast %squeeze3A : f32 to vector<16xf32>
        %mul3A_229 = arith.mulf %get3A_227, %mul3A_228 : vector<16xf32>
        %swap3A = arith.constant 0 : i32
        %swap3A_230 = arith.index_cast %swap3A : i32 to index
        %swap3A_231 = arith.index_cast %add3A_221 : i32 to index
        %swap3A_232 = arith.constant 0 : index
        %swap3A_233 = tpu.vector_load %arg10[%swap3A_230, %swap3A_231, %swap3A_232] {strides = array<i32>} : memref<4x128x64xf32, #tpu.memory_space<vmem>>, vector<1x1x16xf32>,
        %swap3A_234 = vector.shape_cast %swap3A_233 : vector<1x1x16xf32> to vector<16xf32>
        %swap3A_235 = vector.shape_cast %mul3A_229 : vector<16xf32> to vector<1x1x16xf32>
        tpu.vector_store %arg10[%swap3A_230, %swap3A_231, %swap3A_232], %swap3A_235 {strides = array<i32>} : memref<4x128x64xf32, #tpu.memory_space<vmem>>, vector<1x1x16xf32>,
        %get3A_236 = arith.constant 0 : i32
        %get3A_237 = arith.index_cast %get3A_236 : i32 to index
        %get3A_238 = arith.index_cast %add3A_221 : i32 to index
        %get3A_239 = arith.constant 16 : index
        %get3A_240 = tpu.vector_load %arg10[%get3A_237, %get3A_238, %get3A_239] {strides = array<i32>} : memref<4x128x64xf32, #tpu.memory_space<vmem>>, vector<1x1x16xf32>,
        %get3A_241 = vector.shape_cast %get3A_240 : vector<1x1x16xf32> to vector<16xf32>
        %mul3A_242 = vector.broadcast %squeeze3A : f32 to vector<16xf32>
        %mul3A_243 = arith.mulf %get3A_241, %mul3A_242 : vector<16xf32>
        %swap3A_244 = arith.constant 0 : i32
        %swap3A_245 = arith.index_cast %swap3A_244 : i32 to index
        %swap3A_246 = arith.index_cast %add3A_221 : i32 to index
        %swap3A_247 = arith.constant 16 : index
        %swap3A_248 = tpu.vector_load %arg10[%swap3A_245, %swap3A_246, %swap3A_247] {strides = array<i32>} : memref<4x128x64xf32, #tpu.memory_space<vmem>>, vector<1x1x16xf32>,
        %swap3A_249 = vector.shape_cast %swap3A_248 : vector<1x1x16xf32> to vector<16xf32>
        %swap3A_250 = vector.shape_cast %mul3A_243 : vector<16xf32> to vector<1x1x16xf32>
        tpu.vector_store %arg10[%swap3A_245, %swap3A_246, %swap3A_247], %swap3A_250 {strides = array<i32>} : memref<4x128x64xf32, #tpu.memory_space<vmem>>, vector<1x1x16xf32>,
        %get3A_251 = arith.constant 0 : i32
        %get3A_252 = arith.index_cast %get3A_251 : i32 to index
        %get3A_253 = arith.index_cast %add3A_221 : i32 to index
        %get3A_254 = arith.constant 32 : index
        %get3A_255 = tpu.vector_load %arg10[%get3A_252, %get3A_253, %get3A_254] {strides = array<i32>} : memref<4x128x64xf32, #tpu.memory_space<vmem>>, vector<1x1x16xf32>,
        %get3A_256 = vector.shape_cast %get3A_255 : vector<1x1x16xf32> to vector<16xf32>
        %mul3A_257 = vector.broadcast %squeeze3A : f32 to vector<16xf32>
        %mul3A_258 = arith.mulf %get3A_256, %mul3A_257 : vector<16xf32>
        %swap3A_259 = arith.constant 0 : i32
        %swap3A_260 = arith.index_cast %swap3A_259 : i32 to index
        %swap3A_261 = arith.index_cast %add3A_221 : i32 to index
        %swap3A_262 = arith.constant 32 : index
        %swap3A_263 = tpu.vector_load %arg10[%swap3A_260, %swap3A_261, %swap3A_262] {strides = array<i32>} : memref<4x128x64xf32, #tpu.memory_space<vmem>>, vector<1x1x16xf32>,
        %swap3A_264 = vector.shape_cast %swap3A_263 : vector<1x1x16xf32> to vector<16xf32>
        %swap3A_265 = vector.shape_cast %mul3A_258 : vector<16xf32> to vector<1x1x16xf32>
        tpu.vector_store %arg10[%swap3A_260, %swap3A_261, %swap3A_262], %swap3A_265 {strides = array<i32>} : memref<4x128x64xf32, #tpu.memory_space<vmem>>, vector<1x1x16xf32>,
        %get3A_266 = arith.constant 0 : i32
        %get3A_267 = arith.index_cast %get3A_266 : i32 to index
        %get3A_268 = arith.index_cast %add3A_221 : i32 to index
        %get3A_269 = arith.constant 48 : index
        %get3A_270 = tpu.vector_load %arg10[%get3A_267, %get3A_268, %get3A_269] {strides = array<i32>} : memref<4x128x64xf32, #tpu.memory_space<vmem>>, vector<1x1x16xf32>,
        %get3A_271 = vector.shape_cast %get3A_270 : vector<1x1x16xf32> to vector<16xf32>
        %mul3A_272 = vector.broadcast %squeeze3A : f32 to vector<16xf32>
        %mul3A_273 = arith.mulf %get3A_271, %mul3A_272 : vector<16xf32>
        %swap3A_274 = arith.constant 0 : i32
        %swap3A_275 = arith.index_cast %swap3A_274 : i32 to index
        %swap3A_276 = arith.index_cast %add3A_221 : i32 to index
        %swap3A_277 = arith.constant 48 : index
        %swap3A_278 = tpu.vector_load %arg10[%swap3A_275, %swap3A_276, %swap3A_277] {strides = array<i32>} : memref<4x128x64xf32, #tpu.memory_space<vmem>>, vector<1x1x16xf32>,
        %swap3A_279 = vector.shape_cast %swap3A_278 : vector<1x1x16xf32> to vector<16xf32>
        %swap3A_280 = vector.shape_cast %mul3A_273 : vector<16xf32> to vector<1x1x16xf32>
        tpu.vector_store %arg10[%swap3A_275, %swap3A_276, %swap3A_277], %swap3A_280 {strides = array<i32>} : memref<4x128x64xf32, #tpu.memory_space<vmem>>, vector<1x1x16xf32>,
        %slice3A_281 = vector.extract_strided_slice %get3A_217 {offsets = [1], sizes = [1], strides = [1]} : vector<16xf32> to vector<1xf32>
        %squeeze3A_282 = vector.extract %slice3A_281[0] : f32 from vector<1xf32>
        %mul3A_283 = arith.constant 16 : i32
        %mul3A_284 = arith.muli %scan3A_210, %mul3A_283 : i32
        %add3A_285 = arith.constant 1 : i32
        %add3A_286 = arith.addi %mul3A_284, %add3A_285 : i32
        %get3A_287 = arith.constant 0 : i32
        %get3A_288 = arith.index_cast %get3A_287 : i32 to index
        %get3A_289 = arith.index_cast %add3A_286 : i32 to index
        %get3A_290 = arith.constant 0 : index
        %get3A_291 = tpu.vector_load %arg10[%get3A_288, %get3A_289, %get3A_290] {strides = array<i32>} : memref<4x128x64xf32, #tpu.memory_space<vmem>>, vector<1x1x16xf32>,
        %get3A_292 = vector.shape_cast %get3A_291 : vector<1x1x16xf32> to vector<16xf32>
        %mul3A_293 = vector.broadcast %squeeze3A_282 : f32 to vector<16xf32>
        %mul3A_294 = arith.mulf %get3A_292, %mul3A_293 : vector<16xf32>
        %swap3A_295 = arith.constant 0 : i32
        %swap3A_296 = arith.index_cast %swap3A_295 : i32 to index
        %swap3A_297 = arith.index_cast %add3A_286 : i32 to index
        %swap3A_298 = arith.constant 0 : index
        %swap3A_299 = tpu.vector_load %arg10[%swap3A_296, %swap3A_297, %swap3A_298] {strides = array<i32>} : memref<4x128x64xf32, #tpu.memory_space<vmem>>, vector<1x1x16xf32>,
        %swap3A_300 = vector.shape_cast %swap3A_299 : vector<1x1x16xf32> to vector<16xf32>
        %swap3A_301 = vector.shape_cast %mul3A_294 : vector<16xf32> to vector<1x1x16xf32>
        tpu.vector_store %arg10[%swap3A_296, %swap3A_297, %swap3A_298], %swap3A_301 {strides = array<i32>} : memref<4x128x64xf32, #tpu.memory_space<vmem>>, vector<1x1x16xf32>,
        %get3A_302 = arith.constant 0 : i32
        %get3A_303 = arith.index_cast %get3A_302 : i32 to index
        %get3A_304 = arith.index_cast %add3A_286 : i32 to index
        %get3A_305 = arith.constant 16 : index
        %get3A_306 = tpu.vector_load %arg10[%get3A_303, %get3A_304, %get3A_305] {strides = array<i32>} : memref<4x128x64xf32, #tpu.memory_space<vmem>>, vector<1x1x16xf32>,
        %get3A_307 = vector.shape_cast %get3A_306 : vector<1x1x16xf32> to vector<16xf32>
        %mul3A_308 = vector.broadcast %squeeze3A_282 : f32 to vector<16xf32>
        %mul3A_309 = arith.mulf %get3A_307, %mul3A_308 : vector<16xf32>
        %swap3A_310 = arith.constant 0 : i32
        %swap3A_311 = arith.index_cast %swap3A_310 : i32 to index
        %swap3A_312 = arith.index_cast %add3A_286 : i32 to index
        %swap3A_313 = arith.constant 16 : index
        %swap3A_314 = tpu.vector_load %arg10[%swap3A_311, %swap3A_312, %swap3A_313] {strides = array<i32>} : memref<4x128x64xf32, #tpu.memory_space<vmem>>, vector<1x1x16xf32>,
        %swap3A_315 = vector.shape_cast %swap3A_314 : vector<1x1x16xf32> to vector<16xf32>
        %swap3A_316 = vector.shape_cast %mul3A_309 : vector<16xf32> to vector<1x1x16xf32>
        tpu.vector_store %arg10[%swap3A_311, %swap3A_312, %swap3A_313], %swap3A_316 {strides = array<i32>} : memref<4x128x64xf32, #tpu.memory_space<vmem>>, vector<1x1x16xf32>,
        %get3A_317 = arith.constant 0 : i32
        %get3A_318 = arith.index_cast %get3A_317 : i32 to index
        %get3A_319 = arith.index_cast %add3A_286 : i32 to index
        %get3A_320 = arith.constant 32 : index
        %get3A_321 = tpu.vector_load %arg10[%get3A_318, %get3A_319, %get3A_320] {strides = array<i32>} : memref<4x128x64xf32, #tpu.memory_space<vmem>>, vector<1x1x16xf32>,
        %get3A_322 = vector.shape_cast %get3A_321 : vector<1x1x16xf32> to vector<16xf32>
        %mul3A_323 = vector.broadcast %squeeze3A_282 : f32 to vector<16xf32>
        %mul3A_324 = arith.mulf %get3A_322, %mul3A_323 : vector<16xf32>
        %swap3A_325 = arith.constant 0 : i32
        %swap3A_326 = arith.index_cast %swap3A_325 : i32 to index
        %swap3A_327 = arith.index_cast %add3A_286 : i32 to index
        %swap3A_328 = arith.constant 32 : index
        %swap3A_329 = tpu.vector_load %arg10[%swap3A_326, %swap3A_327, %swap3A_328] {strides = array<i32>} : memref<4x128x64xf32, #tpu.memory_space<vmem>>, vector<1x1x16xf32>,
        %swap3A_330 = vector.shape_cast %swap3A_329 : vector<1x1x16xf32> to vector<16xf32>
        %swap3A_331 = vector.shape_cast %mul3A_324 : vector<16xf32> to vector<1x1x16xf32>
        tpu.vector_store %arg10[%swap3A_326, %swap3A_327, %swap3A_328], %swap3A_331 {strides = array<i32>} : memref<4x128x64xf32, #tpu.memory_space<vmem>>, vector<1x1x16xf32>,
        %get3A_332 = arith.constant 0 : i32
        %get3A_333 = arith.index_cast %get3A_332 : i32 to index
        %get3A_334 = arith.index_cast %add3A_286 : i32 to index
        %get3A_335 = arith.constant 48 : index
        %get3A_336 = tpu.vector_load %arg10[%get3A_333, %get3A_334, %get3A_335] {strides = array<i32>} : memref<4x128x64xf32, #tpu.memory_space<vmem>>, vector<1x1x16xf32>,
        %get3A_337 = vector.shape_cast %get3A_336 : vector<1x1x16xf32> to vector<16xf32>
        %mul3A_338 = vector.broadcast %squeeze3A_282 : f32 to vector<16xf32>
        %mul3A_339 = arith.mulf %get3A_337, %mul3A_338 : vector<16xf32>
        %swap3A_340 = arith.constant 0 : i32
        %swap3A_341 = arith.index_cast %swap3A_340 : i32 to index
        %swap3A_342 = arith.index_cast %add3A_286 : i32 to index
        %swap3A_343 = arith.constant 48 : index
        %swap3A_344 = tpu.vector_load %arg10[%swap3A_341, %swap3A_342, %swap3A_343] {strides = array<i32>} : memref<4x128x64xf32, #tpu.memory_space<vmem>>, vector<1x1x16xf32>,
        %swap3A_345 = vector.shape_cast %swap3A_344 : vector<1x1x16xf32> to vector<16xf32>
        %swap3A_346 = vector.shape_cast %mul3A_339 : vector<16xf32> to vector<1x1x16xf32>
        tpu.vector_store %arg10[%swap3A_341, %swap3A_342, %swap3A_343], %swap3A_346 {strides = array<i32>} : memref<4x128x64xf32, #tpu.memory_space<vmem>>, vector<1x1x16xf32>,
        %slice3A_347 = vector.extract_strided_slice %get3A_217 {offsets = [2], sizes = [1], strides = [1]} : vector<16xf32> to vector<1xf32>
        %squeeze3A_348 = vector.extract %slice3A_347[0] : f32 from vector<1xf32>
        %mul3A_349 = arith.constant 16 : i32
        %mul3A_350 = arith.muli %scan3A_210, %mul3A_349 : i32
        %add3A_351 = arith.constant 2 : i32
        %add3A_352 = arith.addi %mul3A_350, %add3A_351 : i32
        %get3A_353 = arith.constant 0 : i32
        %get3A_354 = arith.index_cast %get3A_353 : i32 to index
        %get3A_355 = arith.index_cast %add3A_352 : i32 to index
        %get3A_356 = arith.constant 0 : index
        %get3A_357 = tpu.vector_load %arg10[%get3A_354, %get3A_355, %get3A_356] {strides = array<i32>} : memref<4x128x64xf32, #tpu.memory_space<vmem>>, vector<1x1x16xf32>,
        %get3A_358 = vector.shape_cast %get3A_357 : vector<1x1x16xf32> to vector<16xf32>
        %mul3A_359 = vector.broadcast %squeeze3A_348 : f32 to vector<16xf32>
        %mul3A_360 = arith.mulf %get3A_358, %mul3A_359 : vector<16xf32>
        %swap3A_361 = arith.constant 0 : i32
        %swap3A_362 = arith.index_cast %swap3A_361 : i32 to index
        %swap3A_363 = arith.index_cast %add3A_352 : i32 to index
        %swap3A_364 = arith.constant 0 : index
        %swap3A_365 = tpu.vector_load %arg10[%swap3A_362, %swap3A_363, %swap3A_364] {strides = array<i32>} : memref<4x128x64xf32, #tpu.memory_space<vmem>>, vector<1x1x16xf32>,
        %swap3A_366 = vector.shape_cast %swap3A_365 : vector<1x1x16xf32> to vector<16xf32>
        %swap3A_367 = vector.shape_cast %mul3A_360 : vector<16xf32> to vector<1x1x16xf32>
        tpu.vector_store %arg10[%swap3A_362, %swap3A_363, %swap3A_364], %swap3A_367 {strides = array<i32>} : memref<4x128x64xf32, #tpu.memory_space<vmem>>, vector<1x1x16xf32>,
        %get3A_368 = arith.constant 0 : i32
        %get3A_369 = arith.index_cast %get3A_368 : i32 to index
        %get3A_370 = arith.index_cast %add3A_352 : i32 to index
        %get3A_371 = arith.constant 16 : index
        %get3A_372 = tpu.vector_load %arg10[%get3A_369, %get3A_370, %get3A_371] {strides = array<i32>} : memref<4x128x64xf32, #tpu.memory_space<vmem>>, vector<1x1x16xf32>,
        %get3A_373 = vector.shape_cast %get3A_372 : vector<1x1x16xf32> to vector<16xf32>
        %mul3A_374 = vector.broadcast %squeeze3A_348 : f32 to vector<16xf32>
        %mul3A_375 = arith.mulf %get3A_373, %mul3A_374 : vector<16xf32>
        %swap3A_376 = arith.constant 0 : i32
        %swap3A_377 = arith.index_cast %swap3A_376 : i32 to index
        %swap3A_378 = arith.index_cast %add3A_352 : i32 to index
        %swap3A_379 = arith.constant 16 : index
        %swap3A_380 = tpu.vector_load %arg10[%swap3A_377, %swap3A_378, %swap3A_379] {strides = array<i32>} : memref<4x128x64xf32, #tpu.memory_space<vmem>>, vector<1x1x16xf32>,
        %swap3A_381 = vector.shape_cast %swap3A_380 : vector<1x1x16xf32> to vector<16xf32>
        %swap3A_382 = vector.shape_cast %mul3A_375 : vector<16xf32> to vector<1x1x16xf32>
        tpu.vector_store %arg10[%swap3A_377, %swap3A_378, %swap3A_379], %swap3A_382 {strides = array<i32>} : memref<4x128x64xf32, #tpu.memory_space<vmem>>, vector<1x1x16xf32>,
        %get3A_383 = arith.constant 0 : i32
        %get3A_384 = arith.index_cast %get3A_383 : i32 to index
        %get3A_385 = arith.index_cast %add3A_352 : i32 to index
        %get3A_386 = arith.constant 32 : index
        %get3A_387 = tpu.vector_load %arg10[%get3A_384, %get3A_385, %get3A_386] {strides = array<i32>} : memref<4x128x64xf32, #tpu.memory_space<vmem>>, vector<1x1x16xf32>,
        %get3A_388 = vector.shape_cast %get3A_387 : vector<1x1x16xf32> to vector<16xf32>
        %mul3A_389 = vector.broadcast %squeeze3A_348 : f32 to vector<16xf32>
        %mul3A_390 = arith.mulf %get3A_388, %mul3A_389 : vector<16xf32>
        %swap3A_391 = arith.constant 0 : i32
        %swap3A_392 = arith.index_cast %swap3A_391 : i32 to index
        %swap3A_393 = arith.index_cast %add3A_352 : i32 to index
        %swap3A_394 = arith.constant 32 : index
        %swap3A_395 = tpu.vector_load %arg10[%swap3A_392, %swap3A_393, %swap3A_394] {strides = array<i32>} : memref<4x128x64xf32, #tpu.memory_space<vmem>>, vector<1x1x16xf32>,
        %swap3A_396 = vector.shape_cast %swap3A_395 : vector<1x1x16xf32> to vector<16xf32>
        %swap3A_397 = vector.shape_cast %mul3A_390 : vector<16xf32> to vector<1x1x16xf32>
        tpu.vector_store %arg10[%swap3A_392, %swap3A_393, %swap3A_394], %swap3A_397 {strides = array<i32>} : memref<4x128x64xf32, #tpu.memory_space<vmem>>, vector<1x1x16xf32>,
        %get3A_398 = arith.constant 0 : i32
        %get3A_399 = arith.index_cast %get3A_398 : i32 to index
        %get3A_400 = arith.index_cast %add3A_352 : i32 to index
        %get3A_401 = arith.constant 48 : index
        %get3A_402 = tpu.vector_load %arg10[%get3A_399, %get3A_400, %get3A_401] {strides = array<i32>} : memref<4x128x64xf32, #tpu.memory_space<vmem>>, vector<1x1x16xf32>,
        %get3A_403 = vector.shape_cast %get3A_402 : vector<1x1x16xf32> to vector<16xf32>
        %mul3A_404 = vector.broadcast %squeeze3A_348 : f32 to vector<16xf32>
        %mul3A_405 = arith.mulf %get3A_403, %mul3A_404 : vector<16xf32>
        %swap3A_406 = arith.constant 0 : i32
        %swap3A_407 = arith.index_cast %swap3A_406 : i32 to index
        %swap3A_408 = arith.index_cast %add3A_352 : i32 to index
        %swap3A_409 = arith.constant 48 : index
        %swap3A_410 = tpu.vector_load %arg10[%swap3A_407, %swap3A_408, %swap3A_409] {strides = array<i32>} : memref<4x128x64xf32, #tpu.memory_space<vmem>>, vector<1x1x16xf32>,
        %swap3A_411 = vector.shape_cast %swap3A_410 : vector<1x1x16xf32> to vector<16xf32>
        %swap3A_412 = vector.shape_cast %mul3A_405 : vector<16xf32> to vector<1x1x16xf32>
        tpu.vector_store %arg10[%swap3A_407, %swap3A_408, %swap3A_409], %swap3A_412 {strides = array<i32>} : memref<4x128x64xf32, #tpu.memory_space<vmem>>, vector<1x1x16xf32>,
        %slice3A_413 = vector.extract_strided_slice %get3A_217 {offsets = [3], sizes = [1], strides = [1]} : vector<16xf32> to vector<1xf32>
        %squeeze3A_414 = vector.extract %slice3A_413[0] : f32 from vector<1xf32>
        %mul3A_415 = arith.constant 16 : i32
        %mul3A_416 = arith.muli %scan3A_210, %mul3A_415 : i32
        %add3A_417 = arith.constant 3 : i32
        %add3A_418 = arith.addi %mul3A_416, %add3A_417 : i32
        %get3A_419 = arith.constant 0 : i32
        %get3A_420 = arith.index_cast %get3A_419 : i32 to index
        %get3A_421 = arith.index_cast %add3A_418 : i32 to index
        %get3A_422 = arith.constant 0 : index
        %get3A_423 = tpu.vector_load %arg10[%get3A_420, %get3A_421, %get3A_422] {strides = array<i32>} : memref<4x128x64xf32, #tpu.memory_space<vmem>>, vector<1x1x16xf32>,
        %get3A_424 = vector.shape_cast %get3A_423 : vector<1x1x16xf32> to vector<16xf32>
        %mul3A_425 = vector.broadcast %squeeze3A_414 : f32 to vector<16xf32>
        %mul3A_426 = arith.mulf %get3A_424, %mul3A_425 : vector<16xf32>
        %swap3A_427 = arith.constant 0 : i32
        %swap3A_428 = arith.index_cast %swap3A_427 : i32 to index
        %swap3A_429 = arith.index_cast %add3A_418 : i32 to index
        %swap3A_430 = arith.constant 0 : index
        %swap3A_431 = tpu.vector_load %arg10[%swap3A_428, %swap3A_429, %swap3A_430] {strides = array<i32>} : memref<4x128x64xf32, #tpu.memory_space<vmem>>, vector<1x1x16xf32>,
        %swap3A_432 = vector.shape_cast %swap3A_431 : vector<1x1x16xf32> to vector<16xf32>
        %swap3A_433 = vector.shape_cast %mul3A_426 : vector<16xf32> to vector<1x1x16xf32>
        tpu.vector_store %arg10[%swap3A_428, %swap3A_429, %swap3A_430], %swap3A_433 {strides = array<i32>} : memref<4x128x64xf32, #tpu.memory_space<vmem>>, vector<1x1x16xf32>,
        %get3A_434 = arith.constant 0 : i32
        %get3A_435 = arith.index_cast %get3A_434 : i32 to index
        %get3A_436 = arith.index_cast %add3A_418 : i32 to index
        %get3A_437 = arith.constant 16 : index
        %get3A_438 = tpu.vector_load %arg10[%get3A_435, %get3A_436, %get3A_437] {strides = array<i32>} : memref<4x128x64xf32, #tpu.memory_space<vmem>>, vector<1x1x16xf32>,
        %get3A_439 = vector.shape_cast %get3A_438 : vector<1x1x16xf32> to vector<16xf32>
        %mul3A_440 = vector.broadcast %squeeze3A_414 : f32 to vector<16xf32>
        %mul3A_441 = arith.mulf %get3A_439, %mul3A_440 : vector<16xf32>
        %swap3A_442 = arith.constant 0 : i32
        %swap3A_443 = arith.index_cast %swap3A_442 : i32 to index
        %swap3A_444 = arith.index_cast %add3A_418 : i32 to index
        %swap3A_445 = arith.constant 16 : index
        %swap3A_446 = tpu.vector_load %arg10[%swap3A_443, %swap3A_444, %swap3A_445] {strides = array<i32>} : memref<4x128x64xf32, #tpu.memory_space<vmem>>, vector<1x1x16xf32>,
        %swap3A_447 = vector.shape_cast %swap3A_446 : vector<1x1x16xf32> to vector<16xf32>
        %swap3A_448 = vector.shape_cast %mul3A_441 : vector<16xf32> to vector<1x1x16xf32>
        tpu.vector_store %arg10[%swap3A_443, %swap3A_444, %swap3A_445], %swap3A_448 {strides = array<i32>} : memref<4x128x64xf32, #tpu.memory_space<vmem>>, vector<1x1x16xf32>,
        %get3A_449 = arith.constant 0 : i32
        %get3A_450 = arith.index_cast %get3A_449 : i32 to index
        %get3A_451 = arith.index_cast %add3A_418 : i32 to index
        %get3A_452 = arith.constant 32 : index
        %get3A_453 = tpu.vector_load %arg10[%get3A_450, %get3A_451, %get3A_452] {strides = array<i32>} : memref<4x128x64xf32, #tpu.memory_space<vmem>>, vector<1x1x16xf32>,
        %get3A_454 = vector.shape_cast %get3A_453 : vector<1x1x16xf32> to vector<16xf32>
        %mul3A_455 = vector.broadcast %squeeze3A_414 : f32 to vector<16xf32>
        %mul3A_456 = arith.mulf %get3A_454, %mul3A_455 : vector<16xf32>
        %swap3A_457 = arith.constant 0 : i32
        %swap3A_458 = arith.index_cast %swap3A_457 : i32 to index
        %swap3A_459 = arith.index_cast %add3A_418 : i32 to index
        %swap3A_460 = arith.constant 32 : index
        %swap3A_461 = tpu.vector_load %arg10[%swap3A_458, %swap3A_459, %swap3A_460] {strides = array<i32>} : memref<4x128x64xf32, #tpu.memory_space<vmem>>, vector<1x1x16xf32>,
        %swap3A_462 = vector.shape_cast %swap3A_461 : vector<1x1x16xf32> to vector<16xf32>
        %swap3A_463 = vector.shape_cast %mul3A_456 : vector<16xf32> to vector<1x1x16xf32>
        tpu.vector_store %arg10[%swap3A_458, %swap3A_459, %swap3A_460], %swap3A_463 {strides = array<i32>} : memref<4x128x64xf32, #tpu.memory_space<vmem>>, vector<1x1x16xf32>,
        %get3A_464 = arith.constant 0 : i32
        %get3A_465 = arith.index_cast %get3A_464 : i32 to index
        %get3A_466 = arith.index_cast %add3A_418 : i32 to index
        %get3A_467 = arith.constant 48 : index
        %get3A_468 = tpu.vector_load %arg10[%get3A_465, %get3A_466, %get3A_467] {strides = array<i32>} : memref<4x128x64xf32, #tpu.memory_space<vmem>>, vector<1x1x16xf32>,
        %get3A_469 = vector.shape_cast %get3A_468 : vector<1x1x16xf32> to vector<16xf32>
        %mul3A_470 = vector.broadcast %squeeze3A_414 : f32 to vector<16xf32>
        %mul3A_471 = arith.mulf %get3A_469, %mul3A_470 : vector<16xf32>
        %swap3A_472 = arith.constant 0 : i32
        %swap3A_473 = arith.index_cast %swap3A_472 : i32 to index
        %swap3A_474 = arith.index_cast %add3A_418 : i32 to index
        %swap3A_475 = arith.constant 48 : index
        %swap3A_476 = tpu.vector_load %arg10[%swap3A_473, %swap3A_474, %swap3A_475] {strides = array<i32>} : memref<4x128x64xf32, #tpu.memory_space<vmem>>, vector<1x1x16xf32>,
        %swap3A_477 = vector.shape_cast %swap3A_476 : vector<1x1x16xf32> to vector<16xf32>
        %swap3A_478 = vector.shape_cast %mul3A_471 : vector<16xf32> to vector<1x1x16xf32>
        tpu.vector_store %arg10[%swap3A_473, %swap3A_474, %swap3A_475], %swap3A_478 {strides = array<i32>} : memref<4x128x64xf32, #tpu.memory_space<vmem>>, vector<1x1x16xf32>,
        %slice3A_479 = vector.extract_strided_slice %get3A_217 {offsets = [4], sizes = [1], strides = [1]} : vector<16xf32> to vector<1xf32>
        %squeeze3A_480 = vector.extract %slice3A_479[0] : f32 from vector<1xf32>
        %mul3A_481 = arith.constant 16 : i32
        %mul3A_482 = arith.muli %scan3A_210, %mul3A_481 : i32
        %add3A_483 = arith.constant 4 : i32
        %add3A_484 = arith.addi %mul3A_482, %add3A_483 : i32
        %get3A_485 = arith.constant 0 : i32
        %get3A_486 = arith.index_cast %get3A_485 : i32 to index
        %get3A_487 = arith.index_cast %add3A_484 : i32 to index
        %get3A_488 = arith.constant 0 : index
        %get3A_489 = tpu.vector_load %arg10[%get3A_486, %get3A_487, %get3A_488] {strides = array<i32>} : memref<4x128x64xf32, #tpu.memory_space<vmem>>, vector<1x1x16xf32>,
        %get3A_490 = vector.shape_cast %get3A_489 : vector<1x1x16xf32> to vector<16xf32>
        %mul3A_491 = vector.broadcast %squeeze3A_480 : f32 to vector<16xf32>
        %mul3A_492 = arith.mulf %get3A_490, %mul3A_491 : vector<16xf32>
        %swap3A_493 = arith.constant 0 : i32
        %swap3A_494 = arith.index_cast %swap3A_493 : i32 to index
        %swap3A_495 = arith.index_cast %add3A_484 : i32 to index
        %swap3A_496 = arith.constant 0 : index
        %swap3A_497 = tpu.vector_load %arg10[%swap3A_494, %swap3A_495, %swap3A_496] {strides = array<i32>} : memref<4x128x64xf32, #tpu.memory_space<vmem>>, vector<1x1x16xf32>,
        %swap3A_498 = vector.shape_cast %swap3A_497 : vector<1x1x16xf32> to vector<16xf32>
        %swap3A_499 = vector.shape_cast %mul3A_492 : vector<16xf32> to vector<1x1x16xf32>
        tpu.vector_store %arg10[%swap3A_494, %swap3A_495, %swap3A_496], %swap3A_499 {strides = array<i32>} : memref<4x128x64xf32, #tpu.memory_space<vmem>>, vector<1x1x16xf32>,
        %get3A_500 = arith.constant 0 : i32
        %get3A_501 = arith.index_cast %get3A_500 : i32 to index
        %get3A_502 = arith.index_cast %add3A_484 : i32 to index
        %get3A_503 = arith.constant 16 : index
        %get3A_504 = tpu.vector_load %arg10[%get3A_501, %get3A_502, %get3A_503] {strides = array<i32>} : memref<4x128x64xf32, #tpu.memory_space<vmem>>, vector<1x1x16xf32>,
        %get3A_505 = vector.shape_cast %get3A_504 : vector<1x1x16xf32> to vector<16xf32>
        %mul3A_506 = vector.broadcast %squeeze3A_480 : f32 to vector<16xf32>
        %mul3A_507 = arith.mulf %get3A_505, %mul3A_506 : vector<16xf32>
        %swap3A_508 = arith.constant 0 : i32
        %swap3A_509 = arith.index_cast %swap3A_508 : i32 to index
        %swap3A_510 = arith.index_cast %add3A_484 : i32 to index
        %swap3A_511 = arith.constant 16 : index
        %swap3A_512 = tpu.vector_load %arg10[%swap3A_509, %swap3A_510, %swap3A_511] {strides = array<i32>} : memref<4x128x64xf32, #tpu.memory_space<vmem>>, vector<1x1x16xf32>,
        %swap3A_513 = vector.shape_cast %swap3A_512 : vector<1x1x16xf32> to vector<16xf32>
        %swap3A_514 = vector.shape_cast %mul3A_507 : vector<16xf32> to vector<1x1x16xf32>
        tpu.vector_store %arg10[%swap3A_509, %swap3A_510, %swap3A_511], %swap3A_514 {strides = array<i32>} : memref<4x128x64xf32, #tpu.memory_space<vmem>>, vector<1x1x16xf32>,
        %get3A_515 = arith.constant 0 : i32
        %get3A_516 = arith.index_cast %get3A_515 : i32 to index
        %get3A_517 = arith.index_cast %add3A_484 : i32 to index
        %get3A_518 = arith.constant 32 : index
        %get3A_519 = tpu.vector_load %arg10[%get3A_516, %get3A_517, %get3A_518] {strides = array<i32>} : memref<4x128x64xf32, #tpu.memory_space<vmem>>, vector<1x1x16xf32>,
        %get3A_520 = vector.shape_cast %get3A_519 : vector<1x1x16xf32> to vector<16xf32>
        %mul3A_521 = vector.broadcast %squeeze3A_480 : f32 to vector<16xf32>
        %mul3A_522 = arith.mulf %get3A_520, %mul3A_521 : vector<16xf32>
        %swap3A_523 = arith.constant 0 : i32
        %swap3A_524 = arith.index_cast %swap3A_523 : i32 to index
        %swap3A_525 = arith.index_cast %add3A_484 : i32 to index
        %swap3A_526 = arith.constant 32 : index
        %swap3A_527 = tpu.vector_load %arg10[%swap3A_524, %swap3A_525, %swap3A_526] {strides = array<i32>} : memref<4x128x64xf32, #tpu.memory_space<vmem>>, vector<1x1x16xf32>,
        %swap3A_528 = vector.shape_cast %swap3A_527 : vector<1x1x16xf32> to vector<16xf32>
        %swap3A_529 = vector.shape_cast %mul3A_522 : vector<16xf32> to vector<1x1x16xf32>
        tpu.vector_store %arg10[%swap3A_524, %swap3A_525, %swap3A_526], %swap3A_529 {strides = array<i32>} : memref<4x128x64xf32, #tpu.memory_space<vmem>>, vector<1x1x16xf32>,
        %get3A_530 = arith.constant 0 : i32
        %get3A_531 = arith.index_cast %get3A_530 : i32 to index
        %get3A_532 = arith.index_cast %add3A_484 : i32 to index
        %get3A_533 = arith.constant 48 : index
        %get3A_534 = tpu.vector_load %arg10[%get3A_531, %get3A_532, %get3A_533] {strides = array<i32>} : memref<4x128x64xf32, #tpu.memory_space<vmem>>, vector<1x1x16xf32>,
        %get3A_535 = vector.shape_cast %get3A_534 : vector<1x1x16xf32> to vector<16xf32>
        %mul3A_536 = vector.broadcast %squeeze3A_480 : f32 to vector<16xf32>
        %mul3A_537 = arith.mulf %get3A_535, %mul3A_536 : vector<16xf32>
        %swap3A_538 = arith.constant 0 : i32
        %swap3A_539 = arith.index_cast %swap3A_538 : i32 to index
        %swap3A_540 = arith.index_cast %add3A_484 : i32 to index
        %swap3A_541 = arith.constant 48 : index
        %swap3A_542 = tpu.vector_load %arg10[%swap3A_539, %swap3A_540, %swap3A_541] {strides = array<i32>} : memref<4x128x64xf32, #tpu.memory_space<vmem>>, vector<1x1x16xf32>,
        %swap3A_543 = vector.shape_cast %swap3A_542 : vector<1x1x16xf32> to vector<16xf32>
        %swap3A_544 = vector.shape_cast %mul3A_537 : vector<16xf32> to vector<1x1x16xf32>
        tpu.vector_store %arg10[%swap3A_539, %swap3A_540, %swap3A_541], %swap3A_544 {strides = array<i32>} : memref<4x128x64xf32, #tpu.memory_space<vmem>>, vector<1x1x16xf32>,
        %slice3A_545 = vector.extract_strided_slice %get3A_217 {offsets = [5], sizes = [1], strides = [1]} : vector<16xf32> to vector<1xf32>
        %squeeze3A_546 = vector.extract %slice3A_545[0] : f32 from vector<1xf32>
        %mul3A_547 = arith.constant 16 : i32
        %mul3A_548 = arith.muli %scan3A_210, %mul3A_547 : i32
        %add3A_549 = arith.constant 5 : i32
        %add3A_550 = arith.addi %mul3A_548, %add3A_549 : i32
        %get3A_551 = arith.constant 0 : i32
        %get3A_552 = arith.index_cast %get3A_551 : i32 to index
        %get3A_553 = arith.index_cast %add3A_550 : i32 to index
        %get3A_554 = arith.constant 0 : index
        %get3A_555 = tpu.vector_load %arg10[%get3A_552, %get3A_553, %get3A_554] {strides = array<i32>} : memref<4x128x64xf32, #tpu.memory_space<vmem>>, vector<1x1x16xf32>,
        %get3A_556 = vector.shape_cast %get3A_555 : vector<1x1x16xf32> to vector<16xf32>
        %mul3A_557 = vector.broadcast %squeeze3A_546 : f32 to vector<16xf32>
        %mul3A_558 = arith.mulf %get3A_556, %mul3A_557 : vector<16xf32>
        %swap3A_559 = arith.constant 0 : i32
        %swap3A_560 = arith.index_cast %swap3A_559 : i32 to index
        %swap3A_561 = arith.index_cast %add3A_550 : i32 to index
        %swap3A_562 = arith.constant 0 : index
        %swap3A_563 = tpu.vector_load %arg10[%swap3A_560, %swap3A_561, %swap3A_562] {strides = array<i32>} : memref<4x128x64xf32, #tpu.memory_space<vmem>>, vector<1x1x16xf32>,
        %swap3A_564 = vector.shape_cast %swap3A_563 : vector<1x1x16xf32> to vector<16xf32>
        %swap3A_565 = vector.shape_cast %mul3A_558 : vector<16xf32> to vector<1x1x16xf32>
        tpu.vector_store %arg10[%swap3A_560, %swap3A_561, %swap3A_562], %swap3A_565 {strides = array<i32>} : memref<4x128x64xf32, #tpu.memory_space<vmem>>, vector<1x1x16xf32>,
        %get3A_566 = arith.constant 0 : i32
        %get3A_567 = arith.index_cast %get3A_566 : i32 to index
        %get3A_568 = arith.index_cast %add3A_550 : i32 to index
        %get3A_569 = arith.constant 16 : index
        %get3A_570 = tpu.vector_load %arg10[%get3A_567, %get3A_568, %get3A_569] {strides = array<i32>} : memref<4x128x64xf32, #tpu.memory_space<vmem>>, vector<1x1x16xf32>,
        %get3A_571 = vector.shape_cast %get3A_570 : vector<1x1x16xf32> to vector<16xf32>
        %mul3A_572 = vector.broadcast %squeeze3A_546 : f32 to vector<16xf32>
        %mul3A_573 = arith.mulf %get3A_571, %mul3A_572 : vector<16xf32>
        %swap3A_574 = arith.constant 0 : i32
        %swap3A_575 = arith.index_cast %swap3A_574 : i32 to index
        %swap3A_576 = arith.index_cast %add3A_550 : i32 to index
        %swap3A_577 = arith.constant 16 : index
        %swap3A_578 = tpu.vector_load %arg10[%swap3A_575, %swap3A_576, %swap3A_577] {strides = array<i32>} : memref<4x128x64xf32, #tpu.memory_space<vmem>>, vector<1x1x16xf32>,
        %swap3A_579 = vector.shape_cast %swap3A_578 : vector<1x1x16xf32> to vector<16xf32>
        %swap3A_580 = vector.shape_cast %mul3A_573 : vector<16xf32> to vector<1x1x16xf32>
        tpu.vector_store %arg10[%swap3A_575, %swap3A_576, %swap3A_577], %swap3A_580 {strides = array<i32>} : memref<4x128x64xf32, #tpu.memory_space<vmem>>, vector<1x1x16xf32>,
        %get3A_581 = arith.constant 0 : i32
        %get3A_582 = arith.index_cast %get3A_581 : i32 to index
        %get3A_583 = arith.index_cast %add3A_550 : i32 to index
        %get3A_584 = arith.constant 32 : index
        %get3A_585 = tpu.vector_load %arg10[%get3A_582, %get3A_583, %get3A_584] {strides = array<i32>} : memref<4x128x64xf32, #tpu.memory_space<vmem>>, vector<1x1x16xf32>,
        %get3A_586 = vector.shape_cast %get3A_585 : vector<1x1x16xf32> to vector<16xf32>
        %mul3A_587 = vector.broadcast %squeeze3A_546 : f32 to vector<16xf32>
        %mul3A_588 = arith.mulf %get3A_586, %mul3A_587 : vector<16xf32>
        %swap3A_589 = arith.constant 0 : i32
        %swap3A_590 = arith.index_cast %swap3A_589 : i32 to index
        %swap3A_591 = arith.index_cast %add3A_550 : i32 to index
        %swap3A_592 = arith.constant 32 : index
        %swap3A_593 = tpu.vector_load %arg10[%swap3A_590, %swap3A_591, %swap3A_592] {strides = array<i32>} : memref<4x128x64xf32, #tpu.memory_space<vmem>>, vector<1x1x16xf32>,
        %swap3A_594 = vector.shape_cast %swap3A_593 : vector<1x1x16xf32> to vector<16xf32>
        %swap3A_595 = vector.shape_cast %mul3A_588 : vector<16xf32> to vector<1x1x16xf32>
        tpu.vector_store %arg10[%swap3A_590, %swap3A_591, %swap3A_592], %swap3A_595 {strides = array<i32>} : memref<4x128x64xf32, #tpu.memory_space<vmem>>, vector<1x1x16xf32>,
        %get3A_596 = arith.constant 0 : i32
        %get3A_597 = arith.index_cast %get3A_596 : i32 to index
        %get3A_598 = arith.index_cast %add3A_550 : i32 to index
        %get3A_599 = arith.constant 48 : index
        %get3A_600 = tpu.vector_load %arg10[%get3A_597, %get3A_598, %get3A_599] {strides = array<i32>} : memref<4x128x64xf32, #tpu.memory_space<vmem>>, vector<1x1x16xf32>,
        %get3A_601 = vector.shape_cast %get3A_600 : vector<1x1x16xf32> to vector<16xf32>
        %mul3A_602 = vector.broadcast %squeeze3A_546 : f32 to vector<16xf32>
        %mul3A_603 = arith.mulf %get3A_601, %mul3A_602 : vector<16xf32>
        %swap3A_604 = arith.constant 0 : i32
        %swap3A_605 = arith.index_cast %swap3A_604 : i32 to index
        %swap3A_606 = arith.index_cast %add3A_550 : i32 to index
        %swap3A_607 = arith.constant 48 : index
        %swap3A_608 = tpu.vector_load %arg10[%swap3A_605, %swap3A_606, %swap3A_607] {strides = array<i32>} : memref<4x128x64xf32, #tpu.memory_space<vmem>>, vector<1x1x16xf32>,
        %swap3A_609 = vector.shape_cast %swap3A_608 : vector<1x1x16xf32> to vector<16xf32>
        %swap3A_610 = vector.shape_cast %mul3A_603 : vector<16xf32> to vector<1x1x16xf32>
        tpu.vector_store %arg10[%swap3A_605, %swap3A_606, %swap3A_607], %swap3A_610 {strides = array<i32>} : memref<4x128x64xf32, #tpu.memory_space<vmem>>, vector<1x1x16xf32>,
        %slice3A_611 = vector.extract_strided_slice %get3A_217 {offsets = [6], sizes = [1], strides = [1]} : vector<16xf32> to vector<1xf32>
        %squeeze3A_612 = vector.extract %slice3A_611[0] : f32 from vector<1xf32>
        %mul3A_613 = arith.constant 16 : i32
        %mul3A_614 = arith.muli %scan3A_210, %mul3A_613 : i32
        %add3A_615 = arith.constant 6 : i32
        %add3A_616 = arith.addi %mul3A_614, %add3A_615 : i32
        %get3A_617 = arith.constant 0 : i32
        %get3A_618 = arith.index_cast %get3A_617 : i32 to index
        %get3A_619 = arith.index_cast %add3A_616 : i32 to index
        %get3A_620 = arith.constant 0 : index
        %get3A_621 = tpu.vector_load %arg10[%get3A_618, %get3A_619, %get3A_620] {strides = array<i32>} : memref<4x128x64xf32, #tpu.memory_space<vmem>>, vector<1x1x16xf32>,
        %get3A_622 = vector.shape_cast %get3A_621 : vector<1x1x16xf32> to vector<16xf32>
        %mul3A_623 = vector.broadcast %squeeze3A_612 : f32 to vector<16xf32>
        %mul3A_624 = arith.mulf %get3A_622, %mul3A_623 : vector<16xf32>
        %swap3A_625 = arith.constant 0 : i32
        %swap3A_626 = arith.index_cast %swap3A_625 : i32 to index
        %swap3A_627 = arith.index_cast %add3A_616 : i32 to index
        %swap3A_628 = arith.constant 0 : index
        %swap3A_629 = tpu.vector_load %arg10[%swap3A_626, %swap3A_627, %swap3A_628] {strides = array<i32>} : memref<4x128x64xf32, #tpu.memory_space<vmem>>, vector<1x1x16xf32>,
        %swap3A_630 = vector.shape_cast %swap3A_629 : vector<1x1x16xf32> to vector<16xf32>
        %swap3A_631 = vector.shape_cast %mul3A_624 : vector<16xf32> to vector<1x1x16xf32>
        tpu.vector_store %arg10[%swap3A_626, %swap3A_627, %swap3A_628], %swap3A_631 {strides = array<i32>} : memref<4x128x64xf32, #tpu.memory_space<vmem>>, vector<1x1x16xf32>,
        %get3A_632 = arith.constant 0 : i32
        %get3A_633 = arith.index_cast %get3A_632 : i32 to index
        %get3A_634 = arith.index_cast %add3A_616 : i32 to index
        %get3A_635 = arith.constant 16 : index
        %get3A_636 = tpu.vector_load %arg10[%get3A_633, %get3A_634, %get3A_635] {strides = array<i32>} : memref<4x128x64xf32, #tpu.memory_space<vmem>>, vector<1x1x16xf32>,
        %get3A_637 = vector.shape_cast %get3A_636 : vector<1x1x16xf32> to vector<16xf32>
        %mul3A_638 = vector.broadcast %squeeze3A_612 : f32 to vector<16xf32>
        %mul3A_639 = arith.mulf %get3A_637, %mul3A_638 : vector<16xf32>
        %swap3A_640 = arith.constant 0 : i32
        %swap3A_641 = arith.index_cast %swap3A_640 : i32 to index
        %swap3A_642 = arith.index_cast %add3A_616 : i32 to index
        %swap3A_643 = arith.constant 16 : index
        %swap3A_644 = tpu.vector_load %arg10[%swap3A_641, %swap3A_642, %swap3A_643] {strides = array<i32>} : memref<4x128x64xf32, #tpu.memory_space<vmem>>, vector<1x1x16xf32>,
        %swap3A_645 = vector.shape_cast %swap3A_644 : vector<1x1x16xf32> to vector<16xf32>
        %swap3A_646 = vector.shape_cast %mul3A_639 : vector<16xf32> to vector<1x1x16xf32>
        tpu.vector_store %arg10[%swap3A_641, %swap3A_642, %swap3A_643], %swap3A_646 {strides = array<i32>} : memref<4x128x64xf32, #tpu.memory_space<vmem>>, vector<1x1x16xf32>,
        %get3A_647 = arith.constant 0 : i32
        %get3A_648 = arith.index_cast %get3A_647 : i32 to index
        %get3A_649 = arith.index_cast %add3A_616 : i32 to index
        %get3A_650 = arith.constant 32 : index
        %get3A_651 = tpu.vector_load %arg10[%get3A_648, %get3A_649, %get3A_650] {strides = array<i32>} : memref<4x128x64xf32, #tpu.memory_space<vmem>>, vector<1x1x16xf32>,
        %get3A_652 = vector.shape_cast %get3A_651 : vector<1x1x16xf32> to vector<16xf32>
        %mul3A_653 = vector.broadcast %squeeze3A_612 : f32 to vector<16xf32>
        %mul3A_654 = arith.mulf %get3A_652, %mul3A_653 : vector<16xf32>
        %swap3A_655 = arith.constant 0 : i32
        %swap3A_656 = arith.index_cast %swap3A_655 : i32 to index
        %swap3A_657 = arith.index_cast %add3A_616 : i32 to index
        %swap3A_658 = arith.constant 32 : index
        %swap3A_659 = tpu.vector_load %arg10[%swap3A_656, %swap3A_657, %swap3A_658] {strides = array<i32>} : memref<4x128x64xf32, #tpu.memory_space<vmem>>, vector<1x1x16xf32>,
        %swap3A_660 = vector.shape_cast %swap3A_659 : vector<1x1x16xf32> to vector<16xf32>
        %swap3A_661 = vector.shape_cast %mul3A_654 : vector<16xf32> to vector<1x1x16xf32>
        tpu.vector_store %arg10[%swap3A_656, %swap3A_657, %swap3A_658], %swap3A_661 {strides = array<i32>} : memref<4x128x64xf32, #tpu.memory_space<vmem>>, vector<1x1x16xf32>,
        %get3A_662 = arith.constant 0 : i32
        %get3A_663 = arith.index_cast %get3A_662 : i32 to index
        %get3A_664 = arith.index_cast %add3A_616 : i32 to index
        %get3A_665 = arith.constant 48 : index
        %get3A_666 = tpu.vector_load %arg10[%get3A_663, %get3A_664, %get3A_665] {strides = array<i32>} : memref<4x128x64xf32, #tpu.memory_space<vmem>>, vector<1x1x16xf32>,
        %get3A_667 = vector.shape_cast %get3A_666 : vector<1x1x16xf32> to vector<16xf32>
        %mul3A_668 = vector.broadcast %squeeze3A_612 : f32 to vector<16xf32>
        %mul3A_669 = arith.mulf %get3A_667, %mul3A_668 : vector<16xf32>
        %swap3A_670 = arith.constant 0 : i32
        %swap3A_671 = arith.index_cast %swap3A_670 : i32 to index
        %swap3A_672 = arith.index_cast %add3A_616 : i32 to index
        %swap3A_673 = arith.constant 48 : index
        %swap3A_674 = tpu.vector_load %arg10[%swap3A_671, %swap3A_672, %swap3A_673] {strides = array<i32>} : memref<4x128x64xf32, #tpu.memory_space<vmem>>, vector<1x1x16xf32>,
        %swap3A_675 = vector.shape_cast %swap3A_674 : vector<1x1x16xf32> to vector<16xf32>
        %swap3A_676 = vector.shape_cast %mul3A_669 : vector<16xf32> to vector<1x1x16xf32>
        tpu.vector_store %arg10[%swap3A_671, %swap3A_672, %swap3A_673], %swap3A_676 {strides = array<i32>} : memref<4x128x64xf32, #tpu.memory_space<vmem>>, vector<1x1x16xf32>,
        %slice3A_677 = vector.extract_strided_slice %get3A_217 {offsets = [7], sizes = [1], strides = [1]} : vector<16xf32> to vector<1xf32>
        %squeeze3A_678 = vector.extract %slice3A_677[0] : f32 from vector<1xf32>
        %mul3A_679 = arith.constant 16 : i32
        %mul3A_680 = arith.muli %scan3A_210, %mul3A_679 : i32
        %add3A_681 = arith.constant 7 : i32
        %add3A_682 = arith.addi %mul3A_680, %add3A_681 : i32
        %get3A_683 = arith.constant 0 : i32
        %get3A_684 = arith.index_cast %get3A_683 : i32 to index
        %get3A_685 = arith.index_cast %add3A_682 : i32 to index
        %get3A_686 = arith.constant 0 : index
        %get3A_687 = tpu.vector_load %arg10[%get3A_684, %get3A_685, %get3A_686] {strides = array<i32>} : memref<4x128x64xf32, #tpu.memory_space<vmem>>, vector<1x1x16xf32>,
        %get3A_688 = vector.shape_cast %get3A_687 : vector<1x1x16xf32> to vector<16xf32>
        %mul3A_689 = vector.broadcast %squeeze3A_678 : f32 to vector<16xf32>
        %mul3A_690 = arith.mulf %get3A_688, %mul3A_689 : vector<16xf32>
        %swap3A_691 = arith.constant 0 : i32
        %swap3A_692 = arith.index_cast %swap3A_691 : i32 to index
        %swap3A_693 = arith.index_cast %add3A_682 : i32 to index
        %swap3A_694 = arith.constant 0 : index
        %swap3A_695 = tpu.vector_load %arg10[%swap3A_692, %swap3A_693, %swap3A_694] {strides = array<i32>} : memref<4x128x64xf32, #tpu.memory_space<vmem>>, vector<1x1x16xf32>,
        %swap3A_696 = vector.shape_cast %swap3A_695 : vector<1x1x16xf32> to vector<16xf32>
        %swap3A_697 = vector.shape_cast %mul3A_690 : vector<16xf32> to vector<1x1x16xf32>
        tpu.vector_store %arg10[%swap3A_692, %swap3A_693, %swap3A_694], %swap3A_697 {strides = array<i32>} : memref<4x128x64xf32, #tpu.memory_space<vmem>>, vector<1x1x16xf32>,
        %get3A_698 = arith.constant 0 : i32
        %get3A_699 = arith.index_cast %get3A_698 : i32 to index
        %get3A_700 = arith.index_cast %add3A_682 : i32 to index
        %get3A_701 = arith.constant 16 : index
        %get3A_702 = tpu.vector_load %arg10[%get3A_699, %get3A_700, %get3A_701] {strides = array<i32>} : memref<4x128x64xf32, #tpu.memory_space<vmem>>, vector<1x1x16xf32>,
        %get3A_703 = vector.shape_cast %get3A_702 : vector<1x1x16xf32> to vector<16xf32>
        %mul3A_704 = vector.broadcast %squeeze3A_678 : f32 to vector<16xf32>
        %mul3A_705 = arith.mulf %get3A_703, %mul3A_704 : vector<16xf32>
        %swap3A_706 = arith.constant 0 : i32
        %swap3A_707 = arith.index_cast %swap3A_706 : i32 to index
        %swap3A_708 = arith.index_cast %add3A_682 : i32 to index
        %swap3A_709 = arith.constant 16 : index
        %swap3A_710 = tpu.vector_load %arg10[%swap3A_707, %swap3A_708, %swap3A_709] {strides = array<i32>} : memref<4x128x64xf32, #tpu.memory_space<vmem>>, vector<1x1x16xf32>,
        %swap3A_711 = vector.shape_cast %swap3A_710 : vector<1x1x16xf32> to vector<16xf32>
        %swap3A_712 = vector.shape_cast %mul3A_705 : vector<16xf32> to vector<1x1x16xf32>
        tpu.vector_store %arg10[%swap3A_707, %swap3A_708, %swap3A_709], %swap3A_712 {strides = array<i32>} : memref<4x128x64xf32, #tpu.memory_space<vmem>>, vector<1x1x16xf32>,
        %get3A_713 = arith.constant 0 : i32
        %get3A_714 = arith.index_cast %get3A_713 : i32 to index
        %get3A_715 = arith.index_cast %add3A_682 : i32 to index
        %get3A_716 = arith.constant 32 : index
        %get3A_717 = tpu.vector_load %arg10[%get3A_714, %get3A_715, %get3A_716] {strides = array<i32>} : memref<4x128x64xf32, #tpu.memory_space<vmem>>, vector<1x1x16xf32>,
        %get3A_718 = vector.shape_cast %get3A_717 : vector<1x1x16xf32> to vector<16xf32>
        %mul3A_719 = vector.broadcast %squeeze3A_678 : f32 to vector<16xf32>
        %mul3A_720 = arith.mulf %get3A_718, %mul3A_719 : vector<16xf32>
        %swap3A_721 = arith.constant 0 : i32
        %swap3A_722 = arith.index_cast %swap3A_721 : i32 to index
        %swap3A_723 = arith.index_cast %add3A_682 : i32 to index
        %swap3A_724 = arith.constant 32 : index
        %swap3A_725 = tpu.vector_load %arg10[%swap3A_722, %swap3A_723, %swap3A_724] {strides = array<i32>} : memref<4x128x64xf32, #tpu.memory_space<vmem>>, vector<1x1x16xf32>,
        %swap3A_726 = vector.shape_cast %swap3A_725 : vector<1x1x16xf32> to vector<16xf32>
        %swap3A_727 = vector.shape_cast %mul3A_720 : vector<16xf32> to vector<1x1x16xf32>
        tpu.vector_store %arg10[%swap3A_722, %swap3A_723, %swap3A_724], %swap3A_727 {strides = array<i32>} : memref<4x128x64xf32, #tpu.memory_space<vmem>>, vector<1x1x16xf32>,
        %get3A_728 = arith.constant 0 : i32
        %get3A_729 = arith.index_cast %get3A_728 : i32 to index
        %get3A_730 = arith.index_cast %add3A_682 : i32 to index
        %get3A_731 = arith.constant 48 : index
        %get3A_732 = tpu.vector_load %arg10[%get3A_729, %get3A_730, %get3A_731] {strides = array<i32>} : memref<4x128x64xf32, #tpu.memory_space<vmem>>, vector<1x1x16xf32>,
        %get3A_733 = vector.shape_cast %get3A_732 : vector<1x1x16xf32> to vector<16xf32>
        %mul3A_734 = vector.broadcast %squeeze3A_678 : f32 to vector<16xf32>
        %mul3A_735 = arith.mulf %get3A_733, %mul3A_734 : vector<16xf32>
        %swap3A_736 = arith.constant 0 : i32
        %swap3A_737 = arith.index_cast %swap3A_736 : i32 to index
        %swap3A_738 = arith.index_cast %add3A_682 : i32 to index
        %swap3A_739 = arith.constant 48 : index
        %swap3A_740 = tpu.vector_load %arg10[%swap3A_737, %swap3A_738, %swap3A_739] {strides = array<i32>} : memref<4x128x64xf32, #tpu.memory_space<vmem>>, vector<1x1x16xf32>,
        %swap3A_741 = vector.shape_cast %swap3A_740 : vector<1x1x16xf32> to vector<16xf32>
        %swap3A_742 = vector.shape_cast %mul3A_735 : vector<16xf32> to vector<1x1x16xf32>
        tpu.vector_store %arg10[%swap3A_737, %swap3A_738, %swap3A_739], %swap3A_742 {strides = array<i32>} : memref<4x128x64xf32, #tpu.memory_space<vmem>>, vector<1x1x16xf32>,
        %slice3A_743 = vector.extract_strided_slice %get3A_217 {offsets = [8], sizes = [1], strides = [1]} : vector<16xf32> to vector<1xf32>
        %squeeze3A_744 = vector.extract %slice3A_743[0] : f32 from vector<1xf32>
        %mul3A_745 = arith.constant 16 : i32
        %mul3A_746 = arith.muli %scan3A_210, %mul3A_745 : i32
        %add3A_747 = arith.constant 8 : i32
        %add3A_748 = arith.addi %mul3A_746, %add3A_747 : i32
        %get3A_749 = arith.constant 0 : i32
        %get3A_750 = arith.index_cast %get3A_749 : i32 to index
        %get3A_751 = arith.index_cast %add3A_748 : i32 to index
        %get3A_752 = arith.constant 0 : index
        %get3A_753 = tpu.vector_load %arg10[%get3A_750, %get3A_751, %get3A_752] {strides = array<i32>} : memref<4x128x64xf32, #tpu.memory_space<vmem>>, vector<1x1x16xf32>,
        %get3A_754 = vector.shape_cast %get3A_753 : vector<1x1x16xf32> to vector<16xf32>
        %mul3A_755 = vector.broadcast %squeeze3A_744 : f32 to vector<16xf32>
        %mul3A_756 = arith.mulf %get3A_754, %mul3A_755 : vector<16xf32>
        %swap3A_757 = arith.constant 0 : i32
        %swap3A_758 = arith.index_cast %swap3A_757 : i32 to index
        %swap3A_759 = arith.index_cast %add3A_748 : i32 to index
        %swap3A_760 = arith.constant 0 : index
        %swap3A_761 = tpu.vector_load %arg10[%swap3A_758, %swap3A_759, %swap3A_760] {strides = array<i32>} : memref<4x128x64xf32, #tpu.memory_space<vmem>>, vector<1x1x16xf32>,
        %swap3A_762 = vector.shape_cast %swap3A_761 : vector<1x1x16xf32> to vector<16xf32>
        %swap3A_763 = vector.shape_cast %mul3A_756 : vector<16xf32> to vector<1x1x16xf32>
        tpu.vector_store %arg10[%swap3A_758, %swap3A_759, %swap3A_760], %swap3A_763 {strides = array<i32>} : memref<4x128x64xf32, #tpu.memory_space<vmem>>, vector<1x1x16xf32>,
        %get3A_764 = arith.constant 0 : i32
        %get3A_765 = arith.index_cast %get3A_764 : i32 to index
        %get3A_766 = arith.index_cast %add3A_748 : i32 to index
        %get3A_767 = arith.constant 16 : index
        %get3A_768 = tpu.vector_load %arg10[%get3A_765, %get3A_766, %get3A_767] {strides = array<i32>} : memref<4x128x64xf32, #tpu.memory_space<vmem>>, vector<1x1x16xf32>,
        %get3A_769 = vector.shape_cast %get3A_768 : vector<1x1x16xf32> to vector<16xf32>
        %mul3A_770 = vector.broadcast %squeeze3A_744 : f32 to vector<16xf32>
        %mul3A_771 = arith.mulf %get3A_769, %mul3A_770 : vector<16xf32>
        %swap3A_772 = arith.constant 0 : i32
        %swap3A_773 = arith.index_cast %swap3A_772 : i32 to index
        %swap3A_774 = arith.index_cast %add3A_748 : i32 to index
        %swap3A_775 = arith.constant 16 : index
        %swap3A_776 = tpu.vector_load %arg10[%swap3A_773, %swap3A_774, %swap3A_775] {strides = array<i32>} : memref<4x128x64xf32, #tpu.memory_space<vmem>>, vector<1x1x16xf32>,
        %swap3A_777 = vector.shape_cast %swap3A_776 : vector<1x1x16xf32> to vector<16xf32>
        %swap3A_778 = vector.shape_cast %mul3A_771 : vector<16xf32> to vector<1x1x16xf32>
        tpu.vector_store %arg10[%swap3A_773, %swap3A_774, %swap3A_775], %swap3A_778 {strides = array<i32>} : memref<4x128x64xf32, #tpu.memory_space<vmem>>, vector<1x1x16xf32>,
        %get3A_779 = arith.constant 0 : i32
        %get3A_780 = arith.index_cast %get3A_779 : i32 to index
        %get3A_781 = arith.index_cast %add3A_748 : i32 to index
        %get3A_782 = arith.constant 32 : index
        %get3A_783 = tpu.vector_load %arg10[%get3A_780, %get3A_781, %get3A_782] {strides = array<i32>} : memref<4x128x64xf32, #tpu.memory_space<vmem>>, vector<1x1x16xf32>,
        %get3A_784 = vector.shape_cast %get3A_783 : vector<1x1x16xf32> to vector<16xf32>
        %mul3A_785 = vector.broadcast %squeeze3A_744 : f32 to vector<16xf32>
        %mul3A_786 = arith.mulf %get3A_784, %mul3A_785 : vector<16xf32>
        %swap3A_787 = arith.constant 0 : i32
        %swap3A_788 = arith.index_cast %swap3A_787 : i32 to index
        %swap3A_789 = arith.index_cast %add3A_748 : i32 to index
        %swap3A_790 = arith.constant 32 : index
        %swap3A_791 = tpu.vector_load %arg10[%swap3A_788, %swap3A_789, %swap3A_790] {strides = array<i32>} : memref<4x128x64xf32, #tpu.memory_space<vmem>>, vector<1x1x16xf32>,
        %swap3A_792 = vector.shape_cast %swap3A_791 : vector<1x1x16xf32> to vector<16xf32>
        %swap3A_793 = vector.shape_cast %mul3A_786 : vector<16xf32> to vector<1x1x16xf32>
        tpu.vector_store %arg10[%swap3A_788, %swap3A_789, %swap3A_790], %swap3A_793 {strides = array<i32>} : memref<4x128x64xf32, #tpu.memory_space<vmem>>, vector<1x1x16xf32>,
        %get3A_794 = arith.constant 0 : i32
        %get3A_795 = arith.index_cast %get3A_794 : i32 to index
        %get3A_796 = arith.index_cast %add3A_748 : i32 to index
        %get3A_797 = arith.constant 48 : index
        %get3A_798 = tpu.vector_load %arg10[%get3A_795, %get3A_796, %get3A_797] {strides = array<i32>} : memref<4x128x64xf32, #tpu.memory_space<vmem>>, vector<1x1x16xf32>,
        %get3A_799 = vector.shape_cast %get3A_798 : vector<1x1x16xf32> to vector<16xf32>
        %mul3A_800 = vector.broadcast %squeeze3A_744 : f32 to vector<16xf32>
        %mul3A_801 = arith.mulf %get3A_799, %mul3A_800 : vector<16xf32>
        %swap3A_802 = arith.constant 0 : i32
        %swap3A_803 = arith.index_cast %swap3A_802 : i32 to index
        %swap3A_804 = arith.index_cast %add3A_748 : i32 to index
        %swap3A_805 = arith.constant 48 : index
        %swap3A_806 = tpu.vector_load %arg10[%swap3A_803, %swap3A_804, %swap3A_805] {strides = array<i32>} : memref<4x128x64xf32, #tpu.memory_space<vmem>>, vector<1x1x16xf32>,
        %swap3A_807 = vector.shape_cast %swap3A_806 : vector<1x1x16xf32> to vector<16xf32>
        %swap3A_808 = vector.shape_cast %mul3A_801 : vector<16xf32> to vector<1x1x16xf32>
        tpu.vector_store %arg10[%swap3A_803, %swap3A_804, %swap3A_805], %swap3A_808 {strides = array<i32>} : memref<4x128x64xf32, #tpu.memory_space<vmem>>, vector<1x1x16xf32>,
        %slice3A_809 = vector.extract_strided_slice %get3A_217 {offsets = [9], sizes = [1], strides = [1]} : vector<16xf32> to vector<1xf32>
        %squeeze3A_810 = vector.extract %slice3A_809[0] : f32 from vector<1xf32>
        %mul3A_811 = arith.constant 16 : i32
        %mul3A_812 = arith.muli %scan3A_210, %mul3A_811 : i32
        %add3A_813 = arith.constant 9 : i32
        %add3A_814 = arith.addi %mul3A_812, %add3A_813 : i32
        %get3A_815 = arith.constant 0 : i32
        %get3A_816 = arith.index_cast %get3A_815 : i32 to index
        %get3A_817 = arith.index_cast %add3A_814 : i32 to index
        %get3A_818 = arith.constant 0 : index
        %get3A_819 = tpu.vector_load %arg10[%get3A_816, %get3A_817, %get3A_818] {strides = array<i32>} : memref<4x128x64xf32, #tpu.memory_space<vmem>>, vector<1x1x16xf32>,
        %get3A_820 = vector.shape_cast %get3A_819 : vector<1x1x16xf32> to vector<16xf32>
        %mul3A_821 = vector.broadcast %squeeze3A_810 : f32 to vector<16xf32>
        %mul3A_822 = arith.mulf %get3A_820, %mul3A_821 : vector<16xf32>
        %swap3A_823 = arith.constant 0 : i32
        %swap3A_824 = arith.index_cast %swap3A_823 : i32 to index
        %swap3A_825 = arith.index_cast %add3A_814 : i32 to index
        %swap3A_826 = arith.constant 0 : index
        %swap3A_827 = tpu.vector_load %arg10[%swap3A_824, %swap3A_825, %swap3A_826] {strides = array<i32>} : memref<4x128x64xf32, #tpu.memory_space<vmem>>, vector<1x1x16xf32>,
        %swap3A_828 = vector.shape_cast %swap3A_827 : vector<1x1x16xf32> to vector<16xf32>
        %swap3A_829 = vector.shape_cast %mul3A_822 : vector<16xf32> to vector<1x1x16xf32>
        tpu.vector_store %arg10[%swap3A_824, %swap3A_825, %swap3A_826], %swap3A_829 {strides = array<i32>} : memref<4x128x64xf32, #tpu.memory_space<vmem>>, vector<1x1x16xf32>,
        %get3A_830 = arith.constant 0 : i32
        %get3A_831 = arith.index_cast %get3A_830 : i32 to index
        %get3A_832 = arith.index_cast %add3A_814 : i32 to index
        %get3A_833 = arith.constant 16 : index
        %get3A_834 = tpu.vector_load %arg10[%get3A_831, %get3A_832, %get3A_833] {strides = array<i32>} : memref<4x128x64xf32, #tpu.memory_space<vmem>>, vector<1x1x16xf32>,
        %get3A_835 = vector.shape_cast %get3A_834 : vector<1x1x16xf32> to vector<16xf32>
        %mul3A_836 = vector.broadcast %squeeze3A_810 : f32 to vector<16xf32>
        %mul3A_837 = arith.mulf %get3A_835, %mul3A_836 : vector<16xf32>
        %swap3A_838 = arith.constant 0 : i32
        %swap3A_839 = arith.index_cast %swap3A_838 : i32 to index
        %swap3A_840 = arith.index_cast %add3A_814 : i32 to index
        %swap3A_841 = arith.constant 16 : index
        %swap3A_842 = tpu.vector_load %arg10[%swap3A_839, %swap3A_840, %swap3A_841] {strides = array<i32>} : memref<4x128x64xf32, #tpu.memory_space<vmem>>, vector<1x1x16xf32>,
        %swap3A_843 = vector.shape_cast %swap3A_842 : vector<1x1x16xf32> to vector<16xf32>
        %swap3A_844 = vector.shape_cast %mul3A_837 : vector<16xf32> to vector<1x1x16xf32>
        tpu.vector_store %arg10[%swap3A_839, %swap3A_840, %swap3A_841], %swap3A_844 {strides = array<i32>} : memref<4x128x64xf32, #tpu.memory_space<vmem>>, vector<1x1x16xf32>,
        %get3A_845 = arith.constant 0 : i32
        %get3A_846 = arith.index_cast %get3A_845 : i32 to index
        %get3A_847 = arith.index_cast %add3A_814 : i32 to index
        %get3A_848 = arith.constant 32 : index
        %get3A_849 = tpu.vector_load %arg10[%get3A_846, %get3A_847, %get3A_848] {strides = array<i32>} : memref<4x128x64xf32, #tpu.memory_space<vmem>>, vector<1x1x16xf32>,
        %get3A_850 = vector.shape_cast %get3A_849 : vector<1x1x16xf32> to vector<16xf32>
        %mul3A_851 = vector.broadcast %squeeze3A_810 : f32 to vector<16xf32>
        %mul3A_852 = arith.mulf %get3A_850, %mul3A_851 : vector<16xf32>
        %swap3A_853 = arith.constant 0 : i32
        %swap3A_854 = arith.index_cast %swap3A_853 : i32 to index
        %swap3A_855 = arith.index_cast %add3A_814 : i32 to index
        %swap3A_856 = arith.constant 32 : index
        %swap3A_857 = tpu.vector_load %arg10[%swap3A_854, %swap3A_855, %swap3A_856] {strides = array<i32>} : memref<4x128x64xf32, #tpu.memory_space<vmem>>, vector<1x1x16xf32>,
        %swap3A_858 = vector.shape_cast %swap3A_857 : vector<1x1x16xf32> to vector<16xf32>
        %swap3A_859 = vector.shape_cast %mul3A_852 : vector<16xf32> to vector<1x1x16xf32>
        tpu.vector_store %arg10[%swap3A_854, %swap3A_855, %swap3A_856], %swap3A_859 {strides = array<i32>} : memref<4x128x64xf32, #tpu.memory_space<vmem>>, vector<1x1x16xf32>,
        %get3A_860 = arith.constant 0 : i32
        %get3A_861 = arith.index_cast %get3A_860 : i32 to index
        %get3A_862 = arith.index_cast %add3A_814 : i32 to index
        %get3A_863 = arith.constant 48 : index
        %get3A_864 = tpu.vector_load %arg10[%get3A_861, %get3A_862, %get3A_863] {strides = array<i32>} : memref<4x128x64xf32, #tpu.memory_space<vmem>>, vector<1x1x16xf32>,
        %get3A_865 = vector.shape_cast %get3A_864 : vector<1x1x16xf32> to vector<16xf32>
        %mul3A_866 = vector.broadcast %squeeze3A_810 : f32 to vector<16xf32>
        %mul3A_867 = arith.mulf %get3A_865, %mul3A_866 : vector<16xf32>
        %swap3A_868 = arith.constant 0 : i32
        %swap3A_869 = arith.index_cast %swap3A_868 : i32 to index
        %swap3A_870 = arith.index_cast %add3A_814 : i32 to index
        %swap3A_871 = arith.constant 48 : index
        %swap3A_872 = tpu.vector_load %arg10[%swap3A_869, %swap3A_870, %swap3A_871] {strides = array<i32>} : memref<4x128x64xf32, #tpu.memory_space<vmem>>, vector<1x1x16xf32>,
        %swap3A_873 = vector.shape_cast %swap3A_872 : vector<1x1x16xf32> to vector<16xf32>
        %swap3A_874 = vector.shape_cast %mul3A_867 : vector<16xf32> to vector<1x1x16xf32>
        tpu.vector_store %arg10[%swap3A_869, %swap3A_870, %swap3A_871], %swap3A_874 {strides = array<i32>} : memref<4x128x64xf32, #tpu.memory_space<vmem>>, vector<1x1x16xf32>,
        %slice3A_875 = vector.extract_strided_slice %get3A_217 {offsets = [10], sizes = [1], strides = [1]} : vector<16xf32> to vector<1xf32>
        %squeeze3A_876 = vector.extract %slice3A_875[0] : f32 from vector<1xf32>
        %mul3A_877 = arith.constant 16 : i32
        %mul3A_878 = arith.muli %scan3A_210, %mul3A_877 : i32
        %add3A_879 = arith.constant 10 : i32
        %add3A_880 = arith.addi %mul3A_878, %add3A_879 : i32
        %get3A_881 = arith.constant 0 : i32
        %get3A_882 = arith.index_cast %get3A_881 : i32 to index
        %get3A_883 = arith.index_cast %add3A_880 : i32 to index
        %get3A_884 = arith.constant 0 : index
        %get3A_885 = tpu.vector_load %arg10[%get3A_882, %get3A_883, %get3A_884] {strides = array<i32>} : memref<4x128x64xf32, #tpu.memory_space<vmem>>, vector<1x1x16xf32>,
        %get3A_886 = vector.shape_cast %get3A_885 : vector<1x1x16xf32> to vector<16xf32>
        %mul3A_887 = vector.broadcast %squeeze3A_876 : f32 to vector<16xf32>
        %mul3A_888 = arith.mulf %get3A_886, %mul3A_887 : vector<16xf32>
        %swap3A_889 = arith.constant 0 : i32
        %swap3A_890 = arith.index_cast %swap3A_889 : i32 to index
        %swap3A_891 = arith.index_cast %add3A_880 : i32 to index
        %swap3A_892 = arith.constant 0 : index
        %swap3A_893 = tpu.vector_load %arg10[%swap3A_890, %swap3A_891, %swap3A_892] {strides = array<i32>} : memref<4x128x64xf32, #tpu.memory_space<vmem>>, vector<1x1x16xf32>,
        %swap3A_894 = vector.shape_cast %swap3A_893 : vector<1x1x16xf32> to vector<16xf32>
        %swap3A_895 = vector.shape_cast %mul3A_888 : vector<16xf32> to vector<1x1x16xf32>
        tpu.vector_store %arg10[%swap3A_890, %swap3A_891, %swap3A_892], %swap3A_895 {strides = array<i32>} : memref<4x128x64xf32, #tpu.memory_space<vmem>>, vector<1x1x16xf32>,
        %get3A_896 = arith.constant 0 : i32
        %get3A_897 = arith.index_cast %get3A_896 : i32 to index
        %get3A_898 = arith.index_cast %add3A_880 : i32 to index
        %get3A_899 = arith.constant 16 : index
        %get3A_900 = tpu.vector_load %arg10[%get3A_897, %get3A_898, %get3A_899] {strides = array<i32>} : memref<4x128x64xf32, #tpu.memory_space<vmem>>, vector<1x1x16xf32>,
        %get3A_901 = vector.shape_cast %get3A_900 : vector<1x1x16xf32> to vector<16xf32>
        %mul3A_902 = vector.broadcast %squeeze3A_876 : f32 to vector<16xf32>
        %mul3A_903 = arith.mulf %get3A_901, %mul3A_902 : vector<16xf32>
        %swap3A_904 = arith.constant 0 : i32
        %swap3A_905 = arith.index_cast %swap3A_904 : i32 to index
        %swap3A_906 = arith.index_cast %add3A_880 : i32 to index
        %swap3A_907 = arith.constant 16 : index
        %swap3A_908 = tpu.vector_load %arg10[%swap3A_905, %swap3A_906, %swap3A_907] {strides = array<i32>} : memref<4x128x64xf32, #tpu.memory_space<vmem>>, vector<1x1x16xf32>,
        %swap3A_909 = vector.shape_cast %swap3A_908 : vector<1x1x16xf32> to vector<16xf32>
        %swap3A_910 = vector.shape_cast %mul3A_903 : vector<16xf32> to vector<1x1x16xf32>
        tpu.vector_store %arg10[%swap3A_905, %swap3A_906, %swap3A_907], %swap3A_910 {strides = array<i32>} : memref<4x128x64xf32, #tpu.memory_space<vmem>>, vector<1x1x16xf32>,
        %get3A_911 = arith.constant 0 : i32
        %get3A_912 = arith.index_cast %get3A_911 : i32 to index
        %get3A_913 = arith.index_cast %add3A_880 : i32 to index
        %get3A_914 = arith.constant 32 : index
        %get3A_915 = tpu.vector_load %arg10[%get3A_912, %get3A_913, %get3A_914] {strides = array<i32>} : memref<4x128x64xf32, #tpu.memory_space<vmem>>, vector<1x1x16xf32>,
        %get3A_916 = vector.shape_cast %get3A_915 : vector<1x1x16xf32> to vector<16xf32>
        %mul3A_917 = vector.broadcast %squeeze3A_876 : f32 to vector<16xf32>
        %mul3A_918 = arith.mulf %get3A_916, %mul3A_917 : vector<16xf32>
        %swap3A_919 = arith.constant 0 : i32
        %swap3A_920 = arith.index_cast %swap3A_919 : i32 to index
        %swap3A_921 = arith.index_cast %add3A_880 : i32 to index
        %swap3A_922 = arith.constant 32 : index
        %swap3A_923 = tpu.vector_load %arg10[%swap3A_920, %swap3A_921, %swap3A_922] {strides = array<i32>} : memref<4x128x64xf32, #tpu.memory_space<vmem>>, vector<1x1x16xf32>,
        %swap3A_924 = vector.shape_cast %swap3A_923 : vector<1x1x16xf32> to vector<16xf32>
        %swap3A_925 = vector.shape_cast %mul3A_918 : vector<16xf32> to vector<1x1x16xf32>
        tpu.vector_store %arg10[%swap3A_920, %swap3A_921, %swap3A_922], %swap3A_925 {strides = array<i32>} : memref<4x128x64xf32, #tpu.memory_space<vmem>>, vector<1x1x16xf32>,
        %get3A_926 = arith.constant 0 : i32
        %get3A_927 = arith.index_cast %get3A_926 : i32 to index
        %get3A_928 = arith.index_cast %add3A_880 : i32 to index
        %get3A_929 = arith.constant 48 : index
        %get3A_930 = tpu.vector_load %arg10[%get3A_927, %get3A_928, %get3A_929] {strides = array<i32>} : memref<4x128x64xf32, #tpu.memory_space<vmem>>, vector<1x1x16xf32>,
        %get3A_931 = vector.shape_cast %get3A_930 : vector<1x1x16xf32> to vector<16xf32>
        %mul3A_932 = vector.broadcast %squeeze3A_876 : f32 to vector<16xf32>
        %mul3A_933 = arith.mulf %get3A_931, %mul3A_932 : vector<16xf32>
        %swap3A_934 = arith.constant 0 : i32
        %swap3A_935 = arith.index_cast %swap3A_934 : i32 to index
        %swap3A_936 = arith.index_cast %add3A_880 : i32 to index
        %swap3A_937 = arith.constant 48 : index
        %swap3A_938 = tpu.vector_load %arg10[%swap3A_935, %swap3A_936, %swap3A_937] {strides = array<i32>} : memref<4x128x64xf32, #tpu.memory_space<vmem>>, vector<1x1x16xf32>,
        %swap3A_939 = vector.shape_cast %swap3A_938 : vector<1x1x16xf32> to vector<16xf32>
        %swap3A_940 = vector.shape_cast %mul3A_933 : vector<16xf32> to vector<1x1x16xf32>
        tpu.vector_store %arg10[%swap3A_935, %swap3A_936, %swap3A_937], %swap3A_940 {strides = array<i32>} : memref<4x128x64xf32, #tpu.memory_space<vmem>>, vector<1x1x16xf32>,
        %slice3A_941 = vector.extract_strided_slice %get3A_217 {offsets = [11], sizes = [1], strides = [1]} : vector<16xf32> to vector<1xf32>
        %squeeze3A_942 = vector.extract %slice3A_941[0] : f32 from vector<1xf32>
        %mul3A_943 = arith.constant 16 : i32
        %mul3A_944 = arith.muli %scan3A_210, %mul3A_943 : i32
        %add3A_945 = arith.constant 11 : i32
        %add3A_946 = arith.addi %mul3A_944, %add3A_945 : i32
        %get3A_947 = arith.constant 0 : i32
        %get3A_948 = arith.index_cast %get3A_947 : i32 to index
        %get3A_949 = arith.index_cast %add3A_946 : i32 to index
        %get3A_950 = arith.constant 0 : index
        %get3A_951 = tpu.vector_load %arg10[%get3A_948, %get3A_949, %get3A_950] {strides = array<i32>} : memref<4x128x64xf32, #tpu.memory_space<vmem>>, vector<1x1x16xf32>,
        %get3A_952 = vector.shape_cast %get3A_951 : vector<1x1x16xf32> to vector<16xf32>
        %mul3A_953 = vector.broadcast %squeeze3A_942 : f32 to vector<16xf32>
        %mul3A_954 = arith.mulf %get3A_952, %mul3A_953 : vector<16xf32>
        %swap3A_955 = arith.constant 0 : i32
        %swap3A_956 = arith.index_cast %swap3A_955 : i32 to index
        %swap3A_957 = arith.index_cast %add3A_946 : i32 to index
        %swap3A_958 = arith.constant 0 : index
        %swap3A_959 = tpu.vector_load %arg10[%swap3A_956, %swap3A_957, %swap3A_958] {strides = array<i32>} : memref<4x128x64xf32, #tpu.memory_space<vmem>>, vector<1x1x16xf32>,
        %swap3A_960 = vector.shape_cast %swap3A_959 : vector<1x1x16xf32> to vector<16xf32>
        %swap3A_961 = vector.shape_cast %mul3A_954 : vector<16xf32> to vector<1x1x16xf32>
        tpu.vector_store %arg10[%swap3A_956, %swap3A_957, %swap3A_958], %swap3A_961 {strides = array<i32>} : memref<4x128x64xf32, #tpu.memory_space<vmem>>, vector<1x1x16xf32>,
        %get3A_962 = arith.constant 0 : i32
        %get3A_963 = arith.index_cast %get3A_962 : i32 to index
        %get3A_964 = arith.index_cast %add3A_946 : i32 to index
        %get3A_965 = arith.constant 16 : index
        %get3A_966 = tpu.vector_load %arg10[%get3A_963, %get3A_964, %get3A_965] {strides = array<i32>} : memref<4x128x64xf32, #tpu.memory_space<vmem>>, vector<1x1x16xf32>,
        %get3A_967 = vector.shape_cast %get3A_966 : vector<1x1x16xf32> to vector<16xf32>
        %mul3A_968 = vector.broadcast %squeeze3A_942 : f32 to vector<16xf32>
        %mul3A_969 = arith.mulf %get3A_967, %mul3A_968 : vector<16xf32>
        %swap3A_970 = arith.constant 0 : i32
        %swap3A_971 = arith.index_cast %swap3A_970 : i32 to index
        %swap3A_972 = arith.index_cast %add3A_946 : i32 to index
        %swap3A_973 = arith.constant 16 : index
        %swap3A_974 = tpu.vector_load %arg10[%swap3A_971, %swap3A_972, %swap3A_973] {strides = array<i32>} : memref<4x128x64xf32, #tpu.memory_space<vmem>>, vector<1x1x16xf32>,
        %swap3A_975 = vector.shape_cast %swap3A_974 : vector<1x1x16xf32> to vector<16xf32>
        %swap3A_976 = vector.shape_cast %mul3A_969 : vector<16xf32> to vector<1x1x16xf32>
        tpu.vector_store %arg10[%swap3A_971, %swap3A_972, %swap3A_973], %swap3A_976 {strides = array<i32>} : memref<4x128x64xf32, #tpu.memory_space<vmem>>, vector<1x1x16xf32>,
        %get3A_977 = arith.constant 0 : i32
        %get3A_978 = arith.index_cast %get3A_977 : i32 to index
        %get3A_979 = arith.index_cast %add3A_946 : i32 to index
        %get3A_980 = arith.constant 32 : index
        %get3A_981 = tpu.vector_load %arg10[%get3A_978, %get3A_979, %get3A_980] {strides = array<i32>} : memref<4x128x64xf32, #tpu.memory_space<vmem>>, vector<1x1x16xf32>,
        %get3A_982 = vector.shape_cast %get3A_981 : vector<1x1x16xf32> to vector<16xf32>
        %mul3A_983 = vector.broadcast %squeeze3A_942 : f32 to vector<16xf32>
        %mul3A_984 = arith.mulf %get3A_982, %mul3A_983 : vector<16xf32>
        %swap3A_985 = arith.constant 0 : i32
        %swap3A_986 = arith.index_cast %swap3A_985 : i32 to index
        %swap3A_987 = arith.index_cast %add3A_946 : i32 to index
        %swap3A_988 = arith.constant 32 : index
        %swap3A_989 = tpu.vector_load %arg10[%swap3A_986, %swap3A_987, %swap3A_988] {strides = array<i32>} : memref<4x128x64xf32, #tpu.memory_space<vmem>>, vector<1x1x16xf32>,
        %swap3A_990 = vector.shape_cast %swap3A_989 : vector<1x1x16xf32> to vector<16xf32>
        %swap3A_991 = vector.shape_cast %mul3A_984 : vector<16xf32> to vector<1x1x16xf32>
        tpu.vector_store %arg10[%swap3A_986, %swap3A_987, %swap3A_988], %swap3A_991 {strides = array<i32>} : memref<4x128x64xf32, #tpu.memory_space<vmem>>, vector<1x1x16xf32>,
        %get3A_992 = arith.constant 0 : i32
        %get3A_993 = arith.index_cast %get3A_992 : i32 to index
        %get3A_994 = arith.index_cast %add3A_946 : i32 to index
        %get3A_995 = arith.constant 48 : index
        %get3A_996 = tpu.vector_load %arg10[%get3A_993, %get3A_994, %get3A_995] {strides = array<i32>} : memref<4x128x64xf32, #tpu.memory_space<vmem>>, vector<1x1x16xf32>,
        %get3A_997 = vector.shape_cast %get3A_996 : vector<1x1x16xf32> to vector<16xf32>
        %mul3A_998 = vector.broadcast %squeeze3A_942 : f32 to vector<16xf32>
        %mul3A_999 = arith.mulf %get3A_997, %mul3A_998 : vector<16xf32>
        %swap3A_1000 = arith.constant 0 : i32
        %swap3A_1001 = arith.index_cast %swap3A_1000 : i32 to index
        %swap3A_1002 = arith.index_cast %add3A_946 : i32 to index
        %swap3A_1003 = arith.constant 48 : index
        %swap3A_1004 = tpu.vector_load %arg10[%swap3A_1001, %swap3A_1002, %swap3A_1003] {strides = array<i32>} : memref<4x128x64xf32, #tpu.memory_space<vmem>>, vector<1x1x16xf32>,
        %swap3A_1005 = vector.shape_cast %swap3A_1004 : vector<1x1x16xf32> to vector<16xf32>
        %swap3A_1006 = vector.shape_cast %mul3A_999 : vector<16xf32> to vector<1x1x16xf32>
        tpu.vector_store %arg10[%swap3A_1001, %swap3A_1002, %swap3A_1003], %swap3A_1006 {strides = array<i32>} : memref<4x128x64xf32, #tpu.memory_space<vmem>>, vector<1x1x16xf32>,
        %slice3A_1007 = vector.extract_strided_slice %get3A_217 {offsets = [12], sizes = [1], strides = [1]} : vector<16xf32> to vector<1xf32>
        %squeeze3A_1008 = vector.extract %slice3A_1007[0] : f32 from vector<1xf32>
        %mul3A_1009 = arith.constant 16 : i32
        %mul3A_1010 = arith.muli %scan3A_210, %mul3A_1009 : i32
        %add3A_1011 = arith.constant 12 : i32
        %add3A_1012 = arith.addi %mul3A_1010, %add3A_1011 : i32
        %get3A_1013 = arith.constant 0 : i32
        %get3A_1014 = arith.index_cast %get3A_1013 : i32 to index
        %get3A_1015 = arith.index_cast %add3A_1012 : i32 to index
        %get3A_1016 = arith.constant 0 : index
        %get3A_1017 = tpu.vector_load %arg10[%get3A_1014, %get3A_1015, %get3A_1016] {strides = array<i32>} : memref<4x128x64xf32, #tpu.memory_space<vmem>>, vector<1x1x16xf32>,
        %get3A_1018 = vector.shape_cast %get3A_1017 : vector<1x1x16xf32> to vector<16xf32>
        %mul3A_1019 = vector.broadcast %squeeze3A_1008 : f32 to vector<16xf32>
        %mul3A_1020 = arith.mulf %get3A_1018, %mul3A_1019 : vector<16xf32>
        %swap3A_1021 = arith.constant 0 : i32
        %swap3A_1022 = arith.index_cast %swap3A_1021 : i32 to index
        %swap3A_1023 = arith.index_cast %add3A_1012 : i32 to index
        %swap3A_1024 = arith.constant 0 : index
        %swap3A_1025 = tpu.vector_load %arg10[%swap3A_1022, %swap3A_1023, %swap3A_1024] {strides = array<i32>} : memref<4x128x64xf32, #tpu.memory_space<vmem>>, vector<1x1x16xf32>,
        %swap3A_1026 = vector.shape_cast %swap3A_1025 : vector<1x1x16xf32> to vector<16xf32>
        %swap3A_1027 = vector.shape_cast %mul3A_1020 : vector<16xf32> to vector<1x1x16xf32>
        tpu.vector_store %arg10[%swap3A_1022, %swap3A_1023, %swap3A_1024], %swap3A_1027 {strides = array<i32>} : memref<4x128x64xf32, #tpu.memory_space<vmem>>, vector<1x1x16xf32>,
        %get3A_1028 = arith.constant 0 : i32
        %get3A_1029 = arith.index_cast %get3A_1028 : i32 to index
        %get3A_1030 = arith.index_cast %add3A_1012 : i32 to index
        %get3A_1031 = arith.constant 16 : index
        %get3A_1032 = tpu.vector_load %arg10[%get3A_1029, %get3A_1030, %get3A_1031] {strides = array<i32>} : memref<4x128x64xf32, #tpu.memory_space<vmem>>, vector<1x1x16xf32>,
        %get3A_1033 = vector.shape_cast %get3A_1032 : vector<1x1x16xf32> to vector<16xf32>
        %mul3A_1034 = vector.broadcast %squeeze3A_1008 : f32 to vector<16xf32>
        %mul3A_1035 = arith.mulf %get3A_1033, %mul3A_1034 : vector<16xf32>
        %swap3A_1036 = arith.constant 0 : i32
        %swap3A_1037 = arith.index_cast %swap3A_1036 : i32 to index
        %swap3A_1038 = arith.index_cast %add3A_1012 : i32 to index
        %swap3A_1039 = arith.constant 16 : index
        %swap3A_1040 = tpu.vector_load %arg10[%swap3A_1037, %swap3A_1038, %swap3A_1039] {strides = array<i32>} : memref<4x128x64xf32, #tpu.memory_space<vmem>>, vector<1x1x16xf32>,
        %swap3A_1041 = vector.shape_cast %swap3A_1040 : vector<1x1x16xf32> to vector<16xf32>
        %swap3A_1042 = vector.shape_cast %mul3A_1035 : vector<16xf32> to vector<1x1x16xf32>
        tpu.vector_store %arg10[%swap3A_1037, %swap3A_1038, %swap3A_1039], %swap3A_1042 {strides = array<i32>} : memref<4x128x64xf32, #tpu.memory_space<vmem>>, vector<1x1x16xf32>,
        %get3A_1043 = arith.constant 0 : i32
        %get3A_1044 = arith.index_cast %get3A_1043 : i32 to index
        %get3A_1045 = arith.index_cast %add3A_1012 : i32 to index
        %get3A_1046 = arith.constant 32 : index
        %get3A_1047 = tpu.vector_load %arg10[%get3A_1044, %get3A_1045, %get3A_1046] {strides = array<i32>} : memref<4x128x64xf32, #tpu.memory_space<vmem>>, vector<1x1x16xf32>,
        %get3A_1048 = vector.shape_cast %get3A_1047 : vector<1x1x16xf32> to vector<16xf32>
        %mul3A_1049 = vector.broadcast %squeeze3A_1008 : f32 to vector<16xf32>
        %mul3A_1050 = arith.mulf %get3A_1048, %mul3A_1049 : vector<16xf32>
        %swap3A_1051 = arith.constant 0 : i32
        %swap3A_1052 = arith.index_cast %swap3A_1051 : i32 to index
        %swap3A_1053 = arith.index_cast %add3A_1012 : i32 to index
        %swap3A_1054 = arith.constant 32 : index
        %swap3A_1055 = tpu.vector_load %arg10[%swap3A_1052, %swap3A_1053, %swap3A_1054] {strides = array<i32>} : memref<4x128x64xf32, #tpu.memory_space<vmem>>, vector<1x1x16xf32>,
        %swap3A_1056 = vector.shape_cast %swap3A_1055 : vector<1x1x16xf32> to vector<16xf32>
        %swap3A_1057 = vector.shape_cast %mul3A_1050 : vector<16xf32> to vector<1x1x16xf32>
        tpu.vector_store %arg10[%swap3A_1052, %swap3A_1053, %swap3A_1054], %swap3A_1057 {strides = array<i32>} : memref<4x128x64xf32, #tpu.memory_space<vmem>>, vector<1x1x16xf32>,
        %get3A_1058 = arith.constant 0 : i32
        %get3A_1059 = arith.index_cast %get3A_1058 : i32 to index
        %get3A_1060 = arith.index_cast %add3A_1012 : i32 to index
        %get3A_1061 = arith.constant 48 : index
        %get3A_1062 = tpu.vector_load %arg10[%get3A_1059, %get3A_1060, %get3A_1061] {strides = array<i32>} : memref<4x128x64xf32, #tpu.memory_space<vmem>>, vector<1x1x16xf32>,
        %get3A_1063 = vector.shape_cast %get3A_1062 : vector<1x1x16xf32> to vector<16xf32>
        %mul3A_1064 = vector.broadcast %squeeze3A_1008 : f32 to vector<16xf32>
        %mul3A_1065 = arith.mulf %get3A_1063, %mul3A_1064 : vector<16xf32>
        %swap3A_1066 = arith.constant 0 : i32
        %swap3A_1067 = arith.index_cast %swap3A_1066 : i32 to index
        %swap3A_1068 = arith.index_cast %add3A_1012 : i32 to index
        %swap3A_1069 = arith.constant 48 : index
        %swap3A_1070 = tpu.vector_load %arg10[%swap3A_1067, %swap3A_1068, %swap3A_1069] {strides = array<i32>} : memref<4x128x64xf32, #tpu.memory_space<vmem>>, vector<1x1x16xf32>,
        %swap3A_1071 = vector.shape_cast %swap3A_1070 : vector<1x1x16xf32> to vector<16xf32>
        %swap3A_1072 = vector.shape_cast %mul3A_1065 : vector<16xf32> to vector<1x1x16xf32>
        tpu.vector_store %arg10[%swap3A_1067, %swap3A_1068, %swap3A_1069], %swap3A_1072 {strides = array<i32>} : memref<4x128x64xf32, #tpu.memory_space<vmem>>, vector<1x1x16xf32>,
        %slice3A_1073 = vector.extract_strided_slice %get3A_217 {offsets = [13], sizes = [1], strides = [1]} : vector<16xf32> to vector<1xf32>
        %squeeze3A_1074 = vector.extract %slice3A_1073[0] : f32 from vector<1xf32>
        %mul3A_1075 = arith.constant 16 : i32
        %mul3A_1076 = arith.muli %scan3A_210, %mul3A_1075 : i32
        %add3A_1077 = arith.constant 13 : i32
        %add3A_1078 = arith.addi %mul3A_1076, %add3A_1077 : i32
        %get3A_1079 = arith.constant 0 : i32
        %get3A_1080 = arith.index_cast %get3A_1079 : i32 to index
        %get3A_1081 = arith.index_cast %add3A_1078 : i32 to index
        %get3A_1082 = arith.constant 0 : index
        %get3A_1083 = tpu.vector_load %arg10[%get3A_1080, %get3A_1081, %get3A_1082] {strides = array<i32>} : memref<4x128x64xf32, #tpu.memory_space<vmem>>, vector<1x1x16xf32>,
        %get3A_1084 = vector.shape_cast %get3A_1083 : vector<1x1x16xf32> to vector<16xf32>
        %mul3A_1085 = vector.broadcast %squeeze3A_1074 : f32 to vector<16xf32>
        %mul3A_1086 = arith.mulf %get3A_1084, %mul3A_1085 : vector<16xf32>
        %swap3A_1087 = arith.constant 0 : i32
        %swap3A_1088 = arith.index_cast %swap3A_1087 : i32 to index
        %swap3A_1089 = arith.index_cast %add3A_1078 : i32 to index
        %swap3A_1090 = arith.constant 0 : index
        %swap3A_1091 = tpu.vector_load %arg10[%swap3A_1088, %swap3A_1089, %swap3A_1090] {strides = array<i32>} : memref<4x128x64xf32, #tpu.memory_space<vmem>>, vector<1x1x16xf32>,
        %swap3A_1092 = vector.shape_cast %swap3A_1091 : vector<1x1x16xf32> to vector<16xf32>
        %swap3A_1093 = vector.shape_cast %mul3A_1086 : vector<16xf32> to vector<1x1x16xf32>
        tpu.vector_store %arg10[%swap3A_1088, %swap3A_1089, %swap3A_1090], %swap3A_1093 {strides = array<i32>} : memref<4x128x64xf32, #tpu.memory_space<vmem>>, vector<1x1x16xf32>,
        %get3A_1094 = arith.constant 0 : i32
        %get3A_1095 = arith.index_cast %get3A_1094 : i32 to index
        %get3A_1096 = arith.index_cast %add3A_1078 : i32 to index
        %get3A_1097 = arith.constant 16 : index
        %get3A_1098 = tpu.vector_load %arg10[%get3A_1095, %get3A_1096, %get3A_1097] {strides = array<i32>} : memref<4x128x64xf32, #tpu.memory_space<vmem>>, vector<1x1x16xf32>,
        %get3A_1099 = vector.shape_cast %get3A_1098 : vector<1x1x16xf32> to vector<16xf32>
        %mul3A_1100 = vector.broadcast %squeeze3A_1074 : f32 to vector<16xf32>
        %mul3A_1101 = arith.mulf %get3A_1099, %mul3A_1100 : vector<16xf32>
        %swap3A_1102 = arith.constant 0 : i32
        %swap3A_1103 = arith.index_cast %swap3A_1102 : i32 to index
        %swap3A_1104 = arith.index_cast %add3A_1078 : i32 to index
        %swap3A_1105 = arith.constant 16 : index
        %swap3A_1106 = tpu.vector_load %arg10[%swap3A_1103, %swap3A_1104, %swap3A_1105] {strides = array<i32>} : memref<4x128x64xf32, #tpu.memory_space<vmem>>, vector<1x1x16xf32>,
        %swap3A_1107 = vector.shape_cast %swap3A_1106 : vector<1x1x16xf32> to vector<16xf32>
        %swap3A_1108 = vector.shape_cast %mul3A_1101 : vector<16xf32> to vector<1x1x16xf32>
        tpu.vector_store %arg10[%swap3A_1103, %swap3A_1104, %swap3A_1105], %swap3A_1108 {strides = array<i32>} : memref<4x128x64xf32, #tpu.memory_space<vmem>>, vector<1x1x16xf32>,
        %get3A_1109 = arith.constant 0 : i32
        %get3A_1110 = arith.index_cast %get3A_1109 : i32 to index
        %get3A_1111 = arith.index_cast %add3A_1078 : i32 to index
        %get3A_1112 = arith.constant 32 : index
        %get3A_1113 = tpu.vector_load %arg10[%get3A_1110, %get3A_1111, %get3A_1112] {strides = array<i32>} : memref<4x128x64xf32, #tpu.memory_space<vmem>>, vector<1x1x16xf32>,
        %get3A_1114 = vector.shape_cast %get3A_1113 : vector<1x1x16xf32> to vector<16xf32>
        %mul3A_1115 = vector.broadcast %squeeze3A_1074 : f32 to vector<16xf32>
        %mul3A_1116 = arith.mulf %get3A_1114, %mul3A_1115 : vector<16xf32>
        %swap3A_1117 = arith.constant 0 : i32
        %swap3A_1118 = arith.index_cast %swap3A_1117 : i32 to index
        %swap3A_1119 = arith.index_cast %add3A_1078 : i32 to index
        %swap3A_1120 = arith.constant 32 : index
        %swap3A_1121 = tpu.vector_load %arg10[%swap3A_1118, %swap3A_1119, %swap3A_1120] {strides = array<i32>} : memref<4x128x64xf32, #tpu.memory_space<vmem>>, vector<1x1x16xf32>,
        %swap3A_1122 = vector.shape_cast %swap3A_1121 : vector<1x1x16xf32> to vector<16xf32>
        %swap3A_1123 = vector.shape_cast %mul3A_1116 : vector<16xf32> to vector<1x1x16xf32>
        tpu.vector_store %arg10[%swap3A_1118, %swap3A_1119, %swap3A_1120], %swap3A_1123 {strides = array<i32>} : memref<4x128x64xf32, #tpu.memory_space<vmem>>, vector<1x1x16xf32>,
        %get3A_1124 = arith.constant 0 : i32
        %get3A_1125 = arith.index_cast %get3A_1124 : i32 to index
        %get3A_1126 = arith.index_cast %add3A_1078 : i32 to index
        %get3A_1127 = arith.constant 48 : index
        %get3A_1128 = tpu.vector_load %arg10[%get3A_1125, %get3A_1126, %get3A_1127] {strides = array<i32>} : memref<4x128x64xf32, #tpu.memory_space<vmem>>, vector<1x1x16xf32>,
        %get3A_1129 = vector.shape_cast %get3A_1128 : vector<1x1x16xf32> to vector<16xf32>
        %mul3A_1130 = vector.broadcast %squeeze3A_1074 : f32 to vector<16xf32>
        %mul3A_1131 = arith.mulf %get3A_1129, %mul3A_1130 : vector<16xf32>
        %swap3A_1132 = arith.constant 0 : i32
        %swap3A_1133 = arith.index_cast %swap3A_1132 : i32 to index
        %swap3A_1134 = arith.index_cast %add3A_1078 : i32 to index
        %swap3A_1135 = arith.constant 48 : index
        %swap3A_1136 = tpu.vector_load %arg10[%swap3A_1133, %swap3A_1134, %swap3A_1135] {strides = array<i32>} : memref<4x128x64xf32, #tpu.memory_space<vmem>>, vector<1x1x16xf32>,
        %swap3A_1137 = vector.shape_cast %swap3A_1136 : vector<1x1x16xf32> to vector<16xf32>
        %swap3A_1138 = vector.shape_cast %mul3A_1131 : vector<16xf32> to vector<1x1x16xf32>
        tpu.vector_store %arg10[%swap3A_1133, %swap3A_1134, %swap3A_1135], %swap3A_1138 {strides = array<i32>} : memref<4x128x64xf32, #tpu.memory_space<vmem>>, vector<1x1x16xf32>,
        %slice3A_1139 = vector.extract_strided_slice %get3A_217 {offsets = [14], sizes = [1], strides = [1]} : vector<16xf32> to vector<1xf32>
        %squeeze3A_1140 = vector.extract %slice3A_1139[0] : f32 from vector<1xf32>
        %mul3A_1141 = arith.constant 16 : i32
        %mul3A_1142 = arith.muli %scan3A_210, %mul3A_1141 : i32
        %add3A_1143 = arith.constant 14 : i32
        %add3A_1144 = arith.addi %mul3A_1142, %add3A_1143 : i32
        %get3A_1145 = arith.constant 0 : i32
        %get3A_1146 = arith.index_cast %get3A_1145 : i32 to index
        %get3A_1147 = arith.index_cast %add3A_1144 : i32 to index
        %get3A_1148 = arith.constant 0 : index
        %get3A_1149 = tpu.vector_load %arg10[%get3A_1146, %get3A_1147, %get3A_1148] {strides = array<i32>} : memref<4x128x64xf32, #tpu.memory_space<vmem>>, vector<1x1x16xf32>,
        %get3A_1150 = vector.shape_cast %get3A_1149 : vector<1x1x16xf32> to vector<16xf32>
        %mul3A_1151 = vector.broadcast %squeeze3A_1140 : f32 to vector<16xf32>
        %mul3A_1152 = arith.mulf %get3A_1150, %mul3A_1151 : vector<16xf32>
        %swap3A_1153 = arith.constant 0 : i32
        %swap3A_1154 = arith.index_cast %swap3A_1153 : i32 to index
        %swap3A_1155 = arith.index_cast %add3A_1144 : i32 to index
        %swap3A_1156 = arith.constant 0 : index
        %swap3A_1157 = tpu.vector_load %arg10[%swap3A_1154, %swap3A_1155, %swap3A_1156] {strides = array<i32>} : memref<4x128x64xf32, #tpu.memory_space<vmem>>, vector<1x1x16xf32>,
        %swap3A_1158 = vector.shape_cast %swap3A_1157 : vector<1x1x16xf32> to vector<16xf32>
        %swap3A_1159 = vector.shape_cast %mul3A_1152 : vector<16xf32> to vector<1x1x16xf32>
        tpu.vector_store %arg10[%swap3A_1154, %swap3A_1155, %swap3A_1156], %swap3A_1159 {strides = array<i32>} : memref<4x128x64xf32, #tpu.memory_space<vmem>>, vector<1x1x16xf32>,
        %get3A_1160 = arith.constant 0 : i32
        %get3A_1161 = arith.index_cast %get3A_1160 : i32 to index
        %get3A_1162 = arith.index_cast %add3A_1144 : i32 to index
        %get3A_1163 = arith.constant 16 : index
        %get3A_1164 = tpu.vector_load %arg10[%get3A_1161, %get3A_1162, %get3A_1163] {strides = array<i32>} : memref<4x128x64xf32, #tpu.memory_space<vmem>>, vector<1x1x16xf32>,
        %get3A_1165 = vector.shape_cast %get3A_1164 : vector<1x1x16xf32> to vector<16xf32>
        %mul3A_1166 = vector.broadcast %squeeze3A_1140 : f32 to vector<16xf32>
        %mul3A_1167 = arith.mulf %get3A_1165, %mul3A_1166 : vector<16xf32>
        %swap3A_1168 = arith.constant 0 : i32
        %swap3A_1169 = arith.index_cast %swap3A_1168 : i32 to index
        %swap3A_1170 = arith.index_cast %add3A_1144 : i32 to index
        %swap3A_1171 = arith.constant 16 : index
        %swap3A_1172 = tpu.vector_load %arg10[%swap3A_1169, %swap3A_1170, %swap3A_1171] {strides = array<i32>} : memref<4x128x64xf32, #tpu.memory_space<vmem>>, vector<1x1x16xf32>,
        %swap3A_1173 = vector.shape_cast %swap3A_1172 : vector<1x1x16xf32> to vector<16xf32>
        %swap3A_1174 = vector.shape_cast %mul3A_1167 : vector<16xf32> to vector<1x1x16xf32>
        tpu.vector_store %arg10[%swap3A_1169, %swap3A_1170, %swap3A_1171], %swap3A_1174 {strides = array<i32>} : memref<4x128x64xf32, #tpu.memory_space<vmem>>, vector<1x1x16xf32>,
        %get3A_1175 = arith.constant 0 : i32
        %get3A_1176 = arith.index_cast %get3A_1175 : i32 to index
        %get3A_1177 = arith.index_cast %add3A_1144 : i32 to index
        %get3A_1178 = arith.constant 32 : index
        %get3A_1179 = tpu.vector_load %arg10[%get3A_1176, %get3A_1177, %get3A_1178] {strides = array<i32>} : memref<4x128x64xf32, #tpu.memory_space<vmem>>, vector<1x1x16xf32>,
        %get3A_1180 = vector.shape_cast %get3A_1179 : vector<1x1x16xf32> to vector<16xf32>
        %mul3A_1181 = vector.broadcast %squeeze3A_1140 : f32 to vector<16xf32>
        %mul3A_1182 = arith.mulf %get3A_1180, %mul3A_1181 : vector<16xf32>
        %swap3A_1183 = arith.constant 0 : i32
        %swap3A_1184 = arith.index_cast %swap3A_1183 : i32 to index
        %swap3A_1185 = arith.index_cast %add3A_1144 : i32 to index
        %swap3A_1186 = arith.constant 32 : index
        %swap3A_1187 = tpu.vector_load %arg10[%swap3A_1184, %swap3A_1185, %swap3A_1186] {strides = array<i32>} : memref<4x128x64xf32, #tpu.memory_space<vmem>>, vector<1x1x16xf32>,
        %swap3A_1188 = vector.shape_cast %swap3A_1187 : vector<1x1x16xf32> to vector<16xf32>
        %swap3A_1189 = vector.shape_cast %mul3A_1182 : vector<16xf32> to vector<1x1x16xf32>
        tpu.vector_store %arg10[%swap3A_1184, %swap3A_1185, %swap3A_1186], %swap3A_1189 {strides = array<i32>} : memref<4x128x64xf32, #tpu.memory_space<vmem>>, vector<1x1x16xf32>,
        %get3A_1190 = arith.constant 0 : i32
        %get3A_1191 = arith.index_cast %get3A_1190 : i32 to index
        %get3A_1192 = arith.index_cast %add3A_1144 : i32 to index
        %get3A_1193 = arith.constant 48 : index
        %get3A_1194 = tpu.vector_load %arg10[%get3A_1191, %get3A_1192, %get3A_1193] {strides = array<i32>} : memref<4x128x64xf32, #tpu.memory_space<vmem>>, vector<1x1x16xf32>,
        %get3A_1195 = vector.shape_cast %get3A_1194 : vector<1x1x16xf32> to vector<16xf32>
        %mul3A_1196 = vector.broadcast %squeeze3A_1140 : f32 to vector<16xf32>
        %mul3A_1197 = arith.mulf %get3A_1195, %mul3A_1196 : vector<16xf32>
        %swap3A_1198 = arith.constant 0 : i32
        %swap3A_1199 = arith.index_cast %swap3A_1198 : i32 to index
        %swap3A_1200 = arith.index_cast %add3A_1144 : i32 to index
        %swap3A_1201 = arith.constant 48 : index
        %swap3A_1202 = tpu.vector_load %arg10[%swap3A_1199, %swap3A_1200, %swap3A_1201] {strides = array<i32>} : memref<4x128x64xf32, #tpu.memory_space<vmem>>, vector<1x1x16xf32>,
        %swap3A_1203 = vector.shape_cast %swap3A_1202 : vector<1x1x16xf32> to vector<16xf32>
        %swap3A_1204 = vector.shape_cast %mul3A_1197 : vector<16xf32> to vector<1x1x16xf32>
        tpu.vector_store %arg10[%swap3A_1199, %swap3A_1200, %swap3A_1201], %swap3A_1204 {strides = array<i32>} : memref<4x128x64xf32, #tpu.memory_space<vmem>>, vector<1x1x16xf32>,
        %slice3A_1205 = vector.extract_strided_slice %get3A_217 {offsets = [15], sizes = [1], strides = [1]} : vector<16xf32> to vector<1xf32>
        %squeeze3A_1206 = vector.extract %slice3A_1205[0] : f32 from vector<1xf32>
        %mul3A_1207 = arith.constant 16 : i32
        %mul3A_1208 = arith.muli %scan3A_210, %mul3A_1207 : i32
        %add3A_1209 = arith.constant 15 : i32
        %add3A_1210 = arith.addi %mul3A_1208, %add3A_1209 : i32
        %get3A_1211 = arith.constant 0 : i32
        %get3A_1212 = arith.index_cast %get3A_1211 : i32 to index
        %get3A_1213 = arith.index_cast %add3A_1210 : i32 to index
        %get3A_1214 = arith.constant 0 : index
        %get3A_1215 = tpu.vector_load %arg10[%get3A_1212, %get3A_1213, %get3A_1214] {strides = array<i32>} : memref<4x128x64xf32, #tpu.memory_space<vmem>>, vector<1x1x16xf32>,
        %get3A_1216 = vector.shape_cast %get3A_1215 : vector<1x1x16xf32> to vector<16xf32>
        %mul3A_1217 = vector.broadcast %squeeze3A_1206 : f32 to vector<16xf32>
        %mul3A_1218 = arith.mulf %get3A_1216, %mul3A_1217 : vector<16xf32>
        %swap3A_1219 = arith.constant 0 : i32
        %swap3A_1220 = arith.index_cast %swap3A_1219 : i32 to index
        %swap3A_1221 = arith.index_cast %add3A_1210 : i32 to index
        %swap3A_1222 = arith.constant 0 : index
        %swap3A_1223 = tpu.vector_load %arg10[%swap3A_1220, %swap3A_1221, %swap3A_1222] {strides = array<i32>} : memref<4x128x64xf32, #tpu.memory_space<vmem>>, vector<1x1x16xf32>,
        %swap3A_1224 = vector.shape_cast %swap3A_1223 : vector<1x1x16xf32> to vector<16xf32>
        %swap3A_1225 = vector.shape_cast %mul3A_1218 : vector<16xf32> to vector<1x1x16xf32>
        tpu.vector_store %arg10[%swap3A_1220, %swap3A_1221, %swap3A_1222], %swap3A_1225 {strides = array<i32>} : memref<4x128x64xf32, #tpu.memory_space<vmem>>, vector<1x1x16xf32>,
        %get3A_1226 = arith.constant 0 : i32
        %get3A_1227 = arith.index_cast %get3A_1226 : i32 to index
        %get3A_1228 = arith.index_cast %add3A_1210 : i32 to index
        %get3A_1229 = arith.constant 16 : index
        %get3A_1230 = tpu.vector_load %arg10[%get3A_1227, %get3A_1228, %get3A_1229] {strides = array<i32>} : memref<4x128x64xf32, #tpu.memory_space<vmem>>, vector<1x1x16xf32>,
        %get3A_1231 = vector.shape_cast %get3A_1230 : vector<1x1x16xf32> to vector<16xf32>
        %mul3A_1232 = vector.broadcast %squeeze3A_1206 : f32 to vector<16xf32>
        %mul3A_1233 = arith.mulf %get3A_1231, %mul3A_1232 : vector<16xf32>
        %swap3A_1234 = arith.constant 0 : i32
        %swap3A_1235 = arith.index_cast %swap3A_1234 : i32 to index
        %swap3A_1236 = arith.index_cast %add3A_1210 : i32 to index
        %swap3A_1237 = arith.constant 16 : index
        %swap3A_1238 = tpu.vector_load %arg10[%swap3A_1235, %swap3A_1236, %swap3A_1237] {strides = array<i32>} : memref<4x128x64xf32, #tpu.memory_space<vmem>>, vector<1x1x16xf32>,
        %swap3A_1239 = vector.shape_cast %swap3A_1238 : vector<1x1x16xf32> to vector<16xf32>
        %swap3A_1240 = vector.shape_cast %mul3A_1233 : vector<16xf32> to vector<1x1x16xf32>
        tpu.vector_store %arg10[%swap3A_1235, %swap3A_1236, %swap3A_1237], %swap3A_1240 {strides = array<i32>} : memref<4x128x64xf32, #tpu.memory_space<vmem>>, vector<1x1x16xf32>,
        %get3A_1241 = arith.constant 0 : i32
        %get3A_1242 = arith.index_cast %get3A_1241 : i32 to index
        %get3A_1243 = arith.index_cast %add3A_1210 : i32 to index
        %get3A_1244 = arith.constant 32 : index
        %get3A_1245 = tpu.vector_load %arg10[%get3A_1242, %get3A_1243, %get3A_1244] {strides = array<i32>} : memref<4x128x64xf32, #tpu.memory_space<vmem>>, vector<1x1x16xf32>,
        %get3A_1246 = vector.shape_cast %get3A_1245 : vector<1x1x16xf32> to vector<16xf32>
        %mul3A_1247 = vector.broadcast %squeeze3A_1206 : f32 to vector<16xf32>
        %mul3A_1248 = arith.mulf %get3A_1246, %mul3A_1247 : vector<16xf32>
        %swap3A_1249 = arith.constant 0 : i32
        %swap3A_1250 = arith.index_cast %swap3A_1249 : i32 to index
        %swap3A_1251 = arith.index_cast %add3A_1210 : i32 to index
        %swap3A_1252 = arith.constant 32 : index
        %swap3A_1253 = tpu.vector_load %arg10[%swap3A_1250, %swap3A_1251, %swap3A_1252] {strides = array<i32>} : memref<4x128x64xf32, #tpu.memory_space<vmem>>, vector<1x1x16xf32>,
        %swap3A_1254 = vector.shape_cast %swap3A_1253 : vector<1x1x16xf32> to vector<16xf32>
        %swap3A_1255 = vector.shape_cast %mul3A_1248 : vector<16xf32> to vector<1x1x16xf32>
        tpu.vector_store %arg10[%swap3A_1250, %swap3A_1251, %swap3A_1252], %swap3A_1255 {strides = array<i32>} : memref<4x128x64xf32, #tpu.memory_space<vmem>>, vector<1x1x16xf32>,
        %get3A_1256 = arith.constant 0 : i32
        %get3A_1257 = arith.index_cast %get3A_1256 : i32 to index
        %get3A_1258 = arith.index_cast %add3A_1210 : i32 to index
        %get3A_1259 = arith.constant 48 : index
        %get3A_1260 = tpu.vector_load %arg10[%get3A_1257, %get3A_1258, %get3A_1259] {strides = array<i32>} : memref<4x128x64xf32, #tpu.memory_space<vmem>>, vector<1x1x16xf32>,
        %get3A_1261 = vector.shape_cast %get3A_1260 : vector<1x1x16xf32> to vector<16xf32>
        %mul3A_1262 = vector.broadcast %squeeze3A_1206 : f32 to vector<16xf32>
        %mul3A_1263 = arith.mulf %get3A_1261, %mul3A_1262 : vector<16xf32>
        %swap3A_1264 = arith.constant 0 : i32
        %swap3A_1265 = arith.index_cast %swap3A_1264 : i32 to index
        %swap3A_1266 = arith.index_cast %add3A_1210 : i32 to index
        %swap3A_1267 = arith.constant 48 : index
        %swap3A_1268 = tpu.vector_load %arg10[%swap3A_1265, %swap3A_1266, %swap3A_1267] {strides = array<i32>} : memref<4x128x64xf32, #tpu.memory_space<vmem>>, vector<1x1x16xf32>,
        %swap3A_1269 = vector.shape_cast %swap3A_1268 : vector<1x1x16xf32> to vector<16xf32>
        %swap3A_1270 = vector.shape_cast %mul3A_1263 : vector<16xf32> to vector<1x1x16xf32>
        tpu.vector_store %arg10[%swap3A_1265, %swap3A_1266, %swap3A_1267], %swap3A_1270 {strides = array<i32>} : memref<4x128x64xf32, #tpu.memory_space<vmem>>, vector<1x1x16xf32>,
        %scan3A_1271 = arith.constant 0 : i32
        scf.yield %scan3A_1271 : i32
      }
      %scan3A_180 = arith.constant 8 : i32
      %scan3A_181 = arith.constant 0 : i32
      %scan3A_182 = arith.constant 0 : i32
      %scan3A_183 = arith.constant 8 : i32
      %scan3A_184 = arith.addi %scan3A_182, %scan3A_183 : i32
      %scan3A_185 = arith.constant 1 : i32
      %scan3A_186 = scf.for %scan3A_210 = %scan3A_182 to %scan3A_184 step %scan3A_185 iter_args(%scan3A_211 = %scan3A_181) -> (i32)  : i32 {
        %mul3A_212 = arith.constant 16 : i32
        %mul3A_213 = arith.muli %scan3A_210, %mul3A_212 : i32
        %get3A = arith.constant 1 : i32
        %get3A_214 = arith.index_cast %get3A : i32 to index
        %get3A_215 = arith.index_cast %mul3A_213 : i32 to index
        %get3A_216 = tpu.vector_load %arg9[%get3A_214, %get3A_215] {strides = array<i32>} : memref<4x128xf32, #tpu.memory_space<vmem>>, vector<1x16xf32>,
        %get3A_217 = vector.shape_cast %get3A_216 : vector<1x16xf32> to vector<16xf32>
        %slice3A = vector.extract_strided_slice %get3A_217 {offsets = [0], sizes = [1], strides = [1]} : vector<16xf32> to vector<1xf32>
        %squeeze3A = vector.extract %slice3A[0] : f32 from vector<1xf32>
        %mul3A_218 = arith.constant 16 : i32
        %mul3A_219 = arith.muli %scan3A_210, %mul3A_218 : i32
        %add3A_220 = arith.constant 0 : i32
        %add3A_221 = arith.addi %mul3A_219, %add3A_220 : i32
        %get3A_222 = arith.constant 1 : i32
        %get3A_223 = arith.index_cast %get3A_222 : i32 to index
        %get3A_224 = arith.index_cast %add3A_221 : i32 to index
        %get3A_225 = arith.constant 0 : index
        %get3A_226 = tpu.vector_load %arg10[%get3A_223, %get3A_224, %get3A_225] {strides = array<i32>} : memref<4x128x64xf32, #tpu.memory_space<vmem>>, vector<1x1x16xf32>,
        %get3A_227 = vector.shape_cast %get3A_226 : vector<1x1x16xf32> to vector<16xf32>
        %mul3A_228 = vector.broadcast %squeeze3A : f32 to vector<16xf32>
        %mul3A_229 = arith.mulf %get3A_227, %mul3A_228 : vector<16xf32>
        %swap3A = arith.constant 1 : i32
        %swap3A_230 = arith.index_cast %swap3A : i32 to index
        %swap3A_231 = arith.index_cast %add3A_221 : i32 to index
        %swap3A_232 = arith.constant 0 : index
        %swap3A_233 = tpu.vector_load %arg10[%swap3A_230, %swap3A_231, %swap3A_232] {strides = array<i32>} : memref<4x128x64xf32, #tpu.memory_space<vmem>>, vector<1x1x16xf32>,
        %swap3A_234 = vector.shape_cast %swap3A_233 : vector<1x1x16xf32> to vector<16xf32>
        %swap3A_235 = vector.shape_cast %mul3A_229 : vector<16xf32> to vector<1x1x16xf32>
        tpu.vector_store %arg10[%swap3A_230, %swap3A_231, %swap3A_232], %swap3A_235 {strides = array<i32>} : memref<4x128x64xf32, #tpu.memory_space<vmem>>, vector<1x1x16xf32>,
        %get3A_236 = arith.constant 1 : i32
        %get3A_237 = arith.index_cast %get3A_236 : i32 to index
        %get3A_238 = arith.index_cast %add3A_221 : i32 to index
        %get3A_239 = arith.constant 16 : index
        %get3A_240 = tpu.vector_load %arg10[%get3A_237, %get3A_238, %get3A_239] {strides = array<i32>} : memref<4x128x64xf32, #tpu.memory_space<vmem>>, vector<1x1x16xf32>,
        %get3A_241 = vector.shape_cast %get3A_240 : vector<1x1x16xf32> to vector<16xf32>
        %mul3A_242 = vector.broadcast %squeeze3A : f32 to vector<16xf32>
        %mul3A_243 = arith.mulf %get3A_241, %mul3A_242 : vector<16xf32>
        %swap3A_244 = arith.constant 1 : i32
        %swap3A_245 = arith.index_cast %swap3A_244 : i32 to index
        %swap3A_246 = arith.index_cast %add3A_221 : i32 to index
        %swap3A_247 = arith.constant 16 : index
        %swap3A_248 = tpu.vector_load %arg10[%swap3A_245, %swap3A_246, %swap3A_247] {strides = array<i32>} : memref<4x128x64xf32, #tpu.memory_space<vmem>>, vector<1x1x16xf32>,
        %swap3A_249 = vector.shape_cast %swap3A_248 : vector<1x1x16xf32> to vector<16xf32>
        %swap3A_250 = vector.shape_cast %mul3A_243 : vector<16xf32> to vector<1x1x16xf32>
        tpu.vector_store %arg10[%swap3A_245, %swap3A_246, %swap3A_247], %swap3A_250 {strides = array<i32>} : memref<4x128x64xf32, #tpu.memory_space<vmem>>, vector<1x1x16xf32>,
        %get3A_251 = arith.constant 1 : i32
        %get3A_252 = arith.index_cast %get3A_251 : i32 to index
        %get3A_253 = arith.index_cast %add3A_221 : i32 to index
        %get3A_254 = arith.constant 32 : index
        %get3A_255 = tpu.vector_load %arg10[%get3A_252, %get3A_253, %get3A_254] {strides = array<i32>} : memref<4x128x64xf32, #tpu.memory_space<vmem>>, vector<1x1x16xf32>,
        %get3A_256 = vector.shape_cast %get3A_255 : vector<1x1x16xf32> to vector<16xf32>
        %mul3A_257 = vector.broadcast %squeeze3A : f32 to vector<16xf32>
        %mul3A_258 = arith.mulf %get3A_256, %mul3A_257 : vector<16xf32>
        %swap3A_259 = arith.constant 1 : i32
        %swap3A_260 = arith.index_cast %swap3A_259 : i32 to index
        %swap3A_261 = arith.index_cast %add3A_221 : i32 to index
        %swap3A_262 = arith.constant 32 : index
        %swap3A_263 = tpu.vector_load %arg10[%swap3A_260, %swap3A_261, %swap3A_262] {strides = array<i32>} : memref<4x128x64xf32, #tpu.memory_space<vmem>>, vector<1x1x16xf32>,
        %swap3A_264 = vector.shape_cast %swap3A_263 : vector<1x1x16xf32> to vector<16xf32>
        %swap3A_265 = vector.shape_cast %mul3A_258 : vector<16xf32> to vector<1x1x16xf32>
        tpu.vector_store %arg10[%swap3A_260, %swap3A_261, %swap3A_262], %swap3A_265 {strides = array<i32>} : memref<4x128x64xf32, #tpu.memory_space<vmem>>, vector<1x1x16xf32>,
        %get3A_266 = arith.constant 1 : i32
        %get3A_267 = arith.index_cast %get3A_266 : i32 to index
        %get3A_268 = arith.index_cast %add3A_221 : i32 to index
        %get3A_269 = arith.constant 48 : index
        %get3A_270 = tpu.vector_load %arg10[%get3A_267, %get3A_268, %get3A_269] {strides = array<i32>} : memref<4x128x64xf32, #tpu.memory_space<vmem>>, vector<1x1x16xf32>,
        %get3A_271 = vector.shape_cast %get3A_270 : vector<1x1x16xf32> to vector<16xf32>
        %mul3A_272 = vector.broadcast %squeeze3A : f32 to vector<16xf32>
        %mul3A_273 = arith.mulf %get3A_271, %mul3A_272 : vector<16xf32>
        %swap3A_274 = arith.constant 1 : i32
        %swap3A_275 = arith.index_cast %swap3A_274 : i32 to index
        %swap3A_276 = arith.index_cast %add3A_221 : i32 to index
        %swap3A_277 = arith.constant 48 : index
        %swap3A_278 = tpu.vector_load %arg10[%swap3A_275, %swap3A_276, %swap3A_277] {strides = array<i32>} : memref<4x128x64xf32, #tpu.memory_space<vmem>>, vector<1x1x16xf32>,
        %swap3A_279 = vector.shape_cast %swap3A_278 : vector<1x1x16xf32> to vector<16xf32>
        %swap3A_280 = vector.shape_cast %mul3A_273 : vector<16xf32> to vector<1x1x16xf32>
        tpu.vector_store %arg10[%swap3A_275, %swap3A_276, %swap3A_277], %swap3A_280 {strides = array<i32>} : memref<4x128x64xf32, #tpu.memory_space<vmem>>, vector<1x1x16xf32>,
        %slice3A_281 = vector.extract_strided_slice %get3A_217 {offsets = [1], sizes = [1], strides = [1]} : vector<16xf32> to vector<1xf32>
        %squeeze3A_282 = vector.extract %slice3A_281[0] : f32 from vector<1xf32>
        %mul3A_283 = arith.constant 16 : i32
        %mul3A_284 = arith.muli %scan3A_210, %mul3A_283 : i32
        %add3A_285 = arith.constant 1 : i32
        %add3A_286 = arith.addi %mul3A_284, %add3A_285 : i32
        %get3A_287 = arith.constant 1 : i32
        %get3A_288 = arith.index_cast %get3A_287 : i32 to index
        %get3A_289 = arith.index_cast %add3A_286 : i32 to index
        %get3A_290 = arith.constant 0 : index
        %get3A_291 = tpu.vector_load %arg10[%get3A_288, %get3A_289, %get3A_290] {strides = array<i32>} : memref<4x128x64xf32, #tpu.memory_space<vmem>>, vector<1x1x16xf32>,
        %get3A_292 = vector.shape_cast %get3A_291 : vector<1x1x16xf32> to vector<16xf32>
        %mul3A_293 = vector.broadcast %squeeze3A_282 : f32 to vector<16xf32>
        %mul3A_294 = arith.mulf %get3A_292, %mul3A_293 : vector<16xf32>
        %swap3A_295 = arith.constant 1 : i32
        %swap3A_296 = arith.index_cast %swap3A_295 : i32 to index
        %swap3A_297 = arith.index_cast %add3A_286 : i32 to index
        %swap3A_298 = arith.constant 0 : index
        %swap3A_299 = tpu.vector_load %arg10[%swap3A_296, %swap3A_297, %swap3A_298] {strides = array<i32>} : memref<4x128x64xf32, #tpu.memory_space<vmem>>, vector<1x1x16xf32>,
        %swap3A_300 = vector.shape_cast %swap3A_299 : vector<1x1x16xf32> to vector<16xf32>
        %swap3A_301 = vector.shape_cast %mul3A_294 : vector<16xf32> to vector<1x1x16xf32>
        tpu.vector_store %arg10[%swap3A_296, %swap3A_297, %swap3A_298], %swap3A_301 {strides = array<i32>} : memref<4x128x64xf32, #tpu.memory_space<vmem>>, vector<1x1x16xf32>,
        %get3A_302 = arith.constant 1 : i32
        %get3A_303 = arith.index_cast %get3A_302 : i32 to index
        %get3A_304 = arith.index_cast %add3A_286 : i32 to index
        %get3A_305 = arith.constant 16 : index
        %get3A_306 = tpu.vector_load %arg10[%get3A_303, %get3A_304, %get3A_305] {strides = array<i32>} : memref<4x128x64xf32, #tpu.memory_space<vmem>>, vector<1x1x16xf32>,
        %get3A_307 = vector.shape_cast %get3A_306 : vector<1x1x16xf32> to vector<16xf32>
        %mul3A_308 = vector.broadcast %squeeze3A_282 : f32 to vector<16xf32>
        %mul3A_309 = arith.mulf %get3A_307, %mul3A_308 : vector<16xf32>
        %swap3A_310 = arith.constant 1 : i32
        %swap3A_311 = arith.index_cast %swap3A_310 : i32 to index
        %swap3A_312 = arith.index_cast %add3A_286 : i32 to index
        %swap3A_313 = arith.constant 16 : index
        %swap3A_314 = tpu.vector_load %arg10[%swap3A_311, %swap3A_312, %swap3A_313] {strides = array<i32>} : memref<4x128x64xf32, #tpu.memory_space<vmem>>, vector<1x1x16xf32>,
        %swap3A_315 = vector.shape_cast %swap3A_314 : vector<1x1x16xf32> to vector<16xf32>
        %swap3A_316 = vector.shape_cast %mul3A_309 : vector<16xf32> to vector<1x1x16xf32>
        tpu.vector_store %arg10[%swap3A_311, %swap3A_312, %swap3A_313], %swap3A_316 {strides = array<i32>} : memref<4x128x64xf32, #tpu.memory_space<vmem>>, vector<1x1x16xf32>,
        %get3A_317 = arith.constant 1 : i32
        %get3A_318 = arith.index_cast %get3A_317 : i32 to index
        %get3A_319 = arith.index_cast %add3A_286 : i32 to index
        %get3A_320 = arith.constant 32 : index
        %get3A_321 = tpu.vector_load %arg10[%get3A_318, %get3A_319, %get3A_320] {strides = array<i32>} : memref<4x128x64xf32, #tpu.memory_space<vmem>>, vector<1x1x16xf32>,
        %get3A_322 = vector.shape_cast %get3A_321 : vector<1x1x16xf32> to vector<16xf32>
        %mul3A_323 = vector.broadcast %squeeze3A_282 : f32 to vector<16xf32>
        %mul3A_324 = arith.mulf %get3A_322, %mul3A_323 : vector<16xf32>
        %swap3A_325 = arith.constant 1 : i32
        %swap3A_326 = arith.index_cast %swap3A_325 : i32 to index
        %swap3A_327 = arith.index_cast %add3A_286 : i32 to index
        %swap3A_328 = arith.constant 32 : index
        %swap3A_329 = tpu.vector_load %arg10[%swap3A_326, %swap3A_327, %swap3A_328] {strides = array<i32>} : memref<4x128x64xf32, #tpu.memory_space<vmem>>, vector<1x1x16xf32>,
        %swap3A_330 = vector.shape_cast %swap3A_329 : vector<1x1x16xf32> to vector<16xf32>
        %swap3A_331 = vector.shape_cast %mul3A_324 : vector<16xf32> to vector<1x1x16xf32>
        tpu.vector_store %arg10[%swap3A_326, %swap3A_327, %swap3A_328], %swap3A_331 {strides = array<i32>} : memref<4x128x64xf32, #tpu.memory_space<vmem>>, vector<1x1x16xf32>,
        %get3A_332 = arith.constant 1 : i32
        %get3A_333 = arith.index_cast %get3A_332 : i32 to index
        %get3A_334 = arith.index_cast %add3A_286 : i32 to index
        %get3A_335 = arith.constant 48 : index
        %get3A_336 = tpu.vector_load %arg10[%get3A_333, %get3A_334, %get3A_335] {strides = array<i32>} : memref<4x128x64xf32, #tpu.memory_space<vmem>>, vector<1x1x16xf32>,
        %get3A_337 = vector.shape_cast %get3A_336 : vector<1x1x16xf32> to vector<16xf32>
        %mul3A_338 = vector.broadcast %squeeze3A_282 : f32 to vector<16xf32>
        %mul3A_339 = arith.mulf %get3A_337, %mul3A_338 : vector<16xf32>
        %swap3A_340 = arith.constant 1 : i32
        %swap3A_341 = arith.index_cast %swap3A_340 : i32 to index
        %swap3A_342 = arith.index_cast %add3A_286 : i32 to index
        %swap3A_343 = arith.constant 48 : index
        %swap3A_344 = tpu.vector_load %arg10[%swap3A_341, %swap3A_342, %swap3A_343] {strides = array<i32>} : memref<4x128x64xf32, #tpu.memory_space<vmem>>, vector<1x1x16xf32>,
        %swap3A_345 = vector.shape_cast %swap3A_344 : vector<1x1x16xf32> to vector<16xf32>
        %swap3A_346 = vector.shape_cast %mul3A_339 : vector<16xf32> to vector<1x1x16xf32>
        tpu.vector_store %arg10[%swap3A_341, %swap3A_342, %swap3A_343], %swap3A_346 {strides = array<i32>} : memref<4x128x64xf32, #tpu.memory_space<vmem>>, vector<1x1x16xf32>,
        %slice3A_347 = vector.extract_strided_slice %get3A_217 {offsets = [2], sizes = [1], strides = [1]} : vector<16xf32> to vector<1xf32>
        %squeeze3A_348 = vector.extract %slice3A_347[0] : f32 from vector<1xf32>
        %mul3A_349 = arith.constant 16 : i32
        %mul3A_350 = arith.muli %scan3A_210, %mul3A_349 : i32
        %add3A_351 = arith.constant 2 : i32
        %add3A_352 = arith.addi %mul3A_350, %add3A_351 : i32
        %get3A_353 = arith.constant 1 : i32
        %get3A_354 = arith.index_cast %get3A_353 : i32 to index
        %get3A_355 = arith.index_cast %add3A_352 : i32 to index
        %get3A_356 = arith.constant 0 : index
        %get3A_357 = tpu.vector_load %arg10[%get3A_354, %get3A_355, %get3A_356] {strides = array<i32>} : memref<4x128x64xf32, #tpu.memory_space<vmem>>, vector<1x1x16xf32>,
        %get3A_358 = vector.shape_cast %get3A_357 : vector<1x1x16xf32> to vector<16xf32>
        %mul3A_359 = vector.broadcast %squeeze3A_348 : f32 to vector<16xf32>
        %mul3A_360 = arith.mulf %get3A_358, %mul3A_359 : vector<16xf32>
        %swap3A_361 = arith.constant 1 : i32
        %swap3A_362 = arith.index_cast %swap3A_361 : i32 to index
        %swap3A_363 = arith.index_cast %add3A_352 : i32 to index
        %swap3A_364 = arith.constant 0 : index
        %swap3A_365 = tpu.vector_load %arg10[%swap3A_362, %swap3A_363, %swap3A_364] {strides = array<i32>} : memref<4x128x64xf32, #tpu.memory_space<vmem>>, vector<1x1x16xf32>,
        %swap3A_366 = vector.shape_cast %swap3A_365 : vector<1x1x16xf32> to vector<16xf32>
        %swap3A_367 = vector.shape_cast %mul3A_360 : vector<16xf32> to vector<1x1x16xf32>
        tpu.vector_store %arg10[%swap3A_362, %swap3A_363, %swap3A_364], %swap3A_367 {strides = array<i32>} : memref<4x128x64xf32, #tpu.memory_space<vmem>>, vector<1x1x16xf32>,
        %get3A_368 = arith.constant 1 : i32
        %get3A_369 = arith.index_cast %get3A_368 : i32 to index
        %get3A_370 = arith.index_cast %add3A_352 : i32 to index
        %get3A_371 = arith.constant 16 : index
        %get3A_372 = tpu.vector_load %arg10[%get3A_369, %get3A_370, %get3A_371] {strides = array<i32>} : memref<4x128x64xf32, #tpu.memory_space<vmem>>, vector<1x1x16xf32>,
        %get3A_373 = vector.shape_cast %get3A_372 : vector<1x1x16xf32> to vector<16xf32>
        %mul3A_374 = vector.broadcast %squeeze3A_348 : f32 to vector<16xf32>
        %mul3A_375 = arith.mulf %get3A_373, %mul3A_374 : vector<16xf32>
        %swap3A_376 = arith.constant 1 : i32
        %swap3A_377 = arith.index_cast %swap3A_376 : i32 to index
        %swap3A_378 = arith.index_cast %add3A_352 : i32 to index
        %swap3A_379 = arith.constant 16 : index
        %swap3A_380 = tpu.vector_load %arg10[%swap3A_377, %swap3A_378, %swap3A_379] {strides = array<i32>} : memref<4x128x64xf32, #tpu.memory_space<vmem>>, vector<1x1x16xf32>,
        %swap3A_381 = vector.shape_cast %swap3A_380 : vector<1x1x16xf32> to vector<16xf32>
        %swap3A_382 = vector.shape_cast %mul3A_375 : vector<16xf32> to vector<1x1x16xf32>
        tpu.vector_store %arg10[%swap3A_377, %swap3A_378, %swap3A_379], %swap3A_382 {strides = array<i32>} : memref<4x128x64xf32, #tpu.memory_space<vmem>>, vector<1x1x16xf32>,
        %get3A_383 = arith.constant 1 : i32
        %get3A_384 = arith.index_cast %get3A_383 : i32 to index
        %get3A_385 = arith.index_cast %add3A_352 : i32 to index
        %get3A_386 = arith.constant 32 : index
        %get3A_387 = tpu.vector_load %arg10[%get3A_384, %get3A_385, %get3A_386] {strides = array<i32>} : memref<4x128x64xf32, #tpu.memory_space<vmem>>, vector<1x1x16xf32>,
        %get3A_388 = vector.shape_cast %get3A_387 : vector<1x1x16xf32> to vector<16xf32>
        %mul3A_389 = vector.broadcast %squeeze3A_348 : f32 to vector<16xf32>
        %mul3A_390 = arith.mulf %get3A_388, %mul3A_389 : vector<16xf32>
        %swap3A_391 = arith.constant 1 : i32
        %swap3A_392 = arith.index_cast %swap3A_391 : i32 to index
        %swap3A_393 = arith.index_cast %add3A_352 : i32 to index
        %swap3A_394 = arith.constant 32 : index
        %swap3A_395 = tpu.vector_load %arg10[%swap3A_392, %swap3A_393, %swap3A_394] {strides = array<i32>} : memref<4x128x64xf32, #tpu.memory_space<vmem>>, vector<1x1x16xf32>,
        %swap3A_396 = vector.shape_cast %swap3A_395 : vector<1x1x16xf32> to vector<16xf32>
        %swap3A_397 = vector.shape_cast %mul3A_390 : vector<16xf32> to vector<1x1x16xf32>
        tpu.vector_store %arg10[%swap3A_392, %swap3A_393, %swap3A_394], %swap3A_397 {strides = array<i32>} : memref<4x128x64xf32, #tpu.memory_space<vmem>>, vector<1x1x16xf32>,
        %get3A_398 = arith.constant 1 : i32
        %get3A_399 = arith.index_cast %get3A_398 : i32 to index
        %get3A_400 = arith.index_cast %add3A_352 : i32 to index
        %get3A_401 = arith.constant 48 : index
        %get3A_402 = tpu.vector_load %arg10[%get3A_399, %get3A_400, %get3A_401] {strides = array<i32>} : memref<4x128x64xf32, #tpu.memory_space<vmem>>, vector<1x1x16xf32>,
        %get3A_403 = vector.shape_cast %get3A_402 : vector<1x1x16xf32> to vector<16xf32>
        %mul3A_404 = vector.broadcast %squeeze3A_348 : f32 to vector<16xf32>
        %mul3A_405 = arith.mulf %get3A_403, %mul3A_404 : vector<16xf32>
        %swap3A_406 = arith.constant 1 : i32
        %swap3A_407 = arith.index_cast %swap3A_406 : i32 to index
        %swap3A_408 = arith.index_cast %add3A_352 : i32 to index
        %swap3A_409 = arith.constant 48 : index
        %swap3A_410 = tpu.vector_load %arg10[%swap3A_407, %swap3A_408, %swap3A_409] {strides = array<i32>} : memref<4x128x64xf32, #tpu.memory_space<vmem>>, vector<1x1x16xf32>,
        %swap3A_411 = vector.shape_cast %swap3A_410 : vector<1x1x16xf32> to vector<16xf32>
        %swap3A_412 = vector.shape_cast %mul3A_405 : vector<16xf32> to vector<1x1x16xf32>
        tpu.vector_store %arg10[%swap3A_407, %swap3A_408, %swap3A_409], %swap3A_412 {strides = array<i32>} : memref<4x128x64xf32, #tpu.memory_space<vmem>>, vector<1x1x16xf32>,
        %slice3A_413 = vector.extract_strided_slice %get3A_217 {offsets = [3], sizes = [1], strides = [1]} : vector<16xf32> to vector<1xf32>
        %squeeze3A_414 = vector.extract %slice3A_413[0] : f32 from vector<1xf32>
        %mul3A_415 = arith.constant 16 : i32
        %mul3A_416 = arith.muli %scan3A_210, %mul3A_415 : i32
        %add3A_417 = arith.constant 3 : i32
        %add3A_418 = arith.addi %mul3A_416, %add3A_417 : i32
        %get3A_419 = arith.constant 1 : i32
        %get3A_420 = arith.index_cast %get3A_419 : i32 to index
        %get3A_421 = arith.index_cast %add3A_418 : i32 to index
        %get3A_422 = arith.constant 0 : index
        %get3A_423 = tpu.vector_load %arg10[%get3A_420, %get3A_421, %get3A_422] {strides = array<i32>} : memref<4x128x64xf32, #tpu.memory_space<vmem>>, vector<1x1x16xf32>,
        %get3A_424 = vector.shape_cast %get3A_423 : vector<1x1x16xf32> to vector<16xf32>
        %mul3A_425 = vector.broadcast %squeeze3A_414 : f32 to vector<16xf32>
        %mul3A_426 = arith.mulf %get3A_424, %mul3A_425 : vector<16xf32>
        %swap3A_427 = arith.constant 1 : i32
        %swap3A_428 = arith.index_cast %swap3A_427 : i32 to index
        %swap3A_429 = arith.index_cast %add3A_418 : i32 to index
        %swap3A_430 = arith.constant 0 : index
        %swap3A_431 = tpu.vector_load %arg10[%swap3A_428, %swap3A_429, %swap3A_430] {strides = array<i32>} : memref<4x128x64xf32, #tpu.memory_space<vmem>>, vector<1x1x16xf32>,
        %swap3A_432 = vector.shape_cast %swap3A_431 : vector<1x1x16xf32> to vector<16xf32>
        %swap3A_433 = vector.shape_cast %mul3A_426 : vector<16xf32> to vector<1x1x16xf32>
        tpu.vector_store %arg10[%swap3A_428, %swap3A_429, %swap3A_430], %swap3A_433 {strides = array<i32>} : memref<4x128x64xf32, #tpu.memory_space<vmem>>, vector<1x1x16xf32>,
        %get3A_434 = arith.constant 1 : i32
        %get3A_435 = arith.index_cast %get3A_434 : i32 to index
        %get3A_436 = arith.index_cast %add3A_418 : i32 to index
        %get3A_437 = arith.constant 16 : index
        %get3A_438 = tpu.vector_load %arg10[%get3A_435, %get3A_436, %get3A_437] {strides = array<i32>} : memref<4x128x64xf32, #tpu.memory_space<vmem>>, vector<1x1x16xf32>,
        %get3A_439 = vector.shape_cast %get3A_438 : vector<1x1x16xf32> to vector<16xf32>
        %mul3A_440 = vector.broadcast %squeeze3A_414 : f32 to vector<16xf32>
        %mul3A_441 = arith.mulf %get3A_439, %mul3A_440 : vector<16xf32>
        %swap3A_442 = arith.constant 1 : i32
        %swap3A_443 = arith.index_cast %swap3A_442 : i32 to index
        %swap3A_444 = arith.index_cast %add3A_418 : i32 to index
        %swap3A_445 = arith.constant 16 : index
        %swap3A_446 = tpu.vector_load %arg10[%swap3A_443, %swap3A_444, %swap3A_445] {strides = array<i32>} : memref<4x128x64xf32, #tpu.memory_space<vmem>>, vector<1x1x16xf32>,
        %swap3A_447 = vector.shape_cast %swap3A_446 : vector<1x1x16xf32> to vector<16xf32>
        %swap3A_448 = vector.shape_cast %mul3A_441 : vector<16xf32> to vector<1x1x16xf32>
        tpu.vector_store %arg10[%swap3A_443, %swap3A_444, %swap3A_445], %swap3A_448 {strides = array<i32>} : memref<4x128x64xf32, #tpu.memory_space<vmem>>, vector<1x1x16xf32>,
        %get3A_449 = arith.constant 1 : i32
        %get3A_450 = arith.index_cast %get3A_449 : i32 to index
        %get3A_451 = arith.index_cast %add3A_418 : i32 to index
        %get3A_452 = arith.constant 32 : index
        %get3A_453 = tpu.vector_load %arg10[%get3A_450, %get3A_451, %get3A_452] {strides = array<i32>} : memref<4x128x64xf32, #tpu.memory_space<vmem>>, vector<1x1x16xf32>,
        %get3A_454 = vector.shape_cast %get3A_453 : vector<1x1x16xf32> to vector<16xf32>
        %mul3A_455 = vector.broadcast %squeeze3A_414 : f32 to vector<16xf32>
        %mul3A_456 = arith.mulf %get3A_454, %mul3A_455 : vector<16xf32>
        %swap3A_457 = arith.constant 1 : i32
        %swap3A_458 = arith.index_cast %swap3A_457 : i32 to index
        %swap3A_459 = arith.index_cast %add3A_418 : i32 to index
        %swap3A_460 = arith.constant 32 : index
        %swap3A_461 = tpu.vector_load %arg10[%swap3A_458, %swap3A_459, %swap3A_460] {strides = array<i32>} : memref<4x128x64xf32, #tpu.memory_space<vmem>>, vector<1x1x16xf32>,
        %swap3A_462 = vector.shape_cast %swap3A_461 : vector<1x1x16xf32> to vector<16xf32>
        %swap3A_463 = vector.shape_cast %mul3A_456 : vector<16xf32> to vector<1x1x16xf32>
        tpu.vector_store %arg10[%swap3A_458, %swap3A_459, %swap3A_460], %swap3A_463 {strides = array<i32>} : memref<4x128x64xf32, #tpu.memory_space<vmem>>, vector<1x1x16xf32>,
        %get3A_464 = arith.constant 1 : i32
        %get3A_465 = arith.index_cast %get3A_464 : i32 to index
        %get3A_466 = arith.index_cast %add3A_418 : i32 to index
        %get3A_467 = arith.constant 48 : index
        %get3A_468 = tpu.vector_load %arg10[%get3A_465, %get3A_466, %get3A_467] {strides = array<i32>} : memref<4x128x64xf32, #tpu.memory_space<vmem>>, vector<1x1x16xf32>,
        %get3A_469 = vector.shape_cast %get3A_468 : vector<1x1x16xf32> to vector<16xf32>
        %mul3A_470 = vector.broadcast %squeeze3A_414 : f32 to vector<16xf32>
        %mul3A_471 = arith.mulf %get3A_469, %mul3A_470 : vector<16xf32>
        %swap3A_472 = arith.constant 1 : i32
        %swap3A_473 = arith.index_cast %swap3A_472 : i32 to index
        %swap3A_474 = arith.index_cast %add3A_418 : i32 to index
        %swap3A_475 = arith.constant 48 : index
        %swap3A_476 = tpu.vector_load %arg10[%swap3A_473, %swap3A_474, %swap3A_475] {strides = array<i32>} : memref<4x128x64xf32, #tpu.memory_space<vmem>>, vector<1x1x16xf32>,
        %swap3A_477 = vector.shape_cast %swap3A_476 : vector<1x1x16xf32> to vector<16xf32>
        %swap3A_478 = vector.shape_cast %mul3A_471 : vector<16xf32> to vector<1x1x16xf32>
        tpu.vector_store %arg10[%swap3A_473, %swap3A_474, %swap3A_475], %swap3A_478 {strides = array<i32>} : memref<4x128x64xf32, #tpu.memory_space<vmem>>, vector<1x1x16xf32>,
        %slice3A_479 = vector.extract_strided_slice %get3A_217 {offsets = [4], sizes = [1], strides = [1]} : vector<16xf32> to vector<1xf32>
        %squeeze3A_480 = vector.extract %slice3A_479[0] : f32 from vector<1xf32>
        %mul3A_481 = arith.constant 16 : i32
        %mul3A_482 = arith.muli %scan3A_210, %mul3A_481 : i32
        %add3A_483 = arith.constant 4 : i32
        %add3A_484 = arith.addi %mul3A_482, %add3A_483 : i32
        %get3A_485 = arith.constant 1 : i32
        %get3A_486 = arith.index_cast %get3A_485 : i32 to index
        %get3A_487 = arith.index_cast %add3A_484 : i32 to index
        %get3A_488 = arith.constant 0 : index
        %get3A_489 = tpu.vector_load %arg10[%get3A_486, %get3A_487, %get3A_488] {strides = array<i32>} : memref<4x128x64xf32, #tpu.memory_space<vmem>>, vector<1x1x16xf32>,
        %get3A_490 = vector.shape_cast %get3A_489 : vector<1x1x16xf32> to vector<16xf32>
        %mul3A_491 = vector.broadcast %squeeze3A_480 : f32 to vector<16xf32>
        %mul3A_492 = arith.mulf %get3A_490, %mul3A_491 : vector<16xf32>
        %swap3A_493 = arith.constant 1 : i32
        %swap3A_494 = arith.index_cast %swap3A_493 : i32 to index
        %swap3A_495 = arith.index_cast %add3A_484 : i32 to index
        %swap3A_496 = arith.constant 0 : index
        %swap3A_497 = tpu.vector_load %arg10[%swap3A_494, %swap3A_495, %swap3A_496] {strides = array<i32>} : memref<4x128x64xf32, #tpu.memory_space<vmem>>, vector<1x1x16xf32>,
        %swap3A_498 = vector.shape_cast %swap3A_497 : vector<1x1x16xf32> to vector<16xf32>
        %swap3A_499 = vector.shape_cast %mul3A_492 : vector<16xf32> to vector<1x1x16xf32>
        tpu.vector_store %arg10[%swap3A_494, %swap3A_495, %swap3A_496], %swap3A_499 {strides = array<i32>} : memref<4x128x64xf32, #tpu.memory_space<vmem>>, vector<1x1x16xf32>,
        %get3A_500 = arith.constant 1 : i32
        %get3A_501 = arith.index_cast %get3A_500 : i32 to index
        %get3A_502 = arith.index_cast %add3A_484 : i32 to index
        %get3A_503 = arith.constant 16 : index
        %get3A_504 = tpu.vector_load %arg10[%get3A_501, %get3A_502, %get3A_503] {strides = array<i32>} : memref<4x128x64xf32, #tpu.memory_space<vmem>>, vector<1x1x16xf32>,
        %get3A_505 = vector.shape_cast %get3A_504 : vector<1x1x16xf32> to vector<16xf32>
        %mul3A_506 = vector.broadcast %squeeze3A_480 : f32 to vector<16xf32>
        %mul3A_507 = arith.mulf %get3A_505, %mul3A_506 : vector<16xf32>
        %swap3A_508 = arith.constant 1 : i32
        %swap3A_509 = arith.index_cast %swap3A_508 : i32 to index
        %swap3A_510 = arith.index_cast %add3A_484 : i32 to index
        %swap3A_511 = arith.constant 16 : index
        %swap3A_512 = tpu.vector_load %arg10[%swap3A_509, %swap3A_510, %swap3A_511] {strides = array<i32>} : memref<4x128x64xf32, #tpu.memory_space<vmem>>, vector<1x1x16xf32>,
        %swap3A_513 = vector.shape_cast %swap3A_512 : vector<1x1x16xf32> to vector<16xf32>
        %swap3A_514 = vector.shape_cast %mul3A_507 : vector<16xf32> to vector<1x1x16xf32>
        tpu.vector_store %arg10[%swap3A_509, %swap3A_510, %swap3A_511], %swap3A_514 {strides = array<i32>} : memref<4x128x64xf32, #tpu.memory_space<vmem>>, vector<1x1x16xf32>,
        %get3A_515 = arith.constant 1 : i32
        %get3A_516 = arith.index_cast %get3A_515 : i32 to index
        %get3A_517 = arith.index_cast %add3A_484 : i32 to index
        %get3A_518 = arith.constant 32 : index
        %get3A_519 = tpu.vector_load %arg10[%get3A_516, %get3A_517, %get3A_518] {strides = array<i32>} : memref<4x128x64xf32, #tpu.memory_space<vmem>>, vector<1x1x16xf32>,
        %get3A_520 = vector.shape_cast %get3A_519 : vector<1x1x16xf32> to vector<16xf32>
        %mul3A_521 = vector.broadcast %squeeze3A_480 : f32 to vector<16xf32>
        %mul3A_522 = arith.mulf %get3A_520, %mul3A_521 : vector<16xf32>
        %swap3A_523 = arith.constant 1 : i32
        %swap3A_524 = arith.index_cast %swap3A_523 : i32 to index
        %swap3A_525 = arith.index_cast %add3A_484 : i32 to index
        %swap3A_526 = arith.constant 32 : index
        %swap3A_527 = tpu.vector_load %arg10[%swap3A_524, %swap3A_525, %swap3A_526] {strides = array<i32>} : memref<4x128x64xf32, #tpu.memory_space<vmem>>, vector<1x1x16xf32>,
        %swap3A_528 = vector.shape_cast %swap3A_527 : vector<1x1x16xf32> to vector<16xf32>
        %swap3A_529 = vector.shape_cast %mul3A_522 : vector<16xf32> to vector<1x1x16xf32>
        tpu.vector_store %arg10[%swap3A_524, %swap3A_525, %swap3A_526], %swap3A_529 {strides = array<i32>} : memref<4x128x64xf32, #tpu.memory_space<vmem>>, vector<1x1x16xf32>,
        %get3A_530 = arith.constant 1 : i32
        %get3A_531 = arith.index_cast %get3A_530 : i32 to index
        %get3A_532 = arith.index_cast %add3A_484 : i32 to index
        %get3A_533 = arith.constant 48 : index
        %get3A_534 = tpu.vector_load %arg10[%get3A_531, %get3A_532, %get3A_533] {strides = array<i32>} : memref<4x128x64xf32, #tpu.memory_space<vmem>>, vector<1x1x16xf32>,
        %get3A_535 = vector.shape_cast %get3A_534 : vector<1x1x16xf32> to vector<16xf32>
        %mul3A_536 = vector.broadcast %squeeze3A_480 : f32 to vector<16xf32>
        %mul3A_537 = arith.mulf %get3A_535, %mul3A_536 : vector<16xf32>
        %swap3A_538 = arith.constant 1 : i32
        %swap3A_539 = arith.index_cast %swap3A_538 : i32 to index
        %swap3A_540 = arith.index_cast %add3A_484 : i32 to index
        %swap3A_541 = arith.constant 48 : index
        %swap3A_542 = tpu.vector_load %arg10[%swap3A_539, %swap3A_540, %swap3A_541] {strides = array<i32>} : memref<4x128x64xf32, #tpu.memory_space<vmem>>, vector<1x1x16xf32>,
        %swap3A_543 = vector.shape_cast %swap3A_542 : vector<1x1x16xf32> to vector<16xf32>
        %swap3A_544 = vector.shape_cast %mul3A_537 : vector<16xf32> to vector<1x1x16xf32>
        tpu.vector_store %arg10[%swap3A_539, %swap3A_540, %swap3A_541], %swap3A_544 {strides = array<i32>} : memref<4x128x64xf32, #tpu.memory_space<vmem>>, vector<1x1x16xf32>,
        %slice3A_545 = vector.extract_strided_slice %get3A_217 {offsets = [5], sizes = [1], strides = [1]} : vector<16xf32> to vector<1xf32>
        %squeeze3A_546 = vector.extract %slice3A_545[0] : f32 from vector<1xf32>
        %mul3A_547 = arith.constant 16 : i32
        %mul3A_548 = arith.muli %scan3A_210, %mul3A_547 : i32
        %add3A_549 = arith.constant 5 : i32
        %add3A_550 = arith.addi %mul3A_548, %add3A_549 : i32
        %get3A_551 = arith.constant 1 : i32
        %get3A_552 = arith.index_cast %get3A_551 : i32 to index
        %get3A_553 = arith.index_cast %add3A_550 : i32 to index
        %get3A_554 = arith.constant 0 : index
        %get3A_555 = tpu.vector_load %arg10[%get3A_552, %get3A_553, %get3A_554] {strides = array<i32>} : memref<4x128x64xf32, #tpu.memory_space<vmem>>, vector<1x1x16xf32>,
        %get3A_556 = vector.shape_cast %get3A_555 : vector<1x1x16xf32> to vector<16xf32>
        %mul3A_557 = vector.broadcast %squeeze3A_546 : f32 to vector<16xf32>
        %mul3A_558 = arith.mulf %get3A_556, %mul3A_557 : vector<16xf32>
        %swap3A_559 = arith.constant 1 : i32
        %swap3A_560 = arith.index_cast %swap3A_559 : i32 to index
        %swap3A_561 = arith.index_cast %add3A_550 : i32 to index
        %swap3A_562 = arith.constant 0 : index
        %swap3A_563 = tpu.vector_load %arg10[%swap3A_560, %swap3A_561, %swap3A_562] {strides = array<i32>} : memref<4x128x64xf32, #tpu.memory_space<vmem>>, vector<1x1x16xf32>,
        %swap3A_564 = vector.shape_cast %swap3A_563 : vector<1x1x16xf32> to vector<16xf32>
        %swap3A_565 = vector.shape_cast %mul3A_558 : vector<16xf32> to vector<1x1x16xf32>
        tpu.vector_store %arg10[%swap3A_560, %swap3A_561, %swap3A_562], %swap3A_565 {strides = array<i32>} : memref<4x128x64xf32, #tpu.memory_space<vmem>>, vector<1x1x16xf32>,
        %get3A_566 = arith.constant 1 : i32
        %get3A_567 = arith.index_cast %get3A_566 : i32 to index
        %get3A_568 = arith.index_cast %add3A_550 : i32 to index
        %get3A_569 = arith.constant 16 : index
        %get3A_570 = tpu.vector_load %arg10[%get3A_567, %get3A_568, %get3A_569] {strides = array<i32>} : memref<4x128x64xf32, #tpu.memory_space<vmem>>, vector<1x1x16xf32>,
        %get3A_571 = vector.shape_cast %get3A_570 : vector<1x1x16xf32> to vector<16xf32>
        %mul3A_572 = vector.broadcast %squeeze3A_546 : f32 to vector<16xf32>
        %mul3A_573 = arith.mulf %get3A_571, %mul3A_572 : vector<16xf32>
        %swap3A_574 = arith.constant 1 : i32
        %swap3A_575 = arith.index_cast %swap3A_574 : i32 to index
        %swap3A_576 = arith.index_cast %add3A_550 : i32 to index
        %swap3A_577 = arith.constant 16 : index
        %swap3A_578 = tpu.vector_load %arg10[%swap3A_575, %swap3A_576, %swap3A_577] {strides = array<i32>} : memref<4x128x64xf32, #tpu.memory_space<vmem>>, vector<1x1x16xf32>,
        %swap3A_579 = vector.shape_cast %swap3A_578 : vector<1x1x16xf32> to vector<16xf32>
        %swap3A_580 = vector.shape_cast %mul3A_573 : vector<16xf32> to vector<1x1x16xf32>
        tpu.vector_store %arg10[%swap3A_575, %swap3A_576, %swap3A_577], %swap3A_580 {strides = array<i32>} : memref<4x128x64xf32, #tpu.memory_space<vmem>>, vector<1x1x16xf32>,
        %get3A_581 = arith.constant 1 : i32
        %get3A_582 = arith.index_cast %get3A_581 : i32 to index
        %get3A_583 = arith.index_cast %add3A_550 : i32 to index
        %get3A_584 = arith.constant 32 : index
        %get3A_585 = tpu.vector_load %arg10[%get3A_582, %get3A_583, %get3A_584] {strides = array<i32>} : memref<4x128x64xf32, #tpu.memory_space<vmem>>, vector<1x1x16xf32>,
        %get3A_586 = vector.shape_cast %get3A_585 : vector<1x1x16xf32> to vector<16xf32>
        %mul3A_587 = vector.broadcast %squeeze3A_546 : f32 to vector<16xf32>
        %mul3A_588 = arith.mulf %get3A_586, %mul3A_587 : vector<16xf32>
        %swap3A_589 = arith.constant 1 : i32
        %swap3A_590 = arith.index_cast %swap3A_589 : i32 to index
        %swap3A_591 = arith.index_cast %add3A_550 : i32 to index
        %swap3A_592 = arith.constant 32 : index
        %swap3A_593 = tpu.vector_load %arg10[%swap3A_590, %swap3A_591, %swap3A_592] {strides = array<i32>} : memref<4x128x64xf32, #tpu.memory_space<vmem>>, vector<1x1x16xf32>,
        %swap3A_594 = vector.shape_cast %swap3A_593 : vector<1x1x16xf32> to vector<16xf32>
        %swap3A_595 = vector.shape_cast %mul3A_588 : vector<16xf32> to vector<1x1x16xf32>
        tpu.vector_store %arg10[%swap3A_590, %swap3A_591, %swap3A_592], %swap3A_595 {strides = array<i32>} : memref<4x128x64xf32, #tpu.memory_space<vmem>>, vector<1x1x16xf32>,
        %get3A_596 = arith.constant 1 : i32
        %get3A_597 = arith.index_cast %get3A_596 : i32 to index
        %get3A_598 = arith.index_cast %add3A_550 : i32 to index
        %get3A_599 = arith.constant 48 : index
        %get3A_600 = tpu.vector_load %arg10[%get3A_597, %get3A_598, %get3A_599] {strides = array<i32>} : memref<4x128x64xf32, #tpu.memory_space<vmem>>, vector<1x1x16xf32>,
        %get3A_601 = vector.shape_cast %get3A_600 : vector<1x1x16xf32> to vector<16xf32>
        %mul3A_602 = vector.broadcast %squeeze3A_546 : f32 to vector<16xf32>
        %mul3A_603 = arith.mulf %get3A_601, %mul3A_602 : vector<16xf32>
        %swap3A_604 = arith.constant 1 : i32
        %swap3A_605 = arith.index_cast %swap3A_604 : i32 to index
        %swap3A_606 = arith.index_cast %add3A_550 : i32 to index
        %swap3A_607 = arith.constant 48 : index
        %swap3A_608 = tpu.vector_load %arg10[%swap3A_605, %swap3A_606, %swap3A_607] {strides = array<i32>} : memref<4x128x64xf32, #tpu.memory_space<vmem>>, vector<1x1x16xf32>,
        %swap3A_609 = vector.shape_cast %swap3A_608 : vector<1x1x16xf32> to vector<16xf32>
        %swap3A_610 = vector.shape_cast %mul3A_603 : vector<16xf32> to vector<1x1x16xf32>
        tpu.vector_store %arg10[%swap3A_605, %swap3A_606, %swap3A_607], %swap3A_610 {strides = array<i32>} : memref<4x128x64xf32, #tpu.memory_space<vmem>>, vector<1x1x16xf32>,
        %slice3A_611 = vector.extract_strided_slice %get3A_217 {offsets = [6], sizes = [1], strides = [1]} : vector<16xf32> to vector<1xf32>
        %squeeze3A_612 = vector.extract %slice3A_611[0] : f32 from vector<1xf32>
        %mul3A_613 = arith.constant 16 : i32
        %mul3A_614 = arith.muli %scan3A_210, %mul3A_613 : i32
        %add3A_615 = arith.constant 6 : i32
        %add3A_616 = arith.addi %mul3A_614, %add3A_615 : i32
        %get3A_617 = arith.constant 1 : i32
        %get3A_618 = arith.index_cast %get3A_617 : i32 to index
        %get3A_619 = arith.index_cast %add3A_616 : i32 to index
        %get3A_620 = arith.constant 0 : index
        %get3A_621 = tpu.vector_load %arg10[%get3A_618, %get3A_619, %get3A_620] {strides = array<i32>} : memref<4x128x64xf32, #tpu.memory_space<vmem>>, vector<1x1x16xf32>,
        %get3A_622 = vector.shape_cast %get3A_621 : vector<1x1x16xf32> to vector<16xf32>
        %mul3A_623 = vector.broadcast %squeeze3A_612 : f32 to vector<16xf32>
        %mul3A_624 = arith.mulf %get3A_622, %mul3A_623 : vector<16xf32>
        %swap3A_625 = arith.constant 1 : i32
        %swap3A_626 = arith.index_cast %swap3A_625 : i32 to index
        %swap3A_627 = arith.index_cast %add3A_616 : i32 to index
        %swap3A_628 = arith.constant 0 : index
        %swap3A_629 = tpu.vector_load %arg10[%swap3A_626, %swap3A_627, %swap3A_628] {strides = array<i32>} : memref<4x128x64xf32, #tpu.memory_space<vmem>>, vector<1x1x16xf32>,
        %swap3A_630 = vector.shape_cast %swap3A_629 : vector<1x1x16xf32> to vector<16xf32>
        %swap3A_631 = vector.shape_cast %mul3A_624 : vector<16xf32> to vector<1x1x16xf32>
        tpu.vector_store %arg10[%swap3A_626, %swap3A_627, %swap3A_628], %swap3A_631 {strides = array<i32>} : memref<4x128x64xf32, #tpu.memory_space<vmem>>, vector<1x1x16xf32>,
        %get3A_632 = arith.constant 1 : i32
        %get3A_633 = arith.index_cast %get3A_632 : i32 to index
        %get3A_634 = arith.index_cast %add3A_616 : i32 to index
        %get3A_635 = arith.constant 16 : index
        %get3A_636 = tpu.vector_load %arg10[%get3A_633, %get3A_634, %get3A_635] {strides = array<i32>} : memref<4x128x64xf32, #tpu.memory_space<vmem>>, vector<1x1x16xf32>,
        %get3A_637 = vector.shape_cast %get3A_636 : vector<1x1x16xf32> to vector<16xf32>
        %mul3A_638 = vector.broadcast %squeeze3A_612 : f32 to vector<16xf32>
        %mul3A_639 = arith.mulf %get3A_637, %mul3A_638 : vector<16xf32>
        %swap3A_640 = arith.constant 1 : i32
        %swap3A_641 = arith.index_cast %swap3A_640 : i32 to index
        %swap3A_642 = arith.index_cast %add3A_616 : i32 to index
        %swap3A_643 = arith.constant 16 : index
        %swap3A_644 = tpu.vector_load %arg10[%swap3A_641, %swap3A_642, %swap3A_643] {strides = array<i32>} : memref<4x128x64xf32, #tpu.memory_space<vmem>>, vector<1x1x16xf32>,
        %swap3A_645 = vector.shape_cast %swap3A_644 : vector<1x1x16xf32> to vector<16xf32>
        %swap3A_646 = vector.shape_cast %mul3A_639 : vector<16xf32> to vector<1x1x16xf32>
        tpu.vector_store %arg10[%swap3A_641, %swap3A_642, %swap3A_643], %swap3A_646 {strides = array<i32>} : memref<4x128x64xf32, #tpu.memory_space<vmem>>, vector<1x1x16xf32>,
        %get3A_647 = arith.constant 1 : i32
        %get3A_648 = arith.index_cast %get3A_647 : i32 to index
        %get3A_649 = arith.index_cast %add3A_616 : i32 to index
        %get3A_650 = arith.constant 32 : index
        %get3A_651 = tpu.vector_load %arg10[%get3A_648, %get3A_649, %get3A_650] {strides = array<i32>} : memref<4x128x64xf32, #tpu.memory_space<vmem>>, vector<1x1x16xf32>,
        %get3A_652 = vector.shape_cast %get3A_651 : vector<1x1x16xf32> to vector<16xf32>
        %mul3A_653 = vector.broadcast %squeeze3A_612 : f32 to vector<16xf32>
        %mul3A_654 = arith.mulf %get3A_652, %mul3A_653 : vector<16xf32>
        %swap3A_655 = arith.constant 1 : i32
        %swap3A_656 = arith.index_cast %swap3A_655 : i32 to index
        %swap3A_657 = arith.index_cast %add3A_616 : i32 to index
        %swap3A_658 = arith.constant 32 : index
        %swap3A_659 = tpu.vector_load %arg10[%swap3A_656, %swap3A_657, %swap3A_658] {strides = array<i32>} : memref<4x128x64xf32, #tpu.memory_space<vmem>>, vector<1x1x16xf32>,
        %swap3A_660 = vector.shape_cast %swap3A_659 : vector<1x1x16xf32> to vector<16xf32>
        %swap3A_661 = vector.shape_cast %mul3A_654 : vector<16xf32> to vector<1x1x16xf32>
        tpu.vector_store %arg10[%swap3A_656, %swap3A_657, %swap3A_658], %swap3A_661 {strides = array<i32>} : memref<4x128x64xf32, #tpu.memory_space<vmem>>, vector<1x1x16xf32>,
        %get3A_662 = arith.constant 1 : i32
        %get3A_663 = arith.index_cast %get3A_662 : i32 to index
        %get3A_664 = arith.index_cast %add3A_616 : i32 to index
        %get3A_665 = arith.constant 48 : index
        %get3A_666 = tpu.vector_load %arg10[%get3A_663, %get3A_664, %get3A_665] {strides = array<i32>} : memref<4x128x64xf32, #tpu.memory_space<vmem>>, vector<1x1x16xf32>,
        %get3A_667 = vector.shape_cast %get3A_666 : vector<1x1x16xf32> to vector<16xf32>
        %mul3A_668 = vector.broadcast %squeeze3A_612 : f32 to vector<16xf32>
        %mul3A_669 = arith.mulf %get3A_667, %mul3A_668 : vector<16xf32>
        %swap3A_670 = arith.constant 1 : i32
        %swap3A_671 = arith.index_cast %swap3A_670 : i32 to index
        %swap3A_672 = arith.index_cast %add3A_616 : i32 to index
        %swap3A_673 = arith.constant 48 : index
        %swap3A_674 = tpu.vector_load %arg10[%swap3A_671, %swap3A_672, %swap3A_673] {strides = array<i32>} : memref<4x128x64xf32, #tpu.memory_space<vmem>>, vector<1x1x16xf32>,
        %swap3A_675 = vector.shape_cast %swap3A_674 : vector<1x1x16xf32> to vector<16xf32>
        %swap3A_676 = vector.shape_cast %mul3A_669 : vector<16xf32> to vector<1x1x16xf32>
        tpu.vector_store %arg10[%swap3A_671, %swap3A_672, %swap3A_673], %swap3A_676 {strides = array<i32>} : memref<4x128x64xf32, #tpu.memory_space<vmem>>, vector<1x1x16xf32>,
        %slice3A_677 = vector.extract_strided_slice %get3A_217 {offsets = [7], sizes = [1], strides = [1]} : vector<16xf32> to vector<1xf32>
        %squeeze3A_678 = vector.extract %slice3A_677[0] : f32 from vector<1xf32>
        %mul3A_679 = arith.constant 16 : i32
        %mul3A_680 = arith.muli %scan3A_210, %mul3A_679 : i32
        %add3A_681 = arith.constant 7 : i32
        %add3A_682 = arith.addi %mul3A_680, %add3A_681 : i32
        %get3A_683 = arith.constant 1 : i32
        %get3A_684 = arith.index_cast %get3A_683 : i32 to index
        %get3A_685 = arith.index_cast %add3A_682 : i32 to index
        %get3A_686 = arith.constant 0 : index
        %get3A_687 = tpu.vector_load %arg10[%get3A_684, %get3A_685, %get3A_686] {strides = array<i32>} : memref<4x128x64xf32, #tpu.memory_space<vmem>>, vector<1x1x16xf32>,
        %get3A_688 = vector.shape_cast %get3A_687 : vector<1x1x16xf32> to vector<16xf32>
        %mul3A_689 = vector.broadcast %squeeze3A_678 : f32 to vector<16xf32>
        %mul3A_690 = arith.mulf %get3A_688, %mul3A_689 : vector<16xf32>
        %swap3A_691 = arith.constant 1 : i32
        %swap3A_692 = arith.index_cast %swap3A_691 : i32 to index
        %swap3A_693 = arith.index_cast %add3A_682 : i32 to index
        %swap3A_694 = arith.constant 0 : index
        %swap3A_695 = tpu.vector_load %arg10[%swap3A_692, %swap3A_693, %swap3A_694] {strides = array<i32>} : memref<4x128x64xf32, #tpu.memory_space<vmem>>, vector<1x1x16xf32>,
        %swap3A_696 = vector.shape_cast %swap3A_695 : vector<1x1x16xf32> to vector<16xf32>
        %swap3A_697 = vector.shape_cast %mul3A_690 : vector<16xf32> to vector<1x1x16xf32>
        tpu.vector_store %arg10[%swap3A_692, %swap3A_693, %swap3A_694], %swap3A_697 {strides = array<i32>} : memref<4x128x64xf32, #tpu.memory_space<vmem>>, vector<1x1x16xf32>,
        %get3A_698 = arith.constant 1 : i32
        %get3A_699 = arith.index_cast %get3A_698 : i32 to index
        %get3A_700 = arith.index_cast %add3A_682 : i32 to index
        %get3A_701 = arith.constant 16 : index
        %get3A_702 = tpu.vector_load %arg10[%get3A_699, %get3A_700, %get3A_701] {strides = array<i32>} : memref<4x128x64xf32, #tpu.memory_space<vmem>>, vector<1x1x16xf32>,
        %get3A_703 = vector.shape_cast %get3A_702 : vector<1x1x16xf32> to vector<16xf32>
        %mul3A_704 = vector.broadcast %squeeze3A_678 : f32 to vector<16xf32>
        %mul3A_705 = arith.mulf %get3A_703, %mul3A_704 : vector<16xf32>
        %swap3A_706 = arith.constant 1 : i32
        %swap3A_707 = arith.index_cast %swap3A_706 : i32 to index
        %swap3A_708 = arith.index_cast %add3A_682 : i32 to index
        %swap3A_709 = arith.constant 16 : index
        %swap3A_710 = tpu.vector_load %arg10[%swap3A_707, %swap3A_708, %swap3A_709] {strides = array<i32>} : memref<4x128x64xf32, #tpu.memory_space<vmem>>, vector<1x1x16xf32>,
        %swap3A_711 = vector.shape_cast %swap3A_710 : vector<1x1x16xf32> to vector<16xf32>
        %swap3A_712 = vector.shape_cast %mul3A_705 : vector<16xf32> to vector<1x1x16xf32>
        tpu.vector_store %arg10[%swap3A_707, %swap3A_708, %swap3A_709], %swap3A_712 {strides = array<i32>} : memref<4x128x64xf32, #tpu.memory_space<vmem>>, vector<1x1x16xf32>,
        %get3A_713 = arith.constant 1 : i32
        %get3A_714 = arith.index_cast %get3A_713 : i32 to index
        %get3A_715 = arith.index_cast %add3A_682 : i32 to index
        %get3A_716 = arith.constant 32 : index
        %get3A_717 = tpu.vector_load %arg10[%get3A_714, %get3A_715, %get3A_716] {strides = array<i32>} : memref<4x128x64xf32, #tpu.memory_space<vmem>>, vector<1x1x16xf32>,
        %get3A_718 = vector.shape_cast %get3A_717 : vector<1x1x16xf32> to vector<16xf32>
        %mul3A_719 = vector.broadcast %squeeze3A_678 : f32 to vector<16xf32>
        %mul3A_720 = arith.mulf %get3A_718, %mul3A_719 : vector<16xf32>
        %swap3A_721 = arith.constant 1 : i32
        %swap3A_722 = arith.index_cast %swap3A_721 : i32 to index
        %swap3A_723 = arith.index_cast %add3A_682 : i32 to index
        %swap3A_724 = arith.constant 32 : index
        %swap3A_725 = tpu.vector_load %arg10[%swap3A_722, %swap3A_723, %swap3A_724] {strides = array<i32>} : memref<4x128x64xf32, #tpu.memory_space<vmem>>, vector<1x1x16xf32>,
        %swap3A_726 = vector.shape_cast %swap3A_725 : vector<1x1x16xf32> to vector<16xf32>
        %swap3A_727 = vector.shape_cast %mul3A_720 : vector<16xf32> to vector<1x1x16xf32>
        tpu.vector_store %arg10[%swap3A_722, %swap3A_723, %swap3A_724], %swap3A_727 {strides = array<i32>} : memref<4x128x64xf32, #tpu.memory_space<vmem>>, vector<1x1x16xf32>,
        %get3A_728 = arith.constant 1 : i32
        %get3A_729 = arith.index_cast %get3A_728 : i32 to index
        %get3A_730 = arith.index_cast %add3A_682 : i32 to index
        %get3A_731 = arith.constant 48 : index
        %get3A_732 = tpu.vector_load %arg10[%get3A_729, %get3A_730, %get3A_731] {strides = array<i32>} : memref<4x128x64xf32, #tpu.memory_space<vmem>>, vector<1x1x16xf32>,
        %get3A_733 = vector.shape_cast %get3A_732 : vector<1x1x16xf32> to vector<16xf32>
        %mul3A_734 = vector.broadcast %squeeze3A_678 : f32 to vector<16xf32>
        %mul3A_735 = arith.mulf %get3A_733, %mul3A_734 : vector<16xf32>
        %swap3A_736 = arith.constant 1 : i32
        %swap3A_737 = arith.index_cast %swap3A_736 : i32 to index
        %swap3A_738 = arith.index_cast %add3A_682 : i32 to index
        %swap3A_739 = arith.constant 48 : index
        %swap3A_740 = tpu.vector_load %arg10[%swap3A_737, %swap3A_738, %swap3A_739] {strides = array<i32>} : memref<4x128x64xf32, #tpu.memory_space<vmem>>, vector<1x1x16xf32>,
        %swap3A_741 = vector.shape_cast %swap3A_740 : vector<1x1x16xf32> to vector<16xf32>
        %swap3A_742 = vector.shape_cast %mul3A_735 : vector<16xf32> to vector<1x1x16xf32>
        tpu.vector_store %arg10[%swap3A_737, %swap3A_738, %swap3A_739], %swap3A_742 {strides = array<i32>} : memref<4x128x64xf32, #tpu.memory_space<vmem>>, vector<1x1x16xf32>,
        %slice3A_743 = vector.extract_strided_slice %get3A_217 {offsets = [8], sizes = [1], strides = [1]} : vector<16xf32> to vector<1xf32>
        %squeeze3A_744 = vector.extract %slice3A_743[0] : f32 from vector<1xf32>
        %mul3A_745 = arith.constant 16 : i32
        %mul3A_746 = arith.muli %scan3A_210, %mul3A_745 : i32
        %add3A_747 = arith.constant 8 : i32
        %add3A_748 = arith.addi %mul3A_746, %add3A_747 : i32
        %get3A_749 = arith.constant 1 : i32
        %get3A_750 = arith.index_cast %get3A_749 : i32 to index
        %get3A_751 = arith.index_cast %add3A_748 : i32 to index
        %get3A_752 = arith.constant 0 : index
        %get3A_753 = tpu.vector_load %arg10[%get3A_750, %get3A_751, %get3A_752] {strides = array<i32>} : memref<4x128x64xf32, #tpu.memory_space<vmem>>, vector<1x1x16xf32>,
        %get3A_754 = vector.shape_cast %get3A_753 : vector<1x1x16xf32> to vector<16xf32>
        %mul3A_755 = vector.broadcast %squeeze3A_744 : f32 to vector<16xf32>
        %mul3A_756 = arith.mulf %get3A_754, %mul3A_755 : vector<16xf32>
        %swap3A_757 = arith.constant 1 : i32
        %swap3A_758 = arith.index_cast %swap3A_757 : i32 to index
        %swap3A_759 = arith.index_cast %add3A_748 : i32 to index
        %swap3A_760 = arith.constant 0 : index
        %swap3A_761 = tpu.vector_load %arg10[%swap3A_758, %swap3A_759, %swap3A_760] {strides = array<i32>} : memref<4x128x64xf32, #tpu.memory_space<vmem>>, vector<1x1x16xf32>,
        %swap3A_762 = vector.shape_cast %swap3A_761 : vector<1x1x16xf32> to vector<16xf32>
        %swap3A_763 = vector.shape_cast %mul3A_756 : vector<16xf32> to vector<1x1x16xf32>
        tpu.vector_store %arg10[%swap3A_758, %swap3A_759, %swap3A_760], %swap3A_763 {strides = array<i32>} : memref<4x128x64xf32, #tpu.memory_space<vmem>>, vector<1x1x16xf32>,
        %get3A_764 = arith.constant 1 : i32
        %get3A_765 = arith.index_cast %get3A_764 : i32 to index
        %get3A_766 = arith.index_cast %add3A_748 : i32 to index
        %get3A_767 = arith.constant 16 : index
        %get3A_768 = tpu.vector_load %arg10[%get3A_765, %get3A_766, %get3A_767] {strides = array<i32>} : memref<4x128x64xf32, #tpu.memory_space<vmem>>, vector<1x1x16xf32>,
        %get3A_769 = vector.shape_cast %get3A_768 : vector<1x1x16xf32> to vector<16xf32>
        %mul3A_770 = vector.broadcast %squeeze3A_744 : f32 to vector<16xf32>
        %mul3A_771 = arith.mulf %get3A_769, %mul3A_770 : vector<16xf32>
        %swap3A_772 = arith.constant 1 : i32
        %swap3A_773 = arith.index_cast %swap3A_772 : i32 to index
        %swap3A_774 = arith.index_cast %add3A_748 : i32 to index
        %swap3A_775 = arith.constant 16 : index
        %swap3A_776 = tpu.vector_load %arg10[%swap3A_773, %swap3A_774, %swap3A_775] {strides = array<i32>} : memref<4x128x64xf32, #tpu.memory_space<vmem>>, vector<1x1x16xf32>,
        %swap3A_777 = vector.shape_cast %swap3A_776 : vector<1x1x16xf32> to vector<16xf32>
        %swap3A_778 = vector.shape_cast %mul3A_771 : vector<16xf32> to vector<1x1x16xf32>
        tpu.vector_store %arg10[%swap3A_773, %swap3A_774, %swap3A_775], %swap3A_778 {strides = array<i32>} : memref<4x128x64xf32, #tpu.memory_space<vmem>>, vector<1x1x16xf32>,
        %get3A_779 = arith.constant 1 : i32
        %get3A_780 = arith.index_cast %get3A_779 : i32 to index
        %get3A_781 = arith.index_cast %add3A_748 : i32 to index
        %get3A_782 = arith.constant 32 : index
        %get3A_783 = tpu.vector_load %arg10[%get3A_780, %get3A_781, %get3A_782] {strides = array<i32>} : memref<4x128x64xf32, #tpu.memory_space<vmem>>, vector<1x1x16xf32>,
        %get3A_784 = vector.shape_cast %get3A_783 : vector<1x1x16xf32> to vector<16xf32>
        %mul3A_785 = vector.broadcast %squeeze3A_744 : f32 to vector<16xf32>
        %mul3A_786 = arith.mulf %get3A_784, %mul3A_785 : vector<16xf32>
        %swap3A_787 = arith.constant 1 : i32
        %swap3A_788 = arith.index_cast %swap3A_787 : i32 to index
        %swap3A_789 = arith.index_cast %add3A_748 : i32 to index
        %swap3A_790 = arith.constant 32 : index
        %swap3A_791 = tpu.vector_load %arg10[%swap3A_788, %swap3A_789, %swap3A_790] {strides = array<i32>} : memref<4x128x64xf32, #tpu.memory_space<vmem>>, vector<1x1x16xf32>,
        %swap3A_792 = vector.shape_cast %swap3A_791 : vector<1x1x16xf32> to vector<16xf32>
        %swap3A_793 = vector.shape_cast %mul3A_786 : vector<16xf32> to vector<1x1x16xf32>
        tpu.vector_store %arg10[%swap3A_788, %swap3A_789, %swap3A_790], %swap3A_793 {strides = array<i32>} : memref<4x128x64xf32, #tpu.memory_space<vmem>>, vector<1x1x16xf32>,
        %get3A_794 = arith.constant 1 : i32
        %get3A_795 = arith.index_cast %get3A_794 : i32 to index
        %get3A_796 = arith.index_cast %add3A_748 : i32 to index
        %get3A_797 = arith.constant 48 : index
        %get3A_798 = tpu.vector_load %arg10[%get3A_795, %get3A_796, %get3A_797] {strides = array<i32>} : memref<4x128x64xf32, #tpu.memory_space<vmem>>, vector<1x1x16xf32>,
        %get3A_799 = vector.shape_cast %get3A_798 : vector<1x1x16xf32> to vector<16xf32>
        %mul3A_800 = vector.broadcast %squeeze3A_744 : f32 to vector<16xf32>
        %mul3A_801 = arith.mulf %get3A_799, %mul3A_800 : vector<16xf32>
        %swap3A_802 = arith.constant 1 : i32
        %swap3A_803 = arith.index_cast %swap3A_802 : i32 to index
        %swap3A_804 = arith.index_cast %add3A_748 : i32 to index
        %swap3A_805 = arith.constant 48 : index
        %swap3A_806 = tpu.vector_load %arg10[%swap3A_803, %swap3A_804, %swap3A_805] {strides = array<i32>} : memref<4x128x64xf32, #tpu.memory_space<vmem>>, vector<1x1x16xf32>,
        %swap3A_807 = vector.shape_cast %swap3A_806 : vector<1x1x16xf32> to vector<16xf32>
        %swap3A_808 = vector.shape_cast %mul3A_801 : vector<16xf32> to vector<1x1x16xf32>
        tpu.vector_store %arg10[%swap3A_803, %swap3A_804, %swap3A_805], %swap3A_808 {strides = array<i32>} : memref<4x128x64xf32, #tpu.memory_space<vmem>>, vector<1x1x16xf32>,
        %slice3A_809 = vector.extract_strided_slice %get3A_217 {offsets = [9], sizes = [1], strides = [1]} : vector<16xf32> to vector<1xf32>
        %squeeze3A_810 = vector.extract %slice3A_809[0] : f32 from vector<1xf32>
        %mul3A_811 = arith.constant 16 : i32
        %mul3A_812 = arith.muli %scan3A_210, %mul3A_811 : i32
        %add3A_813 = arith.constant 9 : i32
        %add3A_814 = arith.addi %mul3A_812, %add3A_813 : i32
        %get3A_815 = arith.constant 1 : i32
        %get3A_816 = arith.index_cast %get3A_815 : i32 to index
        %get3A_817 = arith.index_cast %add3A_814 : i32 to index
        %get3A_818 = arith.constant 0 : index
        %get3A_819 = tpu.vector_load %arg10[%get3A_816, %get3A_817, %get3A_818] {strides = array<i32>} : memref<4x128x64xf32, #tpu.memory_space<vmem>>, vector<1x1x16xf32>,
        %get3A_820 = vector.shape_cast %get3A_819 : vector<1x1x16xf32> to vector<16xf32>
        %mul3A_821 = vector.broadcast %squeeze3A_810 : f32 to vector<16xf32>
        %mul3A_822 = arith.mulf %get3A_820, %mul3A_821 : vector<16xf32>
        %swap3A_823 = arith.constant 1 : i32
        %swap3A_824 = arith.index_cast %swap3A_823 : i32 to index
        %swap3A_825 = arith.index_cast %add3A_814 : i32 to index
        %swap3A_826 = arith.constant 0 : index
        %swap3A_827 = tpu.vector_load %arg10[%swap3A_824, %swap3A_825, %swap3A_826] {strides = array<i32>} : memref<4x128x64xf32, #tpu.memory_space<vmem>>, vector<1x1x16xf32>,
        %swap3A_828 = vector.shape_cast %swap3A_827 : vector<1x1x16xf32> to vector<16xf32>
        %swap3A_829 = vector.shape_cast %mul3A_822 : vector<16xf32> to vector<1x1x16xf32>
        tpu.vector_store %arg10[%swap3A_824, %swap3A_825, %swap3A_826], %swap3A_829 {strides = array<i32>} : memref<4x128x64xf32, #tpu.memory_space<vmem>>, vector<1x1x16xf32>,
        %get3A_830 = arith.constant 1 : i32
        %get3A_831 = arith.index_cast %get3A_830 : i32 to index
        %get3A_832 = arith.index_cast %add3A_814 : i32 to index
        %get3A_833 = arith.constant 16 : index
        %get3A_834 = tpu.vector_load %arg10[%get3A_831, %get3A_832, %get3A_833] {strides = array<i32>} : memref<4x128x64xf32, #tpu.memory_space<vmem>>, vector<1x1x16xf32>,
        %get3A_835 = vector.shape_cast %get3A_834 : vector<1x1x16xf32> to vector<16xf32>
        %mul3A_836 = vector.broadcast %squeeze3A_810 : f32 to vector<16xf32>
        %mul3A_837 = arith.mulf %get3A_835, %mul3A_836 : vector<16xf32>
        %swap3A_838 = arith.constant 1 : i32
        %swap3A_839 = arith.index_cast %swap3A_838 : i32 to index
        %swap3A_840 = arith.index_cast %add3A_814 : i32 to index
        %swap3A_841 = arith.constant 16 : index
        %swap3A_842 = tpu.vector_load %arg10[%swap3A_839, %swap3A_840, %swap3A_841] {strides = array<i32>} : memref<4x128x64xf32, #tpu.memory_space<vmem>>, vector<1x1x16xf32>,
        %swap3A_843 = vector.shape_cast %swap3A_842 : vector<1x1x16xf32> to vector<16xf32>
        %swap3A_844 = vector.shape_cast %mul3A_837 : vector<16xf32> to vector<1x1x16xf32>
        tpu.vector_store %arg10[%swap3A_839, %swap3A_840, %swap3A_841], %swap3A_844 {strides = array<i32>} : memref<4x128x64xf32, #tpu.memory_space<vmem>>, vector<1x1x16xf32>,
        %get3A_845 = arith.constant 1 : i32
        %get3A_846 = arith.index_cast %get3A_845 : i32 to index
        %get3A_847 = arith.index_cast %add3A_814 : i32 to index
        %get3A_848 = arith.constant 32 : index
        %get3A_849 = tpu.vector_load %arg10[%get3A_846, %get3A_847, %get3A_848] {strides = array<i32>} : memref<4x128x64xf32, #tpu.memory_space<vmem>>, vector<1x1x16xf32>,
        %get3A_850 = vector.shape_cast %get3A_849 : vector<1x1x16xf32> to vector<16xf32>
        %mul3A_851 = vector.broadcast %squeeze3A_810 : f32 to vector<16xf32>
        %mul3A_852 = arith.mulf %get3A_850, %mul3A_851 : vector<16xf32>
        %swap3A_853 = arith.constant 1 : i32
        %swap3A_854 = arith.index_cast %swap3A_853 : i32 to index
        %swap3A_855 = arith.index_cast %add3A_814 : i32 to index
        %swap3A_856 = arith.constant 32 : index
        %swap3A_857 = tpu.vector_load %arg10[%swap3A_854, %swap3A_855, %swap3A_856] {strides = array<i32>} : memref<4x128x64xf32, #tpu.memory_space<vmem>>, vector<1x1x16xf32>,
        %swap3A_858 = vector.shape_cast %swap3A_857 : vector<1x1x16xf32> to vector<16xf32>
        %swap3A_859 = vector.shape_cast %mul3A_852 : vector<16xf32> to vector<1x1x16xf32>
        tpu.vector_store %arg10[%swap3A_854, %swap3A_855, %swap3A_856], %swap3A_859 {strides = array<i32>} : memref<4x128x64xf32, #tpu.memory_space<vmem>>, vector<1x1x16xf32>,
        %get3A_860 = arith.constant 1 : i32
        %get3A_861 = arith.index_cast %get3A_860 : i32 to index
        %get3A_862 = arith.index_cast %add3A_814 : i32 to index
        %get3A_863 = arith.constant 48 : index
        %get3A_864 = tpu.vector_load %arg10[%get3A_861, %get3A_862, %get3A_863] {strides = array<i32>} : memref<4x128x64xf32, #tpu.memory_space<vmem>>, vector<1x1x16xf32>,
        %get3A_865 = vector.shape_cast %get3A_864 : vector<1x1x16xf32> to vector<16xf32>
        %mul3A_866 = vector.broadcast %squeeze3A_810 : f32 to vector<16xf32>
        %mul3A_867 = arith.mulf %get3A_865, %mul3A_866 : vector<16xf32>
        %swap3A_868 = arith.constant 1 : i32
        %swap3A_869 = arith.index_cast %swap3A_868 : i32 to index
        %swap3A_870 = arith.index_cast %add3A_814 : i32 to index
        %swap3A_871 = arith.constant 48 : index
        %swap3A_872 = tpu.vector_load %arg10[%swap3A_869, %swap3A_870, %swap3A_871] {strides = array<i32>} : memref<4x128x64xf32, #tpu.memory_space<vmem>>, vector<1x1x16xf32>,
        %swap3A_873 = vector.shape_cast %swap3A_872 : vector<1x1x16xf32> to vector<16xf32>
        %swap3A_874 = vector.shape_cast %mul3A_867 : vector<16xf32> to vector<1x1x16xf32>
        tpu.vector_store %arg10[%swap3A_869, %swap3A_870, %swap3A_871], %swap3A_874 {strides = array<i32>} : memref<4x128x64xf32, #tpu.memory_space<vmem>>, vector<1x1x16xf32>,
        %slice3A_875 = vector.extract_strided_slice %get3A_217 {offsets = [10], sizes = [1], strides = [1]} : vector<16xf32> to vector<1xf32>
        %squeeze3A_876 = vector.extract %slice3A_875[0] : f32 from vector<1xf32>
        %mul3A_877 = arith.constant 16 : i32
        %mul3A_878 = arith.muli %scan3A_210, %mul3A_877 : i32
        %add3A_879 = arith.constant 10 : i32
        %add3A_880 = arith.addi %mul3A_878, %add3A_879 : i32
        %get3A_881 = arith.constant 1 : i32
        %get3A_882 = arith.index_cast %get3A_881 : i32 to index
        %get3A_883 = arith.index_cast %add3A_880 : i32 to index
        %get3A_884 = arith.constant 0 : index
        %get3A_885 = tpu.vector_load %arg10[%get3A_882, %get3A_883, %get3A_884] {strides = array<i32>} : memref<4x128x64xf32, #tpu.memory_space<vmem>>, vector<1x1x16xf32>,
        %get3A_886 = vector.shape_cast %get3A_885 : vector<1x1x16xf32> to vector<16xf32>
        %mul3A_887 = vector.broadcast %squeeze3A_876 : f32 to vector<16xf32>
        %mul3A_888 = arith.mulf %get3A_886, %mul3A_887 : vector<16xf32>
        %swap3A_889 = arith.constant 1 : i32
        %swap3A_890 = arith.index_cast %swap3A_889 : i32 to index
        %swap3A_891 = arith.index_cast %add3A_880 : i32 to index
        %swap3A_892 = arith.constant 0 : index
        %swap3A_893 = tpu.vector_load %arg10[%swap3A_890, %swap3A_891, %swap3A_892] {strides = array<i32>} : memref<4x128x64xf32, #tpu.memory_space<vmem>>, vector<1x1x16xf32>,
        %swap3A_894 = vector.shape_cast %swap3A_893 : vector<1x1x16xf32> to vector<16xf32>
        %swap3A_895 = vector.shape_cast %mul3A_888 : vector<16xf32> to vector<1x1x16xf32>
        tpu.vector_store %arg10[%swap3A_890, %swap3A_891, %swap3A_892], %swap3A_895 {strides = array<i32>} : memref<4x128x64xf32, #tpu.memory_space<vmem>>, vector<1x1x16xf32>,
        %get3A_896 = arith.constant 1 : i32
        %get3A_897 = arith.index_cast %get3A_896 : i32 to index
        %get3A_898 = arith.index_cast %add3A_880 : i32 to index
        %get3A_899 = arith.constant 16 : index
        %get3A_900 = tpu.vector_load %arg10[%get3A_897, %get3A_898, %get3A_899] {strides = array<i32>} : memref<4x128x64xf32, #tpu.memory_space<vmem>>, vector<1x1x16xf32>,
        %get3A_901 = vector.shape_cast %get3A_900 : vector<1x1x16xf32> to vector<16xf32>
        %mul3A_902 = vector.broadcast %squeeze3A_876 : f32 to vector<16xf32>
        %mul3A_903 = arith.mulf %get3A_901, %mul3A_902 : vector<16xf32>
        %swap3A_904 = arith.constant 1 : i32
        %swap3A_905 = arith.index_cast %swap3A_904 : i32 to index
        %swap3A_906 = arith.index_cast %add3A_880 : i32 to index
        %swap3A_907 = arith.constant 16 : index
        %swap3A_908 = tpu.vector_load %arg10[%swap3A_905, %swap3A_906, %swap3A_907] {strides = array<i32>} : memref<4x128x64xf32, #tpu.memory_space<vmem>>, vector<1x1x16xf32>,
        %swap3A_909 = vector.shape_cast %swap3A_908 : vector<1x1x16xf32> to vector<16xf32>
        %swap3A_910 = vector.shape_cast %mul3A_903 : vector<16xf32> to vector<1x1x16xf32>
        tpu.vector_store %arg10[%swap3A_905, %swap3A_906, %swap3A_907], %swap3A_910 {strides = array<i32>} : memref<4x128x64xf32, #tpu.memory_space<vmem>>, vector<1x1x16xf32>,
        %get3A_911 = arith.constant 1 : i32
        %get3A_912 = arith.index_cast %get3A_911 : i32 to index
        %get3A_913 = arith.index_cast %add3A_880 : i32 to index
        %get3A_914 = arith.constant 32 : index
        %get3A_915 = tpu.vector_load %arg10[%get3A_912, %get3A_913, %get3A_914] {strides = array<i32>} : memref<4x128x64xf32, #tpu.memory_space<vmem>>, vector<1x1x16xf32>,
        %get3A_916 = vector.shape_cast %get3A_915 : vector<1x1x16xf32> to vector<16xf32>
        %mul3A_917 = vector.broadcast %squeeze3A_876 : f32 to vector<16xf32>
        %mul3A_918 = arith.mulf %get3A_916, %mul3A_917 : vector<16xf32>
        %swap3A_919 = arith.constant 1 : i32
        %swap3A_920 = arith.index_cast %swap3A_919 : i32 to index
        %swap3A_921 = arith.index_cast %add3A_880 : i32 to index
        %swap3A_922 = arith.constant 32 : index
        %swap3A_923 = tpu.vector_load %arg10[%swap3A_920, %swap3A_921, %swap3A_922] {strides = array<i32>} : memref<4x128x64xf32, #tpu.memory_space<vmem>>, vector<1x1x16xf32>,
        %swap3A_924 = vector.shape_cast %swap3A_923 : vector<1x1x16xf32> to vector<16xf32>
        %swap3A_925 = vector.shape_cast %mul3A_918 : vector<16xf32> to vector<1x1x16xf32>
        tpu.vector_store %arg10[%swap3A_920, %swap3A_921, %swap3A_922], %swap3A_925 {strides = array<i32>} : memref<4x128x64xf32, #tpu.memory_space<vmem>>, vector<1x1x16xf32>,
        %get3A_926 = arith.constant 1 : i32
        %get3A_927 = arith.index_cast %get3A_926 : i32 to index
        %get3A_928 = arith.index_cast %add3A_880 : i32 to index
        %get3A_929 = arith.constant 48 : index
        %get3A_930 = tpu.vector_load %arg10[%get3A_927, %get3A_928, %get3A_929] {strides = array<i32>} : memref<4x128x64xf32, #tpu.memory_space<vmem>>, vector<1x1x16xf32>,
        %get3A_931 = vector.shape_cast %get3A_930 : vector<1x1x16xf32> to vector<16xf32>
        %mul3A_932 = vector.broadcast %squeeze3A_876 : f32 to vector<16xf32>
        %mul3A_933 = arith.mulf %get3A_931, %mul3A_932 : vector<16xf32>
        %swap3A_934 = arith.constant 1 : i32
        %swap3A_935 = arith.index_cast %swap3A_934 : i32 to index
        %swap3A_936 = arith.index_cast %add3A_880 : i32 to index
        %swap3A_937 = arith.constant 48 : index
        %swap3A_938 = tpu.vector_load %arg10[%swap3A_935, %swap3A_936, %swap3A_937] {strides = array<i32>} : memref<4x128x64xf32, #tpu.memory_space<vmem>>, vector<1x1x16xf32>,
        %swap3A_939 = vector.shape_cast %swap3A_938 : vector<1x1x16xf32> to vector<16xf32>
        %swap3A_940 = vector.shape_cast %mul3A_933 : vector<16xf32> to vector<1x1x16xf32>
        tpu.vector_store %arg10[%swap3A_935, %swap3A_936, %swap3A_937], %swap3A_940 {strides = array<i32>} : memref<4x128x64xf32, #tpu.memory_space<vmem>>, vector<1x1x16xf32>,
        %slice3A_941 = vector.extract_strided_slice %get3A_217 {offsets = [11], sizes = [1], strides = [1]} : vector<16xf32> to vector<1xf32>
        %squeeze3A_942 = vector.extract %slice3A_941[0] : f32 from vector<1xf32>
        %mul3A_943 = arith.constant 16 : i32
        %mul3A_944 = arith.muli %scan3A_210, %mul3A_943 : i32
        %add3A_945 = arith.constant 11 : i32
        %add3A_946 = arith.addi %mul3A_944, %add3A_945 : i32
        %get3A_947 = arith.constant 1 : i32
        %get3A_948 = arith.index_cast %get3A_947 : i32 to index
        %get3A_949 = arith.index_cast %add3A_946 : i32 to index
        %get3A_950 = arith.constant 0 : index
        %get3A_951 = tpu.vector_load %arg10[%get3A_948, %get3A_949, %get3A_950] {strides = array<i32>} : memref<4x128x64xf32, #tpu.memory_space<vmem>>, vector<1x1x16xf32>,
        %get3A_952 = vector.shape_cast %get3A_951 : vector<1x1x16xf32> to vector<16xf32>
        %mul3A_953 = vector.broadcast %squeeze3A_942 : f32 to vector<16xf32>
        %mul3A_954 = arith.mulf %get3A_952, %mul3A_953 : vector<16xf32>
        %swap3A_955 = arith.constant 1 : i32
        %swap3A_956 = arith.index_cast %swap3A_955 : i32 to index
        %swap3A_957 = arith.index_cast %add3A_946 : i32 to index
        %swap3A_958 = arith.constant 0 : index
        %swap3A_959 = tpu.vector_load %arg10[%swap3A_956, %swap3A_957, %swap3A_958] {strides = array<i32>} : memref<4x128x64xf32, #tpu.memory_space<vmem>>, vector<1x1x16xf32>,
        %swap3A_960 = vector.shape_cast %swap3A_959 : vector<1x1x16xf32> to vector<16xf32>
        %swap3A_961 = vector.shape_cast %mul3A_954 : vector<16xf32> to vector<1x1x16xf32>
        tpu.vector_store %arg10[%swap3A_956, %swap3A_957, %swap3A_958], %swap3A_961 {strides = array<i32>} : memref<4x128x64xf32, #tpu.memory_space<vmem>>, vector<1x1x16xf32>,
        %get3A_962 = arith.constant 1 : i32
        %get3A_963 = arith.index_cast %get3A_962 : i32 to index
        %get3A_964 = arith.index_cast %add3A_946 : i32 to index
        %get3A_965 = arith.constant 16 : index
        %get3A_966 = tpu.vector_load %arg10[%get3A_963, %get3A_964, %get3A_965] {strides = array<i32>} : memref<4x128x64xf32, #tpu.memory_space<vmem>>, vector<1x1x16xf32>,
        %get3A_967 = vector.shape_cast %get3A_966 : vector<1x1x16xf32> to vector<16xf32>
        %mul3A_968 = vector.broadcast %squeeze3A_942 : f32 to vector<16xf32>
        %mul3A_969 = arith.mulf %get3A_967, %mul3A_968 : vector<16xf32>
        %swap3A_970 = arith.constant 1 : i32
        %swap3A_971 = arith.index_cast %swap3A_970 : i32 to index
        %swap3A_972 = arith.index_cast %add3A_946 : i32 to index
        %swap3A_973 = arith.constant 16 : index
        %swap3A_974 = tpu.vector_load %arg10[%swap3A_971, %swap3A_972, %swap3A_973] {strides = array<i32>} : memref<4x128x64xf32, #tpu.memory_space<vmem>>, vector<1x1x16xf32>,
        %swap3A_975 = vector.shape_cast %swap3A_974 : vector<1x1x16xf32> to vector<16xf32>
        %swap3A_976 = vector.shape_cast %mul3A_969 : vector<16xf32> to vector<1x1x16xf32>
        tpu.vector_store %arg10[%swap3A_971, %swap3A_972, %swap3A_973], %swap3A_976 {strides = array<i32>} : memref<4x128x64xf32, #tpu.memory_space<vmem>>, vector<1x1x16xf32>,
        %get3A_977 = arith.constant 1 : i32
        %get3A_978 = arith.index_cast %get3A_977 : i32 to index
        %get3A_979 = arith.index_cast %add3A_946 : i32 to index
        %get3A_980 = arith.constant 32 : index
        %get3A_981 = tpu.vector_load %arg10[%get3A_978, %get3A_979, %get3A_980] {strides = array<i32>} : memref<4x128x64xf32, #tpu.memory_space<vmem>>, vector<1x1x16xf32>,
        %get3A_982 = vector.shape_cast %get3A_981 : vector<1x1x16xf32> to vector<16xf32>
        %mul3A_983 = vector.broadcast %squeeze3A_942 : f32 to vector<16xf32>
        %mul3A_984 = arith.mulf %get3A_982, %mul3A_983 : vector<16xf32>
        %swap3A_985 = arith.constant 1 : i32
        %swap3A_986 = arith.index_cast %swap3A_985 : i32 to index
        %swap3A_987 = arith.index_cast %add3A_946 : i32 to index
        %swap3A_988 = arith.constant 32 : index
        %swap3A_989 = tpu.vector_load %arg10[%swap3A_986, %swap3A_987, %swap3A_988] {strides = array<i32>} : memref<4x128x64xf32, #tpu.memory_space<vmem>>, vector<1x1x16xf32>,
        %swap3A_990 = vector.shape_cast %swap3A_989 : vector<1x1x16xf32> to vector<16xf32>
        %swap3A_991 = vector.shape_cast %mul3A_984 : vector<16xf32> to vector<1x1x16xf32>
        tpu.vector_store %arg10[%swap3A_986, %swap3A_987, %swap3A_988], %swap3A_991 {strides = array<i32>} : memref<4x128x64xf32, #tpu.memory_space<vmem>>, vector<1x1x16xf32>,
        %get3A_992 = arith.constant 1 : i32
        %get3A_993 = arith.index_cast %get3A_992 : i32 to index
        %get3A_994 = arith.index_cast %add3A_946 : i32 to index
        %get3A_995 = arith.constant 48 : index
        %get3A_996 = tpu.vector_load %arg10[%get3A_993, %get3A_994, %get3A_995] {strides = array<i32>} : memref<4x128x64xf32, #tpu.memory_space<vmem>>, vector<1x1x16xf32>,
        %get3A_997 = vector.shape_cast %get3A_996 : vector<1x1x16xf32> to vector<16xf32>
        %mul3A_998 = vector.broadcast %squeeze3A_942 : f32 to vector<16xf32>
        %mul3A_999 = arith.mulf %get3A_997, %mul3A_998 : vector<16xf32>
        %swap3A_1000 = arith.constant 1 : i32
        %swap3A_1001 = arith.index_cast %swap3A_1000 : i32 to index
        %swap3A_1002 = arith.index_cast %add3A_946 : i32 to index
        %swap3A_1003 = arith.constant 48 : index
        %swap3A_1004 = tpu.vector_load %arg10[%swap3A_1001, %swap3A_1002, %swap3A_1003] {strides = array<i32>} : memref<4x128x64xf32, #tpu.memory_space<vmem>>, vector<1x1x16xf32>,
        %swap3A_1005 = vector.shape_cast %swap3A_1004 : vector<1x1x16xf32> to vector<16xf32>
        %swap3A_1006 = vector.shape_cast %mul3A_999 : vector<16xf32> to vector<1x1x16xf32>
        tpu.vector_store %arg10[%swap3A_1001, %swap3A_1002, %swap3A_1003], %swap3A_1006 {strides = array<i32>} : memref<4x128x64xf32, #tpu.memory_space<vmem>>, vector<1x1x16xf32>,
        %slice3A_1007 = vector.extract_strided_slice %get3A_217 {offsets = [12], sizes = [1], strides = [1]} : vector<16xf32> to vector<1xf32>
        %squeeze3A_1008 = vector.extract %slice3A_1007[0] : f32 from vector<1xf32>
        %mul3A_1009 = arith.constant 16 : i32
        %mul3A_1010 = arith.muli %scan3A_210, %mul3A_1009 : i32
        %add3A_1011 = arith.constant 12 : i32
        %add3A_1012 = arith.addi %mul3A_1010, %add3A_1011 : i32
        %get3A_1013 = arith.constant 1 : i32
        %get3A_1014 = arith.index_cast %get3A_1013 : i32 to index
        %get3A_1015 = arith.index_cast %add3A_1012 : i32 to index
        %get3A_1016 = arith.constant 0 : index
        %get3A_1017 = tpu.vector_load %arg10[%get3A_1014, %get3A_1015, %get3A_1016] {strides = array<i32>} : memref<4x128x64xf32, #tpu.memory_space<vmem>>, vector<1x1x16xf32>,
        %get3A_1018 = vector.shape_cast %get3A_1017 : vector<1x1x16xf32> to vector<16xf32>
        %mul3A_1019 = vector.broadcast %squeeze3A_1008 : f32 to vector<16xf32>
        %mul3A_1020 = arith.mulf %get3A_1018, %mul3A_1019 : vector<16xf32>
        %swap3A_1021 = arith.constant 1 : i32
        %swap3A_1022 = arith.index_cast %swap3A_1021 : i32 to index
        %swap3A_1023 = arith.index_cast %add3A_1012 : i32 to index
        %swap3A_1024 = arith.constant 0 : index
        %swap3A_1025 = tpu.vector_load %arg10[%swap3A_1022, %swap3A_1023, %swap3A_1024] {strides = array<i32>} : memref<4x128x64xf32, #tpu.memory_space<vmem>>, vector<1x1x16xf32>,
        %swap3A_1026 = vector.shape_cast %swap3A_1025 : vector<1x1x16xf32> to vector<16xf32>
        %swap3A_1027 = vector.shape_cast %mul3A_1020 : vector<16xf32> to vector<1x1x16xf32>
        tpu.vector_store %arg10[%swap3A_1022, %swap3A_1023, %swap3A_1024], %swap3A_1027 {strides = array<i32>} : memref<4x128x64xf32, #tpu.memory_space<vmem>>, vector<1x1x16xf32>,
        %get3A_1028 = arith.constant 1 : i32
        %get3A_1029 = arith.index_cast %get3A_1028 : i32 to index
        %get3A_1030 = arith.index_cast %add3A_1012 : i32 to index
        %get3A_1031 = arith.constant 16 : index
        %get3A_1032 = tpu.vector_load %arg10[%get3A_1029, %get3A_1030, %get3A_1031] {strides = array<i32>} : memref<4x128x64xf32, #tpu.memory_space<vmem>>, vector<1x1x16xf32>,
        %get3A_1033 = vector.shape_cast %get3A_1032 : vector<1x1x16xf32> to vector<16xf32>
        %mul3A_1034 = vector.broadcast %squeeze3A_1008 : f32 to vector<16xf32>
        %mul3A_1035 = arith.mulf %get3A_1033, %mul3A_1034 : vector<16xf32>
        %swap3A_1036 = arith.constant 1 : i32
        %swap3A_1037 = arith.index_cast %swap3A_1036 : i32 to index
        %swap3A_1038 = arith.index_cast %add3A_1012 : i32 to index
        %swap3A_1039 = arith.constant 16 : index
        %swap3A_1040 = tpu.vector_load %arg10[%swap3A_1037, %swap3A_1038, %swap3A_1039] {strides = array<i32>} : memref<4x128x64xf32, #tpu.memory_space<vmem>>, vector<1x1x16xf32>,
        %swap3A_1041 = vector.shape_cast %swap3A_1040 : vector<1x1x16xf32> to vector<16xf32>
        %swap3A_1042 = vector.shape_cast %mul3A_1035 : vector<16xf32> to vector<1x1x16xf32>
        tpu.vector_store %arg10[%swap3A_1037, %swap3A_1038, %swap3A_1039], %swap3A_1042 {strides = array<i32>} : memref<4x128x64xf32, #tpu.memory_space<vmem>>, vector<1x1x16xf32>,
        %get3A_1043 = arith.constant 1 : i32
        %get3A_1044 = arith.index_cast %get3A_1043 : i32 to index
        %get3A_1045 = arith.index_cast %add3A_1012 : i32 to index
        %get3A_1046 = arith.constant 32 : index
        %get3A_1047 = tpu.vector_load %arg10[%get3A_1044, %get3A_1045, %get3A_1046] {strides = array<i32>} : memref<4x128x64xf32, #tpu.memory_space<vmem>>, vector<1x1x16xf32>,
        %get3A_1048 = vector.shape_cast %get3A_1047 : vector<1x1x16xf32> to vector<16xf32>
        %mul3A_1049 = vector.broadcast %squeeze3A_1008 : f32 to vector<16xf32>
        %mul3A_1050 = arith.mulf %get3A_1048, %mul3A_1049 : vector<16xf32>
        %swap3A_1051 = arith.constant 1 : i32
        %swap3A_1052 = arith.index_cast %swap3A_1051 : i32 to index
        %swap3A_1053 = arith.index_cast %add3A_1012 : i32 to index
        %swap3A_1054 = arith.constant 32 : index
        %swap3A_1055 = tpu.vector_load %arg10[%swap3A_1052, %swap3A_1053, %swap3A_1054] {strides = array<i32>} : memref<4x128x64xf32, #tpu.memory_space<vmem>>, vector<1x1x16xf32>,
        %swap3A_1056 = vector.shape_cast %swap3A_1055 : vector<1x1x16xf32> to vector<16xf32>
        %swap3A_1057 = vector.shape_cast %mul3A_1050 : vector<16xf32> to vector<1x1x16xf32>
        tpu.vector_store %arg10[%swap3A_1052, %swap3A_1053, %swap3A_1054], %swap3A_1057 {strides = array<i32>} : memref<4x128x64xf32, #tpu.memory_space<vmem>>, vector<1x1x16xf32>,
        %get3A_1058 = arith.constant 1 : i32
        %get3A_1059 = arith.index_cast %get3A_1058 : i32 to index
        %get3A_1060 = arith.index_cast %add3A_1012 : i32 to index
        %get3A_1061 = arith.constant 48 : index
        %get3A_1062 = tpu.vector_load %arg10[%get3A_1059, %get3A_1060, %get3A_1061] {strides = array<i32>} : memref<4x128x64xf32, #tpu.memory_space<vmem>>, vector<1x1x16xf32>,
        %get3A_1063 = vector.shape_cast %get3A_1062 : vector<1x1x16xf32> to vector<16xf32>
        %mul3A_1064 = vector.broadcast %squeeze3A_1008 : f32 to vector<16xf32>
        %mul3A_1065 = arith.mulf %get3A_1063, %mul3A_1064 : vector<16xf32>
        %swap3A_1066 = arith.constant 1 : i32
        %swap3A_1067 = arith.index_cast %swap3A_1066 : i32 to index
        %swap3A_1068 = arith.index_cast %add3A_1012 : i32 to index
        %swap3A_1069 = arith.constant 48 : index
        %swap3A_1070 = tpu.vector_load %arg10[%swap3A_1067, %swap3A_1068, %swap3A_1069] {strides = array<i32>} : memref<4x128x64xf32, #tpu.memory_space<vmem>>, vector<1x1x16xf32>,
        %swap3A_1071 = vector.shape_cast %swap3A_1070 : vector<1x1x16xf32> to vector<16xf32>
        %swap3A_1072 = vector.shape_cast %mul3A_1065 : vector<16xf32> to vector<1x1x16xf32>
        tpu.vector_store %arg10[%swap3A_1067, %swap3A_1068, %swap3A_1069], %swap3A_1072 {strides = array<i32>} : memref<4x128x64xf32, #tpu.memory_space<vmem>>, vector<1x1x16xf32>,
        %slice3A_1073 = vector.extract_strided_slice %get3A_217 {offsets = [13], sizes = [1], strides = [1]} : vector<16xf32> to vector<1xf32>
        %squeeze3A_1074 = vector.extract %slice3A_1073[0] : f32 from vector<1xf32>
        %mul3A_1075 = arith.constant 16 : i32
        %mul3A_1076 = arith.muli %scan3A_210, %mul3A_1075 : i32
        %add3A_1077 = arith.constant 13 : i32
        %add3A_1078 = arith.addi %mul3A_1076, %add3A_1077 : i32
        %get3A_1079 = arith.constant 1 : i32
        %get3A_1080 = arith.index_cast %get3A_1079 : i32 to index
        %get3A_1081 = arith.index_cast %add3A_1078 : i32 to index
        %get3A_1082 = arith.constant 0 : index
        %get3A_1083 = tpu.vector_load %arg10[%get3A_1080, %get3A_1081, %get3A_1082] {strides = array<i32>} : memref<4x128x64xf32, #tpu.memory_space<vmem>>, vector<1x1x16xf32>,
        %get3A_1084 = vector.shape_cast %get3A_1083 : vector<1x1x16xf32> to vector<16xf32>
        %mul3A_1085 = vector.broadcast %squeeze3A_1074 : f32 to vector<16xf32>
        %mul3A_1086 = arith.mulf %get3A_1084, %mul3A_1085 : vector<16xf32>
        %swap3A_1087 = arith.constant 1 : i32
        %swap3A_1088 = arith.index_cast %swap3A_1087 : i32 to index
        %swap3A_1089 = arith.index_cast %add3A_1078 : i32 to index
        %swap3A_1090 = arith.constant 0 : index
        %swap3A_1091 = tpu.vector_load %arg10[%swap3A_1088, %swap3A_1089, %swap3A_1090] {strides = array<i32>} : memref<4x128x64xf32, #tpu.memory_space<vmem>>, vector<1x1x16xf32>,
        %swap3A_1092 = vector.shape_cast %swap3A_1091 : vector<1x1x16xf32> to vector<16xf32>
        %swap3A_1093 = vector.shape_cast %mul3A_1086 : vector<16xf32> to vector<1x1x16xf32>
        tpu.vector_store %arg10[%swap3A_1088, %swap3A_1089, %swap3A_1090], %swap3A_1093 {strides = array<i32>} : memref<4x128x64xf32, #tpu.memory_space<vmem>>, vector<1x1x16xf32>,
        %get3A_1094 = arith.constant 1 : i32
        %get3A_1095 = arith.index_cast %get3A_1094 : i32 to index
        %get3A_1096 = arith.index_cast %add3A_1078 : i32 to index
        %get3A_1097 = arith.constant 16 : index
        %get3A_1098 = tpu.vector_load %arg10[%get3A_1095, %get3A_1096, %get3A_1097] {strides = array<i32>} : memref<4x128x64xf32, #tpu.memory_space<vmem>>, vector<1x1x16xf32>,
        %get3A_1099 = vector.shape_cast %get3A_1098 : vector<1x1x16xf32> to vector<16xf32>
        %mul3A_1100 = vector.broadcast %squeeze3A_1074 : f32 to vector<16xf32>
        %mul3A_1101 = arith.mulf %get3A_1099, %mul3A_1100 : vector<16xf32>
        %swap3A_1102 = arith.constant 1 : i32
        %swap3A_1103 = arith.index_cast %swap3A_1102 : i32 to index
        %swap3A_1104 = arith.index_cast %add3A_1078 : i32 to index
        %swap3A_1105 = arith.constant 16 : index
        %swap3A_1106 = tpu.vector_load %arg10[%swap3A_1103, %swap3A_1104, %swap3A_1105] {strides = array<i32>} : memref<4x128x64xf32, #tpu.memory_space<vmem>>, vector<1x1x16xf32>,
        %swap3A_1107 = vector.shape_cast %swap3A_1106 : vector<1x1x16xf32> to vector<16xf32>
        %swap3A_1108 = vector.shape_cast %mul3A_1101 : vector<16xf32> to vector<1x1x16xf32>
        tpu.vector_store %arg10[%swap3A_1103, %swap3A_1104, %swap3A_1105], %swap3A_1108 {strides = array<i32>} : memref<4x128x64xf32, #tpu.memory_space<vmem>>, vector<1x1x16xf32>,
        %get3A_1109 = arith.constant 1 : i32
        %get3A_1110 = arith.index_cast %get3A_1109 : i32 to index
        %get3A_1111 = arith.index_cast %add3A_1078 : i32 to index
        %get3A_1112 = arith.constant 32 : index
        %get3A_1113 = tpu.vector_load %arg10[%get3A_1110, %get3A_1111, %get3A_1112] {strides = array<i32>} : memref<4x128x64xf32, #tpu.memory_space<vmem>>, vector<1x1x16xf32>,
        %get3A_1114 = vector.shape_cast %get3A_1113 : vector<1x1x16xf32> to vector<16xf32>
        %mul3A_1115 = vector.broadcast %squeeze3A_1074 : f32 to vector<16xf32>
        %mul3A_1116 = arith.mulf %get3A_1114, %mul3A_1115 : vector<16xf32>
        %swap3A_1117 = arith.constant 1 : i32
        %swap3A_1118 = arith.index_cast %swap3A_1117 : i32 to index
        %swap3A_1119 = arith.index_cast %add3A_1078 : i32 to index
        %swap3A_1120 = arith.constant 32 : index
        %swap3A_1121 = tpu.vector_load %arg10[%swap3A_1118, %swap3A_1119, %swap3A_1120] {strides = array<i32>} : memref<4x128x64xf32, #tpu.memory_space<vmem>>, vector<1x1x16xf32>,
        %swap3A_1122 = vector.shape_cast %swap3A_1121 : vector<1x1x16xf32> to vector<16xf32>
        %swap3A_1123 = vector.shape_cast %mul3A_1116 : vector<16xf32> to vector<1x1x16xf32>
        tpu.vector_store %arg10[%swap3A_1118, %swap3A_1119, %swap3A_1120], %swap3A_1123 {strides = array<i32>} : memref<4x128x64xf32, #tpu.memory_space<vmem>>, vector<1x1x16xf32>,
        %get3A_1124 = arith.constant 1 : i32
        %get3A_1125 = arith.index_cast %get3A_1124 : i32 to index
        %get3A_1126 = arith.index_cast %add3A_1078 : i32 to index
        %get3A_1127 = arith.constant 48 : index
        %get3A_1128 = tpu.vector_load %arg10[%get3A_1125, %get3A_1126, %get3A_1127] {strides = array<i32>} : memref<4x128x64xf32, #tpu.memory_space<vmem>>, vector<1x1x16xf32>,
        %get3A_1129 = vector.shape_cast %get3A_1128 : vector<1x1x16xf32> to vector<16xf32>
        %mul3A_1130 = vector.broadcast %squeeze3A_1074 : f32 to vector<16xf32>
        %mul3A_1131 = arith.mulf %get3A_1129, %mul3A_1130 : vector<16xf32>
        %swap3A_1132 = arith.constant 1 : i32
        %swap3A_1133 = arith.index_cast %swap3A_1132 : i32 to index
        %swap3A_1134 = arith.index_cast %add3A_1078 : i32 to index
        %swap3A_1135 = arith.constant 48 : index
        %swap3A_1136 = tpu.vector_load %arg10[%swap3A_1133, %swap3A_1134, %swap3A_1135] {strides = array<i32>} : memref<4x128x64xf32, #tpu.memory_space<vmem>>, vector<1x1x16xf32>,
        %swap3A_1137 = vector.shape_cast %swap3A_1136 : vector<1x1x16xf32> to vector<16xf32>
        %swap3A_1138 = vector.shape_cast %mul3A_1131 : vector<16xf32> to vector<1x1x16xf32>
        tpu.vector_store %arg10[%swap3A_1133, %swap3A_1134, %swap3A_1135], %swap3A_1138 {strides = array<i32>} : memref<4x128x64xf32, #tpu.memory_space<vmem>>, vector<1x1x16xf32>,
        %slice3A_1139 = vector.extract_strided_slice %get3A_217 {offsets = [14], sizes = [1], strides = [1]} : vector<16xf32> to vector<1xf32>
        %squeeze3A_1140 = vector.extract %slice3A_1139[0] : f32 from vector<1xf32>
        %mul3A_1141 = arith.constant 16 : i32
        %mul3A_1142 = arith.muli %scan3A_210, %mul3A_1141 : i32
        %add3A_1143 = arith.constant 14 : i32
        %add3A_1144 = arith.addi %mul3A_1142, %add3A_1143 : i32
        %get3A_1145 = arith.constant 1 : i32
        %get3A_1146 = arith.index_cast %get3A_1145 : i32 to index
        %get3A_1147 = arith.index_cast %add3A_1144 : i32 to index
        %get3A_1148 = arith.constant 0 : index
        %get3A_1149 = tpu.vector_load %arg10[%get3A_1146, %get3A_1147, %get3A_1148] {strides = array<i32>} : memref<4x128x64xf32, #tpu.memory_space<vmem>>, vector<1x1x16xf32>,
        %get3A_1150 = vector.shape_cast %get3A_1149 : vector<1x1x16xf32> to vector<16xf32>
        %mul3A_1151 = vector.broadcast %squeeze3A_1140 : f32 to vector<16xf32>
        %mul3A_1152 = arith.mulf %get3A_1150, %mul3A_1151 : vector<16xf32>
        %swap3A_1153 = arith.constant 1 : i32
        %swap3A_1154 = arith.index_cast %swap3A_1153 : i32 to index
        %swap3A_1155 = arith.index_cast %add3A_1144 : i32 to index
        %swap3A_1156 = arith.constant 0 : index
        %swap3A_1157 = tpu.vector_load %arg10[%swap3A_1154, %swap3A_1155, %swap3A_1156] {strides = array<i32>} : memref<4x128x64xf32, #tpu.memory_space<vmem>>, vector<1x1x16xf32>,
        %swap3A_1158 = vector.shape_cast %swap3A_1157 : vector<1x1x16xf32> to vector<16xf32>
        %swap3A_1159 = vector.shape_cast %mul3A_1152 : vector<16xf32> to vector<1x1x16xf32>
        tpu.vector_store %arg10[%swap3A_1154, %swap3A_1155, %swap3A_1156], %swap3A_1159 {strides = array<i32>} : memref<4x128x64xf32, #tpu.memory_space<vmem>>, vector<1x1x16xf32>,
        %get3A_1160 = arith.constant 1 : i32
        %get3A_1161 = arith.index_cast %get3A_1160 : i32 to index
        %get3A_1162 = arith.index_cast %add3A_1144 : i32 to index
        %get3A_1163 = arith.constant 16 : index
        %get3A_1164 = tpu.vector_load %arg10[%get3A_1161, %get3A_1162, %get3A_1163] {strides = array<i32>} : memref<4x128x64xf32, #tpu.memory_space<vmem>>, vector<1x1x16xf32>,
        %get3A_1165 = vector.shape_cast %get3A_1164 : vector<1x1x16xf32> to vector<16xf32>
        %mul3A_1166 = vector.broadcast %squeeze3A_1140 : f32 to vector<16xf32>
        %mul3A_1167 = arith.mulf %get3A_1165, %mul3A_1166 : vector<16xf32>
        %swap3A_1168 = arith.constant 1 : i32
        %swap3A_1169 = arith.index_cast %swap3A_1168 : i32 to index
        %swap3A_1170 = arith.index_cast %add3A_1144 : i32 to index
        %swap3A_1171 = arith.constant 16 : index
        %swap3A_1172 = tpu.vector_load %arg10[%swap3A_1169, %swap3A_1170, %swap3A_1171] {strides = array<i32>} : memref<4x128x64xf32, #tpu.memory_space<vmem>>, vector<1x1x16xf32>,
        %swap3A_1173 = vector.shape_cast %swap3A_1172 : vector<1x1x16xf32> to vector<16xf32>
        %swap3A_1174 = vector.shape_cast %mul3A_1167 : vector<16xf32> to vector<1x1x16xf32>
        tpu.vector_store %arg10[%swap3A_1169, %swap3A_1170, %swap3A_1171], %swap3A_1174 {strides = array<i32>} : memref<4x128x64xf32, #tpu.memory_space<vmem>>, vector<1x1x16xf32>,
        %get3A_1175 = arith.constant 1 : i32
        %get3A_1176 = arith.index_cast %get3A_1175 : i32 to index
        %get3A_1177 = arith.index_cast %add3A_1144 : i32 to index
        %get3A_1178 = arith.constant 32 : index
        %get3A_1179 = tpu.vector_load %arg10[%get3A_1176, %get3A_1177, %get3A_1178] {strides = array<i32>} : memref<4x128x64xf32, #tpu.memory_space<vmem>>, vector<1x1x16xf32>,
        %get3A_1180 = vector.shape_cast %get3A_1179 : vector<1x1x16xf32> to vector<16xf32>
        %mul3A_1181 = vector.broadcast %squeeze3A_1140 : f32 to vector<16xf32>
        %mul3A_1182 = arith.mulf %get3A_1180, %mul3A_1181 : vector<16xf32>
        %swap3A_1183 = arith.constant 1 : i32
        %swap3A_1184 = arith.index_cast %swap3A_1183 : i32 to index
        %swap3A_1185 = arith.index_cast %add3A_1144 : i32 to index
        %swap3A_1186 = arith.constant 32 : index
        %swap3A_1187 = tpu.vector_load %arg10[%swap3A_1184, %swap3A_1185, %swap3A_1186] {strides = array<i32>} : memref<4x128x64xf32, #tpu.memory_space<vmem>>, vector<1x1x16xf32>,
        %swap3A_1188 = vector.shape_cast %swap3A_1187 : vector<1x1x16xf32> to vector<16xf32>
        %swap3A_1189 = vector.shape_cast %mul3A_1182 : vector<16xf32> to vector<1x1x16xf32>
        tpu.vector_store %arg10[%swap3A_1184, %swap3A_1185, %swap3A_1186], %swap3A_1189 {strides = array<i32>} : memref<4x128x64xf32, #tpu.memory_space<vmem>>, vector<1x1x16xf32>,
        %get3A_1190 = arith.constant 1 : i32
        %get3A_1191 = arith.index_cast %get3A_1190 : i32 to index
        %get3A_1192 = arith.index_cast %add3A_1144 : i32 to index
        %get3A_1193 = arith.constant 48 : index
        %get3A_1194 = tpu.vector_load %arg10[%get3A_1191, %get3A_1192, %get3A_1193] {strides = array<i32>} : memref<4x128x64xf32, #tpu.memory_space<vmem>>, vector<1x1x16xf32>,
        %get3A_1195 = vector.shape_cast %get3A_1194 : vector<1x1x16xf32> to vector<16xf32>
        %mul3A_1196 = vector.broadcast %squeeze3A_1140 : f32 to vector<16xf32>
        %mul3A_1197 = arith.mulf %get3A_1195, %mul3A_1196 : vector<16xf32>
        %swap3A_1198 = arith.constant 1 : i32
        %swap3A_1199 = arith.index_cast %swap3A_1198 : i32 to index
        %swap3A_1200 = arith.index_cast %add3A_1144 : i32 to index
        %swap3A_1201 = arith.constant 48 : index
        %swap3A_1202 = tpu.vector_load %arg10[%swap3A_1199, %swap3A_1200, %swap3A_1201] {strides = array<i32>} : memref<4x128x64xf32, #tpu.memory_space<vmem>>, vector<1x1x16xf32>,
        %swap3A_1203 = vector.shape_cast %swap3A_1202 : vector<1x1x16xf32> to vector<16xf32>
        %swap3A_1204 = vector.shape_cast %mul3A_1197 : vector<16xf32> to vector<1x1x16xf32>
        tpu.vector_store %arg10[%swap3A_1199, %swap3A_1200, %swap3A_1201], %swap3A_1204 {strides = array<i32>} : memref<4x128x64xf32, #tpu.memory_space<vmem>>, vector<1x1x16xf32>,
        %slice3A_1205 = vector.extract_strided_slice %get3A_217 {offsets = [15], sizes = [1], strides = [1]} : vector<16xf32> to vector<1xf32>
        %squeeze3A_1206 = vector.extract %slice3A_1205[0] : f32 from vector<1xf32>
        %mul3A_1207 = arith.constant 16 : i32
        %mul3A_1208 = arith.muli %scan3A_210, %mul3A_1207 : i32
        %add3A_1209 = arith.constant 15 : i32
        %add3A_1210 = arith.addi %mul3A_1208, %add3A_1209 : i32
        %get3A_1211 = arith.constant 1 : i32
        %get3A_1212 = arith.index_cast %get3A_1211 : i32 to index
        %get3A_1213 = arith.index_cast %add3A_1210 : i32 to index
        %get3A_1214 = arith.constant 0 : index
        %get3A_1215 = tpu.vector_load %arg10[%get3A_1212, %get3A_1213, %get3A_1214] {strides = array<i32>} : memref<4x128x64xf32, #tpu.memory_space<vmem>>, vector<1x1x16xf32>,
        %get3A_1216 = vector.shape_cast %get3A_1215 : vector<1x1x16xf32> to vector<16xf32>
        %mul3A_1217 = vector.broadcast %squeeze3A_1206 : f32 to vector<16xf32>
        %mul3A_1218 = arith.mulf %get3A_1216, %mul3A_1217 : vector<16xf32>
        %swap3A_1219 = arith.constant 1 : i32
        %swap3A_1220 = arith.index_cast %swap3A_1219 : i32 to index
        %swap3A_1221 = arith.index_cast %add3A_1210 : i32 to index
        %swap3A_1222 = arith.constant 0 : index
        %swap3A_1223 = tpu.vector_load %arg10[%swap3A_1220, %swap3A_1221, %swap3A_1222] {strides = array<i32>} : memref<4x128x64xf32, #tpu.memory_space<vmem>>, vector<1x1x16xf32>,
        %swap3A_1224 = vector.shape_cast %swap3A_1223 : vector<1x1x16xf32> to vector<16xf32>
        %swap3A_1225 = vector.shape_cast %mul3A_1218 : vector<16xf32> to vector<1x1x16xf32>
        tpu.vector_store %arg10[%swap3A_1220, %swap3A_1221, %swap3A_1222], %swap3A_1225 {strides = array<i32>} : memref<4x128x64xf32, #tpu.memory_space<vmem>>, vector<1x1x16xf32>,
        %get3A_1226 = arith.constant 1 : i32
        %get3A_1227 = arith.index_cast %get3A_1226 : i32 to index
        %get3A_1228 = arith.index_cast %add3A_1210 : i32 to index
        %get3A_1229 = arith.constant 16 : index
        %get3A_1230 = tpu.vector_load %arg10[%get3A_1227, %get3A_1228, %get3A_1229] {strides = array<i32>} : memref<4x128x64xf32, #tpu.memory_space<vmem>>, vector<1x1x16xf32>,
        %get3A_1231 = vector.shape_cast %get3A_1230 : vector<1x1x16xf32> to vector<16xf32>
        %mul3A_1232 = vector.broadcast %squeeze3A_1206 : f32 to vector<16xf32>
        %mul3A_1233 = arith.mulf %get3A_1231, %mul3A_1232 : vector<16xf32>
        %swap3A_1234 = arith.constant 1 : i32
        %swap3A_1235 = arith.index_cast %swap3A_1234 : i32 to index
        %swap3A_1236 = arith.index_cast %add3A_1210 : i32 to index
        %swap3A_1237 = arith.constant 16 : index
        %swap3A_1238 = tpu.vector_load %arg10[%swap3A_1235, %swap3A_1236, %swap3A_1237] {strides = array<i32>} : memref<4x128x64xf32, #tpu.memory_space<vmem>>, vector<1x1x16xf32>,
        %swap3A_1239 = vector.shape_cast %swap3A_1238 : vector<1x1x16xf32> to vector<16xf32>
        %swap3A_1240 = vector.shape_cast %mul3A_1233 : vector<16xf32> to vector<1x1x16xf32>
        tpu.vector_store %arg10[%swap3A_1235, %swap3A_1236, %swap3A_1237], %swap3A_1240 {strides = array<i32>} : memref<4x128x64xf32, #tpu.memory_space<vmem>>, vector<1x1x16xf32>,
        %get3A_1241 = arith.constant 1 : i32
        %get3A_1242 = arith.index_cast %get3A_1241 : i32 to index
        %get3A_1243 = arith.index_cast %add3A_1210 : i32 to index
        %get3A_1244 = arith.constant 32 : index
        %get3A_1245 = tpu.vector_load %arg10[%get3A_1242, %get3A_1243, %get3A_1244] {strides = array<i32>} : memref<4x128x64xf32, #tpu.memory_space<vmem>>, vector<1x1x16xf32>,
        %get3A_1246 = vector.shape_cast %get3A_1245 : vector<1x1x16xf32> to vector<16xf32>
        %mul3A_1247 = vector.broadcast %squeeze3A_1206 : f32 to vector<16xf32>
        %mul3A_1248 = arith.mulf %get3A_1246, %mul3A_1247 : vector<16xf32>
        %swap3A_1249 = arith.constant 1 : i32
        %swap3A_1250 = arith.index_cast %swap3A_1249 : i32 to index
        %swap3A_1251 = arith.index_cast %add3A_1210 : i32 to index
        %swap3A_1252 = arith.constant 32 : index
        %swap3A_1253 = tpu.vector_load %arg10[%swap3A_1250, %swap3A_1251, %swap3A_1252] {strides = array<i32>} : memref<4x128x64xf32, #tpu.memory_space<vmem>>, vector<1x1x16xf32>,
        %swap3A_1254 = vector.shape_cast %swap3A_1253 : vector<1x1x16xf32> to vector<16xf32>
        %swap3A_1255 = vector.shape_cast %mul3A_1248 : vector<16xf32> to vector<1x1x16xf32>
        tpu.vector_store %arg10[%swap3A_1250, %swap3A_1251, %swap3A_1252], %swap3A_1255 {strides = array<i32>} : memref<4x128x64xf32, #tpu.memory_space<vmem>>, vector<1x1x16xf32>,
        %get3A_1256 = arith.constant 1 : i32
        %get3A_1257 = arith.index_cast %get3A_1256 : i32 to index
        %get3A_1258 = arith.index_cast %add3A_1210 : i32 to index
        %get3A_1259 = arith.constant 48 : index
        %get3A_1260 = tpu.vector_load %arg10[%get3A_1257, %get3A_1258, %get3A_1259] {strides = array<i32>} : memref<4x128x64xf32, #tpu.memory_space<vmem>>, vector<1x1x16xf32>,
        %get3A_1261 = vector.shape_cast %get3A_1260 : vector<1x1x16xf32> to vector<16xf32>
        %mul3A_1262 = vector.broadcast %squeeze3A_1206 : f32 to vector<16xf32>
        %mul3A_1263 = arith.mulf %get3A_1261, %mul3A_1262 : vector<16xf32>
        %swap3A_1264 = arith.constant 1 : i32
        %swap3A_1265 = arith.index_cast %swap3A_1264 : i32 to index
        %swap3A_1266 = arith.index_cast %add3A_1210 : i32 to index
        %swap3A_1267 = arith.constant 48 : index
        %swap3A_1268 = tpu.vector_load %arg10[%swap3A_1265, %swap3A_1266, %swap3A_1267] {strides = array<i32>} : memref<4x128x64xf32, #tpu.memory_space<vmem>>, vector<1x1x16xf32>,
        %swap3A_1269 = vector.shape_cast %swap3A_1268 : vector<1x1x16xf32> to vector<16xf32>
        %swap3A_1270 = vector.shape_cast %mul3A_1263 : vector<16xf32> to vector<1x1x16xf32>
        tpu.vector_store %arg10[%swap3A_1265, %swap3A_1266, %swap3A_1267], %swap3A_1270 {strides = array<i32>} : memref<4x128x64xf32, #tpu.memory_space<vmem>>, vector<1x1x16xf32>,
        %scan3A_1271 = arith.constant 0 : i32
        scf.yield %scan3A_1271 : i32
      }
      %scan3A_187 = arith.constant 8 : i32
      %scan3A_188 = arith.constant 0 : i32
      %scan3A_189 = arith.constant 0 : i32
      %scan3A_190 = arith.constant 8 : i32
      %scan3A_191 = arith.addi %scan3A_189, %scan3A_190 : i32
      %scan3A_192 = arith.constant 1 : i32
      %scan3A_193 = scf.for %scan3A_210 = %scan3A_189 to %scan3A_191 step %scan3A_192 iter_args(%scan3A_211 = %scan3A_188) -> (i32)  : i32 {
        %mul3A_212 = arith.constant 16 : i32
        %mul3A_213 = arith.muli %scan3A_210, %mul3A_212 : i32
        %get3A = arith.constant 2 : i32
        %get3A_214 = arith.index_cast %get3A : i32 to index
        %get3A_215 = arith.index_cast %mul3A_213 : i32 to index
        %get3A_216 = tpu.vector_load %arg9[%get3A_214, %get3A_215] {strides = array<i32>} : memref<4x128xf32, #tpu.memory_space<vmem>>, vector<1x16xf32>,
        %get3A_217 = vector.shape_cast %get3A_216 : vector<1x16xf32> to vector<16xf32>
        %slice3A = vector.extract_strided_slice %get3A_217 {offsets = [0], sizes = [1], strides = [1]} : vector<16xf32> to vector<1xf32>
        %squeeze3A = vector.extract %slice3A[0] : f32 from vector<1xf32>
        %mul3A_218 = arith.constant 16 : i32
        %mul3A_219 = arith.muli %scan3A_210, %mul3A_218 : i32
        %add3A_220 = arith.constant 0 : i32
        %add3A_221 = arith.addi %mul3A_219, %add3A_220 : i32
        %get3A_222 = arith.constant 2 : i32
        %get3A_223 = arith.index_cast %get3A_222 : i32 to index
        %get3A_224 = arith.index_cast %add3A_221 : i32 to index
        %get3A_225 = arith.constant 0 : index
        %get3A_226 = tpu.vector_load %arg10[%get3A_223, %get3A_224, %get3A_225] {strides = array<i32>} : memref<4x128x64xf32, #tpu.memory_space<vmem>>, vector<1x1x16xf32>,
        %get3A_227 = vector.shape_cast %get3A_226 : vector<1x1x16xf32> to vector<16xf32>
        %mul3A_228 = vector.broadcast %squeeze3A : f32 to vector<16xf32>
        %mul3A_229 = arith.mulf %get3A_227, %mul3A_228 : vector<16xf32>
        %swap3A = arith.constant 2 : i32
        %swap3A_230 = arith.index_cast %swap3A : i32 to index
        %swap3A_231 = arith.index_cast %add3A_221 : i32 to index
        %swap3A_232 = arith.constant 0 : index
        %swap3A_233 = tpu.vector_load %arg10[%swap3A_230, %swap3A_231, %swap3A_232] {strides = array<i32>} : memref<4x128x64xf32, #tpu.memory_space<vmem>>, vector<1x1x16xf32>,
        %swap3A_234 = vector.shape_cast %swap3A_233 : vector<1x1x16xf32> to vector<16xf32>
        %swap3A_235 = vector.shape_cast %mul3A_229 : vector<16xf32> to vector<1x1x16xf32>
        tpu.vector_store %arg10[%swap3A_230, %swap3A_231, %swap3A_232], %swap3A_235 {strides = array<i32>} : memref<4x128x64xf32, #tpu.memory_space<vmem>>, vector<1x1x16xf32>,
        %get3A_236 = arith.constant 2 : i32
        %get3A_237 = arith.index_cast %get3A_236 : i32 to index
        %get3A_238 = arith.index_cast %add3A_221 : i32 to index
        %get3A_239 = arith.constant 16 : index
        %get3A_240 = tpu.vector_load %arg10[%get3A_237, %get3A_238, %get3A_239] {strides = array<i32>} : memref<4x128x64xf32, #tpu.memory_space<vmem>>, vector<1x1x16xf32>,
        %get3A_241 = vector.shape_cast %get3A_240 : vector<1x1x16xf32> to vector<16xf32>
        %mul3A_242 = vector.broadcast %squeeze3A : f32 to vector<16xf32>
        %mul3A_243 = arith.mulf %get3A_241, %mul3A_242 : vector<16xf32>
        %swap3A_244 = arith.constant 2 : i32
        %swap3A_245 = arith.index_cast %swap3A_244 : i32 to index
        %swap3A_246 = arith.index_cast %add3A_221 : i32 to index
        %swap3A_247 = arith.constant 16 : index
        %swap3A_248 = tpu.vector_load %arg10[%swap3A_245, %swap3A_246, %swap3A_247] {strides = array<i32>} : memref<4x128x64xf32, #tpu.memory_space<vmem>>, vector<1x1x16xf32>,
        %swap3A_249 = vector.shape_cast %swap3A_248 : vector<1x1x16xf32> to vector<16xf32>
        %swap3A_250 = vector.shape_cast %mul3A_243 : vector<16xf32> to vector<1x1x16xf32>
        tpu.vector_store %arg10[%swap3A_245, %swap3A_246, %swap3A_247], %swap3A_250 {strides = array<i32>} : memref<4x128x64xf32, #tpu.memory_space<vmem>>, vector<1x1x16xf32>,
        %get3A_251 = arith.constant 2 : i32
        %get3A_252 = arith.index_cast %get3A_251 : i32 to index
        %get3A_253 = arith.index_cast %add3A_221 : i32 to index
        %get3A_254 = arith.constant 32 : index
        %get3A_255 = tpu.vector_load %arg10[%get3A_252, %get3A_253, %get3A_254] {strides = array<i32>} : memref<4x128x64xf32, #tpu.memory_space<vmem>>, vector<1x1x16xf32>,
        %get3A_256 = vector.shape_cast %get3A_255 : vector<1x1x16xf32> to vector<16xf32>
        %mul3A_257 = vector.broadcast %squeeze3A : f32 to vector<16xf32>
        %mul3A_258 = arith.mulf %get3A_256, %mul3A_257 : vector<16xf32>
        %swap3A_259 = arith.constant 2 : i32
        %swap3A_260 = arith.index_cast %swap3A_259 : i32 to index
        %swap3A_261 = arith.index_cast %add3A_221 : i32 to index
        %swap3A_262 = arith.constant 32 : index
        %swap3A_263 = tpu.vector_load %arg10[%swap3A_260, %swap3A_261, %swap3A_262] {strides = array<i32>} : memref<4x128x64xf32, #tpu.memory_space<vmem>>, vector<1x1x16xf32>,
        %swap3A_264 = vector.shape_cast %swap3A_263 : vector<1x1x16xf32> to vector<16xf32>
        %swap3A_265 = vector.shape_cast %mul3A_258 : vector<16xf32> to vector<1x1x16xf32>
        tpu.vector_store %arg10[%swap3A_260, %swap3A_261, %swap3A_262], %swap3A_265 {strides = array<i32>} : memref<4x128x64xf32, #tpu.memory_space<vmem>>, vector<1x1x16xf32>,
        %get3A_266 = arith.constant 2 : i32
        %get3A_267 = arith.index_cast %get3A_266 : i32 to index
        %get3A_268 = arith.index_cast %add3A_221 : i32 to index
        %get3A_269 = arith.constant 48 : index
        %get3A_270 = tpu.vector_load %arg10[%get3A_267, %get3A_268, %get3A_269] {strides = array<i32>} : memref<4x128x64xf32, #tpu.memory_space<vmem>>, vector<1x1x16xf32>,
        %get3A_271 = vector.shape_cast %get3A_270 : vector<1x1x16xf32> to vector<16xf32>
        %mul3A_272 = vector.broadcast %squeeze3A : f32 to vector<16xf32>
        %mul3A_273 = arith.mulf %get3A_271, %mul3A_272 : vector<16xf32>
        %swap3A_274 = arith.constant 2 : i32
        %swap3A_275 = arith.index_cast %swap3A_274 : i32 to index
        %swap3A_276 = arith.index_cast %add3A_221 : i32 to index
        %swap3A_277 = arith.constant 48 : index
        %swap3A_278 = tpu.vector_load %arg10[%swap3A_275, %swap3A_276, %swap3A_277] {strides = array<i32>} : memref<4x128x64xf32, #tpu.memory_space<vmem>>, vector<1x1x16xf32>,
        %swap3A_279 = vector.shape_cast %swap3A_278 : vector<1x1x16xf32> to vector<16xf32>
        %swap3A_280 = vector.shape_cast %mul3A_273 : vector<16xf32> to vector<1x1x16xf32>
        tpu.vector_store %arg10[%swap3A_275, %swap3A_276, %swap3A_277], %swap3A_280 {strides = array<i32>} : memref<4x128x64xf32, #tpu.memory_space<vmem>>, vector<1x1x16xf32>,
        %slice3A_281 = vector.extract_strided_slice %get3A_217 {offsets = [1], sizes = [1], strides = [1]} : vector<16xf32> to vector<1xf32>
        %squeeze3A_282 = vector.extract %slice3A_281[0] : f32 from vector<1xf32>
        %mul3A_283 = arith.constant 16 : i32
        %mul3A_284 = arith.muli %scan3A_210, %mul3A_283 : i32
        %add3A_285 = arith.constant 1 : i32
        %add3A_286 = arith.addi %mul3A_284, %add3A_285 : i32
        %get3A_287 = arith.constant 2 : i32
        %get3A_288 = arith.index_cast %get3A_287 : i32 to index
        %get3A_289 = arith.index_cast %add3A_286 : i32 to index
        %get3A_290 = arith.constant 0 : index
        %get3A_291 = tpu.vector_load %arg10[%get3A_288, %get3A_289, %get3A_290] {strides = array<i32>} : memref<4x128x64xf32, #tpu.memory_space<vmem>>, vector<1x1x16xf32>,
        %get3A_292 = vector.shape_cast %get3A_291 : vector<1x1x16xf32> to vector<16xf32>
        %mul3A_293 = vector.broadcast %squeeze3A_282 : f32 to vector<16xf32>
        %mul3A_294 = arith.mulf %get3A_292, %mul3A_293 : vector<16xf32>
        %swap3A_295 = arith.constant 2 : i32
        %swap3A_296 = arith.index_cast %swap3A_295 : i32 to index
        %swap3A_297 = arith.index_cast %add3A_286 : i32 to index
        %swap3A_298 = arith.constant 0 : index
        %swap3A_299 = tpu.vector_load %arg10[%swap3A_296, %swap3A_297, %swap3A_298] {strides = array<i32>} : memref<4x128x64xf32, #tpu.memory_space<vmem>>, vector<1x1x16xf32>,
        %swap3A_300 = vector.shape_cast %swap3A_299 : vector<1x1x16xf32> to vector<16xf32>
        %swap3A_301 = vector.shape_cast %mul3A_294 : vector<16xf32> to vector<1x1x16xf32>
        tpu.vector_store %arg10[%swap3A_296, %swap3A_297, %swap3A_298], %swap3A_301 {strides = array<i32>} : memref<4x128x64xf32, #tpu.memory_space<vmem>>, vector<1x1x16xf32>,
        %get3A_302 = arith.constant 2 : i32
        %get3A_303 = arith.index_cast %get3A_302 : i32 to index
        %get3A_304 = arith.index_cast %add3A_286 : i32 to index
        %get3A_305 = arith.constant 16 : index
        %get3A_306 = tpu.vector_load %arg10[%get3A_303, %get3A_304, %get3A_305] {strides = array<i32>} : memref<4x128x64xf32, #tpu.memory_space<vmem>>, vector<1x1x16xf32>,
        %get3A_307 = vector.shape_cast %get3A_306 : vector<1x1x16xf32> to vector<16xf32>
        %mul3A_308 = vector.broadcast %squeeze3A_282 : f32 to vector<16xf32>
        %mul3A_309 = arith.mulf %get3A_307, %mul3A_308 : vector<16xf32>
        %swap3A_310 = arith.constant 2 : i32
        %swap3A_311 = arith.index_cast %swap3A_310 : i32 to index
        %swap3A_312 = arith.index_cast %add3A_286 : i32 to index
        %swap3A_313 = arith.constant 16 : index
        %swap3A_314 = tpu.vector_load %arg10[%swap3A_311, %swap3A_312, %swap3A_313] {strides = array<i32>} : memref<4x128x64xf32, #tpu.memory_space<vmem>>, vector<1x1x16xf32>,
        %swap3A_315 = vector.shape_cast %swap3A_314 : vector<1x1x16xf32> to vector<16xf32>
        %swap3A_316 = vector.shape_cast %mul3A_309 : vector<16xf32> to vector<1x1x16xf32>
        tpu.vector_store %arg10[%swap3A_311, %swap3A_312, %swap3A_313], %swap3A_316 {strides = array<i32>} : memref<4x128x64xf32, #tpu.memory_space<vmem>>, vector<1x1x16xf32>,
        %get3A_317 = arith.constant 2 : i32
        %get3A_318 = arith.index_cast %get3A_317 : i32 to index
        %get3A_319 = arith.index_cast %add3A_286 : i32 to index
        %get3A_320 = arith.constant 32 : index
        %get3A_321 = tpu.vector_load %arg10[%get3A_318, %get3A_319, %get3A_320] {strides = array<i32>} : memref<4x128x64xf32, #tpu.memory_space<vmem>>, vector<1x1x16xf32>,
        %get3A_322 = vector.shape_cast %get3A_321 : vector<1x1x16xf32> to vector<16xf32>
        %mul3A_323 = vector.broadcast %squeeze3A_282 : f32 to vector<16xf32>
        %mul3A_324 = arith.mulf %get3A_322, %mul3A_323 : vector<16xf32>
        %swap3A_325 = arith.constant 2 : i32
        %swap3A_326 = arith.index_cast %swap3A_325 : i32 to index
        %swap3A_327 = arith.index_cast %add3A_286 : i32 to index
        %swap3A_328 = arith.constant 32 : index
        %swap3A_329 = tpu.vector_load %arg10[%swap3A_326, %swap3A_327, %swap3A_328] {strides = array<i32>} : memref<4x128x64xf32, #tpu.memory_space<vmem>>, vector<1x1x16xf32>,
        %swap3A_330 = vector.shape_cast %swap3A_329 : vector<1x1x16xf32> to vector<16xf32>
        %swap3A_331 = vector.shape_cast %mul3A_324 : vector<16xf32> to vector<1x1x16xf32>
        tpu.vector_store %arg10[%swap3A_326, %swap3A_327, %swap3A_328], %swap3A_331 {strides = array<i32>} : memref<4x128x64xf32, #tpu.memory_space<vmem>>, vector<1x1x16xf32>,
        %get3A_332 = arith.constant 2 : i32
        %get3A_333 = arith.index_cast %get3A_332 : i32 to index
        %get3A_334 = arith.index_cast %add3A_286 : i32 to index
        %get3A_335 = arith.constant 48 : index
        %get3A_336 = tpu.vector_load %arg10[%get3A_333, %get3A_334, %get3A_335] {strides = array<i32>} : memref<4x128x64xf32, #tpu.memory_space<vmem>>, vector<1x1x16xf32>,
        %get3A_337 = vector.shape_cast %get3A_336 : vector<1x1x16xf32> to vector<16xf32>
        %mul3A_338 = vector.broadcast %squeeze3A_282 : f32 to vector<16xf32>
        %mul3A_339 = arith.mulf %get3A_337, %mul3A_338 : vector<16xf32>
        %swap3A_340 = arith.constant 2 : i32
        %swap3A_341 = arith.index_cast %swap3A_340 : i32 to index
        %swap3A_342 = arith.index_cast %add3A_286 : i32 to index
        %swap3A_343 = arith.constant 48 : index
        %swap3A_344 = tpu.vector_load %arg10[%swap3A_341, %swap3A_342, %swap3A_343] {strides = array<i32>} : memref<4x128x64xf32, #tpu.memory_space<vmem>>, vector<1x1x16xf32>,
        %swap3A_345 = vector.shape_cast %swap3A_344 : vector<1x1x16xf32> to vector<16xf32>
        %swap3A_346 = vector.shape_cast %mul3A_339 : vector<16xf32> to vector<1x1x16xf32>
        tpu.vector_store %arg10[%swap3A_341, %swap3A_342, %swap3A_343], %swap3A_346 {strides = array<i32>} : memref<4x128x64xf32, #tpu.memory_space<vmem>>, vector<1x1x16xf32>,
        %slice3A_347 = vector.extract_strided_slice %get3A_217 {offsets = [2], sizes = [1], strides = [1]} : vector<16xf32> to vector<1xf32>
        %squeeze3A_348 = vector.extract %slice3A_347[0] : f32 from vector<1xf32>
        %mul3A_349 = arith.constant 16 : i32
        %mul3A_350 = arith.muli %scan3A_210, %mul3A_349 : i32
        %add3A_351 = arith.constant 2 : i32
        %add3A_352 = arith.addi %mul3A_350, %add3A_351 : i32
        %get3A_353 = arith.constant 2 : i32
        %get3A_354 = arith.index_cast %get3A_353 : i32 to index
        %get3A_355 = arith.index_cast %add3A_352 : i32 to index
        %get3A_356 = arith.constant 0 : index
        %get3A_357 = tpu.vector_load %arg10[%get3A_354, %get3A_355, %get3A_356] {strides = array<i32>} : memref<4x128x64xf32, #tpu.memory_space<vmem>>, vector<1x1x16xf32>,
        %get3A_358 = vector.shape_cast %get3A_357 : vector<1x1x16xf32> to vector<16xf32>
        %mul3A_359 = vector.broadcast %squeeze3A_348 : f32 to vector<16xf32>
        %mul3A_360 = arith.mulf %get3A_358, %mul3A_359 : vector<16xf32>
        %swap3A_361 = arith.constant 2 : i32
        %swap3A_362 = arith.index_cast %swap3A_361 : i32 to index
        %swap3A_363 = arith.index_cast %add3A_352 : i32 to index
        %swap3A_364 = arith.constant 0 : index
        %swap3A_365 = tpu.vector_load %arg10[%swap3A_362, %swap3A_363, %swap3A_364] {strides = array<i32>} : memref<4x128x64xf32, #tpu.memory_space<vmem>>, vector<1x1x16xf32>,
        %swap3A_366 = vector.shape_cast %swap3A_365 : vector<1x1x16xf32> to vector<16xf32>
        %swap3A_367 = vector.shape_cast %mul3A_360 : vector<16xf32> to vector<1x1x16xf32>
        tpu.vector_store %arg10[%swap3A_362, %swap3A_363, %swap3A_364], %swap3A_367 {strides = array<i32>} : memref<4x128x64xf32, #tpu.memory_space<vmem>>, vector<1x1x16xf32>,
        %get3A_368 = arith.constant 2 : i32
        %get3A_369 = arith.index_cast %get3A_368 : i32 to index
        %get3A_370 = arith.index_cast %add3A_352 : i32 to index
        %get3A_371 = arith.constant 16 : index
        %get3A_372 = tpu.vector_load %arg10[%get3A_369, %get3A_370, %get3A_371] {strides = array<i32>} : memref<4x128x64xf32, #tpu.memory_space<vmem>>, vector<1x1x16xf32>,
        %get3A_373 = vector.shape_cast %get3A_372 : vector<1x1x16xf32> to vector<16xf32>
        %mul3A_374 = vector.broadcast %squeeze3A_348 : f32 to vector<16xf32>
        %mul3A_375 = arith.mulf %get3A_373, %mul3A_374 : vector<16xf32>
        %swap3A_376 = arith.constant 2 : i32
        %swap3A_377 = arith.index_cast %swap3A_376 : i32 to index
        %swap3A_378 = arith.index_cast %add3A_352 : i32 to index
        %swap3A_379 = arith.constant 16 : index
        %swap3A_380 = tpu.vector_load %arg10[%swap3A_377, %swap3A_378, %swap3A_379] {strides = array<i32>} : memref<4x128x64xf32, #tpu.memory_space<vmem>>, vector<1x1x16xf32>,
        %swap3A_381 = vector.shape_cast %swap3A_380 : vector<1x1x16xf32> to vector<16xf32>
        %swap3A_382 = vector.shape_cast %mul3A_375 : vector<16xf32> to vector<1x1x16xf32>
        tpu.vector_store %arg10[%swap3A_377, %swap3A_378, %swap3A_379], %swap3A_382 {strides = array<i32>} : memref<4x128x64xf32, #tpu.memory_space<vmem>>, vector<1x1x16xf32>,
        %get3A_383 = arith.constant 2 : i32
        %get3A_384 = arith.index_cast %get3A_383 : i32 to index
        %get3A_385 = arith.index_cast %add3A_352 : i32 to index
        %get3A_386 = arith.constant 32 : index
        %get3A_387 = tpu.vector_load %arg10[%get3A_384, %get3A_385, %get3A_386] {strides = array<i32>} : memref<4x128x64xf32, #tpu.memory_space<vmem>>, vector<1x1x16xf32>,
        %get3A_388 = vector.shape_cast %get3A_387 : vector<1x1x16xf32> to vector<16xf32>
        %mul3A_389 = vector.broadcast %squeeze3A_348 : f32 to vector<16xf32>
        %mul3A_390 = arith.mulf %get3A_388, %mul3A_389 : vector<16xf32>
        %swap3A_391 = arith.constant 2 : i32
        %swap3A_392 = arith.index_cast %swap3A_391 : i32 to index
        %swap3A_393 = arith.index_cast %add3A_352 : i32 to index
        %swap3A_394 = arith.constant 32 : index
        %swap3A_395 = tpu.vector_load %arg10[%swap3A_392, %swap3A_393, %swap3A_394] {strides = array<i32>} : memref<4x128x64xf32, #tpu.memory_space<vmem>>, vector<1x1x16xf32>,
        %swap3A_396 = vector.shape_cast %swap3A_395 : vector<1x1x16xf32> to vector<16xf32>
        %swap3A_397 = vector.shape_cast %mul3A_390 : vector<16xf32> to vector<1x1x16xf32>
        tpu.vector_store %arg10[%swap3A_392, %swap3A_393, %swap3A_394], %swap3A_397 {strides = array<i32>} : memref<4x128x64xf32, #tpu.memory_space<vmem>>, vector<1x1x16xf32>,
        %get3A_398 = arith.constant 2 : i32
        %get3A_399 = arith.index_cast %get3A_398 : i32 to index
        %get3A_400 = arith.index_cast %add3A_352 : i32 to index
        %get3A_401 = arith.constant 48 : index
        %get3A_402 = tpu.vector_load %arg10[%get3A_399, %get3A_400, %get3A_401] {strides = array<i32>} : memref<4x128x64xf32, #tpu.memory_space<vmem>>, vector<1x1x16xf32>,
        %get3A_403 = vector.shape_cast %get3A_402 : vector<1x1x16xf32> to vector<16xf32>
        %mul3A_404 = vector.broadcast %squeeze3A_348 : f32 to vector<16xf32>
        %mul3A_405 = arith.mulf %get3A_403, %mul3A_404 : vector<16xf32>
        %swap3A_406 = arith.constant 2 : i32
        %swap3A_407 = arith.index_cast %swap3A_406 : i32 to index
        %swap3A_408 = arith.index_cast %add3A_352 : i32 to index
        %swap3A_409 = arith.constant 48 : index
        %swap3A_410 = tpu.vector_load %arg10[%swap3A_407, %swap3A_408, %swap3A_409] {strides = array<i32>} : memref<4x128x64xf32, #tpu.memory_space<vmem>>, vector<1x1x16xf32>,
        %swap3A_411 = vector.shape_cast %swap3A_410 : vector<1x1x16xf32> to vector<16xf32>
        %swap3A_412 = vector.shape_cast %mul3A_405 : vector<16xf32> to vector<1x1x16xf32>
        tpu.vector_store %arg10[%swap3A_407, %swap3A_408, %swap3A_409], %swap3A_412 {strides = array<i32>} : memref<4x128x64xf32, #tpu.memory_space<vmem>>, vector<1x1x16xf32>,
        %slice3A_413 = vector.extract_strided_slice %get3A_217 {offsets = [3], sizes = [1], strides = [1]} : vector<16xf32> to vector<1xf32>
        %squeeze3A_414 = vector.extract %slice3A_413[0] : f32 from vector<1xf32>
        %mul3A_415 = arith.constant 16 : i32
        %mul3A_416 = arith.muli %scan3A_210, %mul3A_415 : i32
        %add3A_417 = arith.constant 3 : i32
        %add3A_418 = arith.addi %mul3A_416, %add3A_417 : i32
        %get3A_419 = arith.constant 2 : i32
        %get3A_420 = arith.index_cast %get3A_419 : i32 to index
        %get3A_421 = arith.index_cast %add3A_418 : i32 to index
        %get3A_422 = arith.constant 0 : index
        %get3A_423 = tpu.vector_load %arg10[%get3A_420, %get3A_421, %get3A_422] {strides = array<i32>} : memref<4x128x64xf32, #tpu.memory_space<vmem>>, vector<1x1x16xf32>,
        %get3A_424 = vector.shape_cast %get3A_423 : vector<1x1x16xf32> to vector<16xf32>
        %mul3A_425 = vector.broadcast %squeeze3A_414 : f32 to vector<16xf32>
        %mul3A_426 = arith.mulf %get3A_424, %mul3A_425 : vector<16xf32>
        %swap3A_427 = arith.constant 2 : i32
        %swap3A_428 = arith.index_cast %swap3A_427 : i32 to index
        %swap3A_429 = arith.index_cast %add3A_418 : i32 to index
        %swap3A_430 = arith.constant 0 : index
        %swap3A_431 = tpu.vector_load %arg10[%swap3A_428, %swap3A_429, %swap3A_430] {strides = array<i32>} : memref<4x128x64xf32, #tpu.memory_space<vmem>>, vector<1x1x16xf32>,
        %swap3A_432 = vector.shape_cast %swap3A_431 : vector<1x1x16xf32> to vector<16xf32>
        %swap3A_433 = vector.shape_cast %mul3A_426 : vector<16xf32> to vector<1x1x16xf32>
        tpu.vector_store %arg10[%swap3A_428, %swap3A_429, %swap3A_430], %swap3A_433 {strides = array<i32>} : memref<4x128x64xf32, #tpu.memory_space<vmem>>, vector<1x1x16xf32>,
        %get3A_434 = arith.constant 2 : i32
        %get3A_435 = arith.index_cast %get3A_434 : i32 to index
        %get3A_436 = arith.index_cast %add3A_418 : i32 to index
        %get3A_437 = arith.constant 16 : index
        %get3A_438 = tpu.vector_load %arg10[%get3A_435, %get3A_436, %get3A_437] {strides = array<i32>} : memref<4x128x64xf32, #tpu.memory_space<vmem>>, vector<1x1x16xf32>,
        %get3A_439 = vector.shape_cast %get3A_438 : vector<1x1x16xf32> to vector<16xf32>
        %mul3A_440 = vector.broadcast %squeeze3A_414 : f32 to vector<16xf32>
        %mul3A_441 = arith.mulf %get3A_439, %mul3A_440 : vector<16xf32>
        %swap3A_442 = arith.constant 2 : i32
        %swap3A_443 = arith.index_cast %swap3A_442 : i32 to index
        %swap3A_444 = arith.index_cast %add3A_418 : i32 to index
        %swap3A_445 = arith.constant 16 : index
        %swap3A_446 = tpu.vector_load %arg10[%swap3A_443, %swap3A_444, %swap3A_445] {strides = array<i32>} : memref<4x128x64xf32, #tpu.memory_space<vmem>>, vector<1x1x16xf32>,
        %swap3A_447 = vector.shape_cast %swap3A_446 : vector<1x1x16xf32> to vector<16xf32>
        %swap3A_448 = vector.shape_cast %mul3A_441 : vector<16xf32> to vector<1x1x16xf32>
        tpu.vector_store %arg10[%swap3A_443, %swap3A_444, %swap3A_445], %swap3A_448 {strides = array<i32>} : memref<4x128x64xf32, #tpu.memory_space<vmem>>, vector<1x1x16xf32>,
        %get3A_449 = arith.constant 2 : i32
        %get3A_450 = arith.index_cast %get3A_449 : i32 to index
        %get3A_451 = arith.index_cast %add3A_418 : i32 to index
        %get3A_452 = arith.constant 32 : index
        %get3A_453 = tpu.vector_load %arg10[%get3A_450, %get3A_451, %get3A_452] {strides = array<i32>} : memref<4x128x64xf32, #tpu.memory_space<vmem>>, vector<1x1x16xf32>,
        %get3A_454 = vector.shape_cast %get3A_453 : vector<1x1x16xf32> to vector<16xf32>
        %mul3A_455 = vector.broadcast %squeeze3A_414 : f32 to vector<16xf32>
        %mul3A_456 = arith.mulf %get3A_454, %mul3A_455 : vector<16xf32>
        %swap3A_457 = arith.constant 2 : i32
        %swap3A_458 = arith.index_cast %swap3A_457 : i32 to index
        %swap3A_459 = arith.index_cast %add3A_418 : i32 to index
        %swap3A_460 = arith.constant 32 : index
        %swap3A_461 = tpu.vector_load %arg10[%swap3A_458, %swap3A_459, %swap3A_460] {strides = array<i32>} : memref<4x128x64xf32, #tpu.memory_space<vmem>>, vector<1x1x16xf32>,
        %swap3A_462 = vector.shape_cast %swap3A_461 : vector<1x1x16xf32> to vector<16xf32>
        %swap3A_463 = vector.shape_cast %mul3A_456 : vector<16xf32> to vector<1x1x16xf32>
        tpu.vector_store %arg10[%swap3A_458, %swap3A_459, %swap3A_460], %swap3A_463 {strides = array<i32>} : memref<4x128x64xf32, #tpu.memory_space<vmem>>, vector<1x1x16xf32>,
        %get3A_464 = arith.constant 2 : i32
        %get3A_465 = arith.index_cast %get3A_464 : i32 to index
        %get3A_466 = arith.index_cast %add3A_418 : i32 to index
        %get3A_467 = arith.constant 48 : index
        %get3A_468 = tpu.vector_load %arg10[%get3A_465, %get3A_466, %get3A_467] {strides = array<i32>} : memref<4x128x64xf32, #tpu.memory_space<vmem>>, vector<1x1x16xf32>,
        %get3A_469 = vector.shape_cast %get3A_468 : vector<1x1x16xf32> to vector<16xf32>
        %mul3A_470 = vector.broadcast %squeeze3A_414 : f32 to vector<16xf32>
        %mul3A_471 = arith.mulf %get3A_469, %mul3A_470 : vector<16xf32>
        %swap3A_472 = arith.constant 2 : i32
        %swap3A_473 = arith.index_cast %swap3A_472 : i32 to index
        %swap3A_474 = arith.index_cast %add3A_418 : i32 to index
        %swap3A_475 = arith.constant 48 : index
        %swap3A_476 = tpu.vector_load %arg10[%swap3A_473, %swap3A_474, %swap3A_475] {strides = array<i32>} : memref<4x128x64xf32, #tpu.memory_space<vmem>>, vector<1x1x16xf32>,
        %swap3A_477 = vector.shape_cast %swap3A_476 : vector<1x1x16xf32> to vector<16xf32>
        %swap3A_478 = vector.shape_cast %mul3A_471 : vector<16xf32> to vector<1x1x16xf32>
        tpu.vector_store %arg10[%swap3A_473, %swap3A_474, %swap3A_475], %swap3A_478 {strides = array<i32>} : memref<4x128x64xf32, #tpu.memory_space<vmem>>, vector<1x1x16xf32>,
        %slice3A_479 = vector.extract_strided_slice %get3A_217 {offsets = [4], sizes = [1], strides = [1]} : vector<16xf32> to vector<1xf32>
        %squeeze3A_480 = vector.extract %slice3A_479[0] : f32 from vector<1xf32>
        %mul3A_481 = arith.constant 16 : i32
        %mul3A_482 = arith.muli %scan3A_210, %mul3A_481 : i32
        %add3A_483 = arith.constant 4 : i32
        %add3A_484 = arith.addi %mul3A_482, %add3A_483 : i32
        %get3A_485 = arith.constant 2 : i32
        %get3A_486 = arith.index_cast %get3A_485 : i32 to index
        %get3A_487 = arith.index_cast %add3A_484 : i32 to index
        %get3A_488 = arith.constant 0 : index
        %get3A_489 = tpu.vector_load %arg10[%get3A_486, %get3A_487, %get3A_488] {strides = array<i32>} : memref<4x128x64xf32, #tpu.memory_space<vmem>>, vector<1x1x16xf32>,
        %get3A_490 = vector.shape_cast %get3A_489 : vector<1x1x16xf32> to vector<16xf32>
        %mul3A_491 = vector.broadcast %squeeze3A_480 : f32 to vector<16xf32>
        %mul3A_492 = arith.mulf %get3A_490, %mul3A_491 : vector<16xf32>
        %swap3A_493 = arith.constant 2 : i32
        %swap3A_494 = arith.index_cast %swap3A_493 : i32 to index
        %swap3A_495 = arith.index_cast %add3A_484 : i32 to index
        %swap3A_496 = arith.constant 0 : index
        %swap3A_497 = tpu.vector_load %arg10[%swap3A_494, %swap3A_495, %swap3A_496] {strides = array<i32>} : memref<4x128x64xf32, #tpu.memory_space<vmem>>, vector<1x1x16xf32>,
        %swap3A_498 = vector.shape_cast %swap3A_497 : vector<1x1x16xf32> to vector<16xf32>
        %swap3A_499 = vector.shape_cast %mul3A_492 : vector<16xf32> to vector<1x1x16xf32>
        tpu.vector_store %arg10[%swap3A_494, %swap3A_495, %swap3A_496], %swap3A_499 {strides = array<i32>} : memref<4x128x64xf32, #tpu.memory_space<vmem>>, vector<1x1x16xf32>,
        %get3A_500 = arith.constant 2 : i32
        %get3A_501 = arith.index_cast %get3A_500 : i32 to index
        %get3A_502 = arith.index_cast %add3A_484 : i32 to index
        %get3A_503 = arith.constant 16 : index
        %get3A_504 = tpu.vector_load %arg10[%get3A_501, %get3A_502, %get3A_503] {strides = array<i32>} : memref<4x128x64xf32, #tpu.memory_space<vmem>>, vector<1x1x16xf32>,
        %get3A_505 = vector.shape_cast %get3A_504 : vector<1x1x16xf32> to vector<16xf32>
        %mul3A_506 = vector.broadcast %squeeze3A_480 : f32 to vector<16xf32>
        %mul3A_507 = arith.mulf %get3A_505, %mul3A_506 : vector<16xf32>
        %swap3A_508 = arith.constant 2 : i32
        %swap3A_509 = arith.index_cast %swap3A_508 : i32 to index
        %swap3A_510 = arith.index_cast %add3A_484 : i32 to index
        %swap3A_511 = arith.constant 16 : index
        %swap3A_512 = tpu.vector_load %arg10[%swap3A_509, %swap3A_510, %swap3A_511] {strides = array<i32>} : memref<4x128x64xf32, #tpu.memory_space<vmem>>, vector<1x1x16xf32>,
        %swap3A_513 = vector.shape_cast %swap3A_512 : vector<1x1x16xf32> to vector<16xf32>
        %swap3A_514 = vector.shape_cast %mul3A_507 : vector<16xf32> to vector<1x1x16xf32>
        tpu.vector_store %arg10[%swap3A_509, %swap3A_510, %swap3A_511], %swap3A_514 {strides = array<i32>} : memref<4x128x64xf32, #tpu.memory_space<vmem>>, vector<1x1x16xf32>,
        %get3A_515 = arith.constant 2 : i32
        %get3A_516 = arith.index_cast %get3A_515 : i32 to index
        %get3A_517 = arith.index_cast %add3A_484 : i32 to index
        %get3A_518 = arith.constant 32 : index
        %get3A_519 = tpu.vector_load %arg10[%get3A_516, %get3A_517, %get3A_518] {strides = array<i32>} : memref<4x128x64xf32, #tpu.memory_space<vmem>>, vector<1x1x16xf32>,
        %get3A_520 = vector.shape_cast %get3A_519 : vector<1x1x16xf32> to vector<16xf32>
        %mul3A_521 = vector.broadcast %squeeze3A_480 : f32 to vector<16xf32>
        %mul3A_522 = arith.mulf %get3A_520, %mul3A_521 : vector<16xf32>
        %swap3A_523 = arith.constant 2 : i32
        %swap3A_524 = arith.index_cast %swap3A_523 : i32 to index
        %swap3A_525 = arith.index_cast %add3A_484 : i32 to index
        %swap3A_526 = arith.constant 32 : index
        %swap3A_527 = tpu.vector_load %arg10[%swap3A_524, %swap3A_525, %swap3A_526] {strides = array<i32>} : memref<4x128x64xf32, #tpu.memory_space<vmem>>, vector<1x1x16xf32>,
        %swap3A_528 = vector.shape_cast %swap3A_527 : vector<1x1x16xf32> to vector<16xf32>
        %swap3A_529 = vector.shape_cast %mul3A_522 : vector<16xf32> to vector<1x1x16xf32>
        tpu.vector_store %arg10[%swap3A_524, %swap3A_525, %swap3A_526], %swap3A_529 {strides = array<i32>} : memref<4x128x64xf32, #tpu.memory_space<vmem>>, vector<1x1x16xf32>,
        %get3A_530 = arith.constant 2 : i32
        %get3A_531 = arith.index_cast %get3A_530 : i32 to index
        %get3A_532 = arith.index_cast %add3A_484 : i32 to index
        %get3A_533 = arith.constant 48 : index
        %get3A_534 = tpu.vector_load %arg10[%get3A_531, %get3A_532, %get3A_533] {strides = array<i32>} : memref<4x128x64xf32, #tpu.memory_space<vmem>>, vector<1x1x16xf32>,
        %get3A_535 = vector.shape_cast %get3A_534 : vector<1x1x16xf32> to vector<16xf32>
        %mul3A_536 = vector.broadcast %squeeze3A_480 : f32 to vector<16xf32>
        %mul3A_537 = arith.mulf %get3A_535, %mul3A_536 : vector<16xf32>
        %swap3A_538 = arith.constant 2 : i32
        %swap3A_539 = arith.index_cast %swap3A_538 : i32 to index
        %swap3A_540 = arith.index_cast %add3A_484 : i32 to index
        %swap3A_541 = arith.constant 48 : index
        %swap3A_542 = tpu.vector_load %arg10[%swap3A_539, %swap3A_540, %swap3A_541] {strides = array<i32>} : memref<4x128x64xf32, #tpu.memory_space<vmem>>, vector<1x1x16xf32>,
        %swap3A_543 = vector.shape_cast %swap3A_542 : vector<1x1x16xf32> to vector<16xf32>
        %swap3A_544 = vector.shape_cast %mul3A_537 : vector<16xf32> to vector<1x1x16xf32>
        tpu.vector_store %arg10[%swap3A_539, %swap3A_540, %swap3A_541], %swap3A_544 {strides = array<i32>} : memref<4x128x64xf32, #tpu.memory_space<vmem>>, vector<1x1x16xf32>,
        %slice3A_545 = vector.extract_strided_slice %get3A_217 {offsets = [5], sizes = [1], strides = [1]} : vector<16xf32> to vector<1xf32>
        %squeeze3A_546 = vector.extract %slice3A_545[0] : f32 from vector<1xf32>
        %mul3A_547 = arith.constant 16 : i32
        %mul3A_548 = arith.muli %scan3A_210, %mul3A_547 : i32
        %add3A_549 = arith.constant 5 : i32
        %add3A_550 = arith.addi %mul3A_548, %add3A_549 : i32
        %get3A_551 = arith.constant 2 : i32
        %get3A_552 = arith.index_cast %get3A_551 : i32 to index
        %get3A_553 = arith.index_cast %add3A_550 : i32 to index
        %get3A_554 = arith.constant 0 : index
        %get3A_555 = tpu.vector_load %arg10[%get3A_552, %get3A_553, %get3A_554] {strides = array<i32>} : memref<4x128x64xf32, #tpu.memory_space<vmem>>, vector<1x1x16xf32>,
        %get3A_556 = vector.shape_cast %get3A_555 : vector<1x1x16xf32> to vector<16xf32>
        %mul3A_557 = vector.broadcast %squeeze3A_546 : f32 to vector<16xf32>
        %mul3A_558 = arith.mulf %get3A_556, %mul3A_557 : vector<16xf32>
        %swap3A_559 = arith.constant 2 : i32
        %swap3A_560 = arith.index_cast %swap3A_559 : i32 to index
        %swap3A_561 = arith.index_cast %add3A_550 : i32 to index
        %swap3A_562 = arith.constant 0 : index
        %swap3A_563 = tpu.vector_load %arg10[%swap3A_560, %swap3A_561, %swap3A_562] {strides = array<i32>} : memref<4x128x64xf32, #tpu.memory_space<vmem>>, vector<1x1x16xf32>,
        %swap3A_564 = vector.shape_cast %swap3A_563 : vector<1x1x16xf32> to vector<16xf32>
        %swap3A_565 = vector.shape_cast %mul3A_558 : vector<16xf32> to vector<1x1x16xf32>
        tpu.vector_store %arg10[%swap3A_560, %swap3A_561, %swap3A_562], %swap3A_565 {strides = array<i32>} : memref<4x128x64xf32, #tpu.memory_space<vmem>>, vector<1x1x16xf32>,
        %get3A_566 = arith.constant 2 : i32
        %get3A_567 = arith.index_cast %get3A_566 : i32 to index
        %get3A_568 = arith.index_cast %add3A_550 : i32 to index
        %get3A_569 = arith.constant 16 : index
        %get3A_570 = tpu.vector_load %arg10[%get3A_567, %get3A_568, %get3A_569] {strides = array<i32>} : memref<4x128x64xf32, #tpu.memory_space<vmem>>, vector<1x1x16xf32>,
        %get3A_571 = vector.shape_cast %get3A_570 : vector<1x1x16xf32> to vector<16xf32>
        %mul3A_572 = vector.broadcast %squeeze3A_546 : f32 to vector<16xf32>
        %mul3A_573 = arith.mulf %get3A_571, %mul3A_572 : vector<16xf32>
        %swap3A_574 = arith.constant 2 : i32
        %swap3A_575 = arith.index_cast %swap3A_574 : i32 to index
        %swap3A_576 = arith.index_cast %add3A_550 : i32 to index
        %swap3A_577 = arith.constant 16 : index
        %swap3A_578 = tpu.vector_load %arg10[%swap3A_575, %swap3A_576, %swap3A_577] {strides = array<i32>} : memref<4x128x64xf32, #tpu.memory_space<vmem>>, vector<1x1x16xf32>,
        %swap3A_579 = vector.shape_cast %swap3A_578 : vector<1x1x16xf32> to vector<16xf32>
        %swap3A_580 = vector.shape_cast %mul3A_573 : vector<16xf32> to vector<1x1x16xf32>
        tpu.vector_store %arg10[%swap3A_575, %swap3A_576, %swap3A_577], %swap3A_580 {strides = array<i32>} : memref<4x128x64xf32, #tpu.memory_space<vmem>>, vector<1x1x16xf32>,
        %get3A_581 = arith.constant 2 : i32
        %get3A_582 = arith.index_cast %get3A_581 : i32 to index
        %get3A_583 = arith.index_cast %add3A_550 : i32 to index
        %get3A_584 = arith.constant 32 : index
        %get3A_585 = tpu.vector_load %arg10[%get3A_582, %get3A_583, %get3A_584] {strides = array<i32>} : memref<4x128x64xf32, #tpu.memory_space<vmem>>, vector<1x1x16xf32>,
        %get3A_586 = vector.shape_cast %get3A_585 : vector<1x1x16xf32> to vector<16xf32>
        %mul3A_587 = vector.broadcast %squeeze3A_546 : f32 to vector<16xf32>
        %mul3A_588 = arith.mulf %get3A_586, %mul3A_587 : vector<16xf32>
        %swap3A_589 = arith.constant 2 : i32
        %swap3A_590 = arith.index_cast %swap3A_589 : i32 to index
        %swap3A_591 = arith.index_cast %add3A_550 : i32 to index
        %swap3A_592 = arith.constant 32 : index
        %swap3A_593 = tpu.vector_load %arg10[%swap3A_590, %swap3A_591, %swap3A_592] {strides = array<i32>} : memref<4x128x64xf32, #tpu.memory_space<vmem>>, vector<1x1x16xf32>,
        %swap3A_594 = vector.shape_cast %swap3A_593 : vector<1x1x16xf32> to vector<16xf32>
        %swap3A_595 = vector.shape_cast %mul3A_588 : vector<16xf32> to vector<1x1x16xf32>
        tpu.vector_store %arg10[%swap3A_590, %swap3A_591, %swap3A_592], %swap3A_595 {strides = array<i32>} : memref<4x128x64xf32, #tpu.memory_space<vmem>>, vector<1x1x16xf32>,
        %get3A_596 = arith.constant 2 : i32
        %get3A_597 = arith.index_cast %get3A_596 : i32 to index
        %get3A_598 = arith.index_cast %add3A_550 : i32 to index
        %get3A_599 = arith.constant 48 : index
        %get3A_600 = tpu.vector_load %arg10[%get3A_597, %get3A_598, %get3A_599] {strides = array<i32>} : memref<4x128x64xf32, #tpu.memory_space<vmem>>, vector<1x1x16xf32>,
        %get3A_601 = vector.shape_cast %get3A_600 : vector<1x1x16xf32> to vector<16xf32>
        %mul3A_602 = vector.broadcast %squeeze3A_546 : f32 to vector<16xf32>
        %mul3A_603 = arith.mulf %get3A_601, %mul3A_602 : vector<16xf32>
        %swap3A_604 = arith.constant 2 : i32
        %swap3A_605 = arith.index_cast %swap3A_604 : i32 to index
        %swap3A_606 = arith.index_cast %add3A_550 : i32 to index
        %swap3A_607 = arith.constant 48 : index
        %swap3A_608 = tpu.vector_load %arg10[%swap3A_605, %swap3A_606, %swap3A_607] {strides = array<i32>} : memref<4x128x64xf32, #tpu.memory_space<vmem>>, vector<1x1x16xf32>,
        %swap3A_609 = vector.shape_cast %swap3A_608 : vector<1x1x16xf32> to vector<16xf32>
        %swap3A_610 = vector.shape_cast %mul3A_603 : vector<16xf32> to vector<1x1x16xf32>
        tpu.vector_store %arg10[%swap3A_605, %swap3A_606, %swap3A_607], %swap3A_610 {strides = array<i32>} : memref<4x128x64xf32, #tpu.memory_space<vmem>>, vector<1x1x16xf32>,
        %slice3A_611 = vector.extract_strided_slice %get3A_217 {offsets = [6], sizes = [1], strides = [1]} : vector<16xf32> to vector<1xf32>
        %squeeze3A_612 = vector.extract %slice3A_611[0] : f32 from vector<1xf32>
        %mul3A_613 = arith.constant 16 : i32
        %mul3A_614 = arith.muli %scan3A_210, %mul3A_613 : i32
        %add3A_615 = arith.constant 6 : i32
        %add3A_616 = arith.addi %mul3A_614, %add3A_615 : i32
        %get3A_617 = arith.constant 2 : i32
        %get3A_618 = arith.index_cast %get3A_617 : i32 to index
        %get3A_619 = arith.index_cast %add3A_616 : i32 to index
        %get3A_620 = arith.constant 0 : index
        %get3A_621 = tpu.vector_load %arg10[%get3A_618, %get3A_619, %get3A_620] {strides = array<i32>} : memref<4x128x64xf32, #tpu.memory_space<vmem>>, vector<1x1x16xf32>,
        %get3A_622 = vector.shape_cast %get3A_621 : vector<1x1x16xf32> to vector<16xf32>
        %mul3A_623 = vector.broadcast %squeeze3A_612 : f32 to vector<16xf32>
        %mul3A_624 = arith.mulf %get3A_622, %mul3A_623 : vector<16xf32>
        %swap3A_625 = arith.constant 2 : i32
        %swap3A_626 = arith.index_cast %swap3A_625 : i32 to index
        %swap3A_627 = arith.index_cast %add3A_616 : i32 to index
        %swap3A_628 = arith.constant 0 : index
        %swap3A_629 = tpu.vector_load %arg10[%swap3A_626, %swap3A_627, %swap3A_628] {strides = array<i32>} : memref<4x128x64xf32, #tpu.memory_space<vmem>>, vector<1x1x16xf32>,
        %swap3A_630 = vector.shape_cast %swap3A_629 : vector<1x1x16xf32> to vector<16xf32>
        %swap3A_631 = vector.shape_cast %mul3A_624 : vector<16xf32> to vector<1x1x16xf32>
        tpu.vector_store %arg10[%swap3A_626, %swap3A_627, %swap3A_628], %swap3A_631 {strides = array<i32>} : memref<4x128x64xf32, #tpu.memory_space<vmem>>, vector<1x1x16xf32>,
        %get3A_632 = arith.constant 2 : i32
        %get3A_633 = arith.index_cast %get3A_632 : i32 to index
        %get3A_634 = arith.index_cast %add3A_616 : i32 to index
        %get3A_635 = arith.constant 16 : index
        %get3A_636 = tpu.vector_load %arg10[%get3A_633, %get3A_634, %get3A_635] {strides = array<i32>} : memref<4x128x64xf32, #tpu.memory_space<vmem>>, vector<1x1x16xf32>,
        %get3A_637 = vector.shape_cast %get3A_636 : vector<1x1x16xf32> to vector<16xf32>
        %mul3A_638 = vector.broadcast %squeeze3A_612 : f32 to vector<16xf32>
        %mul3A_639 = arith.mulf %get3A_637, %mul3A_638 : vector<16xf32>
        %swap3A_640 = arith.constant 2 : i32
        %swap3A_641 = arith.index_cast %swap3A_640 : i32 to index
        %swap3A_642 = arith.index_cast %add3A_616 : i32 to index
        %swap3A_643 = arith.constant 16 : index
        %swap3A_644 = tpu.vector_load %arg10[%swap3A_641, %swap3A_642, %swap3A_643] {strides = array<i32>} : memref<4x128x64xf32, #tpu.memory_space<vmem>>, vector<1x1x16xf32>,
        %swap3A_645 = vector.shape_cast %swap3A_644 : vector<1x1x16xf32> to vector<16xf32>
        %swap3A_646 = vector.shape_cast %mul3A_639 : vector<16xf32> to vector<1x1x16xf32>
        tpu.vector_store %arg10[%swap3A_641, %swap3A_642, %swap3A_643], %swap3A_646 {strides = array<i32>} : memref<4x128x64xf32, #tpu.memory_space<vmem>>, vector<1x1x16xf32>,
        %get3A_647 = arith.constant 2 : i32
        %get3A_648 = arith.index_cast %get3A_647 : i32 to index
        %get3A_649 = arith.index_cast %add3A_616 : i32 to index
        %get3A_650 = arith.constant 32 : index
        %get3A_651 = tpu.vector_load %arg10[%get3A_648, %get3A_649, %get3A_650] {strides = array<i32>} : memref<4x128x64xf32, #tpu.memory_space<vmem>>, vector<1x1x16xf32>,
        %get3A_652 = vector.shape_cast %get3A_651 : vector<1x1x16xf32> to vector<16xf32>
        %mul3A_653 = vector.broadcast %squeeze3A_612 : f32 to vector<16xf32>
        %mul3A_654 = arith.mulf %get3A_652, %mul3A_653 : vector<16xf32>
        %swap3A_655 = arith.constant 2 : i32
        %swap3A_656 = arith.index_cast %swap3A_655 : i32 to index
        %swap3A_657 = arith.index_cast %add3A_616 : i32 to index
        %swap3A_658 = arith.constant 32 : index
        %swap3A_659 = tpu.vector_load %arg10[%swap3A_656, %swap3A_657, %swap3A_658] {strides = array<i32>} : memref<4x128x64xf32, #tpu.memory_space<vmem>>, vector<1x1x16xf32>,
        %swap3A_660 = vector.shape_cast %swap3A_659 : vector<1x1x16xf32> to vector<16xf32>
        %swap3A_661 = vector.shape_cast %mul3A_654 : vector<16xf32> to vector<1x1x16xf32>
        tpu.vector_store %arg10[%swap3A_656, %swap3A_657, %swap3A_658], %swap3A_661 {strides = array<i32>} : memref<4x128x64xf32, #tpu.memory_space<vmem>>, vector<1x1x16xf32>,
        %get3A_662 = arith.constant 2 : i32
        %get3A_663 = arith.index_cast %get3A_662 : i32 to index
        %get3A_664 = arith.index_cast %add3A_616 : i32 to index
        %get3A_665 = arith.constant 48 : index
        %get3A_666 = tpu.vector_load %arg10[%get3A_663, %get3A_664, %get3A_665] {strides = array<i32>} : memref<4x128x64xf32, #tpu.memory_space<vmem>>, vector<1x1x16xf32>,
        %get3A_667 = vector.shape_cast %get3A_666 : vector<1x1x16xf32> to vector<16xf32>
        %mul3A_668 = vector.broadcast %squeeze3A_612 : f32 to vector<16xf32>
        %mul3A_669 = arith.mulf %get3A_667, %mul3A_668 : vector<16xf32>
        %swap3A_670 = arith.constant 2 : i32
        %swap3A_671 = arith.index_cast %swap3A_670 : i32 to index
        %swap3A_672 = arith.index_cast %add3A_616 : i32 to index
        %swap3A_673 = arith.constant 48 : index
        %swap3A_674 = tpu.vector_load %arg10[%swap3A_671, %swap3A_672, %swap3A_673] {strides = array<i32>} : memref<4x128x64xf32, #tpu.memory_space<vmem>>, vector<1x1x16xf32>,
        %swap3A_675 = vector.shape_cast %swap3A_674 : vector<1x1x16xf32> to vector<16xf32>
        %swap3A_676 = vector.shape_cast %mul3A_669 : vector<16xf32> to vector<1x1x16xf32>
        tpu.vector_store %arg10[%swap3A_671, %swap3A_672, %swap3A_673], %swap3A_676 {strides = array<i32>} : memref<4x128x64xf32, #tpu.memory_space<vmem>>, vector<1x1x16xf32>,
        %slice3A_677 = vector.extract_strided_slice %get3A_217 {offsets = [7], sizes = [1], strides = [1]} : vector<16xf32> to vector<1xf32>
        %squeeze3A_678 = vector.extract %slice3A_677[0] : f32 from vector<1xf32>
        %mul3A_679 = arith.constant 16 : i32
        %mul3A_680 = arith.muli %scan3A_210, %mul3A_679 : i32
        %add3A_681 = arith.constant 7 : i32
        %add3A_682 = arith.addi %mul3A_680, %add3A_681 : i32
        %get3A_683 = arith.constant 2 : i32
        %get3A_684 = arith.index_cast %get3A_683 : i32 to index
        %get3A_685 = arith.index_cast %add3A_682 : i32 to index
        %get3A_686 = arith.constant 0 : index
        %get3A_687 = tpu.vector_load %arg10[%get3A_684, %get3A_685, %get3A_686] {strides = array<i32>} : memref<4x128x64xf32, #tpu.memory_space<vmem>>, vector<1x1x16xf32>,
        %get3A_688 = vector.shape_cast %get3A_687 : vector<1x1x16xf32> to vector<16xf32>
        %mul3A_689 = vector.broadcast %squeeze3A_678 : f32 to vector<16xf32>
        %mul3A_690 = arith.mulf %get3A_688, %mul3A_689 : vector<16xf32>
        %swap3A_691 = arith.constant 2 : i32
        %swap3A_692 = arith.index_cast %swap3A_691 : i32 to index
        %swap3A_693 = arith.index_cast %add3A_682 : i32 to index
        %swap3A_694 = arith.constant 0 : index
        %swap3A_695 = tpu.vector_load %arg10[%swap3A_692, %swap3A_693, %swap3A_694] {strides = array<i32>} : memref<4x128x64xf32, #tpu.memory_space<vmem>>, vector<1x1x16xf32>,
        %swap3A_696 = vector.shape_cast %swap3A_695 : vector<1x1x16xf32> to vector<16xf32>
        %swap3A_697 = vector.shape_cast %mul3A_690 : vector<16xf32> to vector<1x1x16xf32>
        tpu.vector_store %arg10[%swap3A_692, %swap3A_693, %swap3A_694], %swap3A_697 {strides = array<i32>} : memref<4x128x64xf32, #tpu.memory_space<vmem>>, vector<1x1x16xf32>,
        %get3A_698 = arith.constant 2 : i32
        %get3A_699 = arith.index_cast %get3A_698 : i32 to index
        %get3A_700 = arith.index_cast %add3A_682 : i32 to index
        %get3A_701 = arith.constant 16 : index
        %get3A_702 = tpu.vector_load %arg10[%get3A_699, %get3A_700, %get3A_701] {strides = array<i32>} : memref<4x128x64xf32, #tpu.memory_space<vmem>>, vector<1x1x16xf32>,
        %get3A_703 = vector.shape_cast %get3A_702 : vector<1x1x16xf32> to vector<16xf32>
        %mul3A_704 = vector.broadcast %squeeze3A_678 : f32 to vector<16xf32>
        %mul3A_705 = arith.mulf %get3A_703, %mul3A_704 : vector<16xf32>
        %swap3A_706 = arith.constant 2 : i32
        %swap3A_707 = arith.index_cast %swap3A_706 : i32 to index
        %swap3A_708 = arith.index_cast %add3A_682 : i32 to index
        %swap3A_709 = arith.constant 16 : index
        %swap3A_710 = tpu.vector_load %arg10[%swap3A_707, %swap3A_708, %swap3A_709] {strides = array<i32>} : memref<4x128x64xf32, #tpu.memory_space<vmem>>, vector<1x1x16xf32>,
        %swap3A_711 = vector.shape_cast %swap3A_710 : vector<1x1x16xf32> to vector<16xf32>
        %swap3A_712 = vector.shape_cast %mul3A_705 : vector<16xf32> to vector<1x1x16xf32>
        tpu.vector_store %arg10[%swap3A_707, %swap3A_708, %swap3A_709], %swap3A_712 {strides = array<i32>} : memref<4x128x64xf32, #tpu.memory_space<vmem>>, vector<1x1x16xf32>,
        %get3A_713 = arith.constant 2 : i32
        %get3A_714 = arith.index_cast %get3A_713 : i32 to index
        %get3A_715 = arith.index_cast %add3A_682 : i32 to index
        %get3A_716 = arith.constant 32 : index
        %get3A_717 = tpu.vector_load %arg10[%get3A_714, %get3A_715, %get3A_716] {strides = array<i32>} : memref<4x128x64xf32, #tpu.memory_space<vmem>>, vector<1x1x16xf32>,
        %get3A_718 = vector.shape_cast %get3A_717 : vector<1x1x16xf32> to vector<16xf32>
        %mul3A_719 = vector.broadcast %squeeze3A_678 : f32 to vector<16xf32>
        %mul3A_720 = arith.mulf %get3A_718, %mul3A_719 : vector<16xf32>
        %swap3A_721 = arith.constant 2 : i32
        %swap3A_722 = arith.index_cast %swap3A_721 : i32 to index
        %swap3A_723 = arith.index_cast %add3A_682 : i32 to index
        %swap3A_724 = arith.constant 32 : index
        %swap3A_725 = tpu.vector_load %arg10[%swap3A_722, %swap3A_723, %swap3A_724] {strides = array<i32>} : memref<4x128x64xf32, #tpu.memory_space<vmem>>, vector<1x1x16xf32>,
        %swap3A_726 = vector.shape_cast %swap3A_725 : vector<1x1x16xf32> to vector<16xf32>
        %swap3A_727 = vector.shape_cast %mul3A_720 : vector<16xf32> to vector<1x1x16xf32>
        tpu.vector_store %arg10[%swap3A_722, %swap3A_723, %swap3A_724], %swap3A_727 {strides = array<i32>} : memref<4x128x64xf32, #tpu.memory_space<vmem>>, vector<1x1x16xf32>,
        %get3A_728 = arith.constant 2 : i32
        %get3A_729 = arith.index_cast %get3A_728 : i32 to index
        %get3A_730 = arith.index_cast %add3A_682 : i32 to index
        %get3A_731 = arith.constant 48 : index
        %get3A_732 = tpu.vector_load %arg10[%get3A_729, %get3A_730, %get3A_731] {strides = array<i32>} : memref<4x128x64xf32, #tpu.memory_space<vmem>>, vector<1x1x16xf32>,
        %get3A_733 = vector.shape_cast %get3A_732 : vector<1x1x16xf32> to vector<16xf32>
        %mul3A_734 = vector.broadcast %squeeze3A_678 : f32 to vector<16xf32>
        %mul3A_735 = arith.mulf %get3A_733, %mul3A_734 : vector<16xf32>
        %swap3A_736 = arith.constant 2 : i32
        %swap3A_737 = arith.index_cast %swap3A_736 : i32 to index
        %swap3A_738 = arith.index_cast %add3A_682 : i32 to index
        %swap3A_739 = arith.constant 48 : index
        %swap3A_740 = tpu.vector_load %arg10[%swap3A_737, %swap3A_738, %swap3A_739] {strides = array<i32>} : memref<4x128x64xf32, #tpu.memory_space<vmem>>, vector<1x1x16xf32>,
        %swap3A_741 = vector.shape_cast %swap3A_740 : vector<1x1x16xf32> to vector<16xf32>
        %swap3A_742 = vector.shape_cast %mul3A_735 : vector<16xf32> to vector<1x1x16xf32>
        tpu.vector_store %arg10[%swap3A_737, %swap3A_738, %swap3A_739], %swap3A_742 {strides = array<i32>} : memref<4x128x64xf32, #tpu.memory_space<vmem>>, vector<1x1x16xf32>,
        %slice3A_743 = vector.extract_strided_slice %get3A_217 {offsets = [8], sizes = [1], strides = [1]} : vector<16xf32> to vector<1xf32>
        %squeeze3A_744 = vector.extract %slice3A_743[0] : f32 from vector<1xf32>
        %mul3A_745 = arith.constant 16 : i32
        %mul3A_746 = arith.muli %scan3A_210, %mul3A_745 : i32
        %add3A_747 = arith.constant 8 : i32
        %add3A_748 = arith.addi %mul3A_746, %add3A_747 : i32
        %get3A_749 = arith.constant 2 : i32
        %get3A_750 = arith.index_cast %get3A_749 : i32 to index
        %get3A_751 = arith.index_cast %add3A_748 : i32 to index
        %get3A_752 = arith.constant 0 : index
        %get3A_753 = tpu.vector_load %arg10[%get3A_750, %get3A_751, %get3A_752] {strides = array<i32>} : memref<4x128x64xf32, #tpu.memory_space<vmem>>, vector<1x1x16xf32>,
        %get3A_754 = vector.shape_cast %get3A_753 : vector<1x1x16xf32> to vector<16xf32>
        %mul3A_755 = vector.broadcast %squeeze3A_744 : f32 to vector<16xf32>
        %mul3A_756 = arith.mulf %get3A_754, %mul3A_755 : vector<16xf32>
        %swap3A_757 = arith.constant 2 : i32
        %swap3A_758 = arith.index_cast %swap3A_757 : i32 to index
        %swap3A_759 = arith.index_cast %add3A_748 : i32 to index
        %swap3A_760 = arith.constant 0 : index
        %swap3A_761 = tpu.vector_load %arg10[%swap3A_758, %swap3A_759, %swap3A_760] {strides = array<i32>} : memref<4x128x64xf32, #tpu.memory_space<vmem>>, vector<1x1x16xf32>,
        %swap3A_762 = vector.shape_cast %swap3A_761 : vector<1x1x16xf32> to vector<16xf32>
        %swap3A_763 = vector.shape_cast %mul3A_756 : vector<16xf32> to vector<1x1x16xf32>
        tpu.vector_store %arg10[%swap3A_758, %swap3A_759, %swap3A_760], %swap3A_763 {strides = array<i32>} : memref<4x128x64xf32, #tpu.memory_space<vmem>>, vector<1x1x16xf32>,
        %get3A_764 = arith.constant 2 : i32
        %get3A_765 = arith.index_cast %get3A_764 : i32 to index
        %get3A_766 = arith.index_cast %add3A_748 : i32 to index
        %get3A_767 = arith.constant 16 : index
        %get3A_768 = tpu.vector_load %arg10[%get3A_765, %get3A_766, %get3A_767] {strides = array<i32>} : memref<4x128x64xf32, #tpu.memory_space<vmem>>, vector<1x1x16xf32>,
        %get3A_769 = vector.shape_cast %get3A_768 : vector<1x1x16xf32> to vector<16xf32>
        %mul3A_770 = vector.broadcast %squeeze3A_744 : f32 to vector<16xf32>
        %mul3A_771 = arith.mulf %get3A_769, %mul3A_770 : vector<16xf32>
        %swap3A_772 = arith.constant 2 : i32
        %swap3A_773 = arith.index_cast %swap3A_772 : i32 to index
        %swap3A_774 = arith.index_cast %add3A_748 : i32 to index
        %swap3A_775 = arith.constant 16 : index
        %swap3A_776 = tpu.vector_load %arg10[%swap3A_773, %swap3A_774, %swap3A_775] {strides = array<i32>} : memref<4x128x64xf32, #tpu.memory_space<vmem>>, vector<1x1x16xf32>,
        %swap3A_777 = vector.shape_cast %swap3A_776 : vector<1x1x16xf32> to vector<16xf32>
        %swap3A_778 = vector.shape_cast %mul3A_771 : vector<16xf32> to vector<1x1x16xf32>
        tpu.vector_store %arg10[%swap3A_773, %swap3A_774, %swap3A_775], %swap3A_778 {strides = array<i32>} : memref<4x128x64xf32, #tpu.memory_space<vmem>>, vector<1x1x16xf32>,
        %get3A_779 = arith.constant 2 : i32
        %get3A_780 = arith.index_cast %get3A_779 : i32 to index
        %get3A_781 = arith.index_cast %add3A_748 : i32 to index
        %get3A_782 = arith.constant 32 : index
        %get3A_783 = tpu.vector_load %arg10[%get3A_780, %get3A_781, %get3A_782] {strides = array<i32>} : memref<4x128x64xf32, #tpu.memory_space<vmem>>, vector<1x1x16xf32>,
        %get3A_784 = vector.shape_cast %get3A_783 : vector<1x1x16xf32> to vector<16xf32>
        %mul3A_785 = vector.broadcast %squeeze3A_744 : f32 to vector<16xf32>
        %mul3A_786 = arith.mulf %get3A_784, %mul3A_785 : vector<16xf32>
        %swap3A_787 = arith.constant 2 : i32
        %swap3A_788 = arith.index_cast %swap3A_787 : i32 to index
        %swap3A_789 = arith.index_cast %add3A_748 : i32 to index
        %swap3A_790 = arith.constant 32 : index
        %swap3A_791 = tpu.vector_load %arg10[%swap3A_788, %swap3A_789, %swap3A_790] {strides = array<i32>} : memref<4x128x64xf32, #tpu.memory_space<vmem>>, vector<1x1x16xf32>,
        %swap3A_792 = vector.shape_cast %swap3A_791 : vector<1x1x16xf32> to vector<16xf32>
        %swap3A_793 = vector.shape_cast %mul3A_786 : vector<16xf32> to vector<1x1x16xf32>
        tpu.vector_store %arg10[%swap3A_788, %swap3A_789, %swap3A_790], %swap3A_793 {strides = array<i32>} : memref<4x128x64xf32, #tpu.memory_space<vmem>>, vector<1x1x16xf32>,
        %get3A_794 = arith.constant 2 : i32
        %get3A_795 = arith.index_cast %get3A_794 : i32 to index
        %get3A_796 = arith.index_cast %add3A_748 : i32 to index
        %get3A_797 = arith.constant 48 : index
        %get3A_798 = tpu.vector_load %arg10[%get3A_795, %get3A_796, %get3A_797] {strides = array<i32>} : memref<4x128x64xf32, #tpu.memory_space<vmem>>, vector<1x1x16xf32>,
        %get3A_799 = vector.shape_cast %get3A_798 : vector<1x1x16xf32> to vector<16xf32>
        %mul3A_800 = vector.broadcast %squeeze3A_744 : f32 to vector<16xf32>
        %mul3A_801 = arith.mulf %get3A_799, %mul3A_800 : vector<16xf32>
        %swap3A_802 = arith.constant 2 : i32
        %swap3A_803 = arith.index_cast %swap3A_802 : i32 to index
        %swap3A_804 = arith.index_cast %add3A_748 : i32 to index
        %swap3A_805 = arith.constant 48 : index
        %swap3A_806 = tpu.vector_load %arg10[%swap3A_803, %swap3A_804, %swap3A_805] {strides = array<i32>} : memref<4x128x64xf32, #tpu.memory_space<vmem>>, vector<1x1x16xf32>,
        %swap3A_807 = vector.shape_cast %swap3A_806 : vector<1x1x16xf32> to vector<16xf32>
        %swap3A_808 = vector.shape_cast %mul3A_801 : vector<16xf32> to vector<1x1x16xf32>
        tpu.vector_store %arg10[%swap3A_803, %swap3A_804, %swap3A_805], %swap3A_808 {strides = array<i32>} : memref<4x128x64xf32, #tpu.memory_space<vmem>>, vector<1x1x16xf32>,
        %slice3A_809 = vector.extract_strided_slice %get3A_217 {offsets = [9], sizes = [1], strides = [1]} : vector<16xf32> to vector<1xf32>
        %squeeze3A_810 = vector.extract %slice3A_809[0] : f32 from vector<1xf32>
        %mul3A_811 = arith.constant 16 : i32
        %mul3A_812 = arith.muli %scan3A_210, %mul3A_811 : i32
        %add3A_813 = arith.constant 9 : i32
        %add3A_814 = arith.addi %mul3A_812, %add3A_813 : i32
        %get3A_815 = arith.constant 2 : i32
        %get3A_816 = arith.index_cast %get3A_815 : i32 to index
        %get3A_817 = arith.index_cast %add3A_814 : i32 to index
        %get3A_818 = arith.constant 0 : index
        %get3A_819 = tpu.vector_load %arg10[%get3A_816, %get3A_817, %get3A_818] {strides = array<i32>} : memref<4x128x64xf32, #tpu.memory_space<vmem>>, vector<1x1x16xf32>,
        %get3A_820 = vector.shape_cast %get3A_819 : vector<1x1x16xf32> to vector<16xf32>
        %mul3A_821 = vector.broadcast %squeeze3A_810 : f32 to vector<16xf32>
        %mul3A_822 = arith.mulf %get3A_820, %mul3A_821 : vector<16xf32>
        %swap3A_823 = arith.constant 2 : i32
        %swap3A_824 = arith.index_cast %swap3A_823 : i32 to index
        %swap3A_825 = arith.index_cast %add3A_814 : i32 to index
        %swap3A_826 = arith.constant 0 : index
        %swap3A_827 = tpu.vector_load %arg10[%swap3A_824, %swap3A_825, %swap3A_826] {strides = array<i32>} : memref<4x128x64xf32, #tpu.memory_space<vmem>>, vector<1x1x16xf32>,
        %swap3A_828 = vector.shape_cast %swap3A_827 : vector<1x1x16xf32> to vector<16xf32>
        %swap3A_829 = vector.shape_cast %mul3A_822 : vector<16xf32> to vector<1x1x16xf32>
        tpu.vector_store %arg10[%swap3A_824, %swap3A_825, %swap3A_826], %swap3A_829 {strides = array<i32>} : memref<4x128x64xf32, #tpu.memory_space<vmem>>, vector<1x1x16xf32>,
        %get3A_830 = arith.constant 2 : i32
        %get3A_831 = arith.index_cast %get3A_830 : i32 to index
        %get3A_832 = arith.index_cast %add3A_814 : i32 to index
        %get3A_833 = arith.constant 16 : index
        %get3A_834 = tpu.vector_load %arg10[%get3A_831, %get3A_832, %get3A_833] {strides = array<i32>} : memref<4x128x64xf32, #tpu.memory_space<vmem>>, vector<1x1x16xf32>,
        %get3A_835 = vector.shape_cast %get3A_834 : vector<1x1x16xf32> to vector<16xf32>
        %mul3A_836 = vector.broadcast %squeeze3A_810 : f32 to vector<16xf32>
        %mul3A_837 = arith.mulf %get3A_835, %mul3A_836 : vector<16xf32>
        %swap3A_838 = arith.constant 2 : i32
        %swap3A_839 = arith.index_cast %swap3A_838 : i32 to index
        %swap3A_840 = arith.index_cast %add3A_814 : i32 to index
        %swap3A_841 = arith.constant 16 : index
        %swap3A_842 = tpu.vector_load %arg10[%swap3A_839, %swap3A_840, %swap3A_841] {strides = array<i32>} : memref<4x128x64xf32, #tpu.memory_space<vmem>>, vector<1x1x16xf32>,
        %swap3A_843 = vector.shape_cast %swap3A_842 : vector<1x1x16xf32> to vector<16xf32>
        %swap3A_844 = vector.shape_cast %mul3A_837 : vector<16xf32> to vector<1x1x16xf32>
        tpu.vector_store %arg10[%swap3A_839, %swap3A_840, %swap3A_841], %swap3A_844 {strides = array<i32>} : memref<4x128x64xf32, #tpu.memory_space<vmem>>, vector<1x1x16xf32>,
        %get3A_845 = arith.constant 2 : i32
        %get3A_846 = arith.index_cast %get3A_845 : i32 to index
        %get3A_847 = arith.index_cast %add3A_814 : i32 to index
        %get3A_848 = arith.constant 32 : index
        %get3A_849 = tpu.vector_load %arg10[%get3A_846, %get3A_847, %get3A_848] {strides = array<i32>} : memref<4x128x64xf32, #tpu.memory_space<vmem>>, vector<1x1x16xf32>,
        %get3A_850 = vector.shape_cast %get3A_849 : vector<1x1x16xf32> to vector<16xf32>
        %mul3A_851 = vector.broadcast %squeeze3A_810 : f32 to vector<16xf32>
        %mul3A_852 = arith.mulf %get3A_850, %mul3A_851 : vector<16xf32>
        %swap3A_853 = arith.constant 2 : i32
        %swap3A_854 = arith.index_cast %swap3A_853 : i32 to index
        %swap3A_855 = arith.index_cast %add3A_814 : i32 to index
        %swap3A_856 = arith.constant 32 : index
        %swap3A_857 = tpu.vector_load %arg10[%swap3A_854, %swap3A_855, %swap3A_856] {strides = array<i32>} : memref<4x128x64xf32, #tpu.memory_space<vmem>>, vector<1x1x16xf32>,
        %swap3A_858 = vector.shape_cast %swap3A_857 : vector<1x1x16xf32> to vector<16xf32>
        %swap3A_859 = vector.shape_cast %mul3A_852 : vector<16xf32> to vector<1x1x16xf32>
        tpu.vector_store %arg10[%swap3A_854, %swap3A_855, %swap3A_856], %swap3A_859 {strides = array<i32>} : memref<4x128x64xf32, #tpu.memory_space<vmem>>, vector<1x1x16xf32>,
        %get3A_860 = arith.constant 2 : i32
        %get3A_861 = arith.index_cast %get3A_860 : i32 to index
        %get3A_862 = arith.index_cast %add3A_814 : i32 to index
        %get3A_863 = arith.constant 48 : index
        %get3A_864 = tpu.vector_load %arg10[%get3A_861, %get3A_862, %get3A_863] {strides = array<i32>} : memref<4x128x64xf32, #tpu.memory_space<vmem>>, vector<1x1x16xf32>,
        %get3A_865 = vector.shape_cast %get3A_864 : vector<1x1x16xf32> to vector<16xf32>
        %mul3A_866 = vector.broadcast %squeeze3A_810 : f32 to vector<16xf32>
        %mul3A_867 = arith.mulf %get3A_865, %mul3A_866 : vector<16xf32>
        %swap3A_868 = arith.constant 2 : i32
        %swap3A_869 = arith.index_cast %swap3A_868 : i32 to index
        %swap3A_870 = arith.index_cast %add3A_814 : i32 to index
        %swap3A_871 = arith.constant 48 : index
        %swap3A_872 = tpu.vector_load %arg10[%swap3A_869, %swap3A_870, %swap3A_871] {strides = array<i32>} : memref<4x128x64xf32, #tpu.memory_space<vmem>>, vector<1x1x16xf32>,
        %swap3A_873 = vector.shape_cast %swap3A_872 : vector<1x1x16xf32> to vector<16xf32>
        %swap3A_874 = vector.shape_cast %mul3A_867 : vector<16xf32> to vector<1x1x16xf32>
        tpu.vector_store %arg10[%swap3A_869, %swap3A_870, %swap3A_871], %swap3A_874 {strides = array<i32>} : memref<4x128x64xf32, #tpu.memory_space<vmem>>, vector<1x1x16xf32>,
        %slice3A_875 = vector.extract_strided_slice %get3A_217 {offsets = [10], sizes = [1], strides = [1]} : vector<16xf32> to vector<1xf32>
        %squeeze3A_876 = vector.extract %slice3A_875[0] : f32 from vector<1xf32>
        %mul3A_877 = arith.constant 16 : i32
        %mul3A_878 = arith.muli %scan3A_210, %mul3A_877 : i32
        %add3A_879 = arith.constant 10 : i32
        %add3A_880 = arith.addi %mul3A_878, %add3A_879 : i32
        %get3A_881 = arith.constant 2 : i32
        %get3A_882 = arith.index_cast %get3A_881 : i32 to index
        %get3A_883 = arith.index_cast %add3A_880 : i32 to index
        %get3A_884 = arith.constant 0 : index
        %get3A_885 = tpu.vector_load %arg10[%get3A_882, %get3A_883, %get3A_884] {strides = array<i32>} : memref<4x128x64xf32, #tpu.memory_space<vmem>>, vector<1x1x16xf32>,
        %get3A_886 = vector.shape_cast %get3A_885 : vector<1x1x16xf32> to vector<16xf32>
        %mul3A_887 = vector.broadcast %squeeze3A_876 : f32 to vector<16xf32>
        %mul3A_888 = arith.mulf %get3A_886, %mul3A_887 : vector<16xf32>
        %swap3A_889 = arith.constant 2 : i32
        %swap3A_890 = arith.index_cast %swap3A_889 : i32 to index
        %swap3A_891 = arith.index_cast %add3A_880 : i32 to index
        %swap3A_892 = arith.constant 0 : index
        %swap3A_893 = tpu.vector_load %arg10[%swap3A_890, %swap3A_891, %swap3A_892] {strides = array<i32>} : memref<4x128x64xf32, #tpu.memory_space<vmem>>, vector<1x1x16xf32>,
        %swap3A_894 = vector.shape_cast %swap3A_893 : vector<1x1x16xf32> to vector<16xf32>
        %swap3A_895 = vector.shape_cast %mul3A_888 : vector<16xf32> to vector<1x1x16xf32>
        tpu.vector_store %arg10[%swap3A_890, %swap3A_891, %swap3A_892], %swap3A_895 {strides = array<i32>} : memref<4x128x64xf32, #tpu.memory_space<vmem>>, vector<1x1x16xf32>,
        %get3A_896 = arith.constant 2 : i32
        %get3A_897 = arith.index_cast %get3A_896 : i32 to index
        %get3A_898 = arith.index_cast %add3A_880 : i32 to index
        %get3A_899 = arith.constant 16 : index
        %get3A_900 = tpu.vector_load %arg10[%get3A_897, %get3A_898, %get3A_899] {strides = array<i32>} : memref<4x128x64xf32, #tpu.memory_space<vmem>>, vector<1x1x16xf32>,
        %get3A_901 = vector.shape_cast %get3A_900 : vector<1x1x16xf32> to vector<16xf32>
        %mul3A_902 = vector.broadcast %squeeze3A_876 : f32 to vector<16xf32>
        %mul3A_903 = arith.mulf %get3A_901, %mul3A_902 : vector<16xf32>
        %swap3A_904 = arith.constant 2 : i32
        %swap3A_905 = arith.index_cast %swap3A_904 : i32 to index
        %swap3A_906 = arith.index_cast %add3A_880 : i32 to index
        %swap3A_907 = arith.constant 16 : index
        %swap3A_908 = tpu.vector_load %arg10[%swap3A_905, %swap3A_906, %swap3A_907] {strides = array<i32>} : memref<4x128x64xf32, #tpu.memory_space<vmem>>, vector<1x1x16xf32>,
        %swap3A_909 = vector.shape_cast %swap3A_908 : vector<1x1x16xf32> to vector<16xf32>
        %swap3A_910 = vector.shape_cast %mul3A_903 : vector<16xf32> to vector<1x1x16xf32>
        tpu.vector_store %arg10[%swap3A_905, %swap3A_906, %swap3A_907], %swap3A_910 {strides = array<i32>} : memref<4x128x64xf32, #tpu.memory_space<vmem>>, vector<1x1x16xf32>,
        %get3A_911 = arith.constant 2 : i32
        %get3A_912 = arith.index_cast %get3A_911 : i32 to index
        %get3A_913 = arith.index_cast %add3A_880 : i32 to index
        %get3A_914 = arith.constant 32 : index
        %get3A_915 = tpu.vector_load %arg10[%get3A_912, %get3A_913, %get3A_914] {strides = array<i32>} : memref<4x128x64xf32, #tpu.memory_space<vmem>>, vector<1x1x16xf32>,
        %get3A_916 = vector.shape_cast %get3A_915 : vector<1x1x16xf32> to vector<16xf32>
        %mul3A_917 = vector.broadcast %squeeze3A_876 : f32 to vector<16xf32>
        %mul3A_918 = arith.mulf %get3A_916, %mul3A_917 : vector<16xf32>
        %swap3A_919 = arith.constant 2 : i32
        %swap3A_920 = arith.index_cast %swap3A_919 : i32 to index
        %swap3A_921 = arith.index_cast %add3A_880 : i32 to index
        %swap3A_922 = arith.constant 32 : index
        %swap3A_923 = tpu.vector_load %arg10[%swap3A_920, %swap3A_921, %swap3A_922] {strides = array<i32>} : memref<4x128x64xf32, #tpu.memory_space<vmem>>, vector<1x1x16xf32>,
        %swap3A_924 = vector.shape_cast %swap3A_923 : vector<1x1x16xf32> to vector<16xf32>
        %swap3A_925 = vector.shape_cast %mul3A_918 : vector<16xf32> to vector<1x1x16xf32>
        tpu.vector_store %arg10[%swap3A_920, %swap3A_921, %swap3A_922], %swap3A_925 {strides = array<i32>} : memref<4x128x64xf32, #tpu.memory_space<vmem>>, vector<1x1x16xf32>,
        %get3A_926 = arith.constant 2 : i32
        %get3A_927 = arith.index_cast %get3A_926 : i32 to index
        %get3A_928 = arith.index_cast %add3A_880 : i32 to index
        %get3A_929 = arith.constant 48 : index
        %get3A_930 = tpu.vector_load %arg10[%get3A_927, %get3A_928, %get3A_929] {strides = array<i32>} : memref<4x128x64xf32, #tpu.memory_space<vmem>>, vector<1x1x16xf32>,
        %get3A_931 = vector.shape_cast %get3A_930 : vector<1x1x16xf32> to vector<16xf32>
        %mul3A_932 = vector.broadcast %squeeze3A_876 : f32 to vector<16xf32>
        %mul3A_933 = arith.mulf %get3A_931, %mul3A_932 : vector<16xf32>
        %swap3A_934 = arith.constant 2 : i32
        %swap3A_935 = arith.index_cast %swap3A_934 : i32 to index
        %swap3A_936 = arith.index_cast %add3A_880 : i32 to index
        %swap3A_937 = arith.constant 48 : index
        %swap3A_938 = tpu.vector_load %arg10[%swap3A_935, %swap3A_936, %swap3A_937] {strides = array<i32>} : memref<4x128x64xf32, #tpu.memory_space<vmem>>, vector<1x1x16xf32>,
        %swap3A_939 = vector.shape_cast %swap3A_938 : vector<1x1x16xf32> to vector<16xf32>
        %swap3A_940 = vector.shape_cast %mul3A_933 : vector<16xf32> to vector<1x1x16xf32>
        tpu.vector_store %arg10[%swap3A_935, %swap3A_936, %swap3A_937], %swap3A_940 {strides = array<i32>} : memref<4x128x64xf32, #tpu.memory_space<vmem>>, vector<1x1x16xf32>,
        %slice3A_941 = vector.extract_strided_slice %get3A_217 {offsets = [11], sizes = [1], strides = [1]} : vector<16xf32> to vector<1xf32>
        %squeeze3A_942 = vector.extract %slice3A_941[0] : f32 from vector<1xf32>
        %mul3A_943 = arith.constant 16 : i32
        %mul3A_944 = arith.muli %scan3A_210, %mul3A_943 : i32
        %add3A_945 = arith.constant 11 : i32
        %add3A_946 = arith.addi %mul3A_944, %add3A_945 : i32
        %get3A_947 = arith.constant 2 : i32
        %get3A_948 = arith.index_cast %get3A_947 : i32 to index
        %get3A_949 = arith.index_cast %add3A_946 : i32 to index
        %get3A_950 = arith.constant 0 : index
        %get3A_951 = tpu.vector_load %arg10[%get3A_948, %get3A_949, %get3A_950] {strides = array<i32>} : memref<4x128x64xf32, #tpu.memory_space<vmem>>, vector<1x1x16xf32>,
        %get3A_952 = vector.shape_cast %get3A_951 : vector<1x1x16xf32> to vector<16xf32>
        %mul3A_953 = vector.broadcast %squeeze3A_942 : f32 to vector<16xf32>
        %mul3A_954 = arith.mulf %get3A_952, %mul3A_953 : vector<16xf32>
        %swap3A_955 = arith.constant 2 : i32
        %swap3A_956 = arith.index_cast %swap3A_955 : i32 to index
        %swap3A_957 = arith.index_cast %add3A_946 : i32 to index
        %swap3A_958 = arith.constant 0 : index
        %swap3A_959 = tpu.vector_load %arg10[%swap3A_956, %swap3A_957, %swap3A_958] {strides = array<i32>} : memref<4x128x64xf32, #tpu.memory_space<vmem>>, vector<1x1x16xf32>,
        %swap3A_960 = vector.shape_cast %swap3A_959 : vector<1x1x16xf32> to vector<16xf32>
        %swap3A_961 = vector.shape_cast %mul3A_954 : vector<16xf32> to vector<1x1x16xf32>
        tpu.vector_store %arg10[%swap3A_956, %swap3A_957, %swap3A_958], %swap3A_961 {strides = array<i32>} : memref<4x128x64xf32, #tpu.memory_space<vmem>>, vector<1x1x16xf32>,
        %get3A_962 = arith.constant 2 : i32
        %get3A_963 = arith.index_cast %get3A_962 : i32 to index
        %get3A_964 = arith.index_cast %add3A_946 : i32 to index
        %get3A_965 = arith.constant 16 : index
        %get3A_966 = tpu.vector_load %arg10[%get3A_963, %get3A_964, %get3A_965] {strides = array<i32>} : memref<4x128x64xf32, #tpu.memory_space<vmem>>, vector<1x1x16xf32>,
        %get3A_967 = vector.shape_cast %get3A_966 : vector<1x1x16xf32> to vector<16xf32>
        %mul3A_968 = vector.broadcast %squeeze3A_942 : f32 to vector<16xf32>
        %mul3A_969 = arith.mulf %get3A_967, %mul3A_968 : vector<16xf32>
        %swap3A_970 = arith.constant 2 : i32
        %swap3A_971 = arith.index_cast %swap3A_970 : i32 to index
        %swap3A_972 = arith.index_cast %add3A_946 : i32 to index
        %swap3A_973 = arith.constant 16 : index
        %swap3A_974 = tpu.vector_load %arg10[%swap3A_971, %swap3A_972, %swap3A_973] {strides = array<i32>} : memref<4x128x64xf32, #tpu.memory_space<vmem>>, vector<1x1x16xf32>,
        %swap3A_975 = vector.shape_cast %swap3A_974 : vector<1x1x16xf32> to vector<16xf32>
        %swap3A_976 = vector.shape_cast %mul3A_969 : vector<16xf32> to vector<1x1x16xf32>
        tpu.vector_store %arg10[%swap3A_971, %swap3A_972, %swap3A_973], %swap3A_976 {strides = array<i32>} : memref<4x128x64xf32, #tpu.memory_space<vmem>>, vector<1x1x16xf32>,
        %get3A_977 = arith.constant 2 : i32
        %get3A_978 = arith.index_cast %get3A_977 : i32 to index
        %get3A_979 = arith.index_cast %add3A_946 : i32 to index
        %get3A_980 = arith.constant 32 : index
        %get3A_981 = tpu.vector_load %arg10[%get3A_978, %get3A_979, %get3A_980] {strides = array<i32>} : memref<4x128x64xf32, #tpu.memory_space<vmem>>, vector<1x1x16xf32>,
        %get3A_982 = vector.shape_cast %get3A_981 : vector<1x1x16xf32> to vector<16xf32>
        %mul3A_983 = vector.broadcast %squeeze3A_942 : f32 to vector<16xf32>
        %mul3A_984 = arith.mulf %get3A_982, %mul3A_983 : vector<16xf32>
        %swap3A_985 = arith.constant 2 : i32
        %swap3A_986 = arith.index_cast %swap3A_985 : i32 to index
        %swap3A_987 = arith.index_cast %add3A_946 : i32 to index
        %swap3A_988 = arith.constant 32 : index
        %swap3A_989 = tpu.vector_load %arg10[%swap3A_986, %swap3A_987, %swap3A_988] {strides = array<i32>} : memref<4x128x64xf32, #tpu.memory_space<vmem>>, vector<1x1x16xf32>,
        %swap3A_990 = vector.shape_cast %swap3A_989 : vector<1x1x16xf32> to vector<16xf32>
        %swap3A_991 = vector.shape_cast %mul3A_984 : vector<16xf32> to vector<1x1x16xf32>
        tpu.vector_store %arg10[%swap3A_986, %swap3A_987, %swap3A_988], %swap3A_991 {strides = array<i32>} : memref<4x128x64xf32, #tpu.memory_space<vmem>>, vector<1x1x16xf32>,
        %get3A_992 = arith.constant 2 : i32
        %get3A_993 = arith.index_cast %get3A_992 : i32 to index
        %get3A_994 = arith.index_cast %add3A_946 : i32 to index
        %get3A_995 = arith.constant 48 : index
        %get3A_996 = tpu.vector_load %arg10[%get3A_993, %get3A_994, %get3A_995] {strides = array<i32>} : memref<4x128x64xf32, #tpu.memory_space<vmem>>, vector<1x1x16xf32>,
        %get3A_997 = vector.shape_cast %get3A_996 : vector<1x1x16xf32> to vector<16xf32>
        %mul3A_998 = vector.broadcast %squeeze3A_942 : f32 to vector<16xf32>
        %mul3A_999 = arith.mulf %get3A_997, %mul3A_998 : vector<16xf32>
        %swap3A_1000 = arith.constant 2 : i32
        %swap3A_1001 = arith.index_cast %swap3A_1000 : i32 to index
        %swap3A_1002 = arith.index_cast %add3A_946 : i32 to index
        %swap3A_1003 = arith.constant 48 : index
        %swap3A_1004 = tpu.vector_load %arg10[%swap3A_1001, %swap3A_1002, %swap3A_1003] {strides = array<i32>} : memref<4x128x64xf32, #tpu.memory_space<vmem>>, vector<1x1x16xf32>,
        %swap3A_1005 = vector.shape_cast %swap3A_1004 : vector<1x1x16xf32> to vector<16xf32>
        %swap3A_1006 = vector.shape_cast %mul3A_999 : vector<16xf32> to vector<1x1x16xf32>
        tpu.vector_store %arg10[%swap3A_1001, %swap3A_1002, %swap3A_1003], %swap3A_1006 {strides = array<i32>} : memref<4x128x64xf32, #tpu.memory_space<vmem>>, vector<1x1x16xf32>,
        %slice3A_1007 = vector.extract_strided_slice %get3A_217 {offsets = [12], sizes = [1], strides = [1]} : vector<16xf32> to vector<1xf32>
        %squeeze3A_1008 = vector.extract %slice3A_1007[0] : f32 from vector<1xf32>
        %mul3A_1009 = arith.constant 16 : i32
        %mul3A_1010 = arith.muli %scan3A_210, %mul3A_1009 : i32
        %add3A_1011 = arith.constant 12 : i32
        %add3A_1012 = arith.addi %mul3A_1010, %add3A_1011 : i32
        %get3A_1013 = arith.constant 2 : i32
        %get3A_1014 = arith.index_cast %get3A_1013 : i32 to index
        %get3A_1015 = arith.index_cast %add3A_1012 : i32 to index
        %get3A_1016 = arith.constant 0 : index
        %get3A_1017 = tpu.vector_load %arg10[%get3A_1014, %get3A_1015, %get3A_1016] {strides = array<i32>} : memref<4x128x64xf32, #tpu.memory_space<vmem>>, vector<1x1x16xf32>,
        %get3A_1018 = vector.shape_cast %get3A_1017 : vector<1x1x16xf32> to vector<16xf32>
        %mul3A_1019 = vector.broadcast %squeeze3A_1008 : f32 to vector<16xf32>
        %mul3A_1020 = arith.mulf %get3A_1018, %mul3A_1019 : vector<16xf32>
        %swap3A_1021 = arith.constant 2 : i32
        %swap3A_1022 = arith.index_cast %swap3A_1021 : i32 to index
        %swap3A_1023 = arith.index_cast %add3A_1012 : i32 to index
        %swap3A_1024 = arith.constant 0 : index
        %swap3A_1025 = tpu.vector_load %arg10[%swap3A_1022, %swap3A_1023, %swap3A_1024] {strides = array<i32>} : memref<4x128x64xf32, #tpu.memory_space<vmem>>, vector<1x1x16xf32>,
        %swap3A_1026 = vector.shape_cast %swap3A_1025 : vector<1x1x16xf32> to vector<16xf32>
        %swap3A_1027 = vector.shape_cast %mul3A_1020 : vector<16xf32> to vector<1x1x16xf32>
        tpu.vector_store %arg10[%swap3A_1022, %swap3A_1023, %swap3A_1024], %swap3A_1027 {strides = array<i32>} : memref<4x128x64xf32, #tpu.memory_space<vmem>>, vector<1x1x16xf32>,
        %get3A_1028 = arith.constant 2 : i32
        %get3A_1029 = arith.index_cast %get3A_1028 : i32 to index
        %get3A_1030 = arith.index_cast %add3A_1012 : i32 to index
        %get3A_1031 = arith.constant 16 : index
        %get3A_1032 = tpu.vector_load %arg10[%get3A_1029, %get3A_1030, %get3A_1031] {strides = array<i32>} : memref<4x128x64xf32, #tpu.memory_space<vmem>>, vector<1x1x16xf32>,
        %get3A_1033 = vector.shape_cast %get3A_1032 : vector<1x1x16xf32> to vector<16xf32>
        %mul3A_1034 = vector.broadcast %squeeze3A_1008 : f32 to vector<16xf32>
        %mul3A_1035 = arith.mulf %get3A_1033, %mul3A_1034 : vector<16xf32>
        %swap3A_1036 = arith.constant 2 : i32
        %swap3A_1037 = arith.index_cast %swap3A_1036 : i32 to index
        %swap3A_1038 = arith.index_cast %add3A_1012 : i32 to index
        %swap3A_1039 = arith.constant 16 : index
        %swap3A_1040 = tpu.vector_load %arg10[%swap3A_1037, %swap3A_1038, %swap3A_1039] {strides = array<i32>} : memref<4x128x64xf32, #tpu.memory_space<vmem>>, vector<1x1x16xf32>,
        %swap3A_1041 = vector.shape_cast %swap3A_1040 : vector<1x1x16xf32> to vector<16xf32>
        %swap3A_1042 = vector.shape_cast %mul3A_1035 : vector<16xf32> to vector<1x1x16xf32>
        tpu.vector_store %arg10[%swap3A_1037, %swap3A_1038, %swap3A_1039], %swap3A_1042 {strides = array<i32>} : memref<4x128x64xf32, #tpu.memory_space<vmem>>, vector<1x1x16xf32>,
        %get3A_1043 = arith.constant 2 : i32
        %get3A_1044 = arith.index_cast %get3A_1043 : i32 to index
        %get3A_1045 = arith.index_cast %add3A_1012 : i32 to index
        %get3A_1046 = arith.constant 32 : index
        %get3A_1047 = tpu.vector_load %arg10[%get3A_1044, %get3A_1045, %get3A_1046] {strides = array<i32>} : memref<4x128x64xf32, #tpu.memory_space<vmem>>, vector<1x1x16xf32>,
        %get3A_1048 = vector.shape_cast %get3A_1047 : vector<1x1x16xf32> to vector<16xf32>
        %mul3A_1049 = vector.broadcast %squeeze3A_1008 : f32 to vector<16xf32>
        %mul3A_1050 = arith.mulf %get3A_1048, %mul3A_1049 : vector<16xf32>
        %swap3A_1051 = arith.constant 2 : i32
        %swap3A_1052 = arith.index_cast %swap3A_1051 : i32 to index
        %swap3A_1053 = arith.index_cast %add3A_1012 : i32 to index
        %swap3A_1054 = arith.constant 32 : index
        %swap3A_1055 = tpu.vector_load %arg10[%swap3A_1052, %swap3A_1053, %swap3A_1054] {strides = array<i32>} : memref<4x128x64xf32, #tpu.memory_space<vmem>>, vector<1x1x16xf32>,
        %swap3A_1056 = vector.shape_cast %swap3A_1055 : vector<1x1x16xf32> to vector<16xf32>
        %swap3A_1057 = vector.shape_cast %mul3A_1050 : vector<16xf32> to vector<1x1x16xf32>
        tpu.vector_store %arg10[%swap3A_1052, %swap3A_1053, %swap3A_1054], %swap3A_1057 {strides = array<i32>} : memref<4x128x64xf32, #tpu.memory_space<vmem>>, vector<1x1x16xf32>,
        %get3A_1058 = arith.constant 2 : i32
        %get3A_1059 = arith.index_cast %get3A_1058 : i32 to index
        %get3A_1060 = arith.index_cast %add3A_1012 : i32 to index
        %get3A_1061 = arith.constant 48 : index
        %get3A_1062 = tpu.vector_load %arg10[%get3A_1059, %get3A_1060, %get3A_1061] {strides = array<i32>} : memref<4x128x64xf32, #tpu.memory_space<vmem>>, vector<1x1x16xf32>,
        %get3A_1063 = vector.shape_cast %get3A_1062 : vector<1x1x16xf32> to vector<16xf32>
        %mul3A_1064 = vector.broadcast %squeeze3A_1008 : f32 to vector<16xf32>
        %mul3A_1065 = arith.mulf %get3A_1063, %mul3A_1064 : vector<16xf32>
        %swap3A_1066 = arith.constant 2 : i32
        %swap3A_1067 = arith.index_cast %swap3A_1066 : i32 to index
        %swap3A_1068 = arith.index_cast %add3A_1012 : i32 to index
        %swap3A_1069 = arith.constant 48 : index
        %swap3A_1070 = tpu.vector_load %arg10[%swap3A_1067, %swap3A_1068, %swap3A_1069] {strides = array<i32>} : memref<4x128x64xf32, #tpu.memory_space<vmem>>, vector<1x1x16xf32>,
        %swap3A_1071 = vector.shape_cast %swap3A_1070 : vector<1x1x16xf32> to vector<16xf32>
        %swap3A_1072 = vector.shape_cast %mul3A_1065 : vector<16xf32> to vector<1x1x16xf32>
        tpu.vector_store %arg10[%swap3A_1067, %swap3A_1068, %swap3A_1069], %swap3A_1072 {strides = array<i32>} : memref<4x128x64xf32, #tpu.memory_space<vmem>>, vector<1x1x16xf32>,
        %slice3A_1073 = vector.extract_strided_slice %get3A_217 {offsets = [13], sizes = [1], strides = [1]} : vector<16xf32> to vector<1xf32>
        %squeeze3A_1074 = vector.extract %slice3A_1073[0] : f32 from vector<1xf32>
        %mul3A_1075 = arith.constant 16 : i32
        %mul3A_1076 = arith.muli %scan3A_210, %mul3A_1075 : i32
        %add3A_1077 = arith.constant 13 : i32
        %add3A_1078 = arith.addi %mul3A_1076, %add3A_1077 : i32
        %get3A_1079 = arith.constant 2 : i32
        %get3A_1080 = arith.index_cast %get3A_1079 : i32 to index
        %get3A_1081 = arith.index_cast %add3A_1078 : i32 to index
        %get3A_1082 = arith.constant 0 : index
        %get3A_1083 = tpu.vector_load %arg10[%get3A_1080, %get3A_1081, %get3A_1082] {strides = array<i32>} : memref<4x128x64xf32, #tpu.memory_space<vmem>>, vector<1x1x16xf32>,
        %get3A_1084 = vector.shape_cast %get3A_1083 : vector<1x1x16xf32> to vector<16xf32>
        %mul3A_1085 = vector.broadcast %squeeze3A_1074 : f32 to vector<16xf32>
        %mul3A_1086 = arith.mulf %get3A_1084, %mul3A_1085 : vector<16xf32>
        %swap3A_1087 = arith.constant 2 : i32
        %swap3A_1088 = arith.index_cast %swap3A_1087 : i32 to index
        %swap3A_1089 = arith.index_cast %add3A_1078 : i32 to index
        %swap3A_1090 = arith.constant 0 : index
        %swap3A_1091 = tpu.vector_load %arg10[%swap3A_1088, %swap3A_1089, %swap3A_1090] {strides = array<i32>} : memref<4x128x64xf32, #tpu.memory_space<vmem>>, vector<1x1x16xf32>,
        %swap3A_1092 = vector.shape_cast %swap3A_1091 : vector<1x1x16xf32> to vector<16xf32>
        %swap3A_1093 = vector.shape_cast %mul3A_1086 : vector<16xf32> to vector<1x1x16xf32>
        tpu.vector_store %arg10[%swap3A_1088, %swap3A_1089, %swap3A_1090], %swap3A_1093 {strides = array<i32>} : memref<4x128x64xf32, #tpu.memory_space<vmem>>, vector<1x1x16xf32>,
        %get3A_1094 = arith.constant 2 : i32
        %get3A_1095 = arith.index_cast %get3A_1094 : i32 to index
        %get3A_1096 = arith.index_cast %add3A_1078 : i32 to index
        %get3A_1097 = arith.constant 16 : index
        %get3A_1098 = tpu.vector_load %arg10[%get3A_1095, %get3A_1096, %get3A_1097] {strides = array<i32>} : memref<4x128x64xf32, #tpu.memory_space<vmem>>, vector<1x1x16xf32>,
        %get3A_1099 = vector.shape_cast %get3A_1098 : vector<1x1x16xf32> to vector<16xf32>
        %mul3A_1100 = vector.broadcast %squeeze3A_1074 : f32 to vector<16xf32>
        %mul3A_1101 = arith.mulf %get3A_1099, %mul3A_1100 : vector<16xf32>
        %swap3A_1102 = arith.constant 2 : i32
        %swap3A_1103 = arith.index_cast %swap3A_1102 : i32 to index
        %swap3A_1104 = arith.index_cast %add3A_1078 : i32 to index
        %swap3A_1105 = arith.constant 16 : index
        %swap3A_1106 = tpu.vector_load %arg10[%swap3A_1103, %swap3A_1104, %swap3A_1105] {strides = array<i32>} : memref<4x128x64xf32, #tpu.memory_space<vmem>>, vector<1x1x16xf32>,
        %swap3A_1107 = vector.shape_cast %swap3A_1106 : vector<1x1x16xf32> to vector<16xf32>
        %swap3A_1108 = vector.shape_cast %mul3A_1101 : vector<16xf32> to vector<1x1x16xf32>
        tpu.vector_store %arg10[%swap3A_1103, %swap3A_1104, %swap3A_1105], %swap3A_1108 {strides = array<i32>} : memref<4x128x64xf32, #tpu.memory_space<vmem>>, vector<1x1x16xf32>,
        %get3A_1109 = arith.constant 2 : i32
        %get3A_1110 = arith.index_cast %get3A_1109 : i32 to index
        %get3A_1111 = arith.index_cast %add3A_1078 : i32 to index
        %get3A_1112 = arith.constant 32 : index
        %get3A_1113 = tpu.vector_load %arg10[%get3A_1110, %get3A_1111, %get3A_1112] {strides = array<i32>} : memref<4x128x64xf32, #tpu.memory_space<vmem>>, vector<1x1x16xf32>,
        %get3A_1114 = vector.shape_cast %get3A_1113 : vector<1x1x16xf32> to vector<16xf32>
        %mul3A_1115 = vector.broadcast %squeeze3A_1074 : f32 to vector<16xf32>
        %mul3A_1116 = arith.mulf %get3A_1114, %mul3A_1115 : vector<16xf32>
        %swap3A_1117 = arith.constant 2 : i32
        %swap3A_1118 = arith.index_cast %swap3A_1117 : i32 to index
        %swap3A_1119 = arith.index_cast %add3A_1078 : i32 to index
        %swap3A_1120 = arith.constant 32 : index
        %swap3A_1121 = tpu.vector_load %arg10[%swap3A_1118, %swap3A_1119, %swap3A_1120] {strides = array<i32>} : memref<4x128x64xf32, #tpu.memory_space<vmem>>, vector<1x1x16xf32>,
        %swap3A_1122 = vector.shape_cast %swap3A_1121 : vector<1x1x16xf32> to vector<16xf32>
        %swap3A_1123 = vector.shape_cast %mul3A_1116 : vector<16xf32> to vector<1x1x16xf32>
        tpu.vector_store %arg10[%swap3A_1118, %swap3A_1119, %swap3A_1120], %swap3A_1123 {strides = array<i32>} : memref<4x128x64xf32, #tpu.memory_space<vmem>>, vector<1x1x16xf32>,
        %get3A_1124 = arith.constant 2 : i32
        %get3A_1125 = arith.index_cast %get3A_1124 : i32 to index
        %get3A_1126 = arith.index_cast %add3A_1078 : i32 to index
        %get3A_1127 = arith.constant 48 : index
        %get3A_1128 = tpu.vector_load %arg10[%get3A_1125, %get3A_1126, %get3A_1127] {strides = array<i32>} : memref<4x128x64xf32, #tpu.memory_space<vmem>>, vector<1x1x16xf32>,
        %get3A_1129 = vector.shape_cast %get3A_1128 : vector<1x1x16xf32> to vector<16xf32>
        %mul3A_1130 = vector.broadcast %squeeze3A_1074 : f32 to vector<16xf32>
        %mul3A_1131 = arith.mulf %get3A_1129, %mul3A_1130 : vector<16xf32>
        %swap3A_1132 = arith.constant 2 : i32
        %swap3A_1133 = arith.index_cast %swap3A_1132 : i32 to index
        %swap3A_1134 = arith.index_cast %add3A_1078 : i32 to index
        %swap3A_1135 = arith.constant 48 : index
        %swap3A_1136 = tpu.vector_load %arg10[%swap3A_1133, %swap3A_1134, %swap3A_1135] {strides = array<i32>} : memref<4x128x64xf32, #tpu.memory_space<vmem>>, vector<1x1x16xf32>,
        %swap3A_1137 = vector.shape_cast %swap3A_1136 : vector<1x1x16xf32> to vector<16xf32>
        %swap3A_1138 = vector.shape_cast %mul3A_1131 : vector<16xf32> to vector<1x1x16xf32>
        tpu.vector_store %arg10[%swap3A_1133, %swap3A_1134, %swap3A_1135], %swap3A_1138 {strides = array<i32>} : memref<4x128x64xf32, #tpu.memory_space<vmem>>, vector<1x1x16xf32>,
        %slice3A_1139 = vector.extract_strided_slice %get3A_217 {offsets = [14], sizes = [1], strides = [1]} : vector<16xf32> to vector<1xf32>
        %squeeze3A_1140 = vector.extract %slice3A_1139[0] : f32 from vector<1xf32>
        %mul3A_1141 = arith.constant 16 : i32
        %mul3A_1142 = arith.muli %scan3A_210, %mul3A_1141 : i32
        %add3A_1143 = arith.constant 14 : i32
        %add3A_1144 = arith.addi %mul3A_1142, %add3A_1143 : i32
        %get3A_1145 = arith.constant 2 : i32
        %get3A_1146 = arith.index_cast %get3A_1145 : i32 to index
        %get3A_1147 = arith.index_cast %add3A_1144 : i32 to index
        %get3A_1148 = arith.constant 0 : index
        %get3A_1149 = tpu.vector_load %arg10[%get3A_1146, %get3A_1147, %get3A_1148] {strides = array<i32>} : memref<4x128x64xf32, #tpu.memory_space<vmem>>, vector<1x1x16xf32>,
        %get3A_1150 = vector.shape_cast %get3A_1149 : vector<1x1x16xf32> to vector<16xf32>
        %mul3A_1151 = vector.broadcast %squeeze3A_1140 : f32 to vector<16xf32>
        %mul3A_1152 = arith.mulf %get3A_1150, %mul3A_1151 : vector<16xf32>
        %swap3A_1153 = arith.constant 2 : i32
        %swap3A_1154 = arith.index_cast %swap3A_1153 : i32 to index
        %swap3A_1155 = arith.index_cast %add3A_1144 : i32 to index
        %swap3A_1156 = arith.constant 0 : index
        %swap3A_1157 = tpu.vector_load %arg10[%swap3A_1154, %swap3A_1155, %swap3A_1156] {strides = array<i32>} : memref<4x128x64xf32, #tpu.memory_space<vmem>>, vector<1x1x16xf32>,
        %swap3A_1158 = vector.shape_cast %swap3A_1157 : vector<1x1x16xf32> to vector<16xf32>
        %swap3A_1159 = vector.shape_cast %mul3A_1152 : vector<16xf32> to vector<1x1x16xf32>
        tpu.vector_store %arg10[%swap3A_1154, %swap3A_1155, %swap3A_1156], %swap3A_1159 {strides = array<i32>} : memref<4x128x64xf32, #tpu.memory_space<vmem>>, vector<1x1x16xf32>,
        %get3A_1160 = arith.constant 2 : i32
        %get3A_1161 = arith.index_cast %get3A_1160 : i32 to index
        %get3A_1162 = arith.index_cast %add3A_1144 : i32 to index
        %get3A_1163 = arith.constant 16 : index
        %get3A_1164 = tpu.vector_load %arg10[%get3A_1161, %get3A_1162, %get3A_1163] {strides = array<i32>} : memref<4x128x64xf32, #tpu.memory_space<vmem>>, vector<1x1x16xf32>,
        %get3A_1165 = vector.shape_cast %get3A_1164 : vector<1x1x16xf32> to vector<16xf32>
        %mul3A_1166 = vector.broadcast %squeeze3A_1140 : f32 to vector<16xf32>
        %mul3A_1167 = arith.mulf %get3A_1165, %mul3A_1166 : vector<16xf32>
        %swap3A_1168 = arith.constant 2 : i32
        %swap3A_1169 = arith.index_cast %swap3A_1168 : i32 to index
        %swap3A_1170 = arith.index_cast %add3A_1144 : i32 to index
        %swap3A_1171 = arith.constant 16 : index
        %swap3A_1172 = tpu.vector_load %arg10[%swap3A_1169, %swap3A_1170, %swap3A_1171] {strides = array<i32>} : memref<4x128x64xf32, #tpu.memory_space<vmem>>, vector<1x1x16xf32>,
        %swap3A_1173 = vector.shape_cast %swap3A_1172 : vector<1x1x16xf32> to vector<16xf32>
        %swap3A_1174 = vector.shape_cast %mul3A_1167 : vector<16xf32> to vector<1x1x16xf32>
        tpu.vector_store %arg10[%swap3A_1169, %swap3A_1170, %swap3A_1171], %swap3A_1174 {strides = array<i32>} : memref<4x128x64xf32, #tpu.memory_space<vmem>>, vector<1x1x16xf32>,
        %get3A_1175 = arith.constant 2 : i32
        %get3A_1176 = arith.index_cast %get3A_1175 : i32 to index
        %get3A_1177 = arith.index_cast %add3A_1144 : i32 to index
        %get3A_1178 = arith.constant 32 : index
        %get3A_1179 = tpu.vector_load %arg10[%get3A_1176, %get3A_1177, %get3A_1178] {strides = array<i32>} : memref<4x128x64xf32, #tpu.memory_space<vmem>>, vector<1x1x16xf32>,
        %get3A_1180 = vector.shape_cast %get3A_1179 : vector<1x1x16xf32> to vector<16xf32>
        %mul3A_1181 = vector.broadcast %squeeze3A_1140 : f32 to vector<16xf32>
        %mul3A_1182 = arith.mulf %get3A_1180, %mul3A_1181 : vector<16xf32>
        %swap3A_1183 = arith.constant 2 : i32
        %swap3A_1184 = arith.index_cast %swap3A_1183 : i32 to index
        %swap3A_1185 = arith.index_cast %add3A_1144 : i32 to index
        %swap3A_1186 = arith.constant 32 : index
        %swap3A_1187 = tpu.vector_load %arg10[%swap3A_1184, %swap3A_1185, %swap3A_1186] {strides = array<i32>} : memref<4x128x64xf32, #tpu.memory_space<vmem>>, vector<1x1x16xf32>,
        %swap3A_1188 = vector.shape_cast %swap3A_1187 : vector<1x1x16xf32> to vector<16xf32>
        %swap3A_1189 = vector.shape_cast %mul3A_1182 : vector<16xf32> to vector<1x1x16xf32>
        tpu.vector_store %arg10[%swap3A_1184, %swap3A_1185, %swap3A_1186], %swap3A_1189 {strides = array<i32>} : memref<4x128x64xf32, #tpu.memory_space<vmem>>, vector<1x1x16xf32>,
        %get3A_1190 = arith.constant 2 : i32
        %get3A_1191 = arith.index_cast %get3A_1190 : i32 to index
        %get3A_1192 = arith.index_cast %add3A_1144 : i32 to index
        %get3A_1193 = arith.constant 48 : index
        %get3A_1194 = tpu.vector_load %arg10[%get3A_1191, %get3A_1192, %get3A_1193] {strides = array<i32>} : memref<4x128x64xf32, #tpu.memory_space<vmem>>, vector<1x1x16xf32>,
        %get3A_1195 = vector.shape_cast %get3A_1194 : vector<1x1x16xf32> to vector<16xf32>
        %mul3A_1196 = vector.broadcast %squeeze3A_1140 : f32 to vector<16xf32>
        %mul3A_1197 = arith.mulf %get3A_1195, %mul3A_1196 : vector<16xf32>
        %swap3A_1198 = arith.constant 2 : i32
        %swap3A_1199 = arith.index_cast %swap3A_1198 : i32 to index
        %swap3A_1200 = arith.index_cast %add3A_1144 : i32 to index
        %swap3A_1201 = arith.constant 48 : index
        %swap3A_1202 = tpu.vector_load %arg10[%swap3A_1199, %swap3A_1200, %swap3A_1201] {strides = array<i32>} : memref<4x128x64xf32, #tpu.memory_space<vmem>>, vector<1x1x16xf32>,
        %swap3A_1203 = vector.shape_cast %swap3A_1202 : vector<1x1x16xf32> to vector<16xf32>
        %swap3A_1204 = vector.shape_cast %mul3A_1197 : vector<16xf32> to vector<1x1x16xf32>
        tpu.vector_store %arg10[%swap3A_1199, %swap3A_1200, %swap3A_1201], %swap3A_1204 {strides = array<i32>} : memref<4x128x64xf32, #tpu.memory_space<vmem>>, vector<1x1x16xf32>,
        %slice3A_1205 = vector.extract_strided_slice %get3A_217 {offsets = [15], sizes = [1], strides = [1]} : vector<16xf32> to vector<1xf32>
        %squeeze3A_1206 = vector.extract %slice3A_1205[0] : f32 from vector<1xf32>
        %mul3A_1207 = arith.constant 16 : i32
        %mul3A_1208 = arith.muli %scan3A_210, %mul3A_1207 : i32
        %add3A_1209 = arith.constant 15 : i32
        %add3A_1210 = arith.addi %mul3A_1208, %add3A_1209 : i32
        %get3A_1211 = arith.constant 2 : i32
        %get3A_1212 = arith.index_cast %get3A_1211 : i32 to index
        %get3A_1213 = arith.index_cast %add3A_1210 : i32 to index
        %get3A_1214 = arith.constant 0 : index
        %get3A_1215 = tpu.vector_load %arg10[%get3A_1212, %get3A_1213, %get3A_1214] {strides = array<i32>} : memref<4x128x64xf32, #tpu.memory_space<vmem>>, vector<1x1x16xf32>,
        %get3A_1216 = vector.shape_cast %get3A_1215 : vector<1x1x16xf32> to vector<16xf32>
        %mul3A_1217 = vector.broadcast %squeeze3A_1206 : f32 to vector<16xf32>
        %mul3A_1218 = arith.mulf %get3A_1216, %mul3A_1217 : vector<16xf32>
        %swap3A_1219 = arith.constant 2 : i32
        %swap3A_1220 = arith.index_cast %swap3A_1219 : i32 to index
        %swap3A_1221 = arith.index_cast %add3A_1210 : i32 to index
        %swap3A_1222 = arith.constant 0 : index
        %swap3A_1223 = tpu.vector_load %arg10[%swap3A_1220, %swap3A_1221, %swap3A_1222] {strides = array<i32>} : memref<4x128x64xf32, #tpu.memory_space<vmem>>, vector<1x1x16xf32>,
        %swap3A_1224 = vector.shape_cast %swap3A_1223 : vector<1x1x16xf32> to vector<16xf32>
        %swap3A_1225 = vector.shape_cast %mul3A_1218 : vector<16xf32> to vector<1x1x16xf32>
        tpu.vector_store %arg10[%swap3A_1220, %swap3A_1221, %swap3A_1222], %swap3A_1225 {strides = array<i32>} : memref<4x128x64xf32, #tpu.memory_space<vmem>>, vector<1x1x16xf32>,
        %get3A_1226 = arith.constant 2 : i32
        %get3A_1227 = arith.index_cast %get3A_1226 : i32 to index
        %get3A_1228 = arith.index_cast %add3A_1210 : i32 to index
        %get3A_1229 = arith.constant 16 : index
        %get3A_1230 = tpu.vector_load %arg10[%get3A_1227, %get3A_1228, %get3A_1229] {strides = array<i32>} : memref<4x128x64xf32, #tpu.memory_space<vmem>>, vector<1x1x16xf32>,
        %get3A_1231 = vector.shape_cast %get3A_1230 : vector<1x1x16xf32> to vector<16xf32>
        %mul3A_1232 = vector.broadcast %squeeze3A_1206 : f32 to vector<16xf32>
        %mul3A_1233 = arith.mulf %get3A_1231, %mul3A_1232 : vector<16xf32>
        %swap3A_1234 = arith.constant 2 : i32
        %swap3A_1235 = arith.index_cast %swap3A_1234 : i32 to index
        %swap3A_1236 = arith.index_cast %add3A_1210 : i32 to index
        %swap3A_1237 = arith.constant 16 : index
        %swap3A_1238 = tpu.vector_load %arg10[%swap3A_1235, %swap3A_1236, %swap3A_1237] {strides = array<i32>} : memref<4x128x64xf32, #tpu.memory_space<vmem>>, vector<1x1x16xf32>,
        %swap3A_1239 = vector.shape_cast %swap3A_1238 : vector<1x1x16xf32> to vector<16xf32>
        %swap3A_1240 = vector.shape_cast %mul3A_1233 : vector<16xf32> to vector<1x1x16xf32>
        tpu.vector_store %arg10[%swap3A_1235, %swap3A_1236, %swap3A_1237], %swap3A_1240 {strides = array<i32>} : memref<4x128x64xf32, #tpu.memory_space<vmem>>, vector<1x1x16xf32>,
        %get3A_1241 = arith.constant 2 : i32
        %get3A_1242 = arith.index_cast %get3A_1241 : i32 to index
        %get3A_1243 = arith.index_cast %add3A_1210 : i32 to index
        %get3A_1244 = arith.constant 32 : index
        %get3A_1245 = tpu.vector_load %arg10[%get3A_1242, %get3A_1243, %get3A_1244] {strides = array<i32>} : memref<4x128x64xf32, #tpu.memory_space<vmem>>, vector<1x1x16xf32>,
        %get3A_1246 = vector.shape_cast %get3A_1245 : vector<1x1x16xf32> to vector<16xf32>
        %mul3A_1247 = vector.broadcast %squeeze3A_1206 : f32 to vector<16xf32>
        %mul3A_1248 = arith.mulf %get3A_1246, %mul3A_1247 : vector<16xf32>
        %swap3A_1249 = arith.constant 2 : i32
        %swap3A_1250 = arith.index_cast %swap3A_1249 : i32 to index
        %swap3A_1251 = arith.index_cast %add3A_1210 : i32 to index
        %swap3A_1252 = arith.constant 32 : index
        %swap3A_1253 = tpu.vector_load %arg10[%swap3A_1250, %swap3A_1251, %swap3A_1252] {strides = array<i32>} : memref<4x128x64xf32, #tpu.memory_space<vmem>>, vector<1x1x16xf32>,
        %swap3A_1254 = vector.shape_cast %swap3A_1253 : vector<1x1x16xf32> to vector<16xf32>
        %swap3A_1255 = vector.shape_cast %mul3A_1248 : vector<16xf32> to vector<1x1x16xf32>
        tpu.vector_store %arg10[%swap3A_1250, %swap3A_1251, %swap3A_1252], %swap3A_1255 {strides = array<i32>} : memref<4x128x64xf32, #tpu.memory_space<vmem>>, vector<1x1x16xf32>,
        %get3A_1256 = arith.constant 2 : i32
        %get3A_1257 = arith.index_cast %get3A_1256 : i32 to index
        %get3A_1258 = arith.index_cast %add3A_1210 : i32 to index
        %get3A_1259 = arith.constant 48 : index
        %get3A_1260 = tpu.vector_load %arg10[%get3A_1257, %get3A_1258, %get3A_1259] {strides = array<i32>} : memref<4x128x64xf32, #tpu.memory_space<vmem>>, vector<1x1x16xf32>,
        %get3A_1261 = vector.shape_cast %get3A_1260 : vector<1x1x16xf32> to vector<16xf32>
        %mul3A_1262 = vector.broadcast %squeeze3A_1206 : f32 to vector<16xf32>
        %mul3A_1263 = arith.mulf %get3A_1261, %mul3A_1262 : vector<16xf32>
        %swap3A_1264 = arith.constant 2 : i32
        %swap3A_1265 = arith.index_cast %swap3A_1264 : i32 to index
        %swap3A_1266 = arith.index_cast %add3A_1210 : i32 to index
        %swap3A_1267 = arith.constant 48 : index
        %swap3A_1268 = tpu.vector_load %arg10[%swap3A_1265, %swap3A_1266, %swap3A_1267] {strides = array<i32>} : memref<4x128x64xf32, #tpu.memory_space<vmem>>, vector<1x1x16xf32>,
        %swap3A_1269 = vector.shape_cast %swap3A_1268 : vector<1x1x16xf32> to vector<16xf32>
        %swap3A_1270 = vector.shape_cast %mul3A_1263 : vector<16xf32> to vector<1x1x16xf32>
        tpu.vector_store %arg10[%swap3A_1265, %swap3A_1266, %swap3A_1267], %swap3A_1270 {strides = array<i32>} : memref<4x128x64xf32, #tpu.memory_space<vmem>>, vector<1x1x16xf32>,
        %scan3A_1271 = arith.constant 0 : i32
        scf.yield %scan3A_1271 : i32
      }
      %scan3A_194 = arith.constant 8 : i32
      %scan3A_195 = arith.constant 0 : i32
      %scan3A_196 = arith.constant 0 : i32
      %scan3A_197 = arith.constant 8 : i32
      %scan3A_198 = arith.addi %scan3A_196, %scan3A_197 : i32
      %scan3A_199 = arith.constant 1 : i32
      %scan3A_200 = scf.for %scan3A_210 = %scan3A_196 to %scan3A_198 step %scan3A_199 iter_args(%scan3A_211 = %scan3A_195) -> (i32)  : i32 {
        %mul3A_212 = arith.constant 16 : i32
        %mul3A_213 = arith.muli %scan3A_210, %mul3A_212 : i32
        %get3A = arith.constant 3 : i32
        %get3A_214 = arith.index_cast %get3A : i32 to index
        %get3A_215 = arith.index_cast %mul3A_213 : i32 to index
        %get3A_216 = tpu.vector_load %arg9[%get3A_214, %get3A_215] {strides = array<i32>} : memref<4x128xf32, #tpu.memory_space<vmem>>, vector<1x16xf32>,
        %get3A_217 = vector.shape_cast %get3A_216 : vector<1x16xf32> to vector<16xf32>
        %slice3A = vector.extract_strided_slice %get3A_217 {offsets = [0], sizes = [1], strides = [1]} : vector<16xf32> to vector<1xf32>
        %squeeze3A = vector.extract %slice3A[0] : f32 from vector<1xf32>
        %mul3A_218 = arith.constant 16 : i32
        %mul3A_219 = arith.muli %scan3A_210, %mul3A_218 : i32
        %add3A_220 = arith.constant 0 : i32
        %add3A_221 = arith.addi %mul3A_219, %add3A_220 : i32
        %get3A_222 = arith.constant 3 : i32
        %get3A_223 = arith.index_cast %get3A_222 : i32 to index
        %get3A_224 = arith.index_cast %add3A_221 : i32 to index
        %get3A_225 = arith.constant 0 : index
        %get3A_226 = tpu.vector_load %arg10[%get3A_223, %get3A_224, %get3A_225] {strides = array<i32>} : memref<4x128x64xf32, #tpu.memory_space<vmem>>, vector<1x1x16xf32>,
        %get3A_227 = vector.shape_cast %get3A_226 : vector<1x1x16xf32> to vector<16xf32>
        %mul3A_228 = vector.broadcast %squeeze3A : f32 to vector<16xf32>
        %mul3A_229 = arith.mulf %get3A_227, %mul3A_228 : vector<16xf32>
        %swap3A = arith.constant 3 : i32
        %swap3A_230 = arith.index_cast %swap3A : i32 to index
        %swap3A_231 = arith.index_cast %add3A_221 : i32 to index
        %swap3A_232 = arith.constant 0 : index
        %swap3A_233 = tpu.vector_load %arg10[%swap3A_230, %swap3A_231, %swap3A_232] {strides = array<i32>} : memref<4x128x64xf32, #tpu.memory_space<vmem>>, vector<1x1x16xf32>,
        %swap3A_234 = vector.shape_cast %swap3A_233 : vector<1x1x16xf32> to vector<16xf32>
        %swap3A_235 = vector.shape_cast %mul3A_229 : vector<16xf32> to vector<1x1x16xf32>
        tpu.vector_store %arg10[%swap3A_230, %swap3A_231, %swap3A_232], %swap3A_235 {strides = array<i32>} : memref<4x128x64xf32, #tpu.memory_space<vmem>>, vector<1x1x16xf32>,
        %get3A_236 = arith.constant 3 : i32
        %get3A_237 = arith.index_cast %get3A_236 : i32 to index
        %get3A_238 = arith.index_cast %add3A_221 : i32 to index
        %get3A_239 = arith.constant 16 : index
        %get3A_240 = tpu.vector_load %arg10[%get3A_237, %get3A_238, %get3A_239] {strides = array<i32>} : memref<4x128x64xf32, #tpu.memory_space<vmem>>, vector<1x1x16xf32>,
        %get3A_241 = vector.shape_cast %get3A_240 : vector<1x1x16xf32> to vector<16xf32>
        %mul3A_242 = vector.broadcast %squeeze3A : f32 to vector<16xf32>
        %mul3A_243 = arith.mulf %get3A_241, %mul3A_242 : vector<16xf32>
        %swap3A_244 = arith.constant 3 : i32
        %swap3A_245 = arith.index_cast %swap3A_244 : i32 to index
        %swap3A_246 = arith.index_cast %add3A_221 : i32 to index
        %swap3A_247 = arith.constant 16 : index
        %swap3A_248 = tpu.vector_load %arg10[%swap3A_245, %swap3A_246, %swap3A_247] {strides = array<i32>} : memref<4x128x64xf32, #tpu.memory_space<vmem>>, vector<1x1x16xf32>,
        %swap3A_249 = vector.shape_cast %swap3A_248 : vector<1x1x16xf32> to vector<16xf32>
        %swap3A_250 = vector.shape_cast %mul3A_243 : vector<16xf32> to vector<1x1x16xf32>
        tpu.vector_store %arg10[%swap3A_245, %swap3A_246, %swap3A_247], %swap3A_250 {strides = array<i32>} : memref<4x128x64xf32, #tpu.memory_space<vmem>>, vector<1x1x16xf32>,
        %get3A_251 = arith.constant 3 : i32
        %get3A_252 = arith.index_cast %get3A_251 : i32 to index
        %get3A_253 = arith.index_cast %add3A_221 : i32 to index
        %get3A_254 = arith.constant 32 : index
        %get3A_255 = tpu.vector_load %arg10[%get3A_252, %get3A_253, %get3A_254] {strides = array<i32>} : memref<4x128x64xf32, #tpu.memory_space<vmem>>, vector<1x1x16xf32>,
        %get3A_256 = vector.shape_cast %get3A_255 : vector<1x1x16xf32> to vector<16xf32>
        %mul3A_257 = vector.broadcast %squeeze3A : f32 to vector<16xf32>
        %mul3A_258 = arith.mulf %get3A_256, %mul3A_257 : vector<16xf32>
        %swap3A_259 = arith.constant 3 : i32
        %swap3A_260 = arith.index_cast %swap3A_259 : i32 to index
        %swap3A_261 = arith.index_cast %add3A_221 : i32 to index
        %swap3A_262 = arith.constant 32 : index
        %swap3A_263 = tpu.vector_load %arg10[%swap3A_260, %swap3A_261, %swap3A_262] {strides = array<i32>} : memref<4x128x64xf32, #tpu.memory_space<vmem>>, vector<1x1x16xf32>,
        %swap3A_264 = vector.shape_cast %swap3A_263 : vector<1x1x16xf32> to vector<16xf32>
        %swap3A_265 = vector.shape_cast %mul3A_258 : vector<16xf32> to vector<1x1x16xf32>
        tpu.vector_store %arg10[%swap3A_260, %swap3A_261, %swap3A_262], %swap3A_265 {strides = array<i32>} : memref<4x128x64xf32, #tpu.memory_space<vmem>>, vector<1x1x16xf32>,
        %get3A_266 = arith.constant 3 : i32
        %get3A_267 = arith.index_cast %get3A_266 : i32 to index
        %get3A_268 = arith.index_cast %add3A_221 : i32 to index
        %get3A_269 = arith.constant 48 : index
        %get3A_270 = tpu.vector_load %arg10[%get3A_267, %get3A_268, %get3A_269] {strides = array<i32>} : memref<4x128x64xf32, #tpu.memory_space<vmem>>, vector<1x1x16xf32>,
        %get3A_271 = vector.shape_cast %get3A_270 : vector<1x1x16xf32> to vector<16xf32>
        %mul3A_272 = vector.broadcast %squeeze3A : f32 to vector<16xf32>
        %mul3A_273 = arith.mulf %get3A_271, %mul3A_272 : vector<16xf32>
        %swap3A_274 = arith.constant 3 : i32
        %swap3A_275 = arith.index_cast %swap3A_274 : i32 to index
        %swap3A_276 = arith.index_cast %add3A_221 : i32 to index
        %swap3A_277 = arith.constant 48 : index
        %swap3A_278 = tpu.vector_load %arg10[%swap3A_275, %swap3A_276, %swap3A_277] {strides = array<i32>} : memref<4x128x64xf32, #tpu.memory_space<vmem>>, vector<1x1x16xf32>,
        %swap3A_279 = vector.shape_cast %swap3A_278 : vector<1x1x16xf32> to vector<16xf32>
        %swap3A_280 = vector.shape_cast %mul3A_273 : vector<16xf32> to vector<1x1x16xf32>
        tpu.vector_store %arg10[%swap3A_275, %swap3A_276, %swap3A_277], %swap3A_280 {strides = array<i32>} : memref<4x128x64xf32, #tpu.memory_space<vmem>>, vector<1x1x16xf32>,
        %slice3A_281 = vector.extract_strided_slice %get3A_217 {offsets = [1], sizes = [1], strides = [1]} : vector<16xf32> to vector<1xf32>
        %squeeze3A_282 = vector.extract %slice3A_281[0] : f32 from vector<1xf32>
        %mul3A_283 = arith.constant 16 : i32
        %mul3A_284 = arith.muli %scan3A_210, %mul3A_283 : i32
        %add3A_285 = arith.constant 1 : i32
        %add3A_286 = arith.addi %mul3A_284, %add3A_285 : i32
        %get3A_287 = arith.constant 3 : i32
        %get3A_288 = arith.index_cast %get3A_287 : i32 to index
        %get3A_289 = arith.index_cast %add3A_286 : i32 to index
        %get3A_290 = arith.constant 0 : index
        %get3A_291 = tpu.vector_load %arg10[%get3A_288, %get3A_289, %get3A_290] {strides = array<i32>} : memref<4x128x64xf32, #tpu.memory_space<vmem>>, vector<1x1x16xf32>,
        %get3A_292 = vector.shape_cast %get3A_291 : vector<1x1x16xf32> to vector<16xf32>
        %mul3A_293 = vector.broadcast %squeeze3A_282 : f32 to vector<16xf32>
        %mul3A_294 = arith.mulf %get3A_292, %mul3A_293 : vector<16xf32>
        %swap3A_295 = arith.constant 3 : i32
        %swap3A_296 = arith.index_cast %swap3A_295 : i32 to index
        %swap3A_297 = arith.index_cast %add3A_286 : i32 to index
        %swap3A_298 = arith.constant 0 : index
        %swap3A_299 = tpu.vector_load %arg10[%swap3A_296, %swap3A_297, %swap3A_298] {strides = array<i32>} : memref<4x128x64xf32, #tpu.memory_space<vmem>>, vector<1x1x16xf32>,
        %swap3A_300 = vector.shape_cast %swap3A_299 : vector<1x1x16xf32> to vector<16xf32>
        %swap3A_301 = vector.shape_cast %mul3A_294 : vector<16xf32> to vector<1x1x16xf32>
        tpu.vector_store %arg10[%swap3A_296, %swap3A_297, %swap3A_298], %swap3A_301 {strides = array<i32>} : memref<4x128x64xf32, #tpu.memory_space<vmem>>, vector<1x1x16xf32>,
        %get3A_302 = arith.constant 3 : i32
        %get3A_303 = arith.index_cast %get3A_302 : i32 to index
        %get3A_304 = arith.index_cast %add3A_286 : i32 to index
        %get3A_305 = arith.constant 16 : index
        %get3A_306 = tpu.vector_load %arg10[%get3A_303, %get3A_304, %get3A_305] {strides = array<i32>} : memref<4x128x64xf32, #tpu.memory_space<vmem>>, vector<1x1x16xf32>,
        %get3A_307 = vector.shape_cast %get3A_306 : vector<1x1x16xf32> to vector<16xf32>
        %mul3A_308 = vector.broadcast %squeeze3A_282 : f32 to vector<16xf32>
        %mul3A_309 = arith.mulf %get3A_307, %mul3A_308 : vector<16xf32>
        %swap3A_310 = arith.constant 3 : i32
        %swap3A_311 = arith.index_cast %swap3A_310 : i32 to index
        %swap3A_312 = arith.index_cast %add3A_286 : i32 to index
        %swap3A_313 = arith.constant 16 : index
        %swap3A_314 = tpu.vector_load %arg10[%swap3A_311, %swap3A_312, %swap3A_313] {strides = array<i32>} : memref<4x128x64xf32, #tpu.memory_space<vmem>>, vector<1x1x16xf32>,
        %swap3A_315 = vector.shape_cast %swap3A_314 : vector<1x1x16xf32> to vector<16xf32>
        %swap3A_316 = vector.shape_cast %mul3A_309 : vector<16xf32> to vector<1x1x16xf32>
        tpu.vector_store %arg10[%swap3A_311, %swap3A_312, %swap3A_313], %swap3A_316 {strides = array<i32>} : memref<4x128x64xf32, #tpu.memory_space<vmem>>, vector<1x1x16xf32>,
        %get3A_317 = arith.constant 3 : i32
        %get3A_318 = arith.index_cast %get3A_317 : i32 to index
        %get3A_319 = arith.index_cast %add3A_286 : i32 to index
        %get3A_320 = arith.constant 32 : index
        %get3A_321 = tpu.vector_load %arg10[%get3A_318, %get3A_319, %get3A_320] {strides = array<i32>} : memref<4x128x64xf32, #tpu.memory_space<vmem>>, vector<1x1x16xf32>,
        %get3A_322 = vector.shape_cast %get3A_321 : vector<1x1x16xf32> to vector<16xf32>
        %mul3A_323 = vector.broadcast %squeeze3A_282 : f32 to vector<16xf32>
        %mul3A_324 = arith.mulf %get3A_322, %mul3A_323 : vector<16xf32>
        %swap3A_325 = arith.constant 3 : i32
        %swap3A_326 = arith.index_cast %swap3A_325 : i32 to index
        %swap3A_327 = arith.index_cast %add3A_286 : i32 to index
        %swap3A_328 = arith.constant 32 : index
        %swap3A_329 = tpu.vector_load %arg10[%swap3A_326, %swap3A_327, %swap3A_328] {strides = array<i32>} : memref<4x128x64xf32, #tpu.memory_space<vmem>>, vector<1x1x16xf32>,
        %swap3A_330 = vector.shape_cast %swap3A_329 : vector<1x1x16xf32> to vector<16xf32>
        %swap3A_331 = vector.shape_cast %mul3A_324 : vector<16xf32> to vector<1x1x16xf32>
        tpu.vector_store %arg10[%swap3A_326, %swap3A_327, %swap3A_328], %swap3A_331 {strides = array<i32>} : memref<4x128x64xf32, #tpu.memory_space<vmem>>, vector<1x1x16xf32>,
        %get3A_332 = arith.constant 3 : i32
        %get3A_333 = arith.index_cast %get3A_332 : i32 to index
        %get3A_334 = arith.index_cast %add3A_286 : i32 to index
        %get3A_335 = arith.constant 48 : index
        %get3A_336 = tpu.vector_load %arg10[%get3A_333, %get3A_334, %get3A_335] {strides = array<i32>} : memref<4x128x64xf32, #tpu.memory_space<vmem>>, vector<1x1x16xf32>,
        %get3A_337 = vector.shape_cast %get3A_336 : vector<1x1x16xf32> to vector<16xf32>
        %mul3A_338 = vector.broadcast %squeeze3A_282 : f32 to vector<16xf32>
        %mul3A_339 = arith.mulf %get3A_337, %mul3A_338 : vector<16xf32>
        %swap3A_340 = arith.constant 3 : i32
        %swap3A_341 = arith.index_cast %swap3A_340 : i32 to index
        %swap3A_342 = arith.index_cast %add3A_286 : i32 to index
        %swap3A_343 = arith.constant 48 : index
        %swap3A_344 = tpu.vector_load %arg10[%swap3A_341, %swap3A_342, %swap3A_343] {strides = array<i32>} : memref<4x128x64xf32, #tpu.memory_space<vmem>>, vector<1x1x16xf32>,
        %swap3A_345 = vector.shape_cast %swap3A_344 : vector<1x1x16xf32> to vector<16xf32>
        %swap3A_346 = vector.shape_cast %mul3A_339 : vector<16xf32> to vector<1x1x16xf32>
        tpu.vector_store %arg10[%swap3A_341, %swap3A_342, %swap3A_343], %swap3A_346 {strides = array<i32>} : memref<4x128x64xf32, #tpu.memory_space<vmem>>, vector<1x1x16xf32>,
        %slice3A_347 = vector.extract_strided_slice %get3A_217 {offsets = [2], sizes = [1], strides = [1]} : vector<16xf32> to vector<1xf32>
        %squeeze3A_348 = vector.extract %slice3A_347[0] : f32 from vector<1xf32>
        %mul3A_349 = arith.constant 16 : i32
        %mul3A_350 = arith.muli %scan3A_210, %mul3A_349 : i32
        %add3A_351 = arith.constant 2 : i32
        %add3A_352 = arith.addi %mul3A_350, %add3A_351 : i32
        %get3A_353 = arith.constant 3 : i32
        %get3A_354 = arith.index_cast %get3A_353 : i32 to index
        %get3A_355 = arith.index_cast %add3A_352 : i32 to index
        %get3A_356 = arith.constant 0 : index
        %get3A_357 = tpu.vector_load %arg10[%get3A_354, %get3A_355, %get3A_356] {strides = array<i32>} : memref<4x128x64xf32, #tpu.memory_space<vmem>>, vector<1x1x16xf32>,
        %get3A_358 = vector.shape_cast %get3A_357 : vector<1x1x16xf32> to vector<16xf32>
        %mul3A_359 = vector.broadcast %squeeze3A_348 : f32 to vector<16xf32>
        %mul3A_360 = arith.mulf %get3A_358, %mul3A_359 : vector<16xf32>
        %swap3A_361 = arith.constant 3 : i32
        %swap3A_362 = arith.index_cast %swap3A_361 : i32 to index
        %swap3A_363 = arith.index_cast %add3A_352 : i32 to index
        %swap3A_364 = arith.constant 0 : index
        %swap3A_365 = tpu.vector_load %arg10[%swap3A_362, %swap3A_363, %swap3A_364] {strides = array<i32>} : memref<4x128x64xf32, #tpu.memory_space<vmem>>, vector<1x1x16xf32>,
        %swap3A_366 = vector.shape_cast %swap3A_365 : vector<1x1x16xf32> to vector<16xf32>
        %swap3A_367 = vector.shape_cast %mul3A_360 : vector<16xf32> to vector<1x1x16xf32>
        tpu.vector_store %arg10[%swap3A_362, %swap3A_363, %swap3A_364], %swap3A_367 {strides = array<i32>} : memref<4x128x64xf32, #tpu.memory_space<vmem>>, vector<1x1x16xf32>,
        %get3A_368 = arith.constant 3 : i32
        %get3A_369 = arith.index_cast %get3A_368 : i32 to index
        %get3A_370 = arith.index_cast %add3A_352 : i32 to index
        %get3A_371 = arith.constant 16 : index
        %get3A_372 = tpu.vector_load %arg10[%get3A_369, %get3A_370, %get3A_371] {strides = array<i32>} : memref<4x128x64xf32, #tpu.memory_space<vmem>>, vector<1x1x16xf32>,
        %get3A_373 = vector.shape_cast %get3A_372 : vector<1x1x16xf32> to vector<16xf32>
        %mul3A_374 = vector.broadcast %squeeze3A_348 : f32 to vector<16xf32>
        %mul3A_375 = arith.mulf %get3A_373, %mul3A_374 : vector<16xf32>
        %swap3A_376 = arith.constant 3 : i32
        %swap3A_377 = arith.index_cast %swap3A_376 : i32 to index
        %swap3A_378 = arith.index_cast %add3A_352 : i32 to index
        %swap3A_379 = arith.constant 16 : index
        %swap3A_380 = tpu.vector_load %arg10[%swap3A_377, %swap3A_378, %swap3A_379] {strides = array<i32>} : memref<4x128x64xf32, #tpu.memory_space<vmem>>, vector<1x1x16xf32>,
        %swap3A_381 = vector.shape_cast %swap3A_380 : vector<1x1x16xf32> to vector<16xf32>
        %swap3A_382 = vector.shape_cast %mul3A_375 : vector<16xf32> to vector<1x1x16xf32>
        tpu.vector_store %arg10[%swap3A_377, %swap3A_378, %swap3A_379], %swap3A_382 {strides = array<i32>} : memref<4x128x64xf32, #tpu.memory_space<vmem>>, vector<1x1x16xf32>,
        %get3A_383 = arith.constant 3 : i32
        %get3A_384 = arith.index_cast %get3A_383 : i32 to index
        %get3A_385 = arith.index_cast %add3A_352 : i32 to index
        %get3A_386 = arith.constant 32 : index
        %get3A_387 = tpu.vector_load %arg10[%get3A_384, %get3A_385, %get3A_386] {strides = array<i32>} : memref<4x128x64xf32, #tpu.memory_space<vmem>>, vector<1x1x16xf32>,
        %get3A_388 = vector.shape_cast %get3A_387 : vector<1x1x16xf32> to vector<16xf32>
        %mul3A_389 = vector.broadcast %squeeze3A_348 : f32 to vector<16xf32>
        %mul3A_390 = arith.mulf %get3A_388, %mul3A_389 : vector<16xf32>
        %swap3A_391 = arith.constant 3 : i32
        %swap3A_392 = arith.index_cast %swap3A_391 : i32 to index
        %swap3A_393 = arith.index_cast %add3A_352 : i32 to index
        %swap3A_394 = arith.constant 32 : index
        %swap3A_395 = tpu.vector_load %arg10[%swap3A_392, %swap3A_393, %swap3A_394] {strides = array<i32>} : memref<4x128x64xf32, #tpu.memory_space<vmem>>, vector<1x1x16xf32>,
        %swap3A_396 = vector.shape_cast %swap3A_395 : vector<1x1x16xf32> to vector<16xf32>
        %swap3A_397 = vector.shape_cast %mul3A_390 : vector<16xf32> to vector<1x1x16xf32>
        tpu.vector_store %arg10[%swap3A_392, %swap3A_393, %swap3A_394], %swap3A_397 {strides = array<i32>} : memref<4x128x64xf32, #tpu.memory_space<vmem>>, vector<1x1x16xf32>,
        %get3A_398 = arith.constant 3 : i32
        %get3A_399 = arith.index_cast %get3A_398 : i32 to index
        %get3A_400 = arith.index_cast %add3A_352 : i32 to index
        %get3A_401 = arith.constant 48 : index
        %get3A_402 = tpu.vector_load %arg10[%get3A_399, %get3A_400, %get3A_401] {strides = array<i32>} : memref<4x128x64xf32, #tpu.memory_space<vmem>>, vector<1x1x16xf32>,
        %get3A_403 = vector.shape_cast %get3A_402 : vector<1x1x16xf32> to vector<16xf32>
        %mul3A_404 = vector.broadcast %squeeze3A_348 : f32 to vector<16xf32>
        %mul3A_405 = arith.mulf %get3A_403, %mul3A_404 : vector<16xf32>
        %swap3A_406 = arith.constant 3 : i32
        %swap3A_407 = arith.index_cast %swap3A_406 : i32 to index
        %swap3A_408 = arith.index_cast %add3A_352 : i32 to index
        %swap3A_409 = arith.constant 48 : index
        %swap3A_410 = tpu.vector_load %arg10[%swap3A_407, %swap3A_408, %swap3A_409] {strides = array<i32>} : memref<4x128x64xf32, #tpu.memory_space<vmem>>, vector<1x1x16xf32>,
        %swap3A_411 = vector.shape_cast %swap3A_410 : vector<1x1x16xf32> to vector<16xf32>
        %swap3A_412 = vector.shape_cast %mul3A_405 : vector<16xf32> to vector<1x1x16xf32>
        tpu.vector_store %arg10[%swap3A_407, %swap3A_408, %swap3A_409], %swap3A_412 {strides = array<i32>} : memref<4x128x64xf32, #tpu.memory_space<vmem>>, vector<1x1x16xf32>,
        %slice3A_413 = vector.extract_strided_slice %get3A_217 {offsets = [3], sizes = [1], strides = [1]} : vector<16xf32> to vector<1xf32>
        %squeeze3A_414 = vector.extract %slice3A_413[0] : f32 from vector<1xf32>
        %mul3A_415 = arith.constant 16 : i32
        %mul3A_416 = arith.muli %scan3A_210, %mul3A_415 : i32
        %add3A_417 = arith.constant 3 : i32
        %add3A_418 = arith.addi %mul3A_416, %add3A_417 : i32
        %get3A_419 = arith.constant 3 : i32
        %get3A_420 = arith.index_cast %get3A_419 : i32 to index
        %get3A_421 = arith.index_cast %add3A_418 : i32 to index
        %get3A_422 = arith.constant 0 : index
        %get3A_423 = tpu.vector_load %arg10[%get3A_420, %get3A_421, %get3A_422] {strides = array<i32>} : memref<4x128x64xf32, #tpu.memory_space<vmem>>, vector<1x1x16xf32>,
        %get3A_424 = vector.shape_cast %get3A_423 : vector<1x1x16xf32> to vector<16xf32>
        %mul3A_425 = vector.broadcast %squeeze3A_414 : f32 to vector<16xf32>
        %mul3A_426 = arith.mulf %get3A_424, %mul3A_425 : vector<16xf32>
        %swap3A_427 = arith.constant 3 : i32
        %swap3A_428 = arith.index_cast %swap3A_427 : i32 to index
        %swap3A_429 = arith.index_cast %add3A_418 : i32 to index
        %swap3A_430 = arith.constant 0 : index
        %swap3A_431 = tpu.vector_load %arg10[%swap3A_428, %swap3A_429, %swap3A_430] {strides = array<i32>} : memref<4x128x64xf32, #tpu.memory_space<vmem>>, vector<1x1x16xf32>,
        %swap3A_432 = vector.shape_cast %swap3A_431 : vector<1x1x16xf32> to vector<16xf32>
        %swap3A_433 = vector.shape_cast %mul3A_426 : vector<16xf32> to vector<1x1x16xf32>
        tpu.vector_store %arg10[%swap3A_428, %swap3A_429, %swap3A_430], %swap3A_433 {strides = array<i32>} : memref<4x128x64xf32, #tpu.memory_space<vmem>>, vector<1x1x16xf32>,
        %get3A_434 = arith.constant 3 : i32
        %get3A_435 = arith.index_cast %get3A_434 : i32 to index
        %get3A_436 = arith.index_cast %add3A_418 : i32 to index
        %get3A_437 = arith.constant 16 : index
        %get3A_438 = tpu.vector_load %arg10[%get3A_435, %get3A_436, %get3A_437] {strides = array<i32>} : memref<4x128x64xf32, #tpu.memory_space<vmem>>, vector<1x1x16xf32>,
        %get3A_439 = vector.shape_cast %get3A_438 : vector<1x1x16xf32> to vector<16xf32>
        %mul3A_440 = vector.broadcast %squeeze3A_414 : f32 to vector<16xf32>
        %mul3A_441 = arith.mulf %get3A_439, %mul3A_440 : vector<16xf32>
        %swap3A_442 = arith.constant 3 : i32
        %swap3A_443 = arith.index_cast %swap3A_442 : i32 to index
        %swap3A_444 = arith.index_cast %add3A_418 : i32 to index
        %swap3A_445 = arith.constant 16 : index
        %swap3A_446 = tpu.vector_load %arg10[%swap3A_443, %swap3A_444, %swap3A_445] {strides = array<i32>} : memref<4x128x64xf32, #tpu.memory_space<vmem>>, vector<1x1x16xf32>,
        %swap3A_447 = vector.shape_cast %swap3A_446 : vector<1x1x16xf32> to vector<16xf32>
        %swap3A_448 = vector.shape_cast %mul3A_441 : vector<16xf32> to vector<1x1x16xf32>
        tpu.vector_store %arg10[%swap3A_443, %swap3A_444, %swap3A_445], %swap3A_448 {strides = array<i32>} : memref<4x128x64xf32, #tpu.memory_space<vmem>>, vector<1x1x16xf32>,
        %get3A_449 = arith.constant 3 : i32
        %get3A_450 = arith.index_cast %get3A_449 : i32 to index
        %get3A_451 = arith.index_cast %add3A_418 : i32 to index
        %get3A_452 = arith.constant 32 : index
        %get3A_453 = tpu.vector_load %arg10[%get3A_450, %get3A_451, %get3A_452] {strides = array<i32>} : memref<4x128x64xf32, #tpu.memory_space<vmem>>, vector<1x1x16xf32>,
        %get3A_454 = vector.shape_cast %get3A_453 : vector<1x1x16xf32> to vector<16xf32>
        %mul3A_455 = vector.broadcast %squeeze3A_414 : f32 to vector<16xf32>
        %mul3A_456 = arith.mulf %get3A_454, %mul3A_455 : vector<16xf32>
        %swap3A_457 = arith.constant 3 : i32
        %swap3A_458 = arith.index_cast %swap3A_457 : i32 to index
        %swap3A_459 = arith.index_cast %add3A_418 : i32 to index
        %swap3A_460 = arith.constant 32 : index
        %swap3A_461 = tpu.vector_load %arg10[%swap3A_458, %swap3A_459, %swap3A_460] {strides = array<i32>} : memref<4x128x64xf32, #tpu.memory_space<vmem>>, vector<1x1x16xf32>,
        %swap3A_462 = vector.shape_cast %swap3A_461 : vector<1x1x16xf32> to vector<16xf32>
        %swap3A_463 = vector.shape_cast %mul3A_456 : vector<16xf32> to vector<1x1x16xf32>
        tpu.vector_store %arg10[%swap3A_458, %swap3A_459, %swap3A_460], %swap3A_463 {strides = array<i32>} : memref<4x128x64xf32, #tpu.memory_space<vmem>>, vector<1x1x16xf32>,
        %get3A_464 = arith.constant 3 : i32
        %get3A_465 = arith.index_cast %get3A_464 : i32 to index
        %get3A_466 = arith.index_cast %add3A_418 : i32 to index
        %get3A_467 = arith.constant 48 : index
        %get3A_468 = tpu.vector_load %arg10[%get3A_465, %get3A_466, %get3A_467] {strides = array<i32>} : memref<4x128x64xf32, #tpu.memory_space<vmem>>, vector<1x1x16xf32>,
        %get3A_469 = vector.shape_cast %get3A_468 : vector<1x1x16xf32> to vector<16xf32>
        %mul3A_470 = vector.broadcast %squeeze3A_414 : f32 to vector<16xf32>
        %mul3A_471 = arith.mulf %get3A_469, %mul3A_470 : vector<16xf32>
        %swap3A_472 = arith.constant 3 : i32
        %swap3A_473 = arith.index_cast %swap3A_472 : i32 to index
        %swap3A_474 = arith.index_cast %add3A_418 : i32 to index
        %swap3A_475 = arith.constant 48 : index
        %swap3A_476 = tpu.vector_load %arg10[%swap3A_473, %swap3A_474, %swap3A_475] {strides = array<i32>} : memref<4x128x64xf32, #tpu.memory_space<vmem>>, vector<1x1x16xf32>,
        %swap3A_477 = vector.shape_cast %swap3A_476 : vector<1x1x16xf32> to vector<16xf32>
        %swap3A_478 = vector.shape_cast %mul3A_471 : vector<16xf32> to vector<1x1x16xf32>
        tpu.vector_store %arg10[%swap3A_473, %swap3A_474, %swap3A_475], %swap3A_478 {strides = array<i32>} : memref<4x128x64xf32, #tpu.memory_space<vmem>>, vector<1x1x16xf32>,
        %slice3A_479 = vector.extract_strided_slice %get3A_217 {offsets = [4], sizes = [1], strides = [1]} : vector<16xf32> to vector<1xf32>
        %squeeze3A_480 = vector.extract %slice3A_479[0] : f32 from vector<1xf32>
        %mul3A_481 = arith.constant 16 : i32
        %mul3A_482 = arith.muli %scan3A_210, %mul3A_481 : i32
        %add3A_483 = arith.constant 4 : i32
        %add3A_484 = arith.addi %mul3A_482, %add3A_483 : i32
        %get3A_485 = arith.constant 3 : i32
        %get3A_486 = arith.index_cast %get3A_485 : i32 to index
        %get3A_487 = arith.index_cast %add3A_484 : i32 to index
        %get3A_488 = arith.constant 0 : index
        %get3A_489 = tpu.vector_load %arg10[%get3A_486, %get3A_487, %get3A_488] {strides = array<i32>} : memref<4x128x64xf32, #tpu.memory_space<vmem>>, vector<1x1x16xf32>,
        %get3A_490 = vector.shape_cast %get3A_489 : vector<1x1x16xf32> to vector<16xf32>
        %mul3A_491 = vector.broadcast %squeeze3A_480 : f32 to vector<16xf32>
        %mul3A_492 = arith.mulf %get3A_490, %mul3A_491 : vector<16xf32>
        %swap3A_493 = arith.constant 3 : i32
        %swap3A_494 = arith.index_cast %swap3A_493 : i32 to index
        %swap3A_495 = arith.index_cast %add3A_484 : i32 to index
        %swap3A_496 = arith.constant 0 : index
        %swap3A_497 = tpu.vector_load %arg10[%swap3A_494, %swap3A_495, %swap3A_496] {strides = array<i32>} : memref<4x128x64xf32, #tpu.memory_space<vmem>>, vector<1x1x16xf32>,
        %swap3A_498 = vector.shape_cast %swap3A_497 : vector<1x1x16xf32> to vector<16xf32>
        %swap3A_499 = vector.shape_cast %mul3A_492 : vector<16xf32> to vector<1x1x16xf32>
        tpu.vector_store %arg10[%swap3A_494, %swap3A_495, %swap3A_496], %swap3A_499 {strides = array<i32>} : memref<4x128x64xf32, #tpu.memory_space<vmem>>, vector<1x1x16xf32>,
        %get3A_500 = arith.constant 3 : i32
        %get3A_501 = arith.index_cast %get3A_500 : i32 to index
        %get3A_502 = arith.index_cast %add3A_484 : i32 to index
        %get3A_503 = arith.constant 16 : index
        %get3A_504 = tpu.vector_load %arg10[%get3A_501, %get3A_502, %get3A_503] {strides = array<i32>} : memref<4x128x64xf32, #tpu.memory_space<vmem>>, vector<1x1x16xf32>,
        %get3A_505 = vector.shape_cast %get3A_504 : vector<1x1x16xf32> to vector<16xf32>
        %mul3A_506 = vector.broadcast %squeeze3A_480 : f32 to vector<16xf32>
        %mul3A_507 = arith.mulf %get3A_505, %mul3A_506 : vector<16xf32>
        %swap3A_508 = arith.constant 3 : i32
        %swap3A_509 = arith.index_cast %swap3A_508 : i32 to index
        %swap3A_510 = arith.index_cast %add3A_484 : i32 to index
        %swap3A_511 = arith.constant 16 : index
        %swap3A_512 = tpu.vector_load %arg10[%swap3A_509, %swap3A_510, %swap3A_511] {strides = array<i32>} : memref<4x128x64xf32, #tpu.memory_space<vmem>>, vector<1x1x16xf32>,
        %swap3A_513 = vector.shape_cast %swap3A_512 : vector<1x1x16xf32> to vector<16xf32>
        %swap3A_514 = vector.shape_cast %mul3A_507 : vector<16xf32> to vector<1x1x16xf32>
        tpu.vector_store %arg10[%swap3A_509, %swap3A_510, %swap3A_511], %swap3A_514 {strides = array<i32>} : memref<4x128x64xf32, #tpu.memory_space<vmem>>, vector<1x1x16xf32>,
        %get3A_515 = arith.constant 3 : i32
        %get3A_516 = arith.index_cast %get3A_515 : i32 to index
        %get3A_517 = arith.index_cast %add3A_484 : i32 to index
        %get3A_518 = arith.constant 32 : index
        %get3A_519 = tpu.vector_load %arg10[%get3A_516, %get3A_517, %get3A_518] {strides = array<i32>} : memref<4x128x64xf32, #tpu.memory_space<vmem>>, vector<1x1x16xf32>,
        %get3A_520 = vector.shape_cast %get3A_519 : vector<1x1x16xf32> to vector<16xf32>
        %mul3A_521 = vector.broadcast %squeeze3A_480 : f32 to vector<16xf32>
        %mul3A_522 = arith.mulf %get3A_520, %mul3A_521 : vector<16xf32>
        %swap3A_523 = arith.constant 3 : i32
        %swap3A_524 = arith.index_cast %swap3A_523 : i32 to index
        %swap3A_525 = arith.index_cast %add3A_484 : i32 to index
        %swap3A_526 = arith.constant 32 : index
        %swap3A_527 = tpu.vector_load %arg10[%swap3A_524, %swap3A_525, %swap3A_526] {strides = array<i32>} : memref<4x128x64xf32, #tpu.memory_space<vmem>>, vector<1x1x16xf32>,
        %swap3A_528 = vector.shape_cast %swap3A_527 : vector<1x1x16xf32> to vector<16xf32>
        %swap3A_529 = vector.shape_cast %mul3A_522 : vector<16xf32> to vector<1x1x16xf32>
        tpu.vector_store %arg10[%swap3A_524, %swap3A_525, %swap3A_526], %swap3A_529 {strides = array<i32>} : memref<4x128x64xf32, #tpu.memory_space<vmem>>, vector<1x1x16xf32>,
        %get3A_530 = arith.constant 3 : i32
        %get3A_531 = arith.index_cast %get3A_530 : i32 to index
        %get3A_532 = arith.index_cast %add3A_484 : i32 to index
        %get3A_533 = arith.constant 48 : index
        %get3A_534 = tpu.vector_load %arg10[%get3A_531, %get3A_532, %get3A_533] {strides = array<i32>} : memref<4x128x64xf32, #tpu.memory_space<vmem>>, vector<1x1x16xf32>,
        %get3A_535 = vector.shape_cast %get3A_534 : vector<1x1x16xf32> to vector<16xf32>
        %mul3A_536 = vector.broadcast %squeeze3A_480 : f32 to vector<16xf32>
        %mul3A_537 = arith.mulf %get3A_535, %mul3A_536 : vector<16xf32>
        %swap3A_538 = arith.constant 3 : i32
        %swap3A_539 = arith.index_cast %swap3A_538 : i32 to index
        %swap3A_540 = arith.index_cast %add3A_484 : i32 to index
        %swap3A_541 = arith.constant 48 : index
        %swap3A_542 = tpu.vector_load %arg10[%swap3A_539, %swap3A_540, %swap3A_541] {strides = array<i32>} : memref<4x128x64xf32, #tpu.memory_space<vmem>>, vector<1x1x16xf32>,
        %swap3A_543 = vector.shape_cast %swap3A_542 : vector<1x1x16xf32> to vector<16xf32>
        %swap3A_544 = vector.shape_cast %mul3A_537 : vector<16xf32> to vector<1x1x16xf32>
        tpu.vector_store %arg10[%swap3A_539, %swap3A_540, %swap3A_541], %swap3A_544 {strides = array<i32>} : memref<4x128x64xf32, #tpu.memory_space<vmem>>, vector<1x1x16xf32>,
        %slice3A_545 = vector.extract_strided_slice %get3A_217 {offsets = [5], sizes = [1], strides = [1]} : vector<16xf32> to vector<1xf32>
        %squeeze3A_546 = vector.extract %slice3A_545[0] : f32 from vector<1xf32>
        %mul3A_547 = arith.constant 16 : i32
        %mul3A_548 = arith.muli %scan3A_210, %mul3A_547 : i32
        %add3A_549 = arith.constant 5 : i32
        %add3A_550 = arith.addi %mul3A_548, %add3A_549 : i32
        %get3A_551 = arith.constant 3 : i32
        %get3A_552 = arith.index_cast %get3A_551 : i32 to index
        %get3A_553 = arith.index_cast %add3A_550 : i32 to index
        %get3A_554 = arith.constant 0 : index
        %get3A_555 = tpu.vector_load %arg10[%get3A_552, %get3A_553, %get3A_554] {strides = array<i32>} : memref<4x128x64xf32, #tpu.memory_space<vmem>>, vector<1x1x16xf32>,
        %get3A_556 = vector.shape_cast %get3A_555 : vector<1x1x16xf32> to vector<16xf32>
        %mul3A_557 = vector.broadcast %squeeze3A_546 : f32 to vector<16xf32>
        %mul3A_558 = arith.mulf %get3A_556, %mul3A_557 : vector<16xf32>
        %swap3A_559 = arith.constant 3 : i32
        %swap3A_560 = arith.index_cast %swap3A_559 : i32 to index
        %swap3A_561 = arith.index_cast %add3A_550 : i32 to index
        %swap3A_562 = arith.constant 0 : index
        %swap3A_563 = tpu.vector_load %arg10[%swap3A_560, %swap3A_561, %swap3A_562] {strides = array<i32>} : memref<4x128x64xf32, #tpu.memory_space<vmem>>, vector<1x1x16xf32>,
        %swap3A_564 = vector.shape_cast %swap3A_563 : vector<1x1x16xf32> to vector<16xf32>
        %swap3A_565 = vector.shape_cast %mul3A_558 : vector<16xf32> to vector<1x1x16xf32>
        tpu.vector_store %arg10[%swap3A_560, %swap3A_561, %swap3A_562], %swap3A_565 {strides = array<i32>} : memref<4x128x64xf32, #tpu.memory_space<vmem>>, vector<1x1x16xf32>,
        %get3A_566 = arith.constant 3 : i32
        %get3A_567 = arith.index_cast %get3A_566 : i32 to index
        %get3A_568 = arith.index_cast %add3A_550 : i32 to index
        %get3A_569 = arith.constant 16 : index
        %get3A_570 = tpu.vector_load %arg10[%get3A_567, %get3A_568, %get3A_569] {strides = array<i32>} : memref<4x128x64xf32, #tpu.memory_space<vmem>>, vector<1x1x16xf32>,
        %get3A_571 = vector.shape_cast %get3A_570 : vector<1x1x16xf32> to vector<16xf32>
        %mul3A_572 = vector.broadcast %squeeze3A_546 : f32 to vector<16xf32>
        %mul3A_573 = arith.mulf %get3A_571, %mul3A_572 : vector<16xf32>
        %swap3A_574 = arith.constant 3 : i32
        %swap3A_575 = arith.index_cast %swap3A_574 : i32 to index
        %swap3A_576 = arith.index_cast %add3A_550 : i32 to index
        %swap3A_577 = arith.constant 16 : index
        %swap3A_578 = tpu.vector_load %arg10[%swap3A_575, %swap3A_576, %swap3A_577] {strides = array<i32>} : memref<4x128x64xf32, #tpu.memory_space<vmem>>, vector<1x1x16xf32>,
        %swap3A_579 = vector.shape_cast %swap3A_578 : vector<1x1x16xf32> to vector<16xf32>
        %swap3A_580 = vector.shape_cast %mul3A_573 : vector<16xf32> to vector<1x1x16xf32>
        tpu.vector_store %arg10[%swap3A_575, %swap3A_576, %swap3A_577], %swap3A_580 {strides = array<i32>} : memref<4x128x64xf32, #tpu.memory_space<vmem>>, vector<1x1x16xf32>,
        %get3A_581 = arith.constant 3 : i32
        %get3A_582 = arith.index_cast %get3A_581 : i32 to index
        %get3A_583 = arith.index_cast %add3A_550 : i32 to index
        %get3A_584 = arith.constant 32 : index
        %get3A_585 = tpu.vector_load %arg10[%get3A_582, %get3A_583, %get3A_584] {strides = array<i32>} : memref<4x128x64xf32, #tpu.memory_space<vmem>>, vector<1x1x16xf32>,
        %get3A_586 = vector.shape_cast %get3A_585 : vector<1x1x16xf32> to vector<16xf32>
        %mul3A_587 = vector.broadcast %squeeze3A_546 : f32 to vector<16xf32>
        %mul3A_588 = arith.mulf %get3A_586, %mul3A_587 : vector<16xf32>
        %swap3A_589 = arith.constant 3 : i32
        %swap3A_590 = arith.index_cast %swap3A_589 : i32 to index
        %swap3A_591 = arith.index_cast %add3A_550 : i32 to index
        %swap3A_592 = arith.constant 32 : index
        %swap3A_593 = tpu.vector_load %arg10[%swap3A_590, %swap3A_591, %swap3A_592] {strides = array<i32>} : memref<4x128x64xf32, #tpu.memory_space<vmem>>, vector<1x1x16xf32>,
        %swap3A_594 = vector.shape_cast %swap3A_593 : vector<1x1x16xf32> to vector<16xf32>
        %swap3A_595 = vector.shape_cast %mul3A_588 : vector<16xf32> to vector<1x1x16xf32>
        tpu.vector_store %arg10[%swap3A_590, %swap3A_591, %swap3A_592], %swap3A_595 {strides = array<i32>} : memref<4x128x64xf32, #tpu.memory_space<vmem>>, vector<1x1x16xf32>,
        %get3A_596 = arith.constant 3 : i32
        %get3A_597 = arith.index_cast %get3A_596 : i32 to index
        %get3A_598 = arith.index_cast %add3A_550 : i32 to index
        %get3A_599 = arith.constant 48 : index
        %get3A_600 = tpu.vector_load %arg10[%get3A_597, %get3A_598, %get3A_599] {strides = array<i32>} : memref<4x128x64xf32, #tpu.memory_space<vmem>>, vector<1x1x16xf32>,
        %get3A_601 = vector.shape_cast %get3A_600 : vector<1x1x16xf32> to vector<16xf32>
        %mul3A_602 = vector.broadcast %squeeze3A_546 : f32 to vector<16xf32>
        %mul3A_603 = arith.mulf %get3A_601, %mul3A_602 : vector<16xf32>
        %swap3A_604 = arith.constant 3 : i32
        %swap3A_605 = arith.index_cast %swap3A_604 : i32 to index
        %swap3A_606 = arith.index_cast %add3A_550 : i32 to index
        %swap3A_607 = arith.constant 48 : index
        %swap3A_608 = tpu.vector_load %arg10[%swap3A_605, %swap3A_606, %swap3A_607] {strides = array<i32>} : memref<4x128x64xf32, #tpu.memory_space<vmem>>, vector<1x1x16xf32>,
        %swap3A_609 = vector.shape_cast %swap3A_608 : vector<1x1x16xf32> to vector<16xf32>
        %swap3A_610 = vector.shape_cast %mul3A_603 : vector<16xf32> to vector<1x1x16xf32>
        tpu.vector_store %arg10[%swap3A_605, %swap3A_606, %swap3A_607], %swap3A_610 {strides = array<i32>} : memref<4x128x64xf32, #tpu.memory_space<vmem>>, vector<1x1x16xf32>,
        %slice3A_611 = vector.extract_strided_slice %get3A_217 {offsets = [6], sizes = [1], strides = [1]} : vector<16xf32> to vector<1xf32>
        %squeeze3A_612 = vector.extract %slice3A_611[0] : f32 from vector<1xf32>
        %mul3A_613 = arith.constant 16 : i32
        %mul3A_614 = arith.muli %scan3A_210, %mul3A_613 : i32
        %add3A_615 = arith.constant 6 : i32
        %add3A_616 = arith.addi %mul3A_614, %add3A_615 : i32
        %get3A_617 = arith.constant 3 : i32
        %get3A_618 = arith.index_cast %get3A_617 : i32 to index
        %get3A_619 = arith.index_cast %add3A_616 : i32 to index
        %get3A_620 = arith.constant 0 : index
        %get3A_621 = tpu.vector_load %arg10[%get3A_618, %get3A_619, %get3A_620] {strides = array<i32>} : memref<4x128x64xf32, #tpu.memory_space<vmem>>, vector<1x1x16xf32>,
        %get3A_622 = vector.shape_cast %get3A_621 : vector<1x1x16xf32> to vector<16xf32>
        %mul3A_623 = vector.broadcast %squeeze3A_612 : f32 to vector<16xf32>
        %mul3A_624 = arith.mulf %get3A_622, %mul3A_623 : vector<16xf32>
        %swap3A_625 = arith.constant 3 : i32
        %swap3A_626 = arith.index_cast %swap3A_625 : i32 to index
        %swap3A_627 = arith.index_cast %add3A_616 : i32 to index
        %swap3A_628 = arith.constant 0 : index
        %swap3A_629 = tpu.vector_load %arg10[%swap3A_626, %swap3A_627, %swap3A_628] {strides = array<i32>} : memref<4x128x64xf32, #tpu.memory_space<vmem>>, vector<1x1x16xf32>,
        %swap3A_630 = vector.shape_cast %swap3A_629 : vector<1x1x16xf32> to vector<16xf32>
        %swap3A_631 = vector.shape_cast %mul3A_624 : vector<16xf32> to vector<1x1x16xf32>
        tpu.vector_store %arg10[%swap3A_626, %swap3A_627, %swap3A_628], %swap3A_631 {strides = array<i32>} : memref<4x128x64xf32, #tpu.memory_space<vmem>>, vector<1x1x16xf32>,
        %get3A_632 = arith.constant 3 : i32
        %get3A_633 = arith.index_cast %get3A_632 : i32 to index
        %get3A_634 = arith.index_cast %add3A_616 : i32 to index
        %get3A_635 = arith.constant 16 : index
        %get3A_636 = tpu.vector_load %arg10[%get3A_633, %get3A_634, %get3A_635] {strides = array<i32>} : memref<4x128x64xf32, #tpu.memory_space<vmem>>, vector<1x1x16xf32>,
        %get3A_637 = vector.shape_cast %get3A_636 : vector<1x1x16xf32> to vector<16xf32>
        %mul3A_638 = vector.broadcast %squeeze3A_612 : f32 to vector<16xf32>
        %mul3A_639 = arith.mulf %get3A_637, %mul3A_638 : vector<16xf32>
        %swap3A_640 = arith.constant 3 : i32
        %swap3A_641 = arith.index_cast %swap3A_640 : i32 to index
        %swap3A_642 = arith.index_cast %add3A_616 : i32 to index
        %swap3A_643 = arith.constant 16 : index
        %swap3A_644 = tpu.vector_load %arg10[%swap3A_641, %swap3A_642, %swap3A_643] {strides = array<i32>} : memref<4x128x64xf32, #tpu.memory_space<vmem>>, vector<1x1x16xf32>,
        %swap3A_645 = vector.shape_cast %swap3A_644 : vector<1x1x16xf32> to vector<16xf32>
        %swap3A_646 = vector.shape_cast %mul3A_639 : vector<16xf32> to vector<1x1x16xf32>
        tpu.vector_store %arg10[%swap3A_641, %swap3A_642, %swap3A_643], %swap3A_646 {strides = array<i32>} : memref<4x128x64xf32, #tpu.memory_space<vmem>>, vector<1x1x16xf32>,
        %get3A_647 = arith.constant 3 : i32
        %get3A_648 = arith.index_cast %get3A_647 : i32 to index
        %get3A_649 = arith.index_cast %add3A_616 : i32 to index
        %get3A_650 = arith.constant 32 : index
        %get3A_651 = tpu.vector_load %arg10[%get3A_648, %get3A_649, %get3A_650] {strides = array<i32>} : memref<4x128x64xf32, #tpu.memory_space<vmem>>, vector<1x1x16xf32>,
        %get3A_652 = vector.shape_cast %get3A_651 : vector<1x1x16xf32> to vector<16xf32>
        %mul3A_653 = vector.broadcast %squeeze3A_612 : f32 to vector<16xf32>
        %mul3A_654 = arith.mulf %get3A_652, %mul3A_653 : vector<16xf32>
        %swap3A_655 = arith.constant 3 : i32
        %swap3A_656 = arith.index_cast %swap3A_655 : i32 to index
        %swap3A_657 = arith.index_cast %add3A_616 : i32 to index
        %swap3A_658 = arith.constant 32 : index
        %swap3A_659 = tpu.vector_load %arg10[%swap3A_656, %swap3A_657, %swap3A_658] {strides = array<i32>} : memref<4x128x64xf32, #tpu.memory_space<vmem>>, vector<1x1x16xf32>,
        %swap3A_660 = vector.shape_cast %swap3A_659 : vector<1x1x16xf32> to vector<16xf32>
        %swap3A_661 = vector.shape_cast %mul3A_654 : vector<16xf32> to vector<1x1x16xf32>
        tpu.vector_store %arg10[%swap3A_656, %swap3A_657, %swap3A_658], %swap3A_661 {strides = array<i32>} : memref<4x128x64xf32, #tpu.memory_space<vmem>>, vector<1x1x16xf32>,
        %get3A_662 = arith.constant 3 : i32
        %get3A_663 = arith.index_cast %get3A_662 : i32 to index
        %get3A_664 = arith.index_cast %add3A_616 : i32 to index
        %get3A_665 = arith.constant 48 : index
        %get3A_666 = tpu.vector_load %arg10[%get3A_663, %get3A_664, %get3A_665] {strides = array<i32>} : memref<4x128x64xf32, #tpu.memory_space<vmem>>, vector<1x1x16xf32>,
        %get3A_667 = vector.shape_cast %get3A_666 : vector<1x1x16xf32> to vector<16xf32>
        %mul3A_668 = vector.broadcast %squeeze3A_612 : f32 to vector<16xf32>
        %mul3A_669 = arith.mulf %get3A_667, %mul3A_668 : vector<16xf32>
        %swap3A_670 = arith.constant 3 : i32
        %swap3A_671 = arith.index_cast %swap3A_670 : i32 to index
        %swap3A_672 = arith.index_cast %add3A_616 : i32 to index
        %swap3A_673 = arith.constant 48 : index
        %swap3A_674 = tpu.vector_load %arg10[%swap3A_671, %swap3A_672, %swap3A_673] {strides = array<i32>} : memref<4x128x64xf32, #tpu.memory_space<vmem>>, vector<1x1x16xf32>,
        %swap3A_675 = vector.shape_cast %swap3A_674 : vector<1x1x16xf32> to vector<16xf32>
        %swap3A_676 = vector.shape_cast %mul3A_669 : vector<16xf32> to vector<1x1x16xf32>
        tpu.vector_store %arg10[%swap3A_671, %swap3A_672, %swap3A_673], %swap3A_676 {strides = array<i32>} : memref<4x128x64xf32, #tpu.memory_space<vmem>>, vector<1x1x16xf32>,
        %slice3A_677 = vector.extract_strided_slice %get3A_217 {offsets = [7], sizes = [1], strides = [1]} : vector<16xf32> to vector<1xf32>
        %squeeze3A_678 = vector.extract %slice3A_677[0] : f32 from vector<1xf32>
        %mul3A_679 = arith.constant 16 : i32
        %mul3A_680 = arith.muli %scan3A_210, %mul3A_679 : i32
        %add3A_681 = arith.constant 7 : i32
        %add3A_682 = arith.addi %mul3A_680, %add3A_681 : i32
        %get3A_683 = arith.constant 3 : i32
        %get3A_684 = arith.index_cast %get3A_683 : i32 to index
        %get3A_685 = arith.index_cast %add3A_682 : i32 to index
        %get3A_686 = arith.constant 0 : index
        %get3A_687 = tpu.vector_load %arg10[%get3A_684, %get3A_685, %get3A_686] {strides = array<i32>} : memref<4x128x64xf32, #tpu.memory_space<vmem>>, vector<1x1x16xf32>,
        %get3A_688 = vector.shape_cast %get3A_687 : vector<1x1x16xf32> to vector<16xf32>
        %mul3A_689 = vector.broadcast %squeeze3A_678 : f32 to vector<16xf32>
        %mul3A_690 = arith.mulf %get3A_688, %mul3A_689 : vector<16xf32>
        %swap3A_691 = arith.constant 3 : i32
        %swap3A_692 = arith.index_cast %swap3A_691 : i32 to index
        %swap3A_693 = arith.index_cast %add3A_682 : i32 to index
        %swap3A_694 = arith.constant 0 : index
        %swap3A_695 = tpu.vector_load %arg10[%swap3A_692, %swap3A_693, %swap3A_694] {strides = array<i32>} : memref<4x128x64xf32, #tpu.memory_space<vmem>>, vector<1x1x16xf32>,
        %swap3A_696 = vector.shape_cast %swap3A_695 : vector<1x1x16xf32> to vector<16xf32>
        %swap3A_697 = vector.shape_cast %mul3A_690 : vector<16xf32> to vector<1x1x16xf32>
        tpu.vector_store %arg10[%swap3A_692, %swap3A_693, %swap3A_694], %swap3A_697 {strides = array<i32>} : memref<4x128x64xf32, #tpu.memory_space<vmem>>, vector<1x1x16xf32>,
        %get3A_698 = arith.constant 3 : i32
        %get3A_699 = arith.index_cast %get3A_698 : i32 to index
        %get3A_700 = arith.index_cast %add3A_682 : i32 to index
        %get3A_701 = arith.constant 16 : index
        %get3A_702 = tpu.vector_load %arg10[%get3A_699, %get3A_700, %get3A_701] {strides = array<i32>} : memref<4x128x64xf32, #tpu.memory_space<vmem>>, vector<1x1x16xf32>,
        %get3A_703 = vector.shape_cast %get3A_702 : vector<1x1x16xf32> to vector<16xf32>
        %mul3A_704 = vector.broadcast %squeeze3A_678 : f32 to vector<16xf32>
        %mul3A_705 = arith.mulf %get3A_703, %mul3A_704 : vector<16xf32>
        %swap3A_706 = arith.constant 3 : i32
        %swap3A_707 = arith.index_cast %swap3A_706 : i32 to index
        %swap3A_708 = arith.index_cast %add3A_682 : i32 to index
        %swap3A_709 = arith.constant 16 : index
        %swap3A_710 = tpu.vector_load %arg10[%swap3A_707, %swap3A_708, %swap3A_709] {strides = array<i32>} : memref<4x128x64xf32, #tpu.memory_space<vmem>>, vector<1x1x16xf32>,
        %swap3A_711 = vector.shape_cast %swap3A_710 : vector<1x1x16xf32> to vector<16xf32>
        %swap3A_712 = vector.shape_cast %mul3A_705 : vector<16xf32> to vector<1x1x16xf32>
        tpu.vector_store %arg10[%swap3A_707, %swap3A_708, %swap3A_709], %swap3A_712 {strides = array<i32>} : memref<4x128x64xf32, #tpu.memory_space<vmem>>, vector<1x1x16xf32>,
        %get3A_713 = arith.constant 3 : i32
        %get3A_714 = arith.index_cast %get3A_713 : i32 to index
        %get3A_715 = arith.index_cast %add3A_682 : i32 to index
        %get3A_716 = arith.constant 32 : index
        %get3A_717 = tpu.vector_load %arg10[%get3A_714, %get3A_715, %get3A_716] {strides = array<i32>} : memref<4x128x64xf32, #tpu.memory_space<vmem>>, vector<1x1x16xf32>,
        %get3A_718 = vector.shape_cast %get3A_717 : vector<1x1x16xf32> to vector<16xf32>
        %mul3A_719 = vector.broadcast %squeeze3A_678 : f32 to vector<16xf32>
        %mul3A_720 = arith.mulf %get3A_718, %mul3A_719 : vector<16xf32>
        %swap3A_721 = arith.constant 3 : i32
        %swap3A_722 = arith.index_cast %swap3A_721 : i32 to index
        %swap3A_723 = arith.index_cast %add3A_682 : i32 to index
        %swap3A_724 = arith.constant 32 : index
        %swap3A_725 = tpu.vector_load %arg10[%swap3A_722, %swap3A_723, %swap3A_724] {strides = array<i32>} : memref<4x128x64xf32, #tpu.memory_space<vmem>>, vector<1x1x16xf32>,
        %swap3A_726 = vector.shape_cast %swap3A_725 : vector<1x1x16xf32> to vector<16xf32>
        %swap3A_727 = vector.shape_cast %mul3A_720 : vector<16xf32> to vector<1x1x16xf32>
        tpu.vector_store %arg10[%swap3A_722, %swap3A_723, %swap3A_724], %swap3A_727 {strides = array<i32>} : memref<4x128x64xf32, #tpu.memory_space<vmem>>, vector<1x1x16xf32>,
        %get3A_728 = arith.constant 3 : i32
        %get3A_729 = arith.index_cast %get3A_728 : i32 to index
        %get3A_730 = arith.index_cast %add3A_682 : i32 to index
        %get3A_731 = arith.constant 48 : index
        %get3A_732 = tpu.vector_load %arg10[%get3A_729, %get3A_730, %get3A_731] {strides = array<i32>} : memref<4x128x64xf32, #tpu.memory_space<vmem>>, vector<1x1x16xf32>,
        %get3A_733 = vector.shape_cast %get3A_732 : vector<1x1x16xf32> to vector<16xf32>
        %mul3A_734 = vector.broadcast %squeeze3A_678 : f32 to vector<16xf32>
        %mul3A_735 = arith.mulf %get3A_733, %mul3A_734 : vector<16xf32>
        %swap3A_736 = arith.constant 3 : i32
        %swap3A_737 = arith.index_cast %swap3A_736 : i32 to index
        %swap3A_738 = arith.index_cast %add3A_682 : i32 to index
        %swap3A_739 = arith.constant 48 : index
        %swap3A_740 = tpu.vector_load %arg10[%swap3A_737, %swap3A_738, %swap3A_739] {strides = array<i32>} : memref<4x128x64xf32, #tpu.memory_space<vmem>>, vector<1x1x16xf32>,
        %swap3A_741 = vector.shape_cast %swap3A_740 : vector<1x1x16xf32> to vector<16xf32>
        %swap3A_742 = vector.shape_cast %mul3A_735 : vector<16xf32> to vector<1x1x16xf32>
        tpu.vector_store %arg10[%swap3A_737, %swap3A_738, %swap3A_739], %swap3A_742 {strides = array<i32>} : memref<4x128x64xf32, #tpu.memory_space<vmem>>, vector<1x1x16xf32>,
        %slice3A_743 = vector.extract_strided_slice %get3A_217 {offsets = [8], sizes = [1], strides = [1]} : vector<16xf32> to vector<1xf32>
        %squeeze3A_744 = vector.extract %slice3A_743[0] : f32 from vector<1xf32>
        %mul3A_745 = arith.constant 16 : i32
        %mul3A_746 = arith.muli %scan3A_210, %mul3A_745 : i32
        %add3A_747 = arith.constant 8 : i32
        %add3A_748 = arith.addi %mul3A_746, %add3A_747 : i32
        %get3A_749 = arith.constant 3 : i32
        %get3A_750 = arith.index_cast %get3A_749 : i32 to index
        %get3A_751 = arith.index_cast %add3A_748 : i32 to index
        %get3A_752 = arith.constant 0 : index
        %get3A_753 = tpu.vector_load %arg10[%get3A_750, %get3A_751, %get3A_752] {strides = array<i32>} : memref<4x128x64xf32, #tpu.memory_space<vmem>>, vector<1x1x16xf32>,
        %get3A_754 = vector.shape_cast %get3A_753 : vector<1x1x16xf32> to vector<16xf32>
        %mul3A_755 = vector.broadcast %squeeze3A_744 : f32 to vector<16xf32>
        %mul3A_756 = arith.mulf %get3A_754, %mul3A_755 : vector<16xf32>
        %swap3A_757 = arith.constant 3 : i32
        %swap3A_758 = arith.index_cast %swap3A_757 : i32 to index
        %swap3A_759 = arith.index_cast %add3A_748 : i32 to index
        %swap3A_760 = arith.constant 0 : index
        %swap3A_761 = tpu.vector_load %arg10[%swap3A_758, %swap3A_759, %swap3A_760] {strides = array<i32>} : memref<4x128x64xf32, #tpu.memory_space<vmem>>, vector<1x1x16xf32>,
        %swap3A_762 = vector.shape_cast %swap3A_761 : vector<1x1x16xf32> to vector<16xf32>
        %swap3A_763 = vector.shape_cast %mul3A_756 : vector<16xf32> to vector<1x1x16xf32>
        tpu.vector_store %arg10[%swap3A_758, %swap3A_759, %swap3A_760], %swap3A_763 {strides = array<i32>} : memref<4x128x64xf32, #tpu.memory_space<vmem>>, vector<1x1x16xf32>,
        %get3A_764 = arith.constant 3 : i32
        %get3A_765 = arith.index_cast %get3A_764 : i32 to index
        %get3A_766 = arith.index_cast %add3A_748 : i32 to index
        %get3A_767 = arith.constant 16 : index
        %get3A_768 = tpu.vector_load %arg10[%get3A_765, %get3A_766, %get3A_767] {strides = array<i32>} : memref<4x128x64xf32, #tpu.memory_space<vmem>>, vector<1x1x16xf32>,
        %get3A_769 = vector.shape_cast %get3A_768 : vector<1x1x16xf32> to vector<16xf32>
        %mul3A_770 = vector.broadcast %squeeze3A_744 : f32 to vector<16xf32>
        %mul3A_771 = arith.mulf %get3A_769, %mul3A_770 : vector<16xf32>
        %swap3A_772 = arith.constant 3 : i32
        %swap3A_773 = arith.index_cast %swap3A_772 : i32 to index
        %swap3A_774 = arith.index_cast %add3A_748 : i32 to index
        %swap3A_775 = arith.constant 16 : index
        %swap3A_776 = tpu.vector_load %arg10[%swap3A_773, %swap3A_774, %swap3A_775] {strides = array<i32>} : memref<4x128x64xf32, #tpu.memory_space<vmem>>, vector<1x1x16xf32>,
        %swap3A_777 = vector.shape_cast %swap3A_776 : vector<1x1x16xf32> to vector<16xf32>
        %swap3A_778 = vector.shape_cast %mul3A_771 : vector<16xf32> to vector<1x1x16xf32>
        tpu.vector_store %arg10[%swap3A_773, %swap3A_774, %swap3A_775], %swap3A_778 {strides = array<i32>} : memref<4x128x64xf32, #tpu.memory_space<vmem>>, vector<1x1x16xf32>,
        %get3A_779 = arith.constant 3 : i32
        %get3A_780 = arith.index_cast %get3A_779 : i32 to index
        %get3A_781 = arith.index_cast %add3A_748 : i32 to index
        %get3A_782 = arith.constant 32 : index
        %get3A_783 = tpu.vector_load %arg10[%get3A_780, %get3A_781, %get3A_782] {strides = array<i32>} : memref<4x128x64xf32, #tpu.memory_space<vmem>>, vector<1x1x16xf32>,
        %get3A_784 = vector.shape_cast %get3A_783 : vector<1x1x16xf32> to vector<16xf32>
        %mul3A_785 = vector.broadcast %squeeze3A_744 : f32 to vector<16xf32>
        %mul3A_786 = arith.mulf %get3A_784, %mul3A_785 : vector<16xf32>
        %swap3A_787 = arith.constant 3 : i32
        %swap3A_788 = arith.index_cast %swap3A_787 : i32 to index
        %swap3A_789 = arith.index_cast %add3A_748 : i32 to index
        %swap3A_790 = arith.constant 32 : index
        %swap3A_791 = tpu.vector_load %arg10[%swap3A_788, %swap3A_789, %swap3A_790] {strides = array<i32>} : memref<4x128x64xf32, #tpu.memory_space<vmem>>, vector<1x1x16xf32>,
        %swap3A_792 = vector.shape_cast %swap3A_791 : vector<1x1x16xf32> to vector<16xf32>
        %swap3A_793 = vector.shape_cast %mul3A_786 : vector<16xf32> to vector<1x1x16xf32>
        tpu.vector_store %arg10[%swap3A_788, %swap3A_789, %swap3A_790], %swap3A_793 {strides = array<i32>} : memref<4x128x64xf32, #tpu.memory_space<vmem>>, vector<1x1x16xf32>,
        %get3A_794 = arith.constant 3 : i32
        %get3A_795 = arith.index_cast %get3A_794 : i32 to index
        %get3A_796 = arith.index_cast %add3A_748 : i32 to index
        %get3A_797 = arith.constant 48 : index
        %get3A_798 = tpu.vector_load %arg10[%get3A_795, %get3A_796, %get3A_797] {strides = array<i32>} : memref<4x128x64xf32, #tpu.memory_space<vmem>>, vector<1x1x16xf32>,
        %get3A_799 = vector.shape_cast %get3A_798 : vector<1x1x16xf32> to vector<16xf32>
        %mul3A_800 = vector.broadcast %squeeze3A_744 : f32 to vector<16xf32>
        %mul3A_801 = arith.mulf %get3A_799, %mul3A_800 : vector<16xf32>
        %swap3A_802 = arith.constant 3 : i32
        %swap3A_803 = arith.index_cast %swap3A_802 : i32 to index
        %swap3A_804 = arith.index_cast %add3A_748 : i32 to index
        %swap3A_805 = arith.constant 48 : index
        %swap3A_806 = tpu.vector_load %arg10[%swap3A_803, %swap3A_804, %swap3A_805] {strides = array<i32>} : memref<4x128x64xf32, #tpu.memory_space<vmem>>, vector<1x1x16xf32>,
        %swap3A_807 = vector.shape_cast %swap3A_806 : vector<1x1x16xf32> to vector<16xf32>
        %swap3A_808 = vector.shape_cast %mul3A_801 : vector<16xf32> to vector<1x1x16xf32>
        tpu.vector_store %arg10[%swap3A_803, %swap3A_804, %swap3A_805], %swap3A_808 {strides = array<i32>} : memref<4x128x64xf32, #tpu.memory_space<vmem>>, vector<1x1x16xf32>,
        %slice3A_809 = vector.extract_strided_slice %get3A_217 {offsets = [9], sizes = [1], strides = [1]} : vector<16xf32> to vector<1xf32>
        %squeeze3A_810 = vector.extract %slice3A_809[0] : f32 from vector<1xf32>
        %mul3A_811 = arith.constant 16 : i32
        %mul3A_812 = arith.muli %scan3A_210, %mul3A_811 : i32
        %add3A_813 = arith.constant 9 : i32
        %add3A_814 = arith.addi %mul3A_812, %add3A_813 : i32
        %get3A_815 = arith.constant 3 : i32
        %get3A_816 = arith.index_cast %get3A_815 : i32 to index
        %get3A_817 = arith.index_cast %add3A_814 : i32 to index
        %get3A_818 = arith.constant 0 : index
        %get3A_819 = tpu.vector_load %arg10[%get3A_816, %get3A_817, %get3A_818] {strides = array<i32>} : memref<4x128x64xf32, #tpu.memory_space<vmem>>, vector<1x1x16xf32>,
        %get3A_820 = vector.shape_cast %get3A_819 : vector<1x1x16xf32> to vector<16xf32>
        %mul3A_821 = vector.broadcast %squeeze3A_810 : f32 to vector<16xf32>
        %mul3A_822 = arith.mulf %get3A_820, %mul3A_821 : vector<16xf32>
        %swap3A_823 = arith.constant 3 : i32
        %swap3A_824 = arith.index_cast %swap3A_823 : i32 to index
        %swap3A_825 = arith.index_cast %add3A_814 : i32 to index
        %swap3A_826 = arith.constant 0 : index
        %swap3A_827 = tpu.vector_load %arg10[%swap3A_824, %swap3A_825, %swap3A_826] {strides = array<i32>} : memref<4x128x64xf32, #tpu.memory_space<vmem>>, vector<1x1x16xf32>,
        %swap3A_828 = vector.shape_cast %swap3A_827 : vector<1x1x16xf32> to vector<16xf32>
        %swap3A_829 = vector.shape_cast %mul3A_822 : vector<16xf32> to vector<1x1x16xf32>
        tpu.vector_store %arg10[%swap3A_824, %swap3A_825, %swap3A_826], %swap3A_829 {strides = array<i32>} : memref<4x128x64xf32, #tpu.memory_space<vmem>>, vector<1x1x16xf32>,
        %get3A_830 = arith.constant 3 : i32
        %get3A_831 = arith.index_cast %get3A_830 : i32 to index
        %get3A_832 = arith.index_cast %add3A_814 : i32 to index
        %get3A_833 = arith.constant 16 : index
        %get3A_834 = tpu.vector_load %arg10[%get3A_831, %get3A_832, %get3A_833] {strides = array<i32>} : memref<4x128x64xf32, #tpu.memory_space<vmem>>, vector<1x1x16xf32>,
        %get3A_835 = vector.shape_cast %get3A_834 : vector<1x1x16xf32> to vector<16xf32>
        %mul3A_836 = vector.broadcast %squeeze3A_810 : f32 to vector<16xf32>
        %mul3A_837 = arith.mulf %get3A_835, %mul3A_836 : vector<16xf32>
        %swap3A_838 = arith.constant 3 : i32
        %swap3A_839 = arith.index_cast %swap3A_838 : i32 to index
        %swap3A_840 = arith.index_cast %add3A_814 : i32 to index
        %swap3A_841 = arith.constant 16 : index
        %swap3A_842 = tpu.vector_load %arg10[%swap3A_839, %swap3A_840, %swap3A_841] {strides = array<i32>} : memref<4x128x64xf32, #tpu.memory_space<vmem>>, vector<1x1x16xf32>,
        %swap3A_843 = vector.shape_cast %swap3A_842 : vector<1x1x16xf32> to vector<16xf32>
        %swap3A_844 = vector.shape_cast %mul3A_837 : vector<16xf32> to vector<1x1x16xf32>
        tpu.vector_store %arg10[%swap3A_839, %swap3A_840, %swap3A_841], %swap3A_844 {strides = array<i32>} : memref<4x128x64xf32, #tpu.memory_space<vmem>>, vector<1x1x16xf32>,
        %get3A_845 = arith.constant 3 : i32
        %get3A_846 = arith.index_cast %get3A_845 : i32 to index
        %get3A_847 = arith.index_cast %add3A_814 : i32 to index
        %get3A_848 = arith.constant 32 : index
        %get3A_849 = tpu.vector_load %arg10[%get3A_846, %get3A_847, %get3A_848] {strides = array<i32>} : memref<4x128x64xf32, #tpu.memory_space<vmem>>, vector<1x1x16xf32>,
        %get3A_850 = vector.shape_cast %get3A_849 : vector<1x1x16xf32> to vector<16xf32>
        %mul3A_851 = vector.broadcast %squeeze3A_810 : f32 to vector<16xf32>
        %mul3A_852 = arith.mulf %get3A_850, %mul3A_851 : vector<16xf32>
        %swap3A_853 = arith.constant 3 : i32
        %swap3A_854 = arith.index_cast %swap3A_853 : i32 to index
        %swap3A_855 = arith.index_cast %add3A_814 : i32 to index
        %swap3A_856 = arith.constant 32 : index
        %swap3A_857 = tpu.vector_load %arg10[%swap3A_854, %swap3A_855, %swap3A_856] {strides = array<i32>} : memref<4x128x64xf32, #tpu.memory_space<vmem>>, vector<1x1x16xf32>,
        %swap3A_858 = vector.shape_cast %swap3A_857 : vector<1x1x16xf32> to vector<16xf32>
        %swap3A_859 = vector.shape_cast %mul3A_852 : vector<16xf32> to vector<1x1x16xf32>
        tpu.vector_store %arg10[%swap3A_854, %swap3A_855, %swap3A_856], %swap3A_859 {strides = array<i32>} : memref<4x128x64xf32, #tpu.memory_space<vmem>>, vector<1x1x16xf32>,
        %get3A_860 = arith.constant 3 : i32
        %get3A_861 = arith.index_cast %get3A_860 : i32 to index
        %get3A_862 = arith.index_cast %add3A_814 : i32 to index
        %get3A_863 = arith.constant 48 : index
        %get3A_864 = tpu.vector_load %arg10[%get3A_861, %get3A_862, %get3A_863] {strides = array<i32>} : memref<4x128x64xf32, #tpu.memory_space<vmem>>, vector<1x1x16xf32>,
        %get3A_865 = vector.shape_cast %get3A_864 : vector<1x1x16xf32> to vector<16xf32>
        %mul3A_866 = vector.broadcast %squeeze3A_810 : f32 to vector<16xf32>
        %mul3A_867 = arith.mulf %get3A_865, %mul3A_866 : vector<16xf32>
        %swap3A_868 = arith.constant 3 : i32
        %swap3A_869 = arith.index_cast %swap3A_868 : i32 to index
        %swap3A_870 = arith.index_cast %add3A_814 : i32 to index
        %swap3A_871 = arith.constant 48 : index
        %swap3A_872 = tpu.vector_load %arg10[%swap3A_869, %swap3A_870, %swap3A_871] {strides = array<i32>} : memref<4x128x64xf32, #tpu.memory_space<vmem>>, vector<1x1x16xf32>,
        %swap3A_873 = vector.shape_cast %swap3A_872 : vector<1x1x16xf32> to vector<16xf32>
        %swap3A_874 = vector.shape_cast %mul3A_867 : vector<16xf32> to vector<1x1x16xf32>
        tpu.vector_store %arg10[%swap3A_869, %swap3A_870, %swap3A_871], %swap3A_874 {strides = array<i32>} : memref<4x128x64xf32, #tpu.memory_space<vmem>>, vector<1x1x16xf32>,
        %slice3A_875 = vector.extract_strided_slice %get3A_217 {offsets = [10], sizes = [1], strides = [1]} : vector<16xf32> to vector<1xf32>
        %squeeze3A_876 = vector.extract %slice3A_875[0] : f32 from vector<1xf32>
        %mul3A_877 = arith.constant 16 : i32
        %mul3A_878 = arith.muli %scan3A_210, %mul3A_877 : i32
        %add3A_879 = arith.constant 10 : i32
        %add3A_880 = arith.addi %mul3A_878, %add3A_879 : i32
        %get3A_881 = arith.constant 3 : i32
        %get3A_882 = arith.index_cast %get3A_881 : i32 to index
        %get3A_883 = arith.index_cast %add3A_880 : i32 to index
        %get3A_884 = arith.constant 0 : index
        %get3A_885 = tpu.vector_load %arg10[%get3A_882, %get3A_883, %get3A_884] {strides = array<i32>} : memref<4x128x64xf32, #tpu.memory_space<vmem>>, vector<1x1x16xf32>,
        %get3A_886 = vector.shape_cast %get3A_885 : vector<1x1x16xf32> to vector<16xf32>
        %mul3A_887 = vector.broadcast %squeeze3A_876 : f32 to vector<16xf32>
        %mul3A_888 = arith.mulf %get3A_886, %mul3A_887 : vector<16xf32>
        %swap3A_889 = arith.constant 3 : i32
        %swap3A_890 = arith.index_cast %swap3A_889 : i32 to index
        %swap3A_891 = arith.index_cast %add3A_880 : i32 to index
        %swap3A_892 = arith.constant 0 : index
        %swap3A_893 = tpu.vector_load %arg10[%swap3A_890, %swap3A_891, %swap3A_892] {strides = array<i32>} : memref<4x128x64xf32, #tpu.memory_space<vmem>>, vector<1x1x16xf32>,
        %swap3A_894 = vector.shape_cast %swap3A_893 : vector<1x1x16xf32> to vector<16xf32>
        %swap3A_895 = vector.shape_cast %mul3A_888 : vector<16xf32> to vector<1x1x16xf32>
        tpu.vector_store %arg10[%swap3A_890, %swap3A_891, %swap3A_892], %swap3A_895 {strides = array<i32>} : memref<4x128x64xf32, #tpu.memory_space<vmem>>, vector<1x1x16xf32>,
        %get3A_896 = arith.constant 3 : i32
        %get3A_897 = arith.index_cast %get3A_896 : i32 to index
        %get3A_898 = arith.index_cast %add3A_880 : i32 to index
        %get3A_899 = arith.constant 16 : index
        %get3A_900 = tpu.vector_load %arg10[%get3A_897, %get3A_898, %get3A_899] {strides = array<i32>} : memref<4x128x64xf32, #tpu.memory_space<vmem>>, vector<1x1x16xf32>,
        %get3A_901 = vector.shape_cast %get3A_900 : vector<1x1x16xf32> to vector<16xf32>
        %mul3A_902 = vector.broadcast %squeeze3A_876 : f32 to vector<16xf32>
        %mul3A_903 = arith.mulf %get3A_901, %mul3A_902 : vector<16xf32>
        %swap3A_904 = arith.constant 3 : i32
        %swap3A_905 = arith.index_cast %swap3A_904 : i32 to index
        %swap3A_906 = arith.index_cast %add3A_880 : i32 to index
        %swap3A_907 = arith.constant 16 : index
        %swap3A_908 = tpu.vector_load %arg10[%swap3A_905, %swap3A_906, %swap3A_907] {strides = array<i32>} : memref<4x128x64xf32, #tpu.memory_space<vmem>>, vector<1x1x16xf32>,
        %swap3A_909 = vector.shape_cast %swap3A_908 : vector<1x1x16xf32> to vector<16xf32>
        %swap3A_910 = vector.shape_cast %mul3A_903 : vector<16xf32> to vector<1x1x16xf32>
        tpu.vector_store %arg10[%swap3A_905, %swap3A_906, %swap3A_907], %swap3A_910 {strides = array<i32>} : memref<4x128x64xf32, #tpu.memory_space<vmem>>, vector<1x1x16xf32>,
        %get3A_911 = arith.constant 3 : i32
        %get3A_912 = arith.index_cast %get3A_911 : i32 to index
        %get3A_913 = arith.index_cast %add3A_880 : i32 to index
        %get3A_914 = arith.constant 32 : index
        %get3A_915 = tpu.vector_load %arg10[%get3A_912, %get3A_913, %get3A_914] {strides = array<i32>} : memref<4x128x64xf32, #tpu.memory_space<vmem>>, vector<1x1x16xf32>,
        %get3A_916 = vector.shape_cast %get3A_915 : vector<1x1x16xf32> to vector<16xf32>
        %mul3A_917 = vector.broadcast %squeeze3A_876 : f32 to vector<16xf32>
        %mul3A_918 = arith.mulf %get3A_916, %mul3A_917 : vector<16xf32>
        %swap3A_919 = arith.constant 3 : i32
        %swap3A_920 = arith.index_cast %swap3A_919 : i32 to index
        %swap3A_921 = arith.index_cast %add3A_880 : i32 to index
        %swap3A_922 = arith.constant 32 : index
        %swap3A_923 = tpu.vector_load %arg10[%swap3A_920, %swap3A_921, %swap3A_922] {strides = array<i32>} : memref<4x128x64xf32, #tpu.memory_space<vmem>>, vector<1x1x16xf32>,
        %swap3A_924 = vector.shape_cast %swap3A_923 : vector<1x1x16xf32> to vector<16xf32>
        %swap3A_925 = vector.shape_cast %mul3A_918 : vector<16xf32> to vector<1x1x16xf32>
        tpu.vector_store %arg10[%swap3A_920, %swap3A_921, %swap3A_922], %swap3A_925 {strides = array<i32>} : memref<4x128x64xf32, #tpu.memory_space<vmem>>, vector<1x1x16xf32>,
        %get3A_926 = arith.constant 3 : i32
        %get3A_927 = arith.index_cast %get3A_926 : i32 to index
        %get3A_928 = arith.index_cast %add3A_880 : i32 to index
        %get3A_929 = arith.constant 48 : index
        %get3A_930 = tpu.vector_load %arg10[%get3A_927, %get3A_928, %get3A_929] {strides = array<i32>} : memref<4x128x64xf32, #tpu.memory_space<vmem>>, vector<1x1x16xf32>,
        %get3A_931 = vector.shape_cast %get3A_930 : vector<1x1x16xf32> to vector<16xf32>
        %mul3A_932 = vector.broadcast %squeeze3A_876 : f32 to vector<16xf32>
        %mul3A_933 = arith.mulf %get3A_931, %mul3A_932 : vector<16xf32>
        %swap3A_934 = arith.constant 3 : i32
        %swap3A_935 = arith.index_cast %swap3A_934 : i32 to index
        %swap3A_936 = arith.index_cast %add3A_880 : i32 to index
        %swap3A_937 = arith.constant 48 : index
        %swap3A_938 = tpu.vector_load %arg10[%swap3A_935, %swap3A_936, %swap3A_937] {strides = array<i32>} : memref<4x128x64xf32, #tpu.memory_space<vmem>>, vector<1x1x16xf32>,
        %swap3A_939 = vector.shape_cast %swap3A_938 : vector<1x1x16xf32> to vector<16xf32>
        %swap3A_940 = vector.shape_cast %mul3A_933 : vector<16xf32> to vector<1x1x16xf32>
        tpu.vector_store %arg10[%swap3A_935, %swap3A_936, %swap3A_937], %swap3A_940 {strides = array<i32>} : memref<4x128x64xf32, #tpu.memory_space<vmem>>, vector<1x1x16xf32>,
        %slice3A_941 = vector.extract_strided_slice %get3A_217 {offsets = [11], sizes = [1], strides = [1]} : vector<16xf32> to vector<1xf32>
        %squeeze3A_942 = vector.extract %slice3A_941[0] : f32 from vector<1xf32>
        %mul3A_943 = arith.constant 16 : i32
        %mul3A_944 = arith.muli %scan3A_210, %mul3A_943 : i32
        %add3A_945 = arith.constant 11 : i32
        %add3A_946 = arith.addi %mul3A_944, %add3A_945 : i32
        %get3A_947 = arith.constant 3 : i32
        %get3A_948 = arith.index_cast %get3A_947 : i32 to index
        %get3A_949 = arith.index_cast %add3A_946 : i32 to index
        %get3A_950 = arith.constant 0 : index
        %get3A_951 = tpu.vector_load %arg10[%get3A_948, %get3A_949, %get3A_950] {strides = array<i32>} : memref<4x128x64xf32, #tpu.memory_space<vmem>>, vector<1x1x16xf32>,
        %get3A_952 = vector.shape_cast %get3A_951 : vector<1x1x16xf32> to vector<16xf32>
        %mul3A_953 = vector.broadcast %squeeze3A_942 : f32 to vector<16xf32>
        %mul3A_954 = arith.mulf %get3A_952, %mul3A_953 : vector<16xf32>
        %swap3A_955 = arith.constant 3 : i32
        %swap3A_956 = arith.index_cast %swap3A_955 : i32 to index
        %swap3A_957 = arith.index_cast %add3A_946 : i32 to index
        %swap3A_958 = arith.constant 0 : index
        %swap3A_959 = tpu.vector_load %arg10[%swap3A_956, %swap3A_957, %swap3A_958] {strides = array<i32>} : memref<4x128x64xf32, #tpu.memory_space<vmem>>, vector<1x1x16xf32>,
        %swap3A_960 = vector.shape_cast %swap3A_959 : vector<1x1x16xf32> to vector<16xf32>
        %swap3A_961 = vector.shape_cast %mul3A_954 : vector<16xf32> to vector<1x1x16xf32>
        tpu.vector_store %arg10[%swap3A_956, %swap3A_957, %swap3A_958], %swap3A_961 {strides = array<i32>} : memref<4x128x64xf32, #tpu.memory_space<vmem>>, vector<1x1x16xf32>,
        %get3A_962 = arith.constant 3 : i32
        %get3A_963 = arith.index_cast %get3A_962 : i32 to index
        %get3A_964 = arith.index_cast %add3A_946 : i32 to index
        %get3A_965 = arith.constant 16 : index
        %get3A_966 = tpu.vector_load %arg10[%get3A_963, %get3A_964, %get3A_965] {strides = array<i32>} : memref<4x128x64xf32, #tpu.memory_space<vmem>>, vector<1x1x16xf32>,
        %get3A_967 = vector.shape_cast %get3A_966 : vector<1x1x16xf32> to vector<16xf32>
        %mul3A_968 = vector.broadcast %squeeze3A_942 : f32 to vector<16xf32>
        %mul3A_969 = arith.mulf %get3A_967, %mul3A_968 : vector<16xf32>
        %swap3A_970 = arith.constant 3 : i32
        %swap3A_971 = arith.index_cast %swap3A_970 : i32 to index
        %swap3A_972 = arith.index_cast %add3A_946 : i32 to index
        %swap3A_973 = arith.constant 16 : index
        %swap3A_974 = tpu.vector_load %arg10[%swap3A_971, %swap3A_972, %swap3A_973] {strides = array<i32>} : memref<4x128x64xf32, #tpu.memory_space<vmem>>, vector<1x1x16xf32>,
        %swap3A_975 = vector.shape_cast %swap3A_974 : vector<1x1x16xf32> to vector<16xf32>
        %swap3A_976 = vector.shape_cast %mul3A_969 : vector<16xf32> to vector<1x1x16xf32>
        tpu.vector_store %arg10[%swap3A_971, %swap3A_972, %swap3A_973], %swap3A_976 {strides = array<i32>} : memref<4x128x64xf32, #tpu.memory_space<vmem>>, vector<1x1x16xf32>,
        %get3A_977 = arith.constant 3 : i32
        %get3A_978 = arith.index_cast %get3A_977 : i32 to index
        %get3A_979 = arith.index_cast %add3A_946 : i32 to index
        %get3A_980 = arith.constant 32 : index
        %get3A_981 = tpu.vector_load %arg10[%get3A_978, %get3A_979, %get3A_980] {strides = array<i32>} : memref<4x128x64xf32, #tpu.memory_space<vmem>>, vector<1x1x16xf32>,
        %get3A_982 = vector.shape_cast %get3A_981 : vector<1x1x16xf32> to vector<16xf32>
        %mul3A_983 = vector.broadcast %squeeze3A_942 : f32 to vector<16xf32>
        %mul3A_984 = arith.mulf %get3A_982, %mul3A_983 : vector<16xf32>
        %swap3A_985 = arith.constant 3 : i32
        %swap3A_986 = arith.index_cast %swap3A_985 : i32 to index
        %swap3A_987 = arith.index_cast %add3A_946 : i32 to index
        %swap3A_988 = arith.constant 32 : index
        %swap3A_989 = tpu.vector_load %arg10[%swap3A_986, %swap3A_987, %swap3A_988] {strides = array<i32>} : memref<4x128x64xf32, #tpu.memory_space<vmem>>, vector<1x1x16xf32>,
        %swap3A_990 = vector.shape_cast %swap3A_989 : vector<1x1x16xf32> to vector<16xf32>
        %swap3A_991 = vector.shape_cast %mul3A_984 : vector<16xf32> to vector<1x1x16xf32>
        tpu.vector_store %arg10[%swap3A_986, %swap3A_987, %swap3A_988], %swap3A_991 {strides = array<i32>} : memref<4x128x64xf32, #tpu.memory_space<vmem>>, vector<1x1x16xf32>,
        %get3A_992 = arith.constant 3 : i32
        %get3A_993 = arith.index_cast %get3A_992 : i32 to index
        %get3A_994 = arith.index_cast %add3A_946 : i32 to index
        %get3A_995 = arith.constant 48 : index
        %get3A_996 = tpu.vector_load %arg10[%get3A_993, %get3A_994, %get3A_995] {strides = array<i32>} : memref<4x128x64xf32, #tpu.memory_space<vmem>>, vector<1x1x16xf32>,
        %get3A_997 = vector.shape_cast %get3A_996 : vector<1x1x16xf32> to vector<16xf32>
        %mul3A_998 = vector.broadcast %squeeze3A_942 : f32 to vector<16xf32>
        %mul3A_999 = arith.mulf %get3A_997, %mul3A_998 : vector<16xf32>
        %swap3A_1000 = arith.constant 3 : i32
        %swap3A_1001 = arith.index_cast %swap3A_1000 : i32 to index
        %swap3A_1002 = arith.index_cast %add3A_946 : i32 to index
        %swap3A_1003 = arith.constant 48 : index
        %swap3A_1004 = tpu.vector_load %arg10[%swap3A_1001, %swap3A_1002, %swap3A_1003] {strides = array<i32>} : memref<4x128x64xf32, #tpu.memory_space<vmem>>, vector<1x1x16xf32>,
        %swap3A_1005 = vector.shape_cast %swap3A_1004 : vector<1x1x16xf32> to vector<16xf32>
        %swap3A_1006 = vector.shape_cast %mul3A_999 : vector<16xf32> to vector<1x1x16xf32>
        tpu.vector_store %arg10[%swap3A_1001, %swap3A_1002, %swap3A_1003], %swap3A_1006 {strides = array<i32>} : memref<4x128x64xf32, #tpu.memory_space<vmem>>, vector<1x1x16xf32>,
        %slice3A_1007 = vector.extract_strided_slice %get3A_217 {offsets = [12], sizes = [1], strides = [1]} : vector<16xf32> to vector<1xf32>
        %squeeze3A_1008 = vector.extract %slice3A_1007[0] : f32 from vector<1xf32>
        %mul3A_1009 = arith.constant 16 : i32
        %mul3A_1010 = arith.muli %scan3A_210, %mul3A_1009 : i32
        %add3A_1011 = arith.constant 12 : i32
        %add3A_1012 = arith.addi %mul3A_1010, %add3A_1011 : i32
        %get3A_1013 = arith.constant 3 : i32
        %get3A_1014 = arith.index_cast %get3A_1013 : i32 to index
        %get3A_1015 = arith.index_cast %add3A_1012 : i32 to index
        %get3A_1016 = arith.constant 0 : index
        %get3A_1017 = tpu.vector_load %arg10[%get3A_1014, %get3A_1015, %get3A_1016] {strides = array<i32>} : memref<4x128x64xf32, #tpu.memory_space<vmem>>, vector<1x1x16xf32>,
        %get3A_1018 = vector.shape_cast %get3A_1017 : vector<1x1x16xf32> to vector<16xf32>
        %mul3A_1019 = vector.broadcast %squeeze3A_1008 : f32 to vector<16xf32>
        %mul3A_1020 = arith.mulf %get3A_1018, %mul3A_1019 : vector<16xf32>
        %swap3A_1021 = arith.constant 3 : i32
        %swap3A_1022 = arith.index_cast %swap3A_1021 : i32 to index
        %swap3A_1023 = arith.index_cast %add3A_1012 : i32 to index
        %swap3A_1024 = arith.constant 0 : index
        %swap3A_1025 = tpu.vector_load %arg10[%swap3A_1022, %swap3A_1023, %swap3A_1024] {strides = array<i32>} : memref<4x128x64xf32, #tpu.memory_space<vmem>>, vector<1x1x16xf32>,
        %swap3A_1026 = vector.shape_cast %swap3A_1025 : vector<1x1x16xf32> to vector<16xf32>
        %swap3A_1027 = vector.shape_cast %mul3A_1020 : vector<16xf32> to vector<1x1x16xf32>
        tpu.vector_store %arg10[%swap3A_1022, %swap3A_1023, %swap3A_1024], %swap3A_1027 {strides = array<i32>} : memref<4x128x64xf32, #tpu.memory_space<vmem>>, vector<1x1x16xf32>,
        %get3A_1028 = arith.constant 3 : i32
        %get3A_1029 = arith.index_cast %get3A_1028 : i32 to index
        %get3A_1030 = arith.index_cast %add3A_1012 : i32 to index
        %get3A_1031 = arith.constant 16 : index
        %get3A_1032 = tpu.vector_load %arg10[%get3A_1029, %get3A_1030, %get3A_1031] {strides = array<i32>} : memref<4x128x64xf32, #tpu.memory_space<vmem>>, vector<1x1x16xf32>,
        %get3A_1033 = vector.shape_cast %get3A_1032 : vector<1x1x16xf32> to vector<16xf32>
        %mul3A_1034 = vector.broadcast %squeeze3A_1008 : f32 to vector<16xf32>
        %mul3A_1035 = arith.mulf %get3A_1033, %mul3A_1034 : vector<16xf32>
        %swap3A_1036 = arith.constant 3 : i32
        %swap3A_1037 = arith.index_cast %swap3A_1036 : i32 to index
        %swap3A_1038 = arith.index_cast %add3A_1012 : i32 to index
        %swap3A_1039 = arith.constant 16 : index
        %swap3A_1040 = tpu.vector_load %arg10[%swap3A_1037, %swap3A_1038, %swap3A_1039] {strides = array<i32>} : memref<4x128x64xf32, #tpu.memory_space<vmem>>, vector<1x1x16xf32>,
        %swap3A_1041 = vector.shape_cast %swap3A_1040 : vector<1x1x16xf32> to vector<16xf32>
        %swap3A_1042 = vector.shape_cast %mul3A_1035 : vector<16xf32> to vector<1x1x16xf32>
        tpu.vector_store %arg10[%swap3A_1037, %swap3A_1038, %swap3A_1039], %swap3A_1042 {strides = array<i32>} : memref<4x128x64xf32, #tpu.memory_space<vmem>>, vector<1x1x16xf32>,
        %get3A_1043 = arith.constant 3 : i32
        %get3A_1044 = arith.index_cast %get3A_1043 : i32 to index
        %get3A_1045 = arith.index_cast %add3A_1012 : i32 to index
        %get3A_1046 = arith.constant 32 : index
        %get3A_1047 = tpu.vector_load %arg10[%get3A_1044, %get3A_1045, %get3A_1046] {strides = array<i32>} : memref<4x128x64xf32, #tpu.memory_space<vmem>>, vector<1x1x16xf32>,
        %get3A_1048 = vector.shape_cast %get3A_1047 : vector<1x1x16xf32> to vector<16xf32>
        %mul3A_1049 = vector.broadcast %squeeze3A_1008 : f32 to vector<16xf32>
        %mul3A_1050 = arith.mulf %get3A_1048, %mul3A_1049 : vector<16xf32>
        %swap3A_1051 = arith.constant 3 : i32
        %swap3A_1052 = arith.index_cast %swap3A_1051 : i32 to index
        %swap3A_1053 = arith.index_cast %add3A_1012 : i32 to index
        %swap3A_1054 = arith.constant 32 : index
        %swap3A_1055 = tpu.vector_load %arg10[%swap3A_1052, %swap3A_1053, %swap3A_1054] {strides = array<i32>} : memref<4x128x64xf32, #tpu.memory_space<vmem>>, vector<1x1x16xf32>,
        %swap3A_1056 = vector.shape_cast %swap3A_1055 : vector<1x1x16xf32> to vector<16xf32>
        %swap3A_1057 = vector.shape_cast %mul3A_1050 : vector<16xf32> to vector<1x1x16xf32>
        tpu.vector_store %arg10[%swap3A_1052, %swap3A_1053, %swap3A_1054], %swap3A_1057 {strides = array<i32>} : memref<4x128x64xf32, #tpu.memory_space<vmem>>, vector<1x1x16xf32>,
        %get3A_1058 = arith.constant 3 : i32
        %get3A_1059 = arith.index_cast %get3A_1058 : i32 to index
        %get3A_1060 = arith.index_cast %add3A_1012 : i32 to index
        %get3A_1061 = arith.constant 48 : index
        %get3A_1062 = tpu.vector_load %arg10[%get3A_1059, %get3A_1060, %get3A_1061] {strides = array<i32>} : memref<4x128x64xf32, #tpu.memory_space<vmem>>, vector<1x1x16xf32>,
        %get3A_1063 = vector.shape_cast %get3A_1062 : vector<1x1x16xf32> to vector<16xf32>
        %mul3A_1064 = vector.broadcast %squeeze3A_1008 : f32 to vector<16xf32>
        %mul3A_1065 = arith.mulf %get3A_1063, %mul3A_1064 : vector<16xf32>
        %swap3A_1066 = arith.constant 3 : i32
        %swap3A_1067 = arith.index_cast %swap3A_1066 : i32 to index
        %swap3A_1068 = arith.index_cast %add3A_1012 : i32 to index
        %swap3A_1069 = arith.constant 48 : index
        %swap3A_1070 = tpu.vector_load %arg10[%swap3A_1067, %swap3A_1068, %swap3A_1069] {strides = array<i32>} : memref<4x128x64xf32, #tpu.memory_space<vmem>>, vector<1x1x16xf32>,
        %swap3A_1071 = vector.shape_cast %swap3A_1070 : vector<1x1x16xf32> to vector<16xf32>
        %swap3A_1072 = vector.shape_cast %mul3A_1065 : vector<16xf32> to vector<1x1x16xf32>
        tpu.vector_store %arg10[%swap3A_1067, %swap3A_1068, %swap3A_1069], %swap3A_1072 {strides = array<i32>} : memref<4x128x64xf32, #tpu.memory_space<vmem>>, vector<1x1x16xf32>,
        %slice3A_1073 = vector.extract_strided_slice %get3A_217 {offsets = [13], sizes = [1], strides = [1]} : vector<16xf32> to vector<1xf32>
        %squeeze3A_1074 = vector.extract %slice3A_1073[0] : f32 from vector<1xf32>
        %mul3A_1075 = arith.constant 16 : i32
        %mul3A_1076 = arith.muli %scan3A_210, %mul3A_1075 : i32
        %add3A_1077 = arith.constant 13 : i32
        %add3A_1078 = arith.addi %mul3A_1076, %add3A_1077 : i32
        %get3A_1079 = arith.constant 3 : i32
        %get3A_1080 = arith.index_cast %get3A_1079 : i32 to index
        %get3A_1081 = arith.index_cast %add3A_1078 : i32 to index
        %get3A_1082 = arith.constant 0 : index
        %get3A_1083 = tpu.vector_load %arg10[%get3A_1080, %get3A_1081, %get3A_1082] {strides = array<i32>} : memref<4x128x64xf32, #tpu.memory_space<vmem>>, vector<1x1x16xf32>,
        %get3A_1084 = vector.shape_cast %get3A_1083 : vector<1x1x16xf32> to vector<16xf32>
        %mul3A_1085 = vector.broadcast %squeeze3A_1074 : f32 to vector<16xf32>
        %mul3A_1086 = arith.mulf %get3A_1084, %mul3A_1085 : vector<16xf32>
        %swap3A_1087 = arith.constant 3 : i32
        %swap3A_1088 = arith.index_cast %swap3A_1087 : i32 to index
        %swap3A_1089 = arith.index_cast %add3A_1078 : i32 to index
        %swap3A_1090 = arith.constant 0 : index
        %swap3A_1091 = tpu.vector_load %arg10[%swap3A_1088, %swap3A_1089, %swap3A_1090] {strides = array<i32>} : memref<4x128x64xf32, #tpu.memory_space<vmem>>, vector<1x1x16xf32>,
        %swap3A_1092 = vector.shape_cast %swap3A_1091 : vector<1x1x16xf32> to vector<16xf32>
        %swap3A_1093 = vector.shape_cast %mul3A_1086 : vector<16xf32> to vector<1x1x16xf32>
        tpu.vector_store %arg10[%swap3A_1088, %swap3A_1089, %swap3A_1090], %swap3A_1093 {strides = array<i32>} : memref<4x128x64xf32, #tpu.memory_space<vmem>>, vector<1x1x16xf32>,
        %get3A_1094 = arith.constant 3 : i32
        %get3A_1095 = arith.index_cast %get3A_1094 : i32 to index
        %get3A_1096 = arith.index_cast %add3A_1078 : i32 to index
        %get3A_1097 = arith.constant 16 : index
        %get3A_1098 = tpu.vector_load %arg10[%get3A_1095, %get3A_1096, %get3A_1097] {strides = array<i32>} : memref<4x128x64xf32, #tpu.memory_space<vmem>>, vector<1x1x16xf32>,
        %get3A_1099 = vector.shape_cast %get3A_1098 : vector<1x1x16xf32> to vector<16xf32>
        %mul3A_1100 = vector.broadcast %squeeze3A_1074 : f32 to vector<16xf32>
        %mul3A_1101 = arith.mulf %get3A_1099, %mul3A_1100 : vector<16xf32>
        %swap3A_1102 = arith.constant 3 : i32
        %swap3A_1103 = arith.index_cast %swap3A_1102 : i32 to index
        %swap3A_1104 = arith.index_cast %add3A_1078 : i32 to index
        %swap3A_1105 = arith.constant 16 : index
        %swap3A_1106 = tpu.vector_load %arg10[%swap3A_1103, %swap3A_1104, %swap3A_1105] {strides = array<i32>} : memref<4x128x64xf32, #tpu.memory_space<vmem>>, vector<1x1x16xf32>,
        %swap3A_1107 = vector.shape_cast %swap3A_1106 : vector<1x1x16xf32> to vector<16xf32>
        %swap3A_1108 = vector.shape_cast %mul3A_1101 : vector<16xf32> to vector<1x1x16xf32>
        tpu.vector_store %arg10[%swap3A_1103, %swap3A_1104, %swap3A_1105], %swap3A_1108 {strides = array<i32>} : memref<4x128x64xf32, #tpu.memory_space<vmem>>, vector<1x1x16xf32>,
        %get3A_1109 = arith.constant 3 : i32
        %get3A_1110 = arith.index_cast %get3A_1109 : i32 to index
        %get3A_1111 = arith.index_cast %add3A_1078 : i32 to index
        %get3A_1112 = arith.constant 32 : index
        %get3A_1113 = tpu.vector_load %arg10[%get3A_1110, %get3A_1111, %get3A_1112] {strides = array<i32>} : memref<4x128x64xf32, #tpu.memory_space<vmem>>, vector<1x1x16xf32>,
        %get3A_1114 = vector.shape_cast %get3A_1113 : vector<1x1x16xf32> to vector<16xf32>
        %mul3A_1115 = vector.broadcast %squeeze3A_1074 : f32 to vector<16xf32>
        %mul3A_1116 = arith.mulf %get3A_1114, %mul3A_1115 : vector<16xf32>
        %swap3A_1117 = arith.constant 3 : i32
        %swap3A_1118 = arith.index_cast %swap3A_1117 : i32 to index
        %swap3A_1119 = arith.index_cast %add3A_1078 : i32 to index
        %swap3A_1120 = arith.constant 32 : index
        %swap3A_1121 = tpu.vector_load %arg10[%swap3A_1118, %swap3A_1119, %swap3A_1120] {strides = array<i32>} : memref<4x128x64xf32, #tpu.memory_space<vmem>>, vector<1x1x16xf32>,
        %swap3A_1122 = vector.shape_cast %swap3A_1121 : vector<1x1x16xf32> to vector<16xf32>
        %swap3A_1123 = vector.shape_cast %mul3A_1116 : vector<16xf32> to vector<1x1x16xf32>
        tpu.vector_store %arg10[%swap3A_1118, %swap3A_1119, %swap3A_1120], %swap3A_1123 {strides = array<i32>} : memref<4x128x64xf32, #tpu.memory_space<vmem>>, vector<1x1x16xf32>,
        %get3A_1124 = arith.constant 3 : i32
        %get3A_1125 = arith.index_cast %get3A_1124 : i32 to index
        %get3A_1126 = arith.index_cast %add3A_1078 : i32 to index
        %get3A_1127 = arith.constant 48 : index
        %get3A_1128 = tpu.vector_load %arg10[%get3A_1125, %get3A_1126, %get3A_1127] {strides = array<i32>} : memref<4x128x64xf32, #tpu.memory_space<vmem>>, vector<1x1x16xf32>,
        %get3A_1129 = vector.shape_cast %get3A_1128 : vector<1x1x16xf32> to vector<16xf32>
        %mul3A_1130 = vector.broadcast %squeeze3A_1074 : f32 to vector<16xf32>
        %mul3A_1131 = arith.mulf %get3A_1129, %mul3A_1130 : vector<16xf32>
        %swap3A_1132 = arith.constant 3 : i32
        %swap3A_1133 = arith.index_cast %swap3A_1132 : i32 to index
        %swap3A_1134 = arith.index_cast %add3A_1078 : i32 to index
        %swap3A_1135 = arith.constant 48 : index
        %swap3A_1136 = tpu.vector_load %arg10[%swap3A_1133, %swap3A_1134, %swap3A_1135] {strides = array<i32>} : memref<4x128x64xf32, #tpu.memory_space<vmem>>, vector<1x1x16xf32>,
        %swap3A_1137 = vector.shape_cast %swap3A_1136 : vector<1x1x16xf32> to vector<16xf32>
        %swap3A_1138 = vector.shape_cast %mul3A_1131 : vector<16xf32> to vector<1x1x16xf32>
        tpu.vector_store %arg10[%swap3A_1133, %swap3A_1134, %swap3A_1135], %swap3A_1138 {strides = array<i32>} : memref<4x128x64xf32, #tpu.memory_space<vmem>>, vector<1x1x16xf32>,
        %slice3A_1139 = vector.extract_strided_slice %get3A_217 {offsets = [14], sizes = [1], strides = [1]} : vector<16xf32> to vector<1xf32>
        %squeeze3A_1140 = vector.extract %slice3A_1139[0] : f32 from vector<1xf32>
        %mul3A_1141 = arith.constant 16 : i32
        %mul3A_1142 = arith.muli %scan3A_210, %mul3A_1141 : i32
        %add3A_1143 = arith.constant 14 : i32
        %add3A_1144 = arith.addi %mul3A_1142, %add3A_1143 : i32
        %get3A_1145 = arith.constant 3 : i32
        %get3A_1146 = arith.index_cast %get3A_1145 : i32 to index
        %get3A_1147 = arith.index_cast %add3A_1144 : i32 to index
        %get3A_1148 = arith.constant 0 : index
        %get3A_1149 = tpu.vector_load %arg10[%get3A_1146, %get3A_1147, %get3A_1148] {strides = array<i32>} : memref<4x128x64xf32, #tpu.memory_space<vmem>>, vector<1x1x16xf32>,
        %get3A_1150 = vector.shape_cast %get3A_1149 : vector<1x1x16xf32> to vector<16xf32>
        %mul3A_1151 = vector.broadcast %squeeze3A_1140 : f32 to vector<16xf32>
        %mul3A_1152 = arith.mulf %get3A_1150, %mul3A_1151 : vector<16xf32>
        %swap3A_1153 = arith.constant 3 : i32
        %swap3A_1154 = arith.index_cast %swap3A_1153 : i32 to index
        %swap3A_1155 = arith.index_cast %add3A_1144 : i32 to index
        %swap3A_1156 = arith.constant 0 : index
        %swap3A_1157 = tpu.vector_load %arg10[%swap3A_1154, %swap3A_1155, %swap3A_1156] {strides = array<i32>} : memref<4x128x64xf32, #tpu.memory_space<vmem>>, vector<1x1x16xf32>,
        %swap3A_1158 = vector.shape_cast %swap3A_1157 : vector<1x1x16xf32> to vector<16xf32>
        %swap3A_1159 = vector.shape_cast %mul3A_1152 : vector<16xf32> to vector<1x1x16xf32>
        tpu.vector_store %arg10[%swap3A_1154, %swap3A_1155, %swap3A_1156], %swap3A_1159 {strides = array<i32>} : memref<4x128x64xf32, #tpu.memory_space<vmem>>, vector<1x1x16xf32>,
        %get3A_1160 = arith.constant 3 : i32
        %get3A_1161 = arith.index_cast %get3A_1160 : i32 to index
        %get3A_1162 = arith.index_cast %add3A_1144 : i32 to index
        %get3A_1163 = arith.constant 16 : index
        %get3A_1164 = tpu.vector_load %arg10[%get3A_1161, %get3A_1162, %get3A_1163] {strides = array<i32>} : memref<4x128x64xf32, #tpu.memory_space<vmem>>, vector<1x1x16xf32>,
        %get3A_1165 = vector.shape_cast %get3A_1164 : vector<1x1x16xf32> to vector<16xf32>
        %mul3A_1166 = vector.broadcast %squeeze3A_1140 : f32 to vector<16xf32>
        %mul3A_1167 = arith.mulf %get3A_1165, %mul3A_1166 : vector<16xf32>
        %swap3A_1168 = arith.constant 3 : i32
        %swap3A_1169 = arith.index_cast %swap3A_1168 : i32 to index
        %swap3A_1170 = arith.index_cast %add3A_1144 : i32 to index
        %swap3A_1171 = arith.constant 16 : index
        %swap3A_1172 = tpu.vector_load %arg10[%swap3A_1169, %swap3A_1170, %swap3A_1171] {strides = array<i32>} : memref<4x128x64xf32, #tpu.memory_space<vmem>>, vector<1x1x16xf32>,
        %swap3A_1173 = vector.shape_cast %swap3A_1172 : vector<1x1x16xf32> to vector<16xf32>
        %swap3A_1174 = vector.shape_cast %mul3A_1167 : vector<16xf32> to vector<1x1x16xf32>
        tpu.vector_store %arg10[%swap3A_1169, %swap3A_1170, %swap3A_1171], %swap3A_1174 {strides = array<i32>} : memref<4x128x64xf32, #tpu.memory_space<vmem>>, vector<1x1x16xf32>,
        %get3A_1175 = arith.constant 3 : i32
        %get3A_1176 = arith.index_cast %get3A_1175 : i32 to index
        %get3A_1177 = arith.index_cast %add3A_1144 : i32 to index
        %get3A_1178 = arith.constant 32 : index
        %get3A_1179 = tpu.vector_load %arg10[%get3A_1176, %get3A_1177, %get3A_1178] {strides = array<i32>} : memref<4x128x64xf32, #tpu.memory_space<vmem>>, vector<1x1x16xf32>,
        %get3A_1180 = vector.shape_cast %get3A_1179 : vector<1x1x16xf32> to vector<16xf32>
        %mul3A_1181 = vector.broadcast %squeeze3A_1140 : f32 to vector<16xf32>
        %mul3A_1182 = arith.mulf %get3A_1180, %mul3A_1181 : vector<16xf32>
        %swap3A_1183 = arith.constant 3 : i32
        %swap3A_1184 = arith.index_cast %swap3A_1183 : i32 to index
        %swap3A_1185 = arith.index_cast %add3A_1144 : i32 to index
        %swap3A_1186 = arith.constant 32 : index
        %swap3A_1187 = tpu.vector_load %arg10[%swap3A_1184, %swap3A_1185, %swap3A_1186] {strides = array<i32>} : memref<4x128x64xf32, #tpu.memory_space<vmem>>, vector<1x1x16xf32>,
        %swap3A_1188 = vector.shape_cast %swap3A_1187 : vector<1x1x16xf32> to vector<16xf32>
        %swap3A_1189 = vector.shape_cast %mul3A_1182 : vector<16xf32> to vector<1x1x16xf32>
        tpu.vector_store %arg10[%swap3A_1184, %swap3A_1185, %swap3A_1186], %swap3A_1189 {strides = array<i32>} : memref<4x128x64xf32, #tpu.memory_space<vmem>>, vector<1x1x16xf32>,
        %get3A_1190 = arith.constant 3 : i32
        %get3A_1191 = arith.index_cast %get3A_1190 : i32 to index
        %get3A_1192 = arith.index_cast %add3A_1144 : i32 to index
        %get3A_1193 = arith.constant 48 : index
        %get3A_1194 = tpu.vector_load %arg10[%get3A_1191, %get3A_1192, %get3A_1193] {strides = array<i32>} : memref<4x128x64xf32, #tpu.memory_space<vmem>>, vector<1x1x16xf32>,
        %get3A_1195 = vector.shape_cast %get3A_1194 : vector<1x1x16xf32> to vector<16xf32>
        %mul3A_1196 = vector.broadcast %squeeze3A_1140 : f32 to vector<16xf32>
        %mul3A_1197 = arith.mulf %get3A_1195, %mul3A_1196 : vector<16xf32>
        %swap3A_1198 = arith.constant 3 : i32
        %swap3A_1199 = arith.index_cast %swap3A_1198 : i32 to index
        %swap3A_1200 = arith.index_cast %add3A_1144 : i32 to index
        %swap3A_1201 = arith.constant 48 : index
        %swap3A_1202 = tpu.vector_load %arg10[%swap3A_1199, %swap3A_1200, %swap3A_1201] {strides = array<i32>} : memref<4x128x64xf32, #tpu.memory_space<vmem>>, vector<1x1x16xf32>,
        %swap3A_1203 = vector.shape_cast %swap3A_1202 : vector<1x1x16xf32> to vector<16xf32>
        %swap3A_1204 = vector.shape_cast %mul3A_1197 : vector<16xf32> to vector<1x1x16xf32>
        tpu.vector_store %arg10[%swap3A_1199, %swap3A_1200, %swap3A_1201], %swap3A_1204 {strides = array<i32>} : memref<4x128x64xf32, #tpu.memory_space<vmem>>, vector<1x1x16xf32>,
        %slice3A_1205 = vector.extract_strided_slice %get3A_217 {offsets = [15], sizes = [1], strides = [1]} : vector<16xf32> to vector<1xf32>
        %squeeze3A_1206 = vector.extract %slice3A_1205[0] : f32 from vector<1xf32>
        %mul3A_1207 = arith.constant 16 : i32
        %mul3A_1208 = arith.muli %scan3A_210, %mul3A_1207 : i32
        %add3A_1209 = arith.constant 15 : i32
        %add3A_1210 = arith.addi %mul3A_1208, %add3A_1209 : i32
        %get3A_1211 = arith.constant 3 : i32
        %get3A_1212 = arith.index_cast %get3A_1211 : i32 to index
        %get3A_1213 = arith.index_cast %add3A_1210 : i32 to index
        %get3A_1214 = arith.constant 0 : index
        %get3A_1215 = tpu.vector_load %arg10[%get3A_1212, %get3A_1213, %get3A_1214] {strides = array<i32>} : memref<4x128x64xf32, #tpu.memory_space<vmem>>, vector<1x1x16xf32>,
        %get3A_1216 = vector.shape_cast %get3A_1215 : vector<1x1x16xf32> to vector<16xf32>
        %mul3A_1217 = vector.broadcast %squeeze3A_1206 : f32 to vector<16xf32>
        %mul3A_1218 = arith.mulf %get3A_1216, %mul3A_1217 : vector<16xf32>
        %swap3A_1219 = arith.constant 3 : i32
        %swap3A_1220 = arith.index_cast %swap3A_1219 : i32 to index
        %swap3A_1221 = arith.index_cast %add3A_1210 : i32 to index
        %swap3A_1222 = arith.constant 0 : index
        %swap3A_1223 = tpu.vector_load %arg10[%swap3A_1220, %swap3A_1221, %swap3A_1222] {strides = array<i32>} : memref<4x128x64xf32, #tpu.memory_space<vmem>>, vector<1x1x16xf32>,
        %swap3A_1224 = vector.shape_cast %swap3A_1223 : vector<1x1x16xf32> to vector<16xf32>
        %swap3A_1225 = vector.shape_cast %mul3A_1218 : vector<16xf32> to vector<1x1x16xf32>
        tpu.vector_store %arg10[%swap3A_1220, %swap3A_1221, %swap3A_1222], %swap3A_1225 {strides = array<i32>} : memref<4x128x64xf32, #tpu.memory_space<vmem>>, vector<1x1x16xf32>,
        %get3A_1226 = arith.constant 3 : i32
        %get3A_1227 = arith.index_cast %get3A_1226 : i32 to index
        %get3A_1228 = arith.index_cast %add3A_1210 : i32 to index
        %get3A_1229 = arith.constant 16 : index
        %get3A_1230 = tpu.vector_load %arg10[%get3A_1227, %get3A_1228, %get3A_1229] {strides = array<i32>} : memref<4x128x64xf32, #tpu.memory_space<vmem>>, vector<1x1x16xf32>,
        %get3A_1231 = vector.shape_cast %get3A_1230 : vector<1x1x16xf32> to vector<16xf32>
        %mul3A_1232 = vector.broadcast %squeeze3A_1206 : f32 to vector<16xf32>
        %mul3A_1233 = arith.mulf %get3A_1231, %mul3A_1232 : vector<16xf32>
        %swap3A_1234 = arith.constant 3 : i32
        %swap3A_1235 = arith.index_cast %swap3A_1234 : i32 to index
        %swap3A_1236 = arith.index_cast %add3A_1210 : i32 to index
        %swap3A_1237 = arith.constant 16 : index
        %swap3A_1238 = tpu.vector_load %arg10[%swap3A_1235, %swap3A_1236, %swap3A_1237] {strides = array<i32>} : memref<4x128x64xf32, #tpu.memory_space<vmem>>, vector<1x1x16xf32>,
        %swap3A_1239 = vector.shape_cast %swap3A_1238 : vector<1x1x16xf32> to vector<16xf32>
        %swap3A_1240 = vector.shape_cast %mul3A_1233 : vector<16xf32> to vector<1x1x16xf32>
        tpu.vector_store %arg10[%swap3A_1235, %swap3A_1236, %swap3A_1237], %swap3A_1240 {strides = array<i32>} : memref<4x128x64xf32, #tpu.memory_space<vmem>>, vector<1x1x16xf32>,
        %get3A_1241 = arith.constant 3 : i32
        %get3A_1242 = arith.index_cast %get3A_1241 : i32 to index
        %get3A_1243 = arith.index_cast %add3A_1210 : i32 to index
        %get3A_1244 = arith.constant 32 : index
        %get3A_1245 = tpu.vector_load %arg10[%get3A_1242, %get3A_1243, %get3A_1244] {strides = array<i32>} : memref<4x128x64xf32, #tpu.memory_space<vmem>>, vector<1x1x16xf32>,
        %get3A_1246 = vector.shape_cast %get3A_1245 : vector<1x1x16xf32> to vector<16xf32>
        %mul3A_1247 = vector.broadcast %squeeze3A_1206 : f32 to vector<16xf32>
        %mul3A_1248 = arith.mulf %get3A_1246, %mul3A_1247 : vector<16xf32>
        %swap3A_1249 = arith.constant 3 : i32
        %swap3A_1250 = arith.index_cast %swap3A_1249 : i32 to index
        %swap3A_1251 = arith.index_cast %add3A_1210 : i32 to index
        %swap3A_1252 = arith.constant 32 : index
        %swap3A_1253 = tpu.vector_load %arg10[%swap3A_1250, %swap3A_1251, %swap3A_1252] {strides = array<i32>} : memref<4x128x64xf32, #tpu.memory_space<vmem>>, vector<1x1x16xf32>,
        %swap3A_1254 = vector.shape_cast %swap3A_1253 : vector<1x1x16xf32> to vector<16xf32>
        %swap3A_1255 = vector.shape_cast %mul3A_1248 : vector<16xf32> to vector<1x1x16xf32>
        tpu.vector_store %arg10[%swap3A_1250, %swap3A_1251, %swap3A_1252], %swap3A_1255 {strides = array<i32>} : memref<4x128x64xf32, #tpu.memory_space<vmem>>, vector<1x1x16xf32>,
        %get3A_1256 = arith.constant 3 : i32
        %get3A_1257 = arith.index_cast %get3A_1256 : i32 to index
        %get3A_1258 = arith.index_cast %add3A_1210 : i32 to index
        %get3A_1259 = arith.constant 48 : index
        %get3A_1260 = tpu.vector_load %arg10[%get3A_1257, %get3A_1258, %get3A_1259] {strides = array<i32>} : memref<4x128x64xf32, #tpu.memory_space<vmem>>, vector<1x1x16xf32>,
        %get3A_1261 = vector.shape_cast %get3A_1260 : vector<1x1x16xf32> to vector<16xf32>
        %mul3A_1262 = vector.broadcast %squeeze3A_1206 : f32 to vector<16xf32>
        %mul3A_1263 = arith.mulf %get3A_1261, %mul3A_1262 : vector<16xf32>
        %swap3A_1264 = arith.constant 3 : i32
        %swap3A_1265 = arith.index_cast %swap3A_1264 : i32 to index
        %swap3A_1266 = arith.index_cast %add3A_1210 : i32 to index
        %swap3A_1267 = arith.constant 48 : index
        %swap3A_1268 = tpu.vector_load %arg10[%swap3A_1265, %swap3A_1266, %swap3A_1267] {strides = array<i32>} : memref<4x128x64xf32, #tpu.memory_space<vmem>>, vector<1x1x16xf32>,
        %swap3A_1269 = vector.shape_cast %swap3A_1268 : vector<1x1x16xf32> to vector<16xf32>
        %swap3A_1270 = vector.shape_cast %mul3A_1263 : vector<16xf32> to vector<1x1x16xf32>
        tpu.vector_store %arg10[%swap3A_1265, %swap3A_1266, %swap3A_1267], %swap3A_1270 {strides = array<i32>} : memref<4x128x64xf32, #tpu.memory_space<vmem>>, vector<1x1x16xf32>,
        %scan3A_1271 = arith.constant 0 : i32
        scf.yield %scan3A_1271 : i32
      }
      %scan3A_201 = arith.constant 8 : i32
      %run_scoped3A = arith.constant 0 : i32
      %run_scoped3A_202 = arith.constant 0 : i32
      "tpu.region"() ({
        %run_scoped3A_210 = tpu.sem_alloc : memref<!tpu.dma_semaphore, #tpu.memory_space<semaphore_mem>>
        %dma_start3A_211 = arith.constant 0 : i32
        %dma_start3A_212 = arith.constant 0 : i32
        %dma_start3A_213 = tpu.memref_slice %arg10[%run_scoped3A, %dma_start3A_211, %dma_start3A_212] : memref<4x128x64xf32, #tpu.memory_space<vmem>> -> memref<1x128x64xf32, #tpu.memory_space<vmem>>
        %dma_start3A_214 = tpu.memref_squeeze %dma_start3A_213 : memref<1x128x64xf32, #tpu.memory_space<vmem>> -> memref<128x64xf32, #tpu.memory_space<vmem>>
        %dma_start3A_215 = arith.constant 0 : i32
        %dma_start3A_216 = tpu.memref_slice %arg8[%run_scoped3A_202, %dma_start3A_215] : memref<4x128xi32, #tpu.memory_space<vmem>> -> memref<1x128xi32, #tpu.memory_space<vmem>>
        %dma_start3A_217 = tpu.memref_squeeze %dma_start3A_216 : memref<1x128xi32, #tpu.memory_space<vmem>> -> memref<128xi32, #tpu.memory_space<vmem>>
        %dma_start3A_218 = arith.constant 0 : i32
        %dma_start3A_219 = arith.constant 0 : i32
        %dma_start3A_220 = tpu.memref_slice %arg12[%dma_start3A_218, %dma_start3A_219] : memref<10240x64xf32, #tpu.memory_space<vmem_shared>> -> memref<10240x64xf32, #tpu.memory_space<vmem_shared>>
        tpu.enqueue_indirect_dma source(%dma_start3A_214 : memref<128x64xf32, #tpu.memory_space<vmem>>) target(%dma_start3A_220 : memref<10240x64xf32, #tpu.memory_space<vmem_shared>>) offsets(%dma_start3A_217 : memref<128xi32, #tpu.memory_space<vmem>>) semaphore(%run_scoped3A_210 : memref<!tpu.dma_semaphore, #tpu.memory_space<semaphore_mem>>) {add = true}
        %dma_wait3A_221 = arith.constant 0 : i32
        %dma_wait3A_222 = arith.constant 0 : i32
        %dma_wait3A_223 = tpu.memref_slice %arg10[%run_scoped3A, %dma_wait3A_221, %dma_wait3A_222] : memref<4x128x64xf32, #tpu.memory_space<vmem>> -> memref<1x128x64xf32, #tpu.memory_space<vmem>>
        %dma_wait3A_224 = tpu.memref_squeeze %dma_wait3A_223 : memref<1x128x64xf32, #tpu.memory_space<vmem>> -> memref<128x64xf32, #tpu.memory_space<vmem>>
        %dma_wait3A_225 = arith.constant 0 : i32
        %dma_wait3A_226 = tpu.memref_slice %arg8[%run_scoped3A_202, %dma_wait3A_225] : memref<4x128xi32, #tpu.memory_space<vmem>> -> memref<1x128xi32, #tpu.memory_space<vmem>>
        %dma_wait3A_227 = tpu.memref_squeeze %dma_wait3A_226 : memref<1x128xi32, #tpu.memory_space<vmem>> -> memref<128xi32, #tpu.memory_space<vmem>>
        %dma_wait3A_228 = arith.constant 0 : i32
        %dma_wait3A_229 = arith.constant 0 : i32
        %dma_wait3A_230 = tpu.memref_slice %arg12[%dma_wait3A_228, %dma_wait3A_229] : memref<10240x64xf32, #tpu.memory_space<vmem_shared>> -> memref<10240x64xf32, #tpu.memory_space<vmem_shared>>
        tpu.wait_indirect_dma semaphore(%run_scoped3A_210 : memref<!tpu.dma_semaphore, #tpu.memory_space<semaphore_mem>>) src(%dma_wait3A_224 : memref<128x64xf32, #tpu.memory_space<vmem>>) dst(%dma_wait3A_230 : memref<10240x64xf32, #tpu.memory_space<vmem_shared>>)
        tpu.yield
      }) : () -> ()
      %run_scoped3A_203 = arith.constant 1 : i32
      %run_scoped3A_204 = arith.constant 1 : i32
      "tpu.region"() ({
        %run_scoped3A_210 = tpu.sem_alloc : memref<!tpu.dma_semaphore, #tpu.memory_space<semaphore_mem>>
        %dma_start3A_211 = arith.constant 0 : i32
        %dma_start3A_212 = arith.constant 0 : i32
        %dma_start3A_213 = tpu.memref_slice %arg10[%run_scoped3A_203, %dma_start3A_211, %dma_start3A_212] : memref<4x128x64xf32, #tpu.memory_space<vmem>> -> memref<1x128x64xf32, #tpu.memory_space<vmem>>
        %dma_start3A_214 = tpu.memref_squeeze %dma_start3A_213 : memref<1x128x64xf32, #tpu.memory_space<vmem>> -> memref<128x64xf32, #tpu.memory_space<vmem>>
        %dma_start3A_215 = arith.constant 0 : i32
        %dma_start3A_216 = tpu.memref_slice %arg8[%run_scoped3A_204, %dma_start3A_215] : memref<4x128xi32, #tpu.memory_space<vmem>> -> memref<1x128xi32, #tpu.memory_space<vmem>>
        %dma_start3A_217 = tpu.memref_squeeze %dma_start3A_216 : memref<1x128xi32, #tpu.memory_space<vmem>> -> memref<128xi32, #tpu.memory_space<vmem>>
        %dma_start3A_218 = arith.constant 0 : i32
        %dma_start3A_219 = arith.constant 0 : i32
        %dma_start3A_220 = tpu.memref_slice %arg12[%dma_start3A_218, %dma_start3A_219] : memref<10240x64xf32, #tpu.memory_space<vmem_shared>> -> memref<10240x64xf32, #tpu.memory_space<vmem_shared>>
        tpu.enqueue_indirect_dma source(%dma_start3A_214 : memref<128x64xf32, #tpu.memory_space<vmem>>) target(%dma_start3A_220 : memref<10240x64xf32, #tpu.memory_space<vmem_shared>>) offsets(%dma_start3A_217 : memref<128xi32, #tpu.memory_space<vmem>>) semaphore(%run_scoped3A_210 : memref<!tpu.dma_semaphore, #tpu.memory_space<semaphore_mem>>) {add = true}
        %dma_wait3A_221 = arith.constant 0 : i32
        %dma_wait3A_222 = arith.constant 0 : i32
        %dma_wait3A_223 = tpu.memref_slice %arg10[%run_scoped3A_203, %dma_wait3A_221, %dma_wait3A_222] : memref<4x128x64xf32, #tpu.memory_space<vmem>> -> memref<1x128x64xf32, #tpu.memory_space<vmem>>
        %dma_wait3A_224 = tpu.memref_squeeze %dma_wait3A_223 : memref<1x128x64xf32, #tpu.memory_space<vmem>> -> memref<128x64xf32, #tpu.memory_space<vmem>>
        %dma_wait3A_225 = arith.constant 0 : i32
        %dma_wait3A_226 = tpu.memref_slice %arg8[%run_scoped3A_204, %dma_wait3A_225] : memref<4x128xi32, #tpu.memory_space<vmem>> -> memref<1x128xi32, #tpu.memory_space<vmem>>
        %dma_wait3A_227 = tpu.memref_squeeze %dma_wait3A_226 : memref<1x128xi32, #tpu.memory_space<vmem>> -> memref<128xi32, #tpu.memory_space<vmem>>
        %dma_wait3A_228 = arith.constant 0 : i32
        %dma_wait3A_229 = arith.constant 0 : i32
        %dma_wait3A_230 = tpu.memref_slice %arg12[%dma_wait3A_228, %dma_wait3A_229] : memref<10240x64xf32, #tpu.memory_space<vmem_shared>> -> memref<10240x64xf32, #tpu.memory_space<vmem_shared>>
        tpu.wait_indirect_dma semaphore(%run_scoped3A_210 : memref<!tpu.dma_semaphore, #tpu.memory_space<semaphore_mem>>) src(%dma_wait3A_224 : memref<128x64xf32, #tpu.memory_space<vmem>>) dst(%dma_wait3A_230 : memref<10240x64xf32, #tpu.memory_space<vmem_shared>>)
        tpu.yield
      }) : () -> ()
      %run_scoped3A_205 = arith.constant 2 : i32
      %run_scoped3A_206 = arith.constant 2 : i32
      "tpu.region"() ({
        %run_scoped3A_210 = tpu.sem_alloc : memref<!tpu.dma_semaphore, #tpu.memory_space<semaphore_mem>>
        %dma_start3A_211 = arith.constant 0 : i32
        %dma_start3A_212 = arith.constant 0 : i32
        %dma_start3A_213 = tpu.memref_slice %arg10[%run_scoped3A_205, %dma_start3A_211, %dma_start3A_212] : memref<4x128x64xf32, #tpu.memory_space<vmem>> -> memref<1x128x64xf32, #tpu.memory_space<vmem>>
        %dma_start3A_214 = tpu.memref_squeeze %dma_start3A_213 : memref<1x128x64xf32, #tpu.memory_space<vmem>> -> memref<128x64xf32, #tpu.memory_space<vmem>>
        %dma_start3A_215 = arith.constant 0 : i32
        %dma_start3A_216 = tpu.memref_slice %arg8[%run_scoped3A_206, %dma_start3A_215] : memref<4x128xi32, #tpu.memory_space<vmem>> -> memref<1x128xi32, #tpu.memory_space<vmem>>
        %dma_start3A_217 = tpu.memref_squeeze %dma_start3A_216 : memref<1x128xi32, #tpu.memory_space<vmem>> -> memref<128xi32, #tpu.memory_space<vmem>>
        %dma_start3A_218 = arith.constant 0 : i32
        %dma_start3A_219 = arith.constant 0 : i32
        %dma_start3A_220 = tpu.memref_slice %arg12[%dma_start3A_218, %dma_start3A_219] : memref<10240x64xf32, #tpu.memory_space<vmem_shared>> -> memref<10240x64xf32, #tpu.memory_space<vmem_shared>>
        tpu.enqueue_indirect_dma source(%dma_start3A_214 : memref<128x64xf32, #tpu.memory_space<vmem>>) target(%dma_start3A_220 : memref<10240x64xf32, #tpu.memory_space<vmem_shared>>) offsets(%dma_start3A_217 : memref<128xi32, #tpu.memory_space<vmem>>) semaphore(%run_scoped3A_210 : memref<!tpu.dma_semaphore, #tpu.memory_space<semaphore_mem>>) {add = true}
        %dma_wait3A_221 = arith.constant 0 : i32
        %dma_wait3A_222 = arith.constant 0 : i32
        %dma_wait3A_223 = tpu.memref_slice %arg10[%run_scoped3A_205, %dma_wait3A_221, %dma_wait3A_222] : memref<4x128x64xf32, #tpu.memory_space<vmem>> -> memref<1x128x64xf32, #tpu.memory_space<vmem>>
        %dma_wait3A_224 = tpu.memref_squeeze %dma_wait3A_223 : memref<1x128x64xf32, #tpu.memory_space<vmem>> -> memref<128x64xf32, #tpu.memory_space<vmem>>
        %dma_wait3A_225 = arith.constant 0 : i32
        %dma_wait3A_226 = tpu.memref_slice %arg8[%run_scoped3A_206, %dma_wait3A_225] : memref<4x128xi32, #tpu.memory_space<vmem>> -> memref<1x128xi32, #tpu.memory_space<vmem>>
        %dma_wait3A_227 = tpu.memref_squeeze %dma_wait3A_226 : memref<1x128xi32, #tpu.memory_space<vmem>> -> memref<128xi32, #tpu.memory_space<vmem>>
        %dma_wait3A_228 = arith.constant 0 : i32
        %dma_wait3A_229 = arith.constant 0 : i32
        %dma_wait3A_230 = tpu.memref_slice %arg12[%dma_wait3A_228, %dma_wait3A_229] : memref<10240x64xf32, #tpu.memory_space<vmem_shared>> -> memref<10240x64xf32, #tpu.memory_space<vmem_shared>>
        tpu.wait_indirect_dma semaphore(%run_scoped3A_210 : memref<!tpu.dma_semaphore, #tpu.memory_space<semaphore_mem>>) src(%dma_wait3A_224 : memref<128x64xf32, #tpu.memory_space<vmem>>) dst(%dma_wait3A_230 : memref<10240x64xf32, #tpu.memory_space<vmem_shared>>)
        tpu.yield
      }) : () -> ()
      %run_scoped3A_207 = arith.constant 3 : i32
      %run_scoped3A_208 = arith.constant 3 : i32
      "tpu.region"() ({
        %run_scoped3A_210 = tpu.sem_alloc : memref<!tpu.dma_semaphore, #tpu.memory_space<semaphore_mem>>
        %dma_start3A_211 = arith.constant 0 : i32
        %dma_start3A_212 = arith.constant 0 : i32
        %dma_start3A_213 = tpu.memref_slice %arg10[%run_scoped3A_207, %dma_start3A_211, %dma_start3A_212] : memref<4x128x64xf32, #tpu.memory_space<vmem>> -> memref<1x128x64xf32, #tpu.memory_space<vmem>>
        %dma_start3A_214 = tpu.memref_squeeze %dma_start3A_213 : memref<1x128x64xf32, #tpu.memory_space<vmem>> -> memref<128x64xf32, #tpu.memory_space<vmem>>
        %dma_start3A_215 = arith.constant 0 : i32
        %dma_start3A_216 = tpu.memref_slice %arg8[%run_scoped3A_208, %dma_start3A_215] : memref<4x128xi32, #tpu.memory_space<vmem>> -> memref<1x128xi32, #tpu.memory_space<vmem>>
        %dma_start3A_217 = tpu.memref_squeeze %dma_start3A_216 : memref<1x128xi32, #tpu.memory_space<vmem>> -> memref<128xi32, #tpu.memory_space<vmem>>
        %dma_start3A_218 = arith.constant 0 : i32
        %dma_start3A_219 = arith.constant 0 : i32
        %dma_start3A_220 = tpu.memref_slice %arg12[%dma_start3A_218, %dma_start3A_219] : memref<10240x64xf32, #tpu.memory_space<vmem_shared>> -> memref<10240x64xf32, #tpu.memory_space<vmem_shared>>
        tpu.enqueue_indirect_dma source(%dma_start3A_214 : memref<128x64xf32, #tpu.memory_space<vmem>>) target(%dma_start3A_220 : memref<10240x64xf32, #tpu.memory_space<vmem_shared>>) offsets(%dma_start3A_217 : memref<128xi32, #tpu.memory_space<vmem>>) semaphore(%run_scoped3A_210 : memref<!tpu.dma_semaphore, #tpu.memory_space<semaphore_mem>>) {add = true}
        %dma_wait3A_221 = arith.constant 0 : i32
        %dma_wait3A_222 = arith.constant 0 : i32
        %dma_wait3A_223 = tpu.memref_slice %arg10[%run_scoped3A_207, %dma_wait3A_221, %dma_wait3A_222] : memref<4x128x64xf32, #tpu.memory_space<vmem>> -> memref<1x128x64xf32, #tpu.memory_space<vmem>>
        %dma_wait3A_224 = tpu.memref_squeeze %dma_wait3A_223 : memref<1x128x64xf32, #tpu.memory_space<vmem>> -> memref<128x64xf32, #tpu.memory_space<vmem>>
        %dma_wait3A_225 = arith.constant 0 : i32
        %dma_wait3A_226 = tpu.memref_slice %arg8[%run_scoped3A_208, %dma_wait3A_225] : memref<4x128xi32, #tpu.memory_space<vmem>> -> memref<1x128xi32, #tpu.memory_space<vmem>>
        %dma_wait3A_227 = tpu.memref_squeeze %dma_wait3A_226 : memref<1x128xi32, #tpu.memory_space<vmem>> -> memref<128xi32, #tpu.memory_space<vmem>>
        %dma_wait3A_228 = arith.constant 0 : i32
        %dma_wait3A_229 = arith.constant 0 : i32
        %dma_wait3A_230 = tpu.memref_slice %arg12[%dma_wait3A_228, %dma_wait3A_229] : memref<10240x64xf32, #tpu.memory_space<vmem_shared>> -> memref<10240x64xf32, #tpu.memory_space<vmem_shared>>
        tpu.wait_indirect_dma semaphore(%run_scoped3A_210 : memref<!tpu.dma_semaphore, #tpu.memory_space<semaphore_mem>>) src(%dma_wait3A_224 : memref<128x64xf32, #tpu.memory_space<vmem>>) dst(%dma_wait3A_230 : memref<10240x64xf32, #tpu.memory_space<vmem_shared>>)
        tpu.yield
      }) : () -> ()
      %scan3A_209 = arith.constant 0 : i32
      scf.yield %scan3A_209 : i32
    }
    %scan3A_22 = arith.constant 40 : i32
    %barrier3A_23 = arith.constant 0 : index
    tpu.barrier barrier_id(%barrier3A_23)
    %add3A_24 = arith.constant 0 : i32
    %add3A_25 = arith.addi %mul3A_0, %add3A_24 : i32
    "tpu.region"() ({
      %run_scoped3A = tpu.sem_alloc : memref<!tpu.dma_semaphore, #tpu.memory_space<semaphore_mem>>
      %dma_start3A = arith.constant 0 : i32
      %dma_start3A_44 = tpu.memref_slice %arg12[%add3A_25, %dma_start3A] : memref<10240x64xf32, #tpu.memory_space<vmem_shared>> -> memref<128x64xf32, #tpu.memory_space<vmem_shared>>
      %dma_start3A_45 = arith.constant 0 : i32
      %dma_start3A_46 = tpu.memref_slice %arg12[%add3A_25, %dma_start3A_45] : memref<10240x64xf32, #tpu.memory_space<vmem_shared>> -> memref<128x64xf32, #tpu.memory_space<vmem_shared>>
      tpu.enqueue_dma source(%dma_start3A_46 : memref<128x64xf32, #tpu.memory_space<vmem_shared>>) target(%arg11 : memref<128x64xf32, #tpu.memory_space<vmem>>) target_semaphore(%run_scoped3A : memref<!tpu.dma_semaphore, #tpu.memory_space<semaphore_mem>>)
      %dma_wait3A = arith.constant 0 : i32
      %dma_wait3A_47 = tpu.memref_slice %arg12[%add3A_25, %dma_wait3A] : memref<10240x64xf32, #tpu.memory_space<vmem_shared>> -> memref<128x64xf32, #tpu.memory_space<vmem_shared>>
      %dma_wait3A_48 = arith.constant 0 : i32
      %dma_wait3A_49 = tpu.memref_slice %arg12[%add3A_25, %dma_wait3A_48] : memref<10240x64xf32, #tpu.memory_space<vmem_shared>> -> memref<128x64xf32, #tpu.memory_space<vmem_shared>>
      tpu.wait_dma2 semaphore(%run_scoped3A : memref<!tpu.dma_semaphore, #tpu.memory_space<semaphore_mem>>) src(%dma_wait3A_49 : memref<128x64xf32, #tpu.memory_space<vmem_shared>>) dst(%arg11 : memref<128x64xf32, #tpu.memory_space<vmem>>)
      tpu.yield
    }) : () -> ()
    %add3A_26 = arith.constant 0 : i32
    %add3A_27 = arith.addi %mul3A_0, %add3A_26 : i32
    "tpu.region"() ({
      %run_scoped3A = tpu.sem_alloc : memref<!tpu.dma_semaphore, #tpu.memory_space<semaphore_mem>>
      %dma_start3A = arith.constant 0 : i32
      %dma_start3A_44 = tpu.memref_slice %arg6[%arg0, %add3A_27, %dma_start3A] : memref<2x10240x64xf32, #tpu.memory_space<hbm>> -> memref<1x128x64xf32, #tpu.memory_space<hbm>>
      %dma_start3A_45 = tpu.memref_squeeze %dma_start3A_44 : memref<1x128x64xf32, #tpu.memory_space<hbm>> -> memref<128x64xf32, #tpu.memory_space<hbm>>
      %dma_start3A_46 = arith.constant 0 : i32
      %dma_start3A_47 = tpu.memref_slice %arg6[%arg0, %add3A_27, %dma_start3A_46] : memref<2x10240x64xf32, #tpu.memory_space<hbm>> -> memref<1x128x64xf32, #tpu.memory_space<hbm>>
      %dma_start3A_48 = tpu.memref_squeeze %dma_start3A_47 : memref<1x128x64xf32, #tpu.memory_space<hbm>> -> memref<128x64xf32, #tpu.memory_space<hbm>>
      tpu.enqueue_dma source(%arg11 : memref<128x64xf32, #tpu.memory_space<vmem>>) target(%dma_start3A_48 : memref<128x64xf32, #tpu.memory_space<hbm>>) target_semaphore(%run_scoped3A : memref<!tpu.dma_semaphore, #tpu.memory_space<semaphore_mem>>)
      %dma_wait3A = arith.constant 0 : i32
      %dma_wait3A_49 = tpu.memref_slice %arg6[%arg0, %add3A_27, %dma_wait3A] : memref<2x10240x64xf32, #tpu.memory_space<hbm>> -> memref<1x128x64xf32, #tpu.memory_space<hbm>>
      %dma_wait3A_50 = tpu.memref_squeeze %dma_wait3A_49 : memref<1x128x64xf32, #tpu.memory_space<hbm>> -> memref<128x64xf32, #tpu.memory_space<hbm>>
      %dma_wait3A_51 = arith.constant 0 : i32
      %dma_wait3A_52 = tpu.memref_slice %arg6[%arg0, %add3A_27, %dma_wait3A_51] : memref<2x10240x64xf32, #tpu.memory_space<hbm>> -> memref<1x128x64xf32, #tpu.memory_space<hbm>>
      %dma_wait3A_53 = tpu.memref_squeeze %dma_wait3A_52 : memref<1x128x64xf32, #tpu.memory_space<hbm>> -> memref<128x64xf32, #tpu.memory_space<hbm>>
      tpu.wait_dma2 semaphore(%run_scoped3A : memref<!tpu.dma_semaphore, #tpu.memory_space<semaphore_mem>>) src(%arg11 : memref<128x64xf32, #tpu.memory_space<vmem>>) dst(%dma_wait3A_53 : memref<128x64xf32, #tpu.memory_space<hbm>>)
      tpu.yield
    }) : () -> ()
    %add3A_28 = arith.constant 128 : i32
    %add3A_29 = arith.addi %mul3A_0, %add3A_28 : i32
    "tpu.region"() ({
      %run_scoped3A = tpu.sem_alloc : memref<!tpu.dma_semaphore, #tpu.memory_space<semaphore_mem>>
      %dma_start3A = arith.constant 0 : i32
      %dma_start3A_44 = tpu.memref_slice %arg12[%add3A_29, %dma_start3A] : memref<10240x64xf32, #tpu.memory_space<vmem_shared>> -> memref<128x64xf32, #tpu.memory_space<vmem_shared>>
      %dma_start3A_45 = arith.constant 0 : i32
      %dma_start3A_46 = tpu.memref_slice %arg12[%add3A_29, %dma_start3A_45] : memref<10240x64xf32, #tpu.memory_space<vmem_shared>> -> memref<128x64xf32, #tpu.memory_space<vmem_shared>>
      tpu.enqueue_dma source(%dma_start3A_46 : memref<128x64xf32, #tpu.memory_space<vmem_shared>>) target(%arg11 : memref<128x64xf32, #tpu.memory_space<vmem>>) target_semaphore(%run_scoped3A : memref<!tpu.dma_semaphore, #tpu.memory_space<semaphore_mem>>)
      %dma_wait3A = arith.constant 0 : i32
      %dma_wait3A_47 = tpu.memref_slice %arg12[%add3A_29, %dma_wait3A] : memref<10240x64xf32, #tpu.memory_space<vmem_shared>> -> memref<128x64xf32, #tpu.memory_space<vmem_shared>>
      %dma_wait3A_48 = arith.constant 0 : i32
      %dma_wait3A_49 = tpu.memref_slice %arg12[%add3A_29, %dma_wait3A_48] : memref<10240x64xf32, #tpu.memory_space<vmem_shared>> -> memref<128x64xf32, #tpu.memory_space<vmem_shared>>
      tpu.wait_dma2 semaphore(%run_scoped3A : memref<!tpu.dma_semaphore, #tpu.memory_space<semaphore_mem>>) src(%dma_wait3A_49 : memref<128x64xf32, #tpu.memory_space<vmem_shared>>) dst(%arg11 : memref<128x64xf32, #tpu.memory_space<vmem>>)
      tpu.yield
    }) : () -> ()
    %add3A_30 = arith.constant 128 : i32
    %add3A_31 = arith.addi %mul3A_0, %add3A_30 : i32
    "tpu.region"() ({
      %run_scoped3A = tpu.sem_alloc : memref<!tpu.dma_semaphore, #tpu.memory_space<semaphore_mem>>
      %dma_start3A = arith.constant 0 : i32
      %dma_start3A_44 = tpu.memref_slice %arg6[%arg0, %add3A_31, %dma_start3A] : memref<2x10240x64xf32, #tpu.memory_space<hbm>> -> memref<1x128x64xf32, #tpu.memory_space<hbm>>
      %dma_start3A_45 = tpu.memref_squeeze %dma_start3A_44 : memref<1x128x64xf32, #tpu.memory_space<hbm>> -> memref<128x64xf32, #tpu.memory_space<hbm>>
      %dma_start3A_46 = arith.constant 0 : i32
      %dma_start3A_47 = tpu.memref_slice %arg6[%arg0, %add3A_31, %dma_start3A_46] : memref<2x10240x64xf32, #tpu.memory_space<hbm>> -> memref<1x128x64xf32, #tpu.memory_space<hbm>>
      %dma_start3A_48 = tpu.memref_squeeze %dma_start3A_47 : memref<1x128x64xf32, #tpu.memory_space<hbm>> -> memref<128x64xf32, #tpu.memory_space<hbm>>
      tpu.enqueue_dma source(%arg11 : memref<128x64xf32, #tpu.memory_space<vmem>>) target(%dma_start3A_48 : memref<128x64xf32, #tpu.memory_space<hbm>>) target_semaphore(%run_scoped3A : memref<!tpu.dma_semaphore, #tpu.memory_space<semaphore_mem>>)
      %dma_wait3A = arith.constant 0 : i32
      %dma_wait3A_49 = tpu.memref_slice %arg6[%arg0, %add3A_31, %dma_wait3A] : memref<2x10240x64xf32, #tpu.memory_space<hbm>> -> memref<1x128x64xf32, #tpu.memory_space<hbm>>
      %dma_wait3A_50 = tpu.memref_squeeze %dma_wait3A_49 : memref<1x128x64xf32, #tpu.memory_space<hbm>> -> memref<128x64xf32, #tpu.memory_space<hbm>>
      %dma_wait3A_51 = arith.constant 0 : i32
      %dma_wait3A_52 = tpu.memref_slice %arg6[%arg0, %add3A_31, %dma_wait3A_51] : memref<2x10240x64xf32, #tpu.memory_space<hbm>> -> memref<1x128x64xf32, #tpu.memory_space<hbm>>
      %dma_wait3A_53 = tpu.memref_squeeze %dma_wait3A_52 : memref<1x128x64xf32, #tpu.memory_space<hbm>> -> memref<128x64xf32, #tpu.memory_space<hbm>>
      tpu.wait_dma2 semaphore(%run_scoped3A : memref<!tpu.dma_semaphore, #tpu.memory_space<semaphore_mem>>) src(%arg11 : memref<128x64xf32, #tpu.memory_space<vmem>>) dst(%dma_wait3A_53 : memref<128x64xf32, #tpu.memory_space<hbm>>)
      tpu.yield
    }) : () -> ()
    %add3A_32 = arith.constant 256 : i32
    %add3A_33 = arith.addi %mul3A_0, %add3A_32 : i32
    "tpu.region"() ({
      %run_scoped3A = tpu.sem_alloc : memref<!tpu.dma_semaphore, #tpu.memory_space<semaphore_mem>>
      %dma_start3A = arith.constant 0 : i32
      %dma_start3A_44 = tpu.memref_slice %arg12[%add3A_33, %dma_start3A] : memref<10240x64xf32, #tpu.memory_space<vmem_shared>> -> memref<128x64xf32, #tpu.memory_space<vmem_shared>>
      %dma_start3A_45 = arith.constant 0 : i32
      %dma_start3A_46 = tpu.memref_slice %arg12[%add3A_33, %dma_start3A_45] : memref<10240x64xf32, #tpu.memory_space<vmem_shared>> -> memref<128x64xf32, #tpu.memory_space<vmem_shared>>
      tpu.enqueue_dma source(%dma_start3A_46 : memref<128x64xf32, #tpu.memory_space<vmem_shared>>) target(%arg11 : memref<128x64xf32, #tpu.memory_space<vmem>>) target_semaphore(%run_scoped3A : memref<!tpu.dma_semaphore, #tpu.memory_space<semaphore_mem>>)
      %dma_wait3A = arith.constant 0 : i32
      %dma_wait3A_47 = tpu.memref_slice %arg12[%add3A_33, %dma_wait3A] : memref<10240x64xf32, #tpu.memory_space<vmem_shared>> -> memref<128x64xf32, #tpu.memory_space<vmem_shared>>
      %dma_wait3A_48 = arith.constant 0 : i32
      %dma_wait3A_49 = tpu.memref_slice %arg12[%add3A_33, %dma_wait3A_48] : memref<10240x64xf32, #tpu.memory_space<vmem_shared>> -> memref<128x64xf32, #tpu.memory_space<vmem_shared>>
      tpu.wait_dma2 semaphore(%run_scoped3A : memref<!tpu.dma_semaphore, #tpu.memory_space<semaphore_mem>>) src(%dma_wait3A_49 : memref<128x64xf32, #tpu.memory_space<vmem_shared>>) dst(%arg11 : memref<128x64xf32, #tpu.memory_space<vmem>>)
      tpu.yield
    }) : () -> ()
    %add3A_34 = arith.constant 256 : i32
    %add3A_35 = arith.addi %mul3A_0, %add3A_34 : i32
    "tpu.region"() ({
      %run_scoped3A = tpu.sem_alloc : memref<!tpu.dma_semaphore, #tpu.memory_space<semaphore_mem>>
      %dma_start3A = arith.constant 0 : i32
      %dma_start3A_44 = tpu.memref_slice %arg6[%arg0, %add3A_35, %dma_start3A] : memref<2x10240x64xf32, #tpu.memory_space<hbm>> -> memref<1x128x64xf32, #tpu.memory_space<hbm>>
      %dma_start3A_45 = tpu.memref_squeeze %dma_start3A_44 : memref<1x128x64xf32, #tpu.memory_space<hbm>> -> memref<128x64xf32, #tpu.memory_space<hbm>>
      %dma_start3A_46 = arith.constant 0 : i32
      %dma_start3A_47 = tpu.memref_slice %arg6[%arg0, %add3A_35, %dma_start3A_46] : memref<2x10240x64xf32, #tpu.memory_space<hbm>> -> memref<1x128x64xf32, #tpu.memory_space<hbm>>
      %dma_start3A_48 = tpu.memref_squeeze %dma_start3A_47 : memref<1x128x64xf32, #tpu.memory_space<hbm>> -> memref<128x64xf32, #tpu.memory_space<hbm>>
      tpu.enqueue_dma source(%arg11 : memref<128x64xf32, #tpu.memory_space<vmem>>) target(%dma_start3A_48 : memref<128x64xf32, #tpu.memory_space<hbm>>) target_semaphore(%run_scoped3A : memref<!tpu.dma_semaphore, #tpu.memory_space<semaphore_mem>>)
      %dma_wait3A = arith.constant 0 : i32
      %dma_wait3A_49 = tpu.memref_slice %arg6[%arg0, %add3A_35, %dma_wait3A] : memref<2x10240x64xf32, #tpu.memory_space<hbm>> -> memref<1x128x64xf32, #tpu.memory_space<hbm>>
      %dma_wait3A_50 = tpu.memref_squeeze %dma_wait3A_49 : memref<1x128x64xf32, #tpu.memory_space<hbm>> -> memref<128x64xf32, #tpu.memory_space<hbm>>
      %dma_wait3A_51 = arith.constant 0 : i32
      %dma_wait3A_52 = tpu.memref_slice %arg6[%arg0, %add3A_35, %dma_wait3A_51] : memref<2x10240x64xf32, #tpu.memory_space<hbm>> -> memref<1x128x64xf32, #tpu.memory_space<hbm>>
      %dma_wait3A_53 = tpu.memref_squeeze %dma_wait3A_52 : memref<1x128x64xf32, #tpu.memory_space<hbm>> -> memref<128x64xf32, #tpu.memory_space<hbm>>
      tpu.wait_dma2 semaphore(%run_scoped3A : memref<!tpu.dma_semaphore, #tpu.memory_space<semaphore_mem>>) src(%arg11 : memref<128x64xf32, #tpu.memory_space<vmem>>) dst(%dma_wait3A_53 : memref<128x64xf32, #tpu.memory_space<hbm>>)
      tpu.yield
    }) : () -> ()
    %add3A_36 = arith.constant 384 : i32
    %add3A_37 = arith.addi %mul3A_0, %add3A_36 : i32
    "tpu.region"() ({
      %run_scoped3A = tpu.sem_alloc : memref<!tpu.dma_semaphore, #tpu.memory_space<semaphore_mem>>
      %dma_start3A = arith.constant 0 : i32
      %dma_start3A_44 = tpu.memref_slice %arg12[%add3A_37, %dma_start3A] : memref<10240x64xf32, #tpu.memory_space<vmem_shared>> -> memref<128x64xf32, #tpu.memory_space<vmem_shared>>
      %dma_start3A_45 = arith.constant 0 : i32
      %dma_start3A_46 = tpu.memref_slice %arg12[%add3A_37, %dma_start3A_45] : memref<10240x64xf32, #tpu.memory_space<vmem_shared>> -> memref<128x64xf32, #tpu.memory_space<vmem_shared>>
      tpu.enqueue_dma source(%dma_start3A_46 : memref<128x64xf32, #tpu.memory_space<vmem_shared>>) target(%arg11 : memref<128x64xf32, #tpu.memory_space<vmem>>) target_semaphore(%run_scoped3A : memref<!tpu.dma_semaphore, #tpu.memory_space<semaphore_mem>>)
      %dma_wait3A = arith.constant 0 : i32
      %dma_wait3A_47 = tpu.memref_slice %arg12[%add3A_37, %dma_wait3A] : memref<10240x64xf32, #tpu.memory_space<vmem_shared>> -> memref<128x64xf32, #tpu.memory_space<vmem_shared>>
      %dma_wait3A_48 = arith.constant 0 : i32
      %dma_wait3A_49 = tpu.memref_slice %arg12[%add3A_37, %dma_wait3A_48] : memref<10240x64xf32, #tpu.memory_space<vmem_shared>> -> memref<128x64xf32, #tpu.memory_space<vmem_shared>>
      tpu.wait_dma2 semaphore(%run_scoped3A : memref<!tpu.dma_semaphore, #tpu.memory_space<semaphore_mem>>) src(%dma_wait3A_49 : memref<128x64xf32, #tpu.memory_space<vmem_shared>>) dst(%arg11 : memref<128x64xf32, #tpu.memory_space<vmem>>)
      tpu.yield
    }) : () -> ()
    %add3A_38 = arith.constant 384 : i32
    %add3A_39 = arith.addi %mul3A_0, %add3A_38 : i32
    "tpu.region"() ({
      %run_scoped3A = tpu.sem_alloc : memref<!tpu.dma_semaphore, #tpu.memory_space<semaphore_mem>>
      %dma_start3A = arith.constant 0 : i32
      %dma_start3A_44 = tpu.memref_slice %arg6[%arg0, %add3A_39, %dma_start3A] : memref<2x10240x64xf32, #tpu.memory_space<hbm>> -> memref<1x128x64xf32, #tpu.memory_space<hbm>>
      %dma_start3A_45 = tpu.memref_squeeze %dma_start3A_44 : memref<1x128x64xf32, #tpu.memory_space<hbm>> -> memref<128x64xf32, #tpu.memory_space<hbm>>
      %dma_start3A_46 = arith.constant 0 : i32
      %dma_start3A_47 = tpu.memref_slice %arg6[%arg0, %add3A_39, %dma_start3A_46] : memref<2x10240x64xf32, #tpu.memory_space<hbm>> -> memref<1x128x64xf32, #tpu.memory_space<hbm>>
      %dma_start3A_48 = tpu.memref_squeeze %dma_start3A_47 : memref<1x128x64xf32, #tpu.memory_space<hbm>> -> memref<128x64xf32, #tpu.memory_space<hbm>>
      tpu.enqueue_dma source(%arg11 : memref<128x64xf32, #tpu.memory_space<vmem>>) target(%dma_start3A_48 : memref<128x64xf32, #tpu.memory_space<hbm>>) target_semaphore(%run_scoped3A : memref<!tpu.dma_semaphore, #tpu.memory_space<semaphore_mem>>)
      %dma_wait3A = arith.constant 0 : i32
      %dma_wait3A_49 = tpu.memref_slice %arg6[%arg0, %add3A_39, %dma_wait3A] : memref<2x10240x64xf32, #tpu.memory_space<hbm>> -> memref<1x128x64xf32, #tpu.memory_space<hbm>>
      %dma_wait3A_50 = tpu.memref_squeeze %dma_wait3A_49 : memref<1x128x64xf32, #tpu.memory_space<hbm>> -> memref<128x64xf32, #tpu.memory_space<hbm>>
      %dma_wait3A_51 = arith.constant 0 : i32
      %dma_wait3A_52 = tpu.memref_slice %arg6[%arg0, %add3A_39, %dma_wait3A_51] : memref<2x10240x64xf32, #tpu.memory_space<hbm>> -> memref<1x128x64xf32, #tpu.memory_space<hbm>>
      %dma_wait3A_53 = tpu.memref_squeeze %dma_wait3A_52 : memref<1x128x64xf32, #tpu.memory_space<hbm>> -> memref<128x64xf32, #tpu.memory_space<hbm>>
      tpu.wait_dma2 semaphore(%run_scoped3A : memref<!tpu.dma_semaphore, #tpu.memory_space<semaphore_mem>>) src(%arg11 : memref<128x64xf32, #tpu.memory_space<vmem>>) dst(%dma_wait3A_53 : memref<128x64xf32, #tpu.memory_space<hbm>>)
      tpu.yield
    }) : () -> ()
    %add3A_40 = arith.constant 512 : i32
    %add3A_41 = arith.addi %mul3A_0, %add3A_40 : i32
    "tpu.region"() ({
      %run_scoped3A = tpu.sem_alloc : memref<!tpu.dma_semaphore, #tpu.memory_space<semaphore_mem>>
      %dma_start3A = arith.constant 0 : i32
      %dma_start3A_44 = tpu.memref_slice %arg12[%add3A_41, %dma_start3A] : memref<10240x64xf32, #tpu.memory_space<vmem_shared>> -> memref<128x64xf32, #tpu.memory_space<vmem_shared>>
      %dma_start3A_45 = arith.constant 0 : i32
      %dma_start3A_46 = tpu.memref_slice %arg12[%add3A_41, %dma_start3A_45] : memref<10240x64xf32, #tpu.memory_space<vmem_shared>> -> memref<128x64xf32, #tpu.memory_space<vmem_shared>>
      tpu.enqueue_dma source(%dma_start3A_46 : memref<128x64xf32, #tpu.memory_space<vmem_shared>>) target(%arg11 : memref<128x64xf32, #tpu.memory_space<vmem>>) target_semaphore(%run_scoped3A : memref<!tpu.dma_semaphore, #tpu.memory_space<semaphore_mem>>)
      %dma_wait3A = arith.constant 0 : i32
      %dma_wait3A_47 = tpu.memref_slice %arg12[%add3A_41, %dma_wait3A] : memref<10240x64xf32, #tpu.memory_space<vmem_shared>> -> memref<128x64xf32, #tpu.memory_space<vmem_shared>>
      %dma_wait3A_48 = arith.constant 0 : i32
      %dma_wait3A_49 = tpu.memref_slice %arg12[%add3A_41, %dma_wait3A_48] : memref<10240x64xf32, #tpu.memory_space<vmem_shared>> -> memref<128x64xf32, #tpu.memory_space<vmem_shared>>
      tpu.wait_dma2 semaphore(%run_scoped3A : memref<!tpu.dma_semaphore, #tpu.memory_space<semaphore_mem>>) src(%dma_wait3A_49 : memref<128x64xf32, #tpu.memory_space<vmem_shared>>) dst(%arg11 : memref<128x64xf32, #tpu.memory_space<vmem>>)
      tpu.yield
    }) : () -> ()
    %add3A_42 = arith.constant 512 : i32
    %add3A_43 = arith.addi %mul3A_0, %add3A_42 : i32
    "tpu.region"() ({
      %run_scoped3A = tpu.sem_alloc : memref<!tpu.dma_semaphore, #tpu.memory_space<semaphore_mem>>
      %dma_start3A = arith.constant 0 : i32
      %dma_start3A_44 = tpu.memref_slice %arg6[%arg0, %add3A_43, %dma_start3A] : memref<2x10240x64xf32, #tpu.memory_space<hbm>> -> memref<1x128x64xf32, #tpu.memory_space<hbm>>
      %dma_start3A_45 = tpu.memref_squeeze %dma_start3A_44 : memref<1x128x64xf32, #tpu.memory_space<hbm>> -> memref<128x64xf32, #tpu.memory_space<hbm>>
      %dma_start3A_46 = arith.constant 0 : i32
      %dma_start3A_47 = tpu.memref_slice %arg6[%arg0, %add3A_43, %dma_start3A_46] : memref<2x10240x64xf32, #tpu.memory_space<hbm>> -> memref<1x128x64xf32, #tpu.memory_space<hbm>>
      %dma_start3A_48 = tpu.memref_squeeze %dma_start3A_47 : memref<1x128x64xf32, #tpu.memory_space<hbm>> -> memref<128x64xf32, #tpu.memory_space<hbm>>
      tpu.enqueue_dma source(%arg11 : memref<128x64xf32, #tpu.memory_space<vmem>>) target(%dma_start3A_48 : memref<128x64xf32, #tpu.memory_space<hbm>>) target_semaphore(%run_scoped3A : memref<!tpu.dma_semaphore, #tpu.memory_space<semaphore_mem>>)
      %dma_wait3A = arith.constant 0 : i32
      %dma_wait3A_49 = tpu.memref_slice %arg6[%arg0, %add3A_43, %dma_wait3A] : memref<2x10240x64xf32, #tpu.memory_space<hbm>> -> memref<1x128x64xf32, #tpu.memory_space<hbm>>
      %dma_wait3A_50 = tpu.memref_squeeze %dma_wait3A_49 : memref<1x128x64xf32, #tpu.memory_space<hbm>> -> memref<128x64xf32, #tpu.memory_space<hbm>>
      %dma_wait3A_51 = arith.constant 0 : i32
      %dma_wait3A_52 = tpu.memref_slice %arg6[%arg0, %add3A_43, %dma_wait3A_51] : memref<2x10240x64xf32, #tpu.memory_space<hbm>> -> memref<1x128x64xf32, #tpu.memory_space<hbm>>
      %dma_wait3A_53 = tpu.memref_squeeze %dma_wait3A_52 : memref<1x128x64xf32, #tpu.memory_space<hbm>> -> memref<128x64xf32, #tpu.memory_space<hbm>>
      tpu.wait_dma2 semaphore(%run_scoped3A : memref<!tpu.dma_semaphore, #tpu.memory_space<semaphore_mem>>) src(%arg11 : memref<128x64xf32, #tpu.memory_space<vmem>>) dst(%dma_wait3A_53 : memref<128x64xf32, #tpu.memory_space<hbm>>)
      tpu.yield
    }) : () -> ()
    return
  }
}

module attributes {stable_mosaic.version = 14 : i64} {
  func.func @_matmul_body(%arg0: i32, %arg1: memref<1000x128xf32, #tpu.memory_space<vmem>>, %arg2: memref<128x128xf32, #tpu.memory_space<vmem>>, %arg3: memref<1x128xf32, #tpu.memory_space<vmem>>, %arg4: memref<2x1000x64xf32, #tpu.memory_space<vmem>>) attributes {dimension_semantics = [#tpu.dimension_semantics<arbitrary>], iteration_bounds = array<i64: 10>, scalar_prefetch = 0 : i64, scratch_operands = 0 : i64, tpu.core_type = #tpu.core_type<tc>, window_params = [{transform_indices = @transform_0, window_bounds = array<i64: 1000, 128>}, {pipeline_mode = #tpu.pipeline_mode<synchronous>, transform_indices = @transform_1, window_bounds = array<i64: 128, 128>}, {pipeline_mode = #tpu.pipeline_mode<synchronous>, transform_indices = @transform_2, window_bounds = array<i64: 1, 128>}, {transform_indices = @transform_3, window_bounds = array<i64: 2, 1000, 64>}]} {
    %get3A = arith.constant 0 : index
    %get3A_0 = arith.constant 0 : index
    %get3A_1 = vector.load %arg1[%get3A, %get3A_0] : memref<1000x128xf32, #tpu.memory_space<vmem>>, vector<1000x128xf32>
    %get3A_2 = arith.constant 0 : index
    %get3A_3 = arith.constant 0 : index
    %get3A_4 = vector.load %arg2[%get3A_2, %get3A_3] : memref<128x128xf32, #tpu.memory_space<vmem>>, vector<128x128xf32>
    %dot_general3A = arith.constant dense<0.000000e+00> : vector<1000x128xf32>
    %dot_general3A_5 = tpu.matmul %get3A_1, %get3A_4, %dot_general3A {dimension_numbers = #tpu.dot_dimension_numbers<[1], [0], [0], [1], [0, 0, 1, 1], [], []>, transpose_lhs_hint = false} : vector<1000x128xf32>, vector<128x128xf32>, vector<1000x128xf32> -> vector<1000x128xf32>
    %get3A_6 = arith.constant 0 : index
    %get3A_7 = arith.constant 0 : index
    %get3A_8 = vector.load %arg3[%get3A_6, %get3A_7] : memref<1x128xf32, #tpu.memory_space<vmem>>, vector<1x128xf32>
    %add3A = vector.broadcast %get3A_8 : vector<1x128xf32> to vector<1000x128xf32>
    %add3A_9 = arith.addf %dot_general3A_5, %add3A : vector<1000x128xf32>
    %slice3A = vector.extract_strided_slice %add3A_9 {offsets = [0, 0], sizes = [1000, 64], strides = [1, 1]} : vector<1000x128xf32> to vector<1000x64xf32>
    %swap3A = arith.constant 0 : index
    %swap3A_10 = arith.constant 0 : index
    %swap3A_11 = arith.constant 0 : index
    %swap3A_12 = vector.load %arg4[%swap3A, %swap3A_10, %swap3A_11] : memref<2x1000x64xf32, #tpu.memory_space<vmem>>, vector<1x1000x64xf32>
    %swap3A_13 = vector.shape_cast %swap3A_12 : vector<1x1000x64xf32> to vector<1000x64xf32>
    %swap3A_14 = vector.shape_cast %slice3A : vector<1000x64xf32> to vector<1x1000x64xf32>
    tpu.vector_store %arg4[%swap3A, %swap3A_10, %swap3A_11], %swap3A_14 {strides = array<i32>} : memref<2x1000x64xf32, #tpu.memory_space<vmem>>, vector<1x1000x64xf32>,
    %slice3A_15 = vector.extract_strided_slice %add3A_9 {offsets = [0, 64], sizes = [1000, 64], strides = [1, 1]} : vector<1000x128xf32> to vector<1000x64xf32>
    %swap3A_16 = arith.constant 1 : index
    %swap3A_17 = arith.constant 0 : index
    %swap3A_18 = arith.constant 0 : index
    %swap3A_19 = vector.load %arg4[%swap3A_16, %swap3A_17, %swap3A_18] : memref<2x1000x64xf32, #tpu.memory_space<vmem>>, vector<1x1000x64xf32>
    %swap3A_20 = vector.shape_cast %swap3A_19 : vector<1x1000x64xf32> to vector<1000x64xf32>
    %swap3A_21 = vector.shape_cast %slice3A_15 : vector<1000x64xf32> to vector<1x1000x64xf32>
    tpu.vector_store %arg4[%swap3A_16, %swap3A_17, %swap3A_18], %swap3A_21 {strides = array<i32>} : memref<2x1000x64xf32, #tpu.memory_space<vmem>>, vector<1x1000x64xf32>,
    return
  }
  func.func @transform_0(%arg0: i32) -> (i32, i32) {
    %c0_i32 = arith.constant 0 : i32
    %c0_i32_0 = arith.constant 0 : i32
    return %arg0, %c0_i32 : i32, i32
  }
  func.func @transform_1(%arg0: i32) -> (i32, i32) {
    %c0_i32 = arith.constant 0 : i32
    %c0_i32_0 = arith.constant 0 : i32
    %c0_i32_1 = arith.constant 0 : i32
    return %c0_i32, %c0_i32_0 : i32, i32
  }
  func.func @transform_2(%arg0: i32) -> (i32, i32) {
    %c0_i32 = arith.constant 0 : i32
    %c0_i32_0 = arith.constant 0 : i32
    %c0_i32_1 = arith.constant 0 : i32
    return %c0_i32, %c0_i32_0 : i32, i32
  }
  func.func @transform_3(%arg0: i32) -> (i32, i32, i32) {
    %c0_i32 = arith.constant 0 : i32
    %c0_i32_0 = arith.constant 0 : i32
    %c0_i32_1 = arith.constant 0 : i32
    return %c0_i32, %arg0, %c0_i32_0 : i32, i32, i32
  }
}

module attributes {stable_mosaic.version = 14 : i64} {
  func.func @_combine_body(%arg0: i32, %arg1: memref<2x1000x64xf32, #tpu.memory_space<vmem>>, %arg2: memref<1000x128xf32, #tpu.memory_space<vmem>>) attributes {dimension_semantics = [#tpu.dimension_semantics<arbitrary>], iteration_bounds = array<i64: 10>, scalar_prefetch = 0 : i64, scratch_operands = 0 : i64, tpu.core_type = #tpu.core_type<tc>, window_params = [{transform_indices = @transform_0, window_bounds = array<i64: 2, 1000, 64>}, {transform_indices = @transform_1, window_bounds = array<i64: 1000, 128>}]} {
    %get3A = arith.constant 0 : index
    %get3A_0 = arith.constant 0 : index
    %get3A_1 = arith.constant 0 : index
    %get3A_2 = vector.load %arg1[%get3A, %get3A_0, %get3A_1] : memref<2x1000x64xf32, #tpu.memory_space<vmem>>, vector<1x1000x64xf32>
    %get3A_3 = vector.shape_cast %get3A_2 : vector<1x1000x64xf32> to vector<1000x64xf32>
    %get3A_4 = arith.constant 1 : index
    %get3A_5 = arith.constant 0 : index
    %get3A_6 = arith.constant 0 : index
    %get3A_7 = vector.load %arg1[%get3A_4, %get3A_5, %get3A_6] : memref<2x1000x64xf32, #tpu.memory_space<vmem>>, vector<1x1000x64xf32>
    %get3A_8 = vector.shape_cast %get3A_7 : vector<1x1000x64xf32> to vector<1000x64xf32>
    %concatenate3A = tpu.concatenate %get3A_3, %get3A_8 in 1 : vector<1000x64xf32>, vector<1000x64xf32> -> vector<1000x128xf32>
    %gt3A = arith.constant 0.000000e+00 : f32
    %gt3A_9 = vector.broadcast %gt3A : f32 to vector<1000x128xf32>
    %gt3A_10 = arith.cmpf ogt, %concatenate3A, %gt3A_9 : vector<1000x128xf32>
    %exp3A = math.exp %concatenate3A : vector<1000x128xf32>
    %sub3A = arith.constant 1.000000e+00 : f32
    %sub3A_11 = vector.broadcast %sub3A : f32 to vector<1000x128xf32>
    %sub3A_12 = arith.subf %exp3A, %sub3A_11 : vector<1000x128xf32>
    %select_n3A = arith.select %gt3A_10, %concatenate3A, %sub3A_12 : vector<1000x128xi1>, vector<1000x128xf32>
    %swap3A = arith.constant 0 : index
    %swap3A_13 = arith.constant 0 : index
    %swap3A_14 = vector.load %arg2[%swap3A, %swap3A_13] : memref<1000x128xf32, #tpu.memory_space<vmem>>, vector<1000x128xf32>
    tpu.vector_store %arg2[%swap3A, %swap3A_13], %select_n3A {strides = array<i32>} : memref<1000x128xf32, #tpu.memory_space<vmem>>, vector<1000x128xf32>,
    return
  }
  func.func @transform_0(%arg0: i32) -> (i32, i32, i32) {
    %c0_i32 = arith.constant 0 : i32
    %c0_i32_0 = arith.constant 0 : i32
    %c0_i32_1 = arith.constant 0 : i32
    return %c0_i32, %arg0, %c0_i32_0 : i32, i32, i32
  }
  func.func @transform_1(%arg0: i32) -> (i32, i32) {
    %c0_i32 = arith.constant 0 : i32
    %c0_i32_0 = arith.constant 0 : i32
    return %arg0, %c0_i32 : i32, i32
  }
}

</mosaic_0001>

<sc_bundles>
// kernel: kernel.5.cloned.1.call-start
scs
__scs_entry_jumppad:
0x0: {  	(pc) =	sbr.rel $0x88, $3  }
0x1: {  	(tag) =	ssettag $0x0;
	lr =	simm.s32 $0x1  }
0x2: {  	[smem:$0x3F9C] =	sst lr;
	_ =	strace $0xD0000000  }
0x3: {  	_ = 	snop  }
0x4: {  	_ = 	snop  }
0x5: {  	_ = 	snop  }
0x6: {  	_ = 	snop  }
0x7: {  	_ = 	snop  }
__scs_overlays_trampoline_lowered:
0x8: {  	[smem:$0x3FAB] =	sst s0  }
0x9: {  	[smem:$0x3FAC] =	sst s1  }
0xa: {  	[smem:$0x3FAD] =	sst s2  }
0xb: {  	[smem:$0x3FAE] =	sst s3  }
0xc: {  	[smem:$0x3FAF] =	sst s4  }
0xd: {  	[smem:$0x3FB0] =	sst s5  }
0xe: {  	[smem:$0x3FB1] =	sst s6  }
0xf: {  	[smem:$0x3FB2] =	sst s7  }
0x10: {  	[smem:$0x3FB3] =	sst s8  }
0x11: {  	[smem:$0x3FB4] =	sst s9;
	s0 =	simm.s32 @!p0 $0x0  }
0x12: {  	s1 =	sld [smem:$0x3F9A];
	s0 =	simm.s32 @p0 $0x1  }
0x13: {  	[smem:$0x3FB5] =	sst s0;
	s0 =	simm.s32 @!p1 $0x0  }
0x14: {  	s2 =	sld [smem:$0x3F99];
	s0 =	simm.s32 @p1 $0x1  }
0x15: {  	[smem:$0x3FB6] =	sst s0;
	s0 =	simm.s32 @!p2 $0x0  }
0x16: {  	s3 =	sld [smem:$0x3FDB];
	s0 =	simm.s32 @p2 $0x1  }
0x17: {  	s4 =	simm.s32 $0x1BF5;
	[smem:$0x3FB8] =	sst s0  }
0x18: {  	s0 =	sld [smem:$0x3F9B];
	_ =	swait.ge [sflag:s4], $0x0  }
0x19: {  	s7 =	sld [smem:$0x3F9C]  }
0x1a: {  	s8 =	sadd.s32 $0xFFFFE003, lr  }
0x1b: {  	s9 =	sadd.s32 $0xFFFFFEF7, lr;
	s5 =	simm.s32 $0xFFFFFFFF;
	p2 =	slt.u32 s8, $0xFFFFF086  }
0x1c: {  	p1 =	slt.u32 s9, $0xF7A;
	s5 =	simm.s32 @!p2 $0x0  }
0x1d: {  	s5 =	simm.s32 @p1 $0x1;
	p0 =	seq.s32 s7, s2  }
0x1e: {  	s7 =	smul.u32 @!p0 $0xF7A, s2;
	p2 =	seq.s32 @!p0 s5, $0x0  }
0x1f: {  	s9 =	smul.u32 $0xF7A, s1;
	s8 =	simm.s32 @!p0 $0x1BF5;
	p2 =	por !p2, p0  }
0x20: {  	[sflag:s8] =	ssyncset.s32 @!p0 $0xFFFFF086;
	s6 =	sadd.s32 @!p0 s3, s7;
	s7 =	simm.s32 @!p0 $0x108  }
0x21: {  	s3 =	sadd.s32 s3, s9;
	s6 =	sadd.s32 @!p0 $0x88, s6;
	s7 =	simm.s32 @p2 $0x1082  }
0x22: {  	[simem:s7], [sflag:s8] =	dma.local @!p0 [hbm:s6], $0xF7A  }
0x23: {  	s9 =	sor.u32 $0xD0000000, s2;
	s6 =	simm.s32 $0x108;
	_ =	swait.ge @!p0 [sflag:s8], $0x0  }
0x24: {  	s3 =	sadd.s32 $0x88, s3;
	s6 =	simm.s32 @!p1 $0x1082;
	[sflag:s4] =	ssyncset.s32 $0xFFFFF086  }
0x25: {  	[simem:s6], [sflag:s4] =	dma.local [hbm:s3], $0xF7A  }
0x26: {  	[smem:$0x3F9C] =	sst s1;
	(tag) =	ssettag s2;
	_ =	strace s9  }
0x27: {  	s1 =	sld [smem:$0x3FAC]  }
0x28: {  	s2 =	sld [smem:$0x3FAD]  }
0x29: {  	s4 =	sld [smem:$0x3FAF]  }
0x2a: {  	p0 =	seq.s32 s5, $0x0;
	s5 =	sld [smem:$0x3FB0]  }
0x2b: {  	s6 =	sld [smem:$0x3FB1]  }
0x2c: {  	s7 =	sld [smem:$0x3FB2]  }
0x2d: {  	s3 =	simm.s32 $0x108;
	s8 =	sld [smem:$0x3FB3]  }
0x2e: {  	s3 =	simm.s32 @!p0 $0x1082;
	s9 =	sld [smem:$0x3FB4]  }
0x2f: {  	lr =	sadd.s32 s0, s3;
	s0 =	sld [smem:$0x3FAB]  }
0x30: {  	s3 =	sld [smem:$0x3FAE]  }
0x31: {  	[smem:$0x3FB7] =	sst s10  }
0x32: {  	s10 =	sld [smem:$0x3FB5];
	_ =	sdelay $0x3  }
0x33: {  	p0 =	seq.s32 s10, $0x1;
	s10 =	sld [smem:$0x3FB7];
	_ =	sdelay $0x3  }
0x34: {  	[smem:$0x3FB7] =	sst s10  }
0x35: {  	s10 =	sld [smem:$0x3FB6];
	_ =	sdelay $0x3  }
0x36: {  	p1 =	seq.s32 s10, $0x1;
	s10 =	sld [smem:$0x3FB7];
	_ =	sdelay $0x3  }
0x37: {  	[smem:$0x3FB7] =	sst s10  }
0x38: {  	s10 =	sld [smem:$0x3FB8]  }
0x39: {  	_ = 	snop;
	(pc) =	sbr.ind lr, $3  }
0x3a: {  	_ = 	snop  }
0x3b: {  	_ = 	snop  }
0x3c: {  	p2 =	seq.s32 s10, $0x1;
	s10 =	sld [smem:$0x3FB7]  }
0x3d: {  	_ =	shalt  }
0x3e: {  	_ =	shalt  }
0x3f: {  	_ =	shalt  }
0x40: {  	_ =	shalt  }
0x41: {  	_ =	shalt  }
0x42: {  	_ =	shalt  }
0x43: {  	_ =	shalt  }
0x44: {  	_ =	shalt  }
0x45: {  	_ =	shalt  }
0x46: {  	_ =	shalt  }
0x47: {  	_ =	shalt  }
0x48: {  	_ =	shalt  }
0x49: {  	_ =	shalt  }
0x4a: {  	_ =	shalt  }
0x4b: {  	_ =	shalt  }
0x4c: {  	_ =	shalt  }
0x4d: {  	_ =	shalt  }
0x4e: {  	_ =	shalt  }
0x4f: {  	_ =	shalt  }
0x50: {  	_ =	shalt  }
0x51: {  	_ =	shalt  }
0x52: {  	_ =	shalt  }
0x53: {  	_ =	shalt  }
0x54: {  	_ =	shalt  }
0x55: {  	_ =	shalt  }
0x56: {  	_ =	shalt  }
0x57: {  	_ =	shalt  }
0x58: {  	_ =	shalt  }
0x59: {  	_ =	shalt  }
0x5a: {  	_ =	shalt  }
0x5b: {  	_ =	shalt  }
0x5c: {  	_ =	shalt  }
0x5d: {  	_ =	shalt  }
0x5e: {  	_ =	shalt  }
0x5f: {  	_ =	shalt  }
0x60: {  	_ =	shalt  }
0x61: {  	_ =	shalt  }
0x62: {  	_ =	shalt  }
0x63: {  	_ =	shalt  }
0x64: {  	_ =	shalt  }
0x65: {  	_ =	shalt  }
0x66: {  	_ =	shalt  }
0x67: {  	_ =	shalt  }
0x68: {  	_ =	shalt  }
0x69: {  	_ =	shalt  }
0x6a: {  	_ =	shalt  }
0x6b: {  	_ =	shalt  }
0x6c: {  	_ =	shalt  }
0x6d: {  	_ =	shalt  }
0x6e: {  	_ =	shalt  }
0x6f: {  	_ =	shalt  }
0x70: {  	_ =	shalt  }
0x71: {  	_ =	shalt  }
0x72: {  	_ =	shalt  }
0x73: {  	_ =	shalt  }
0x74: {  	_ =	shalt  }
0x75: {  	_ =	shalt  }
0x76: {  	_ =	shalt  }
0x77: {  	_ =	shalt  }
0x78: {  	_ =	shalt  }
0x79: {  	_ =	shalt  }
0x7a: {  	_ =	shalt  }
0x7b: {  	_ =	shalt  }
0x7c: {  	_ =	shalt  }
0x7d: {  	_ =	shalt  }
0x7e: {  	_ =	shalt  }
0x7f: {  	_ =	shalt  }
0x80: {  	_ =	shalt  }
0x81: {  	_ =	shalt  }
0x82: {  	_ =	shalt  }
0x83: {  	_ =	shalt  }
0x84: {  	_ =	shalt  }
0x85: {  	_ =	shalt  }
0x86: {  	_ =	shalt  }
0x87: {  	_ =	shalt  }
.Lfunc_end0:
.L_simem_size_0:
called_computation_lowered:
.L_overlay_start_0:
0x88: {  	s2 =	sld [smem:$0x3FD9]  }
0x89: {  	s3 =	sld [smem:$0x3FFE];
	_ =	sdelay $0x1  }
0x8a: {  	s1 =	srdreg.scid  }
0x8b: {  	s0 =	sand.u32 $0x1, s1  }
0x8c: {  	s17 =	sshll.u32 s0, $0xA;
	s2 =	sadd.s32 s3, s2  }
0x8d: {  	s2 =	sadd.s32 s2, s17  }
0x8e: {  	[smem:$0x3FC3] =	sst s2  }
0x8f: {  	_ = 	snop  }
0x90: {  	s2 =	sld [smem:$0x3FD0];
	(tm) =	ssettm $0x1  }
0x91: {  	s18 =	sld [smem:$0x3FFB];
	_ =	sdelay $0x3  }
0x92: {  	_ =	strace s18  }
0x93: {  	s3 =	sld [smem:$0x3FFC];
	_ =	sdelay $0x3  }
0x94: {  	_ =	strace s3  }
0x95: {  	s3 =	sld [smem:$0x3FFD];
	_ =	sdelay $0x3  }
0x96: {  	_ =	strace s3  }
0x97: {  	_ =	strace $0x8FFFFFFF  }
0x98: {  	s19 =	sld [smem:$0x3FDB];
	_ =	sdelay $0x1  }
0x99: {  	s4 =	simm.s32 $_scs_section_size  }
0x9a: {  	s5 =	simm.s32 $_size__tile_overlayer_lowered;
	s6 =	simm.s32 $_tile_overlayer_lowered  }
0x9b: {  	s22 =	simm.s32 $0x1BFF;
	s21 =	sshll.u32 s6, $0x1;
	s3 =	sadd.s32 s4, s19  }
0x9c: {  	s7 =	simm.s32 $0x0;
	s20 =	sshll.u32 s5, $0x1;
	s5 =	sadd.s32 s21, s3  }
0x9d: {  	[timem:s7], [sflag:s22] =	dma.local [hbm:s5], s20  }
0x9e: {  	_ =	swait.ge [sflag:s22], s20  }
0x9f: {  	s4 =	ssub.s32 $0x0, s20;
	[sflag:s22] =	ssyncset.done $0x0  }
0xa0: {  	[sflag:s22] =	ssyncadd.s32 s4;
	_ =	sdelay $0x1  }
0xa1: {  	s23 =	simm.s32 $0x1B8B  }
0xa2: {  	_ =	swait.ge [sflag:s23], $0x1  }
0xa3: {  	[sflag:s23] =	ssyncset.done $0x0  }
0xa4: {  	s25 =	simm.s32 $0x1B8E;
	s24 =	sld [smem:$0x3FFE];
	[sflag:s23] =	ssyncadd.s32 $0xFFFFFFFF  }
0xa5: {  	s26 =	simm.s32 $execute0_lowered;
	[smem:$0x3FD2] =	sst s25  }
0xa6: {  	s5 =	sshll.u32 s26, $0x1;
	_ =	strace $0x80000046;
	[dreg:$0x1] =	wrdreg $0xFFFFFFFF  }
0xa7: {  	s28 =	simm.s32 $_size_execute0_lowered;
	s3 =	sadd.s32 s3, s5;
	[dreg:$0x0] =	wrdreg $0x0  }
0xa8: {  	s5 =	sshll.u32 s28, $0x1;
	[dreg:$0x2] =	wrdreg s3  }
0xa9: {  	[dreg:$0x3] =	wrdreg s5  }
0xaa: {  	[dreg:$0x4] =	wrdreg $0xC0  }
0xab: {  	_ =	task [dreg:s7], $0x5FFFF  }
0xac: {  	[dreg:$0x1] =	wrdreg $0xFFFFFFFF  }
0xad: {  	[dreg:$0x0] =	wrdreg $0x60  }
0xae: {  	[dreg:$0x2] =	wrdreg s2  }
0xaf: {  	[dreg:$0x3] =	wrdreg s24  }
0xb0: {  	[dreg:$0x4] =	wrdreg $0xA6000  }
0xb1: {  	[dreg:$0x5] =	wrdreg $0x9  }
0xb2: {  	_ =	task.clear_ibuf [dreg:s7], $0x6FFFF;
	_ =	strace $0x90000046  }
0xb3: {  	s29 =	simm.s32 $0x9;
	_ =	strace $0x80000048  }
0xb4: {  	_ =	swait.ge [sflag:s29], $0x1  }
0xb5: {  	[sflag:s29] =	ssyncadd.s32 $0xFFFFFFFF  }
0xb6: {  	_ =	strace $0x90000048  }
0xb7: {  	_ =	sfence  }
0xb8: {  	s30 =	sld [smem:$0x0];
	_ =	sdelay $0x2  }
0xb9: {  	s31 =	sshll.u32 s1, $0xD;
	s1 =	sshrl.u32 s1, $0x2  }
0xba: {  	s3 =	sand.u32 $0x4000, s31;
	s1 =	sadd.s32 s1, s30  }
0xbb: {  	s0 =	sor.u32 s3, s0;
	s1 =	sshll.u32 s1, $0x11  }
0xbc: {  	s0 =	sor.u32 s1, s0  }
0xbd: {  	s0 =	sadd.s32 $0x8F2B, s0  }
0xbe: {  	[sflag:s0] =	ssyncadd.remote.s32 $0x1  }
0xbf: {  	_ =	sfence.sel $0xFFFF  }
0xc0: {  	[dreg:$0x0] =	wrdreg $0xFFFFFFFF;
	(pc) =	sbr.abs _section_cstart, $3  }
0xc1: {  	[dreg:$0x1] =	wrdreg $0xFFFFFFFF  }
0xc2: {  	_ =	task.clear_ibuf [dreg:s7], $0x2FFFF;
	_ =	strace $0x9FFFFFFF  }
0xc3: {  	(tm) =	ssettm $0x7FFFFFFF  }
tec
execute0_lowered:
.L_overlay_start_1:
0x0: {  	(tag) =	ssettag $0x1  }
0x1: {  	s0 =	rddreg [dreg:$0x0]  }
0x2: {  	s2 =	rddreg [dreg:$0x1]  }
0x3: {  	s1 =	rddreg [dreg:$0x2];
	s3 =	simm.s32 $0x0;
	s5 =	srdreg.scid  }
0x4: {  	s12 =	stileid.u32;
	s28 =	simm.s32 $0x100;
	s29 =	simm.s32 $0x4600  }
0x5: {  	s30 =	simm.s32 $0x180;
	s31 =	simm.s32 $0x6600;
	[smem:$0x7FF] =	sst s3  }
0x6: {  	s4 =	sadd.s32 $0x600, s2;
	s7 =	sand.u32 $0x1, s5;
	s8 =	smul.u32 $0xA000, s12  }
0x7: {  	s5 =	sadd.s32 $0xA600, s2;
	s6 =	sadd.s32 $0x14600, s2;
	s12 =	smul.u32 $0x5000, s12  }
0x8: {  	s2 =	sadd.s32 $0x1E600, s2;
	s9 =	ssub.s32 $0x2, s7;
	s17 =	smul.u32 $0xA0000, s7  }
0x9: {  	_ =	strace $0x80000047;
	s7 =	smul.u32 $0x13880, s7;
	s10 =	sshrl.u32 s9, $0x1  }
0xa: {  	s13 =	sadd.s32 $0x2000, s8;
	s24 =	sadd.s32 s8, s1;
	s15 =	sadd.s32 $0x4000, s8  }
0xb: {  	s16 =	sadd.s32 $0x6000, s8;
	s18 =	sadd.s32 $0x8000, s8;
	s14 =	ssub.s32 s9, s10  }
0xc: {  	[dreg:$0x4] =	wrdreg s24;
	s25 =	sadd.s32 s13, s1;
	s26 =	sadd.s32 s15, s1  }
0xd: {  	s10 =	sadd.s32 s16, s1;
	s11 =	sadd.s32 s18, s1;
	s8 =	sadd.s32 s8, s17  }
0xe: {  	s19 =	sadd.s32 s17, s13;
	s13 =	sadd.s32 s0, s7;
	s21 =	sadd.s32 s17, s15  }
0xf: {  	s22 =	sadd.s32 s17, s16;
	s23 =	sadd.s32 s17, s18;
	[dreg:$0x5] =	wrdreg s25  }
0x10: {  	s15 =	simm.s32 $0x380;
	s16 =	simm.s32 $0x0;
	[dreg:$0x6] =	wrdreg s26  }
0x11: {  	s8 =	sshrl.u32 s8, $0x3;
	s20 =	sshrl.u32 s19, $0x3;
	s7 =	sshrl.u32 s22, $0x3  }
0x12: {  	s25 =	sshrl.u32 s23, $0x3;
	s26 =	smax.u32 s14, $0x1;
	s22 =	simm.s32 $0x200  }
0x13: {  	s23 =	simm.s32 $0x400;
	s9 =	sadd.s32 s2, s8;
	[dreg:$0xc] =	wrdreg s26  }
0x14: {  	s14 =	simm.s32 $0x300;
	s0 =	sadd.s32 s2, s20;
	[dreg:$0x7] =	wrdreg s9  }
0x15: {  	s24 =	sadd.s32 s2, s7;
	s20 =	simm.s32 $0x8600;
	[dreg:$0x8] =	wrdreg s0  }
0x16: {  	s26 =	simm.s32 $0x2600;
	s0 =	sshrl.u32 s21, $0x3;
	[dreg:$0xa] =	wrdreg s24  }
0x17: {  	s21 =	simm.s32 $0x2;
	s24 =	simm.s32 $0x80;
	s0 =	sadd.s32 s2, s0  }
0x18: {  	[dreg:$0x9] =	wrdreg s0;
	s0 =	sadd.s32 s2, s25;
	s25 =	simm.s32 $0x600  }
0x19: {  	v0 =	vimm.f32 $0.0e+00;
	s2 =	simm.s32 $0x280;
	[dreg:$0xb] =	wrdreg s0;
	s0 =	simm.s32 $0x1  }
.LBB2_1:
0x1a: {  	s8 =	simm.s32 $0x100;
	s7 =	simm.s32 $0x0  }
.LBB2_2:
0x1b: {  	p0 =	sne.s32 s8, $0x7F00;
	[tilespmem:s7+$0x8630] =	vst v0;
	s17 =	smov.u32 s8;
	s8 =	sadd.s32 $0x100, s8  }
.Ltmp0:
0x1c: {  	[tilespmem:s7+$0x8620] =	vst v0;
	(pc) =	sbr.rel @p0 .LBB2_2-.Ltmp0, $3  }
0x1d: {  	[tilespmem:s7+$0x8600] =	vst v0  }
0x1e: {  	[tilespmem:s7+$0x8610] =	vst v0;
	_ =	sdelay $0x1  }
0x1f: {  	s7 =	sshra.s32 s17, $0x2  }
0x20: {  	[tilespmem:s7+$0x8630] =	vst v0  }
0x21: {  	[tilespmem:s7+$0x8620] =	vst v0  }
0x22: {  	[tilespmem:s7+$0x8600] =	vst v0  }
0x23: {  	[tilespmem:s7+$0x8610] =	vst v0;
	s17 =	rddreg [dreg:$0x4]  }
0x24: {  	[spmem:s17] =	stream.linear.scatter [tilespmem:s20], [sflag:$0x2], $0x2000, $0x38;
	[tilespmem:$0x14600] =	vst v63  }
0x25: {  	_ =	swait.ge [sflag:s21], $0x2000  }
0x26: {  	[sflag:s21] =	ssyncset.done $0x0  }
0x27: {  	s18 =	rddreg [dreg:$0x5];
	[sflag:s21] =	ssyncadd.s32 $0xFFFFE000  }
0x28: {  	[spmem:s18] =	stream.linear.scatter [tilespmem:s20], [sflag:$0x2], $0x2000, $0x38;
	[tilespmem:$0x14600] =	vst v63  }
0x29: {  	_ =	swait.ge [sflag:s21], $0x2000  }
0x2a: {  	[sflag:s21] =	ssyncset.done $0x0  }
0x2b: {  	s19 =	rddreg [dreg:$0x6];
	[sflag:s21] =	ssyncadd.s32 $0xFFFFE000  }
0x2c: {  	[spmem:s19] =	stream.linear.scatter [tilespmem:s20], [sflag:$0x2], $0x2000, $0x38;
	[tilespmem:$0x14600] =	vst v63  }
0x2d: {  	_ =	swait.ge [sflag:s21], $0x2000  }
0x2e: {  	[sflag:s21] =	ssyncset.done $0x0  }
0x2f: {  	[sflag:s21] =	ssyncadd.s32 $0xFFFFE000  }
0x30: {  	[spmem:s10] =	stream.linear.scatter [tilespmem:s20], [sflag:$0x2], $0x2000, $0x38;
	[tilespmem:$0x14600] =	vst v63  }
0x31: {  	_ =	swait.ge [sflag:s21], $0x2000  }
0x32: {  	[sflag:s21] =	ssyncset.done $0x0  }
0x33: {  	[sflag:s21] =	ssyncadd.s32 $0xFFFFE000  }
0x34: {  	[spmem:s11] =	stream.linear.scatter [tilespmem:s20], [sflag:$0x2], $0x2000, $0x38;
	[tilespmem:$0x14600] =	vst v63  }
0x35: {  	_ =	swait.ge [sflag:s21], $0x2000  }
0x36: {  	[sflag:s21] =	ssyncset.done $0x0  }
0x37: {  	[sflag:s21] =	ssyncadd.s32 $0xFFFFE000  }
0x38: {  	s17 =	simm.s32 $0x0;
	s18 =	simm.s32 $0x0;
	[bflag:$0x0] =	sbarrier.arrive $0xFFFF  }
.LBB2_4:
0x39: {  	s7 =	sshll.u32 s18, $0x9  }
0x3a: {  	s7 =	sadd.s32 s12, s7  }
0x3b: {  	s7 =	sshrl.u32 s7, $0x3  }
0x3c: {  	s8 =	sadd.s32 s4, s7  }
0x3d: {  	[tilespmem:s17], [sflag:$0x2] =	stream.linear.gather [hbm4b:s8+s17], $0x200, $0x38;
	[tilespmem:$0x14600] =	vst v63  }
0x3e: {  	_ =	swait.ge [sflag:s21], $0x200  }
0x3f: {  	[sflag:s21] =	ssyncset.done $0x0  }
0x40: {  	s19 =	sadd.s32 s5, s7;
	[sflag:s21] =	ssyncadd.s32 $0xFFFFFE00  }
0x41: {  	[tilespmem:s22], [sflag:$0x2] =	stream.linear.gather [hbm4b:s19+s17], $0x200, $0x38;
	[tilespmem:$0x14600] =	vst v63  }
0x42: {  	_ =	swait.ge [sflag:s21], $0x200  }
0x43: {  	[sflag:s21] =	ssyncset.done $0x0  }
0x44: {  	s7 =	sadd.s32 s6, s7;
	[sflag:s21] =	ssyncadd.s32 $0xFFFFFE00  }
0x45: {  	[tilespmem:s23], [sflag:$0x2] =	stream.linear.gather [hbm4b:s7+s17], $0x200, $0x38;
	[tilespmem:$0x14600] =	vst v63  }
0x46: {  	_ =	swait.ge [sflag:s21], $0x200  }
0x47: {  	[sflag:s21] =	ssyncset.done $0x0  }
0x48: {  	[sflag:s21] =	ssyncadd.s32 $0xFFFFFE00  }
0x49: {  	[tilespmem:s25], [sflag:$0x1] =	stream.indirect.gather [hbm4b:s13+s24], $0x40, s17, s24, $0xb8;
	[tilespmem:$0x14600] =	vst v63  }
0x4a: {  	_ = 	snop  }
0x4b: {  	[tilespmem:s26], [sflag:$0x1] =	stream.indirect.gather [hbm4b:s13+s24], $0x40, s24, s24, $0xb8;
	[tilespmem:$0x14600] =	vst v63  }
0x4c: {  	_ = 	snop  }
0x4d: {  	[tilespmem:s29], [sflag:$0x1] =	stream.indirect.gather [hbm4b:s13+s24], $0x40, s28, s24, $0xb8;
	[tilespmem:$0x14600] =	vst v63  }
0x4e: {  	_ = 	snop  }
0x4f: {  	[tilespmem:s31], [sflag:$0x1] =	stream.indirect.gather [hbm4b:s13+s24], $0x40, s30, s24, $0xb8;
	[tilespmem:$0x14600] =	vst v63  }
0x50: {  	_ =	swait.ge [sflag:s0], $0x2000  }
0x51: {  	[sflag:s0] =	ssyncset.done $0x0  }
0x52: {  	[sflag:s0] =	ssyncadd.s32 $0xFFFFE000  }
0x53: {  	_ =	swait.ge [sflag:s0], $0x2000  }
0x54: {  	[sflag:s0] =	ssyncset.done $0x0  }
0x55: {  	[sflag:s0] =	ssyncadd.s32 $0xFFFFE000  }
0x56: {  	_ =	swait.ge [sflag:s0], $0x2000  }
0x57: {  	[sflag:s0] =	ssyncset.done $0x0  }
0x58: {  	[sflag:s0] =	ssyncadd.s32 $0xFFFFE000  }
0x59: {  	_ =	swait.ge [sflag:s0], $0x2000  }
0x5a: {  	[sflag:s0] =	ssyncset.done $0x0  }
0x5b: {  	s19 =	simm.s32 $0x800;
	s7 =	simm.s32 $0x0;
	[sflag:s0] =	ssyncadd.s32 $0xFFFFE000  }
.LBB2_5:
0x5c: {  	s8 =	sshra.s32 s7, $0x2  }
0x5d: {  	v1 =	vld [tilespmem:s8+$0x400];
	_ =	sdelay $0x1  }
0x5e: {  	v2 =	vld [tilespmem:s19+$0xFFFFFE00];
	_ =	sdelay $0x2  }
0x5f: {  	v3 =	vbroadcast v1, $0x0;
	_ =	sdelay $0x1  }
0x60: {  	v2 =	vmul.f32 v3, v2;
	_ =	sdelay $0x1  }
0x61: {  	[tilespmem:s19+$0xFFFFFE00] =	vst v2;
	v2 =	vld [tilespmem:s19+$0xFFFFFE10];
	_ =	sdelay $0x4  }
0x62: {  	v2 =	vmul.f32 v2, v3;
	_ =	sdelay $0x1  }
0x63: {  	[tilespmem:s19+$0xFFFFFE10] =	vst v2;
	v2 =	vld [tilespmem:s19+$0xFFFFFE20];
	_ =	sdelay $0x4  }
0x64: {  	v2 =	vmul.f32 v2, v3;
	_ =	sdelay $0x1  }
0x65: {  	[tilespmem:s19+$0xFFFFFE20] =	vst v2;
	v2 =	vld [tilespmem:s19+$0xFFFFFE30];
	_ =	sdelay $0x4  }
0x66: {  	v2 =	vmul.f32 v2, v3;
	_ =	sdelay $0x1  }
0x67: {  	[tilespmem:s19+$0xFFFFFE30] =	vst v2;
	v2 =	vld [tilespmem:s19+$0xFFFFFE40];
	_ =	sdelay $0x2  }
0x68: {  	v3 =	vbroadcast v1, $0x1;
	_ =	sdelay $0x1  }
0x69: {  	v2 =	vmul.f32 v2, v3;
	_ =	sdelay $0x1  }
0x6a: {  	[tilespmem:s19+$0xFFFFFE40] =	vst v2;
	v2 =	vld [tilespmem:s19+$0xFFFFFE50];
	_ =	sdelay $0x4  }
0x6b: {  	v2 =	vmul.f32 v2, v3;
	_ =	sdelay $0x1  }
0x6c: {  	[tilespmem:s19+$0xFFFFFE50] =	vst v2;
	v2 =	vld [tilespmem:s19+$0xFFFFFE60];
	_ =	sdelay $0x4  }
0x6d: {  	v2 =	vmul.f32 v2, v3;
	_ =	sdelay $0x1  }
0x6e: {  	[tilespmem:s19+$0xFFFFFE60] =	vst v2;
	v2 =	vld [tilespmem:s19+$0xFFFFFE70];
	_ =	sdelay $0x4  }
0x6f: {  	v2 =	vmul.f32 v2, v3;
	_ =	sdelay $0x1  }
0x70: {  	[tilespmem:s19+$0xFFFFFE70] =	vst v2;
	v2 =	vld [tilespmem:s19+$0xFFFFFE80];
	_ =	sdelay $0x2  }
0x71: {  	v3 =	vbroadcast v1, $0x2;
	_ =	sdelay $0x1  }
0x72: {  	v2 =	vmul.f32 v2, v3;
	_ =	sdelay $0x1  }
0x73: {  	[tilespmem:s19+$0xFFFFFE80] =	vst v2;
	v2 =	vld [tilespmem:s19+$0xFFFFFE90];
	_ =	sdelay $0x4  }
0x74: {  	v2 =	vmul.f32 v2, v3;
	_ =	sdelay $0x1  }
0x75: {  	[tilespmem:s19+$0xFFFFFE90] =	vst v2;
	v2 =	vld [tilespmem:s19+$0xFFFFFEA0];
	_ =	sdelay $0x4  }
0x76: {  	v2 =	vmul.f32 v2, v3;
	_ =	sdelay $0x1  }
0x77: {  	[tilespmem:s19+$0xFFFFFEA0] =	vst v2;
	v2 =	vld [tilespmem:s19+$0xFFFFFEB0];
	_ =	sdelay $0x4  }
0x78: {  	v2 =	vmul.f32 v2, v3;
	_ =	sdelay $0x1  }
0x79: {  	[tilespmem:s19+$0xFFFFFEB0] =	vst v2;
	v2 =	vld [tilespmem:s19+$0xFFFFFEC0];
	_ =	sdelay $0x2  }
0x7a: {  	v3 =	vbroadcast v1, $0x3;
	_ =	sdelay $0x1  }
0x7b: {  	v2 =	vmul.f32 v2, v3;
	_ =	sdelay $0x1  }
0x7c: {  	[tilespmem:s19+$0xFFFFFEC0] =	vst v2;
	v2 =	vld [tilespmem:s19+$0xFFFFFED0];
	_ =	sdelay $0x4  }
0x7d: {  	v2 =	vmul.f32 v2, v3;
	_ =	sdelay $0x1  }
0x7e: {  	[tilespmem:s19+$0xFFFFFED0] =	vst v2;
	v2 =	vld [tilespmem:s19+$0xFFFFFEE0];
	_ =	sdelay $0x4  }
0x7f: {  	v2 =	vmul.f32 v2, v3;
	_ =	sdelay $0x1  }
0x80: {  	[tilespmem:s19+$0xFFFFFEE0] =	vst v2;
	v2 =	vld [tilespmem:s19+$0xFFFFFEF0];
	_ =	sdelay $0x4  }
0x81: {  	v2 =	vmul.f32 v2, v3;
	_ =	sdelay $0x1  }
0x82: {  	[tilespmem:s19+$0xFFFFFEF0] =	vst v2;
	v2 =	vld [tilespmem:s19+$0xFFFFFF00];
	_ =	sdelay $0x2  }
0x83: {  	v3 =	vbroadcast v1, $0x4;
	_ =	sdelay $0x1  }
0x84: {  	v2 =	vmul.f32 v2, v3;
	_ =	sdelay $0x1  }
0x85: {  	[tilespmem:s19+$0xFFFFFF00] =	vst v2;
	v2 =	vld [tilespmem:s19+$0xFFFFFF10];
	_ =	sdelay $0x4  }
0x86: {  	v2 =	vmul.f32 v2, v3;
	_ =	sdelay $0x1  }
0x87: {  	[tilespmem:s19+$0xFFFFFF10] =	vst v2;
	v2 =	vld [tilespmem:s19+$0xFFFFFF20];
	_ =	sdelay $0x4  }
0x88: {  	v2 =	vmul.f32 v2, v3;
	_ =	sdelay $0x1  }
0x89: {  	[tilespmem:s19+$0xFFFFFF20] =	vst v2;
	v2 =	vld [tilespmem:s19+$0xFFFFFF30];
	_ =	sdelay $0x4  }
0x8a: {  	v2 =	vmul.f32 v2, v3;
	_ =	sdelay $0x1  }
0x8b: {  	[tilespmem:s19+$0xFFFFFF30] =	vst v2;
	v2 =	vld [tilespmem:s19+$0xFFFFFF40];
	_ =	sdelay $0x2  }
0x8c: {  	v3 =	vbroadcast v1, $0x5;
	_ =	sdelay $0x1  }
0x8d: {  	v2 =	vmul.f32 v2, v3;
	_ =	sdelay $0x1  }
0x8e: {  	[tilespmem:s19+$0xFFFFFF40] =	vst v2;
	v2 =	vld [tilespmem:s19+$0xFFFFFF50];
	_ =	sdelay $0x4  }
0x8f: {  	v2 =	vmul.f32 v2, v3;
	_ =	sdelay $0x1  }
0x90: {  	[tilespmem:s19+$0xFFFFFF50] =	vst v2;
	v2 =	vld [tilespmem:s19+$0xFFFFFF60];
	_ =	sdelay $0x4  }
0x91: {  	v2 =	vmul.f32 v2, v3;
	_ =	sdelay $0x1  }
0x92: {  	[tilespmem:s19+$0xFFFFFF60] =	vst v2;
	v2 =	vld [tilespmem:s19+$0xFFFFFF70];
	_ =	sdelay $0x4  }
0x93: {  	v2 =	vmul.f32 v2, v3;
	_ =	sdelay $0x1  }
0x94: {  	[tilespmem:s19+$0xFFFFFF70] =	vst v2;
	v2 =	vld [tilespmem:s19+$0xFFFFFF80];
	_ =	sdelay $0x2  }
0x95: {  	v3 =	vbroadcast v1, $0x6;
	_ =	sdelay $0x1  }
0x96: {  	v2 =	vmul.f32 v2, v3;
	_ =	sdelay $0x1  }
0x97: {  	[tilespmem:s19+$0xFFFFFF80] =	vst v2;
	v2 =	vld [tilespmem:s19+$0xFFFFFF90];
	_ =	sdelay $0x4  }
0x98: {  	v2 =	vmul.f32 v2, v3;
	_ =	sdelay $0x1  }
0x99: {  	[tilespmem:s19+$0xFFFFFF90] =	vst v2;
	v2 =	vld [tilespmem:s19+$0xFFFFFFA0];
	_ =	sdelay $0x4  }
0x9a: {  	v2 =	vmul.f32 v2, v3;
	_ =	sdelay $0x1  }
0x9b: {  	[tilespmem:s19+$0xFFFFFFA0] =	vst v2;
	v2 =	vld [tilespmem:s19+$0xFFFFFFB0];
	_ =	sdelay $0x4  }
0x9c: {  	v2 =	vmul.f32 v2, v3;
	_ =	sdelay $0x1  }
0x9d: {  	[tilespmem:s19+$0xFFFFFFB0] =	vst v2;
	v2 =	vld [tilespmem:s19+$0xFFFFFFC0];
	_ =	sdelay $0x2  }
0x9e: {  	v3 =	vbroadcast v1, $0x7;
	_ =	sdelay $0x1  }
0x9f: {  	v2 =	vmul.f32 v2, v3;
	_ =	sdelay $0x1  }
0xa0: {  	[tilespmem:s19+$0xFFFFFFC0] =	vst v2;
	v2 =	vld [tilespmem:s19+$0xFFFFFFD0];
	_ =	sdelay $0x4  }
0xa1: {  	v2 =	vmul.f32 v2, v3;
	_ =	sdelay $0x1  }
0xa2: {  	[tilespmem:s19+$0xFFFFFFD0] =	vst v2;
	v2 =	vld [tilespmem:s19+$0xFFFFFFE0];
	_ =	sdelay $0x4  }
0xa3: {  	v2 =	vmul.f32 v2, v3;
	_ =	sdelay $0x1  }
0xa4: {  	[tilespmem:s19+$0xFFFFFFE0] =	vst v2;
	v2 =	vld [tilespmem:s19+$0xFFFFFFF0];
	_ =	sdelay $0x4  }
0xa5: {  	v2 =	vmul.f32 v2, v3;
	_ =	sdelay $0x1  }
0xa6: {  	[tilespmem:s19+$0xFFFFFFF0] =	vst v2;
	v2 =	vld [tilespmem:s19+$0x0];
	_ =	sdelay $0x2  }
0xa7: {  	v3 =	vbroadcast v1, $0x8;
	_ =	sdelay $0x1  }
0xa8: {  	v2 =	vmul.f32 v2, v3;
	_ =	sdelay $0x1  }
0xa9: {  	[tilespmem:s19+$0x0] =	vst v2;
	v2 =	vld [tilespmem:s19+$0x10];
	_ =	sdelay $0x4  }
0xaa: {  	v2 =	vmul.f32 v2, v3;
	_ =	sdelay $0x1  }
0xab: {  	[tilespmem:s19+$0x10] =	vst v2;
	v2 =	vld [tilespmem:s19+$0x20];
	_ =	sdelay $0x4  }
0xac: {  	v2 =	vmul.f32 v2, v3;
	_ =	sdelay $0x1  }
0xad: {  	[tilespmem:s19+$0x20] =	vst v2;
	v2 =	vld [tilespmem:s19+$0x30];
	_ =	sdelay $0x4  }
0xae: {  	v2 =	vmul.f32 v2, v3;
	_ =	sdelay $0x1  }
0xaf: {  	[tilespmem:s19+$0x30] =	vst v2;
	v2 =	vld [tilespmem:s19+$0x40];
	_ =	sdelay $0x2  }
0xb0: {  	v3 =	vbroadcast v1, $0x9;
	_ =	sdelay $0x1  }
0xb1: {  	v2 =	vmul.f32 v2, v3;
	_ =	sdelay $0x1  }
0xb2: {  	[tilespmem:s19+$0x40] =	vst v2;
	v2 =	vld [tilespmem:s19+$0x50];
	_ =	sdelay $0x4  }
0xb3: {  	v2 =	vmul.f32 v2, v3;
	_ =	sdelay $0x1  }
0xb4: {  	[tilespmem:s19+$0x50] =	vst v2;
	v2 =	vld [tilespmem:s19+$0x60];
	_ =	sdelay $0x4  }
0xb5: {  	v2 =	vmul.f32 v2, v3;
	_ =	sdelay $0x1  }
0xb6: {  	[tilespmem:s19+$0x60] =	vst v2;
	v2 =	vld [tilespmem:s19+$0x70];
	_ =	sdelay $0x4  }
0xb7: {  	v2 =	vmul.f32 v2, v3;
	_ =	sdelay $0x1  }
0xb8: {  	[tilespmem:s19+$0x70] =	vst v2;
	v2 =	vld [tilespmem:s19+$0x80];
	_ =	sdelay $0x2  }
0xb9: {  	v3 =	vbroadcast v1, $0xA;
	_ =	sdelay $0x1  }
0xba: {  	v2 =	vmul.f32 v2, v3;
	_ =	sdelay $0x1  }
0xbb: {  	[tilespmem:s19+$0x80] =	vst v2;
	v2 =	vld [tilespmem:s19+$0x90];
	_ =	sdelay $0x4  }
0xbc: {  	v2 =	vmul.f32 v2, v3;
	_ =	sdelay $0x1  }
0xbd: {  	[tilespmem:s19+$0x90] =	vst v2;
	v2 =	vld [tilespmem:s19+$0xA0];
	_ =	sdelay $0x4  }
0xbe: {  	v2 =	vmul.f32 v2, v3;
	_ =	sdelay $0x1  }
0xbf: {  	[tilespmem:s19+$0xA0] =	vst v2;
	v2 =	vld [tilespmem:s19+$0xB0];
	_ =	sdelay $0x4  }
0xc0: {  	v2 =	vmul.f32 v2, v3;
	_ =	sdelay $0x1  }
0xc1: {  	[tilespmem:s19+$0xB0] =	vst v2;
	v2 =	vld [tilespmem:s19+$0xC0];
	_ =	sdelay $0x2  }
0xc2: {  	v3 =	vbroadcast v1, $0xB;
	_ =	sdelay $0x1  }
0xc3: {  	v2 =	vmul.f32 v2, v3;
	_ =	sdelay $0x1  }
0xc4: {  	[tilespmem:s19+$0xC0] =	vst v2;
	v2 =	vld [tilespmem:s19+$0xD0];
	_ =	sdelay $0x4  }
0xc5: {  	v2 =	vmul.f32 v2, v3;
	_ =	sdelay $0x1  }
0xc6: {  	[tilespmem:s19+$0xD0] =	vst v2;
	v2 =	vld [tilespmem:s19+$0xE0];
	_ =	sdelay $0x4  }
0xc7: {  	v2 =	vmul.f32 v2, v3;
	_ =	sdelay $0x1  }
0xc8: {  	[tilespmem:s19+$0xE0] =	vst v2;
	v2 =	vld [tilespmem:s19+$0xF0];
	_ =	sdelay $0x4  }
0xc9: {  	v2 =	vmul.f32 v2, v3;
	_ =	sdelay $0x1  }
0xca: {  	[tilespmem:s19+$0xF0] =	vst v2;
	v2 =	vld [tilespmem:s19+$0x100];
	_ =	sdelay $0x2  }
0xcb: {  	v3 =	vbroadcast v1, $0xC;
	_ =	sdelay $0x1  }
0xcc: {  	v2 =	vmul.f32 v2, v3;
	_ =	sdelay $0x1  }
0xcd: {  	[tilespmem:s19+$0x100] =	vst v2;
	v2 =	vld [tilespmem:s19+$0x110];
	_ =	sdelay $0x4  }
0xce: {  	v2 =	vmul.f32 v2, v3;
	_ =	sdelay $0x1  }
0xcf: {  	[tilespmem:s19+$0x110] =	vst v2;
	v2 =	vld [tilespmem:s19+$0x120];
	_ =	sdelay $0x4  }
0xd0: {  	v2 =	vmul.f32 v2, v3;
	_ =	sdelay $0x1  }
0xd1: {  	[tilespmem:s19+$0x120] =	vst v2;
	v2 =	vld [tilespmem:s19+$0x130];
	_ =	sdelay $0x4  }
0xd2: {  	v2 =	vmul.f32 v2, v3;
	_ =	sdelay $0x1  }
0xd3: {  	[tilespmem:s19+$0x130] =	vst v2;
	v2 =	vld [tilespmem:s19+$0x140];
	_ =	sdelay $0x2  }
0xd4: {  	v3 =	vbroadcast v1, $0xD;
	_ =	sdelay $0x1  }
0xd5: {  	v2 =	vmul.f32 v2, v3;
	_ =	sdelay $0x1  }
0xd6: {  	[tilespmem:s19+$0x140] =	vst v2;
	v2 =	vld [tilespmem:s19+$0x150];
	_ =	sdelay $0x4  }
0xd7: {  	v2 =	vmul.f32 v2, v3;
	_ =	sdelay $0x1  }
0xd8: {  	[tilespmem:s19+$0x150] =	vst v2;
	v2 =	vld [tilespmem:s19+$0x160];
	_ =	sdelay $0x4  }
0xd9: {  	v2 =	vmul.f32 v2, v3;
	_ =	sdelay $0x1  }
0xda: {  	[tilespmem:s19+$0x160] =	vst v2;
	v2 =	vld [tilespmem:s19+$0x170];
	_ =	sdelay $0x4  }
0xdb: {  	v2 =	vmul.f32 v2, v3;
	_ =	sdelay $0x1  }
0xdc: {  	[tilespmem:s19+$0x170] =	vst v2;
	v2 =	vld [tilespmem:s19+$0x180];
	_ =	sdelay $0x2  }
0xdd: {  	v3 =	vbroadcast v1, $0xE;
	_ =	sdelay $0x1  }
0xde: {  	v2 =	vmul.f32 v2, v3;
	_ =	sdelay $0x1  }
0xdf: {  	[tilespmem:s19+$0x180] =	vst v2;
	v2 =	vld [tilespmem:s19+$0x190];
	_ =	sdelay $0x4  }
0xe0: {  	v2 =	vmul.f32 v2, v3;
	_ =	sdelay $0x1  }
0xe1: {  	[tilespmem:s19+$0x190] =	vst v2;
	v2 =	vld [tilespmem:s19+$0x1A0];
	_ =	sdelay $0x4  }
0xe2: {  	v2 =	vmul.f32 v2, v3;
	_ =	sdelay $0x1  }
0xe3: {  	[tilespmem:s19+$0x1A0] =	vst v2;
	v2 =	vld [tilespmem:s19+$0x1B0];
	_ =	sdelay $0x4  }
0xe4: {  	v2 =	vmul.f32 v2, v3;
	_ =	sdelay $0x1  }
0xe5: {  	[tilespmem:s19+$0x1B0] =	vst v2;
	v2 =	vld [tilespmem:s19+$0x1C0];
	_ =	sdelay $0x2  }
0xe6: {  	v1 =	vbroadcast v1, $0xF;
	_ =	sdelay $0x1  }
0xe7: {  	v2 =	vmul.f32 v2, v1;
	_ =	sdelay $0x1  }
0xe8: {  	[tilespmem:s19+$0x1C0] =	vst v2;
	v2 =	vld [tilespmem:s19+$0x1D0];
	_ =	sdelay $0x4  }
0xe9: {  	v2 =	vmul.f32 v2, v1;
	_ =	sdelay $0x1  }
0xea: {  	[tilespmem:s19+$0x1D0] =	vst v2;
	v2 =	vld [tilespmem:s19+$0x1E0];
	_ =	sdelay $0x4  }
0xeb: {  	v2 =	vmul.f32 v2, v1;
	_ =	sdelay $0x1  }
0xec: {  	[tilespmem:s19+$0x1E0] =	vst v2;
	v2 =	vld [tilespmem:s19+$0x1F0];
	_ =	sdelay $0x1  }
0xed: {  	p0 =	sne.s32 s7, $0x1C0  }
.Ltmp1:
0xee: {  	_ = 	snop;
	(pc) =	sbr.rel @p0 .LBB2_5-.Ltmp1, $3  }
0xef: {  	_ = 	snop  }
0xf0: {  	v1 =	vmul.f32 v2, v1;
	_ =	sdelay $0x1  }
0xf1: {  	s7 =	sadd.s32 $0x40, s7;
	[tilespmem:s19+$0x1F0] =	vst v1;
	s19 =	sadd.s32 $0x400, s19  }
0xf2: {  	s19 =	simm.s32 $0x0;
	s7 =	simm.s32 $0x29F0;
	s8 =	simm.s32 $0x0  }
.LBB2_7:
0xf3: {  	s9 =	sshra.s32 s8, $0x2  }
0xf4: {  	v1 =	vld [tilespmem:s9+$0x480];
	_ =	sdelay $0x1  }
0xf5: {  	v2 =	vld [tilespmem:s7+$0xFFFFFC10];
	_ =	sdelay $0x2  }
0xf6: {  	v3 =	vbroadcast v1, $0x0;
	_ =	sdelay $0x1  }
0xf7: {  	v2 =	vmul.f32 v3, v2;
	_ =	sdelay $0x1  }
0xf8: {  	[tilespmem:s7+$0xFFFFFC10] =	vst v2;
	v2 =	vld [tilespmem:s7+$0xFFFFFC20];
	_ =	sdelay $0x4  }
0xf9: {  	v2 =	vmul.f32 v2, v3;
	_ =	sdelay $0x1  }
0xfa: {  	[tilespmem:s7+$0xFFFFFC20] =	vst v2;
	v2 =	vld [tilespmem:s7+$0xFFFFFC30];
	_ =	sdelay $0x4  }
0xfb: {  	v2 =	vmul.f32 v2, v3;
	_ =	sdelay $0x1  }
0xfc: {  	[tilespmem:s7+$0xFFFFFC30] =	vst v2;
	v2 =	vld [tilespmem:s7+$0xFFFFFC40];
	_ =	sdelay $0x4  }
0xfd: {  	v2 =	vmul.f32 v2, v3;
	_ =	sdelay $0x1  }
0xfe: {  	[tilespmem:s7+$0xFFFFFC40] =	vst v2;
	v2 =	vld [tilespmem:s7+$0xFFFFFC50];
	_ =	sdelay $0x2  }
0xff: {  	v3 =	vbroadcast v1, $0x1;
	_ =	sdelay $0x1  }
0x100: {  	v2 =	vmul.f32 v2, v3;
	_ =	sdelay $0x1  }
0x101: {  	[tilespmem:s7+$0xFFFFFC50] =	vst v2;
	v2 =	vld [tilespmem:s7+$0xFFFFFC60];
	_ =	sdelay $0x4  }
0x102: {  	v2 =	vmul.f32 v2, v3;
	_ =	sdelay $0x1  }
0x103: {  	[tilespmem:s7+$0xFFFFFC60] =	vst v2;
	v2 =	vld [tilespmem:s7+$0xFFFFFC70];
	_ =	sdelay $0x4  }
0x104: {  	v2 =	vmul.f32 v2, v3;
	_ =	sdelay $0x1  }
0x105: {  	[tilespmem:s7+$0xFFFFFC70] =	vst v2;
	v2 =	vld [tilespmem:s7+$0xFFFFFC80];
	_ =	sdelay $0x4  }
0x106: {  	v2 =	vmul.f32 v2, v3;
	_ =	sdelay $0x1  }
0x107: {  	[tilespmem:s7+$0xFFFFFC80] =	vst v2;
	v2 =	vld [tilespmem:s7+$0xFFFFFC90];
	_ =	sdelay $0x2  }
0x108: {  	v3 =	vbroadcast v1, $0x2;
	_ =	sdelay $0x1  }
0x109: {  	v2 =	vmul.f32 v2, v3;
	_ =	sdelay $0x1  }
0x10a: {  	[tilespmem:s7+$0xFFFFFC90] =	vst v2;
	v2 =	vld [tilespmem:s7+$0xFFFFFCA0];
	_ =	sdelay $0x4  }
0x10b: {  	v2 =	vmul.f32 v2, v3;
	_ =	sdelay $0x1  }
0x10c: {  	[tilespmem:s7+$0xFFFFFCA0] =	vst v2;
	v2 =	vld [tilespmem:s7+$0xFFFFFCB0];
	_ =	sdelay $0x4  }
0x10d: {  	v2 =	vmul.f32 v2, v3;
	_ =	sdelay $0x1  }
0x10e: {  	[tilespmem:s7+$0xFFFFFCB0] =	vst v2;
	v2 =	vld [tilespmem:s7+$0xFFFFFCC0];
	_ =	sdelay $0x4  }
0x10f: {  	v2 =	vmul.f32 v2, v3;
	_ =	sdelay $0x1  }
0x110: {  	[tilespmem:s7+$0xFFFFFCC0] =	vst v2;
	v2 =	vld [tilespmem:s7+$0xFFFFFCD0];
	_ =	sdelay $0x2  }
0x111: {  	v3 =	vbroadcast v1, $0x3;
	_ =	sdelay $0x1  }
0x112: {  	v2 =	vmul.f32 v2, v3;
	_ =	sdelay $0x1  }
0x113: {  	[tilespmem:s7+$0xFFFFFCD0] =	vst v2;
	v2 =	vld [tilespmem:s7+$0xFFFFFCE0];
	_ =	sdelay $0x4  }
0x114: {  	v2 =	vmul.f32 v2, v3;
	_ =	sdelay $0x1  }
0x115: {  	[tilespmem:s7+$0xFFFFFCE0] =	vst v2;
	v2 =	vld [tilespmem:s7+$0xFFFFFCF0];
	_ =	sdelay $0x4  }
0x116: {  	v2 =	vmul.f32 v2, v3;
	_ =	sdelay $0x1  }
0x117: {  	[tilespmem:s7+$0xFFFFFCF0] =	vst v2;
	v2 =	vld [tilespmem:s7+$0xFFFFFD00];
	_ =	sdelay $0x4  }
0x118: {  	v2 =	vmul.f32 v2, v3;
	_ =	sdelay $0x1  }
0x119: {  	[tilespmem:s7+$0xFFFFFD00] =	vst v2;
	v2 =	vld [tilespmem:s7+$0xFFFFFD10];
	_ =	sdelay $0x2  }
0x11a: {  	v3 =	vbroadcast v1, $0x4;
	_ =	sdelay $0x1  }
0x11b: {  	v2 =	vmul.f32 v2, v3;
	_ =	sdelay $0x1  }
0x11c: {  	[tilespmem:s7+$0xFFFFFD10] =	vst v2;
	v2 =	vld [tilespmem:s7+$0xFFFFFD20];
	_ =	sdelay $0x4  }
0x11d: {  	v2 =	vmul.f32 v2, v3;
	_ =	sdelay $0x1  }
0x11e: {  	[tilespmem:s7+$0xFFFFFD20] =	vst v2;
	v2 =	vld [tilespmem:s7+$0xFFFFFD30];
	_ =	sdelay $0x4  }
0x11f: {  	v2 =	vmul.f32 v2, v3;
	_ =	sdelay $0x1  }
0x120: {  	[tilespmem:s7+$0xFFFFFD30] =	vst v2;
	v2 =	vld [tilespmem:s7+$0xFFFFFD40];
	_ =	sdelay $0x4  }
0x121: {  	v2 =	vmul.f32 v2, v3;
	_ =	sdelay $0x1  }
0x122: {  	[tilespmem:s7+$0xFFFFFD40] =	vst v2;
	v2 =	vld [tilespmem:s7+$0xFFFFFD50];
	_ =	sdelay $0x2  }
0x123: {  	v3 =	vbroadcast v1, $0x5;
	_ =	sdelay $0x1  }
0x124: {  	v2 =	vmul.f32 v2, v3;
	_ =	sdelay $0x1  }
0x125: {  	[tilespmem:s7+$0xFFFFFD50] =	vst v2;
	v2 =	vld [tilespmem:s7+$0xFFFFFD60];
	_ =	sdelay $0x4  }
0x126: {  	v2 =	vmul.f32 v2, v3;
	_ =	sdelay $0x1  }
0x127: {  	[tilespmem:s7+$0xFFFFFD60] =	vst v2;
	v2 =	vld [tilespmem:s7+$0xFFFFFD70];
	_ =	sdelay $0x4  }
0x128: {  	v2 =	vmul.f32 v2, v3;
	_ =	sdelay $0x1  }
0x129: {  	[tilespmem:s7+$0xFFFFFD70] =	vst v2;
	v2 =	vld [tilespmem:s7+$0xFFFFFD80];
	_ =	sdelay $0x4  }
0x12a: {  	v2 =	vmul.f32 v2, v3;
	_ =	sdelay $0x1  }
0x12b: {  	[tilespmem:s7+$0xFFFFFD80] =	vst v2;
	v2 =	vld [tilespmem:s7+$0xFFFFFD90];
	_ =	sdelay $0x2  }
0x12c: {  	v3 =	vbroadcast v1, $0x6;
	_ =	sdelay $0x1  }
0x12d: {  	v2 =	vmul.f32 v2, v3;
	_ =	sdelay $0x1  }
0x12e: {  	[tilespmem:s7+$0xFFFFFD90] =	vst v2;
	v2 =	vld [tilespmem:s7+$0xFFFFFDA0];
	_ =	sdelay $0x4  }
0x12f: {  	v2 =	vmul.f32 v2, v3;
	_ =	sdelay $0x1  }
0x130: {  	[tilespmem:s7+$0xFFFFFDA0] =	vst v2;
	v2 =	vld [tilespmem:s7+$0xFFFFFDB0];
	_ =	sdelay $0x4  }
0x131: {  	v2 =	vmul.f32 v2, v3;
	_ =	sdelay $0x1  }
0x132: {  	[tilespmem:s7+$0xFFFFFDB0] =	vst v2;
	v2 =	vld [tilespmem:s7+$0xFFFFFDC0];
	_ =	sdelay $0x4  }
0x133: {  	v2 =	vmul.f32 v2, v3;
	_ =	sdelay $0x1  }
0x134: {  	[tilespmem:s7+$0xFFFFFDC0] =	vst v2;
	v2 =	vld [tilespmem:s7+$0xFFFFFDD0];
	_ =	sdelay $0x2  }
0x135: {  	v3 =	vbroadcast v1, $0x7;
	_ =	sdelay $0x1  }
0x136: {  	v2 =	vmul.f32 v2, v3;
	_ =	sdelay $0x1  }
0x137: {  	[tilespmem:s7+$0xFFFFFDD0] =	vst v2;
	v2 =	vld [tilespmem:s7+$0xFFFFFDE0];
	_ =	sdelay $0x4  }
0x138: {  	v2 =	vmul.f32 v2, v3;
	_ =	sdelay $0x1  }
0x139: {  	[tilespmem:s7+$0xFFFFFDE0] =	vst v2;
	v2 =	vld [tilespmem:s7+$0xFFFFFDF0];
	_ =	sdelay $0x4  }
0x13a: {  	v2 =	vmul.f32 v2, v3;
	_ =	sdelay $0x1  }
0x13b: {  	[tilespmem:s7+$0xFFFFFDF0] =	vst v2;
	v2 =	vld [tilespmem:s7+$0xFFFFFE00];
	_ =	sdelay $0x4  }
0x13c: {  	v2 =	vmul.f32 v2, v3;
	_ =	sdelay $0x1  }
0x13d: {  	[tilespmem:s7+$0xFFFFFE00] =	vst v2;
	v2 =	vld [tilespmem:s7+$0xFFFFFE10];
	_ =	sdelay $0x2  }
0x13e: {  	v3 =	vbroadcast v1, $0x8;
	_ =	sdelay $0x1  }
0x13f: {  	v2 =	vmul.f32 v2, v3;
	_ =	sdelay $0x1  }
0x140: {  	[tilespmem:s7+$0xFFFFFE10] =	vst v2;
	v2 =	vld [tilespmem:s7+$0xFFFFFE20];
	_ =	sdelay $0x4  }
0x141: {  	v2 =	vmul.f32 v2, v3;
	_ =	sdelay $0x1  }
0x142: {  	[tilespmem:s7+$0xFFFFFE20] =	vst v2;
	v2 =	vld [tilespmem:s7+$0xFFFFFE30];
	_ =	sdelay $0x4  }
0x143: {  	v2 =	vmul.f32 v2, v3;
	_ =	sdelay $0x1  }
0x144: {  	[tilespmem:s7+$0xFFFFFE30] =	vst v2;
	v2 =	vld [tilespmem:s7+$0xFFFFFE40];
	_ =	sdelay $0x4  }
0x145: {  	v2 =	vmul.f32 v2, v3;
	_ =	sdelay $0x1  }
0x146: {  	[tilespmem:s7+$0xFFFFFE40] =	vst v2;
	v2 =	vld [tilespmem:s7+$0xFFFFFE50];
	_ =	sdelay $0x2  }
0x147: {  	v3 =	vbroadcast v1, $0x9;
	_ =	sdelay $0x1  }
0x148: {  	v2 =	vmul.f32 v2, v3;
	_ =	sdelay $0x1  }
0x149: {  	[tilespmem:s7+$0xFFFFFE50] =	vst v2;
	v2 =	vld [tilespmem:s7+$0xFFFFFE60];
	_ =	sdelay $0x4  }
0x14a: {  	v2 =	vmul.f32 v2, v3;
	_ =	sdelay $0x1  }
0x14b: {  	[tilespmem:s7+$0xFFFFFE60] =	vst v2;
	v2 =	vld [tilespmem:s7+$0xFFFFFE70];
	_ =	sdelay $0x4  }
0x14c: {  	v2 =	vmul.f32 v2, v3;
	_ =	sdelay $0x1  }
0x14d: {  	[tilespmem:s7+$0xFFFFFE70] =	vst v2;
	v2 =	vld [tilespmem:s7+$0xFFFFFE80];
	_ =	sdelay $0x4  }
0x14e: {  	v2 =	vmul.f32 v2, v3;
	_ =	sdelay $0x1  }
0x14f: {  	[tilespmem:s7+$0xFFFFFE80] =	vst v2;
	v2 =	vld [tilespmem:s7+$0xFFFFFE90];
	_ =	sdelay $0x2  }
0x150: {  	v3 =	vbroadcast v1, $0xA;
	_ =	sdelay $0x1  }
0x151: {  	v2 =	vmul.f32 v2, v3;
	_ =	sdelay $0x1  }
0x152: {  	[tilespmem:s7+$0xFFFFFE90] =	vst v2;
	v2 =	vld [tilespmem:s7+$0xFFFFFEA0];
	_ =	sdelay $0x4  }
0x153: {  	v2 =	vmul.f32 v2, v3;
	_ =	sdelay $0x1  }
0x154: {  	[tilespmem:s7+$0xFFFFFEA0] =	vst v2;
	v2 =	vld [tilespmem:s7+$0xFFFFFEB0];
	_ =	sdelay $0x4  }
0x155: {  	v2 =	vmul.f32 v2, v3;
	_ =	sdelay $0x1  }
0x156: {  	[tilespmem:s7+$0xFFFFFEB0] =	vst v2;
	v2 =	vld [tilespmem:s7+$0xFFFFFEC0];
	_ =	sdelay $0x4  }
0x157: {  	v2 =	vmul.f32 v2, v3;
	_ =	sdelay $0x1  }
0x158: {  	[tilespmem:s7+$0xFFFFFEC0] =	vst v2;
	v2 =	vld [tilespmem:s7+$0xFFFFFED0];
	_ =	sdelay $0x2  }
0x159: {  	v3 =	vbroadcast v1, $0xB;
	_ =	sdelay $0x1  }
0x15a: {  	v2 =	vmul.f32 v2, v3;
	_ =	sdelay $0x1  }
0x15b: {  	[tilespmem:s7+$0xFFFFFED0] =	vst v2;
	v2 =	vld [tilespmem:s7+$0xFFFFFEE0];
	_ =	sdelay $0x4  }
0x15c: {  	v2 =	vmul.f32 v2, v3;
	_ =	sdelay $0x1  }
0x15d: {  	[tilespmem:s7+$0xFFFFFEE0] =	vst v2;
	v2 =	vld [tilespmem:s7+$0xFFFFFEF0];
	_ =	sdelay $0x4  }
0x15e: {  	v2 =	vmul.f32 v2, v3;
	_ =	sdelay $0x1  }
0x15f: {  	[tilespmem:s7+$0xFFFFFEF0] =	vst v2;
	v2 =	vld [tilespmem:s7+$0xFFFFFF00];
	_ =	sdelay $0x4  }
0x160: {  	v2 =	vmul.f32 v2, v3;
	_ =	sdelay $0x1  }
0x161: {  	[tilespmem:s7+$0xFFFFFF00] =	vst v2;
	v2 =	vld [tilespmem:s7+$0xFFFFFF10];
	_ =	sdelay $0x2  }
0x162: {  	v3 =	vbroadcast v1, $0xC;
	_ =	sdelay $0x1  }
0x163: {  	v2 =	vmul.f32 v2, v3;
	_ =	sdelay $0x1  }
0x164: {  	[tilespmem:s7+$0xFFFFFF10] =	vst v2;
	v2 =	vld [tilespmem:s7+$0xFFFFFF20];
	_ =	sdelay $0x4  }
0x165: {  	v2 =	vmul.f32 v2, v3;
	_ =	sdelay $0x1  }
0x166: {  	[tilespmem:s7+$0xFFFFFF20] =	vst v2;
	v2 =	vld [tilespmem:s7+$0xFFFFFF30];
	_ =	sdelay $0x4  }
0x167: {  	v2 =	vmul.f32 v2, v3;
	_ =	sdelay $0x1  }
0x168: {  	[tilespmem:s7+$0xFFFFFF30] =	vst v2;
	v2 =	vld [tilespmem:s7+$0xFFFFFF40];
	_ =	sdelay $0x4  }
0x169: {  	v2 =	vmul.f32 v2, v3;
	_ =	sdelay $0x1  }
0x16a: {  	[tilespmem:s7+$0xFFFFFF40] =	vst v2;
	v2 =	vld [tilespmem:s7+$0xFFFFFF50];
	_ =	sdelay $0x2  }
0x16b: {  	v3 =	vbroadcast v1, $0xD;
	_ =	sdelay $0x1  }
0x16c: {  	v2 =	vmul.f32 v2, v3;
	_ =	sdelay $0x1  }
0x16d: {  	[tilespmem:s7+$0xFFFFFF50] =	vst v2;
	v2 =	vld [tilespmem:s7+$0xFFFFFF60];
	_ =	sdelay $0x4  }
0x16e: {  	v2 =	vmul.f32 v2, v3;
	_ =	sdelay $0x1  }
0x16f: {  	[tilespmem:s7+$0xFFFFFF60] =	vst v2;
	v2 =	vld [tilespmem:s7+$0xFFFFFF70];
	_ =	sdelay $0x4  }
0x170: {  	v2 =	vmul.f32 v2, v3;
	_ =	sdelay $0x1  }
0x171: {  	[tilespmem:s7+$0xFFFFFF70] =	vst v2;
	v2 =	vld [tilespmem:s7+$0xFFFFFF80];
	_ =	sdelay $0x4  }
0x172: {  	v2 =	vmul.f32 v2, v3;
	_ =	sdelay $0x1  }
0x173: {  	[tilespmem:s7+$0xFFFFFF80] =	vst v2;
	v2 =	vld [tilespmem:s7+$0xFFFFFF90];
	_ =	sdelay $0x2  }
0x174: {  	v3 =	vbroadcast v1, $0xE;
	_ =	sdelay $0x1  }
0x175: {  	v2 =	vmul.f32 v2, v3;
	_ =	sdelay $0x1  }
0x176: {  	[tilespmem:s7+$0xFFFFFF90] =	vst v2;
	v2 =	vld [tilespmem:s7+$0xFFFFFFA0];
	_ =	sdelay $0x4  }
0x177: {  	v2 =	vmul.f32 v2, v3;
	_ =	sdelay $0x1  }
0x178: {  	[tilespmem:s7+$0xFFFFFFA0] =	vst v2;
	v2 =	vld [tilespmem:s7+$0xFFFFFFB0];
	_ =	sdelay $0x4  }
0x179: {  	v2 =	vmul.f32 v2, v3;
	_ =	sdelay $0x1  }
0x17a: {  	[tilespmem:s7+$0xFFFFFFB0] =	vst v2;
	v2 =	vld [tilespmem:s7+$0xFFFFFFC0];
	_ =	sdelay $0x4  }
0x17b: {  	v2 =	vmul.f32 v2, v3;
	_ =	sdelay $0x1  }
0x17c: {  	[tilespmem:s7+$0xFFFFFFC0] =	vst v2;
	v2 =	vld [tilespmem:s7+$0xFFFFFFD0];
	_ =	sdelay $0x2  }
0x17d: {  	v1 =	vbroadcast v1, $0xF;
	_ =	sdelay $0x1  }
0x17e: {  	v2 =	vmul.f32 v2, v1;
	_ =	sdelay $0x1  }
0x17f: {  	[tilespmem:s7+$0xFFFFFFD0] =	vst v2;
	v2 =	vld [tilespmem:s7+$0xFFFFFFE0];
	_ =	sdelay $0x4  }
0x180: {  	v2 =	vmul.f32 v2, v1;
	_ =	sdelay $0x1  }
0x181: {  	[tilespmem:s7+$0xFFFFFFE0] =	vst v2;
	v2 =	vld [tilespmem:s7+$0xFFFFFFF0];
	_ =	sdelay $0x4  }
0x182: {  	v2 =	vmul.f32 v2, v1;
	_ =	sdelay $0x1  }
0x183: {  	[tilespmem:s7+$0xFFFFFFF0] =	vst v2;
	v2 =	vld [tilespmem:s7+$0x0];
	_ =	sdelay $0x1  }
0x184: {  	p0 =	sne.s32 s8, $0x1C0  }
.Ltmp2:
0x185: {  	_ = 	snop;
	(pc) =	sbr.rel @p0 .LBB2_7-.Ltmp2, $3  }
0x186: {  	_ = 	snop  }
0x187: {  	v1 =	vmul.f32 v2, v1;
	_ =	sdelay $0x1  }
0x188: {  	s8 =	sadd.s32 $0x40, s8;
	[tilespmem:s7+$0x0] =	vst v1;
	s7 =	sadd.s32 $0x400, s7  }
0x189: {  	s7 =	simm.s32 $0x500  }
.LBB2_9:
0x18a: {  	v1 =	vld [tilespmem:s7+$0x0]  }
0x18b: {  	s8 =	sshra.s32 s19, $0x2  }
0x18c: {  	v2 =	vld [tilespmem:s8+$0x4600]  }
0x18d: {  	v3 =	vld [tilespmem:s8+$0x4610]  }
0x18e: {  	v4 =	vld [tilespmem:s8+$0x4620]  }
0x18f: {  	v6 =	vld [tilespmem:s8+$0x4630];
	v5 =	vbroadcast v1, $0x0  }
0x190: {  	v7 =	vld [tilespmem:s8+$0x4640]  }
0x191: {  	v8 =	vld [tilespmem:s8+$0x4650];
	v2 =	vmul.f32 v5, v2  }
0x192: {  	v9 =	vld [tilespmem:s8+$0x4660];
	v3 =	vmul.f32 v3, v5  }
0x193: {  	v10 =	vld [tilespmem:s8+$0x4670];
	v46 =	vbroadcast v1, $0x1;
	[tilespmem:s8+$0x4600] =	vst v2;
	v2 =	vmul.f32 v4, v5  }
0x194: {  	v47 =	vld [tilespmem:s8+$0x4680];
	[tilespmem:s8+$0x4610] =	vst v3;
	v3 =	vmul.f32 v6, v5  }
0x195: {  	v48 =	vld [tilespmem:s8+$0x4690];
	[tilespmem:s8+$0x4620] =	vst v2;
	v2 =	vmul.f32 v7, v46  }
0x196: {  	v49 =	vld [tilespmem:s8+$0x46A0];
	[tilespmem:s8+$0x4630] =	vst v3;
	v3 =	vmul.f32 v8, v46  }
0x197: {  	v51 =	vld [tilespmem:s8+$0x46B0];
	v50 =	vbroadcast v1, $0x2;
	[tilespmem:s8+$0x4640] =	vst v2;
	v2 =	vmul.f32 v9, v46  }
0x198: {  	v52 =	vld [tilespmem:s8+$0x46C0];
	[tilespmem:s8+$0x4650] =	vst v3;
	v3 =	vmul.f32 v10, v46  }
0x199: {  	v53 =	vld [tilespmem:s8+$0x46D0];
	[tilespmem:s8+$0x4660] =	vst v2;
	v2 =	vmul.f32 v47, v50  }
0x19a: {  	v54 =	vld [tilespmem:s8+$0x46E0];
	[tilespmem:s8+$0x4670] =	vst v3;
	v3 =	vmul.f32 v48, v50  }
0x19b: {  	v56 =	vld [tilespmem:s8+$0x46F0];
	v55 =	vbroadcast v1, $0x3;
	[tilespmem:s8+$0x4680] =	vst v2;
	v2 =	vmul.f32 v49, v50  }
0x19c: {  	v57 =	vld [tilespmem:s8+$0x4700];
	[tilespmem:s8+$0x4690] =	vst v3;
	v3 =	vmul.f32 v51, v50  }
0x19d: {  	v58 =	vld [tilespmem:s8+$0x4710];
	[tilespmem:s8+$0x46A0] =	vst v2;
	v2 =	vmul.f32 v52, v55  }
0x19e: {  	v59 =	vld [tilespmem:s8+$0x4720];
	[tilespmem:s8+$0x46B0] =	vst v3;
	v3 =	vmul.f32 v53, v55  }
0x19f: {  	v61 =	vld [tilespmem:s8+$0x4730];
	v60 =	vbroadcast v1, $0x4;
	[tilespmem:s8+$0x46C0] =	vst v2;
	v2 =	vmul.f32 v54, v55  }
0x1a0: {  	v62 =	vld [tilespmem:s8+$0x4740];
	[tilespmem:s8+$0x46D0] =	vst v3;
	v3 =	vmul.f32 v56, v55  }
0x1a1: {  	v63 =	vld [tilespmem:s8+$0x4750];
	[tilespmem:s8+$0x46E0] =	vst v2;
	v2 =	vmul.f32 v57, v60  }
0x1a2: {  	v12 =	vld [tilespmem:s8+$0x4760];
	[tilespmem:s8+$0x46F0] =	vst v3;
	v3 =	vmul.f32 v58, v60  }
0x1a3: {  	v14 =	vld [tilespmem:s8+$0x4770];
	v13 =	vbroadcast v1, $0x5;
	[tilespmem:s8+$0x4700] =	vst v2;
	v2 =	vmul.f32 v59, v60  }
0x1a4: {  	v15 =	vld [tilespmem:s8+$0x4780];
	[tilespmem:s8+$0x4710] =	vst v3;
	v3 =	vmul.f32 v61, v60  }
0x1a5: {  	v16 =	vld [tilespmem:s8+$0x4790];
	[tilespmem:s8+$0x4720] =	vst v2;
	v2 =	vmul.f32 v62, v13  }
0x1a6: {  	v17 =	vld [tilespmem:s8+$0x47A0];
	[tilespmem:s8+$0x4730] =	vst v3;
	v3 =	vmul.f32 v63, v13  }
0x1a7: {  	v19 =	vld [tilespmem:s8+$0x47B0];
	v18 =	vbroadcast v1, $0x6;
	[tilespmem:s8+$0x4740] =	vst v2;
	v2 =	vmul.f32 v12, v13  }
0x1a8: {  	v20 =	vld [tilespmem:s8+$0x47C0];
	[tilespmem:s8+$0x4750] =	vst v3;
	v3 =	vmul.f32 v14, v13  }
0x1a9: {  	v21 =	vld [tilespmem:s8+$0x47D0];
	[tilespmem:s8+$0x4760] =	vst v2;
	v2 =	vmul.f32 v15, v18  }
0x1aa: {  	v22 =	vld [tilespmem:s8+$0x47E0];
	[tilespmem:s8+$0x4770] =	vst v3;
	v3 =	vmul.f32 v16, v18  }
0x1ab: {  	v24 =	vld [tilespmem:s8+$0x47F0];
	v23 =	vbroadcast v1, $0x7;
	[tilespmem:s8+$0x4780] =	vst v2;
	v2 =	vmul.f32 v17, v18  }
0x1ac: {  	v25 =	vld [tilespmem:s8+$0x4800];
	[tilespmem:s8+$0x4790] =	vst v3;
	v3 =	vmul.f32 v19, v18  }
0x1ad: {  	v26 =	vld [tilespmem:s8+$0x4810];
	[tilespmem:s8+$0x47A0] =	vst v2;
	v2 =	vmul.f32 v20, v23  }
0x1ae: {  	v27 =	vld [tilespmem:s8+$0x4820];
	[tilespmem:s8+$0x47B0] =	vst v3;
	v3 =	vmul.f32 v21, v23  }
0x1af: {  	v29 =	vld [tilespmem:s8+$0x4830];
	v28 =	vbroadcast v1, $0x8;
	[tilespmem:s8+$0x47C0] =	vst v2;
	v2 =	vmul.f32 v22, v23  }
0x1b0: {  	v30 =	vld [tilespmem:s8+$0x4840];
	[tilespmem:s8+$0x47D0] =	vst v3;
	v3 =	vmul.f32 v24, v23  }
0x1b1: {  	v31 =	vld [tilespmem:s8+$0x4850];
	[tilespmem:s8+$0x47E0] =	vst v2;
	v2 =	vmul.f32 v25, v28  }
0x1b2: {  	v32 =	vld [tilespmem:s8+$0x4860];
	[tilespmem:s8+$0x47F0] =	vst v3;
	v3 =	vmul.f32 v26, v28  }
0x1b3: {  	v34 =	vld [tilespmem:s8+$0x4870];
	v33 =	vbroadcast v1, $0x9;
	[tilespmem:s8+$0x4800] =	vst v2;
	v2 =	vmul.f32 v27, v28  }
0x1b4: {  	v35 =	vld [tilespmem:s8+$0x4880];
	[tilespmem:s8+$0x4810] =	vst v3;
	v3 =	vmul.f32 v29, v28  }
0x1b5: {  	v36 =	vld [tilespmem:s8+$0x4890];
	[tilespmem:s8+$0x4820] =	vst v2;
	v2 =	vmul.f32 v30, v33  }
0x1b6: {  	v37 =	vld [tilespmem:s8+$0x48A0];
	[tilespmem:s8+$0x4830] =	vst v3;
	v3 =	vmul.f32 v31, v33  }
0x1b7: {  	v39 =	vld [tilespmem:s8+$0x48B0];
	v38 =	vbroadcast v1, $0xA;
	[tilespmem:s8+$0x4840] =	vst v2;
	v2 =	vmul.f32 v32, v33  }
0x1b8: {  	v40 =	vld [tilespmem:s8+$0x48C0];
	[tilespmem:s8+$0x4850] =	vst v3;
	v3 =	vmul.f32 v34, v33  }
0x1b9: {  	v41 =	vld [tilespmem:s8+$0x48D0];
	[tilespmem:s8+$0x4860] =	vst v2;
	v2 =	vmul.f32 v35, v38  }
0x1ba: {  	v42 =	vld [tilespmem:s8+$0x48E0];
	[tilespmem:s8+$0x4870] =	vst v3;
	v3 =	vmul.f32 v36, v38  }
0x1bb: {  	v44 =	vld [tilespmem:s8+$0x48F0];
	v43 =	vbroadcast v1, $0xB;
	[tilespmem:s8+$0x4880] =	vst v2;
	v2 =	vmul.f32 v37, v38  }
0x1bc: {  	v45 =	vld [tilespmem:s8+$0x4900];
	[tilespmem:s8+$0x4890] =	vst v3;
	v3 =	vmul.f32 v39, v38  }
0x1bd: {  	v46 =	vld [tilespmem:s8+$0x4910];
	[tilespmem:s8+$0x48A0] =	vst v2;
	v2 =	vmul.f32 v40, v43  }
0x1be: {  	v47 =	vld [tilespmem:s8+$0x4920];
	[tilespmem:s8+$0x48B0] =	vst v3;
	v3 =	vmul.f32 v41, v43  }
0x1bf: {  	v48 =	vbroadcast v1, $0xC;
	v49 =	vld [tilespmem:s8+$0x4930];
	[tilespmem:s8+$0x48C0] =	vst v2;
	v2 =	vmul.f32 v42, v43  }
0x1c0: {  	v50 =	vld [tilespmem:s8+$0x4940];
	[tilespmem:s8+$0x48D0] =	vst v3;
	v3 =	vmul.f32 v44, v43  }
0x1c1: {  	v51 =	vld [tilespmem:s8+$0x4950];
	[tilespmem:s8+$0x48E0] =	vst v2;
	v2 =	vmul.f32 v45, v48  }
0x1c2: {  	v52 =	vld [tilespmem:s8+$0x4960];
	[tilespmem:s8+$0x48F0] =	vst v3;
	v3 =	vmul.f32 v46, v48  }
0x1c3: {  	v53 =	vbroadcast v1, $0xD;
	v54 =	vld [tilespmem:s8+$0x4970];
	[tilespmem:s8+$0x4900] =	vst v2;
	v2 =	vmul.f32 v47, v48  }
0x1c4: {  	v55 =	vld [tilespmem:s8+$0x4980];
	[tilespmem:s8+$0x4910] =	vst v3;
	v3 =	vmul.f32 v49, v48  }
0x1c5: {  	v56 =	vld [tilespmem:s8+$0x4990];
	[tilespmem:s8+$0x4920] =	vst v2;
	v2 =	vmul.f32 v50, v53  }
0x1c6: {  	v57 =	vld [tilespmem:s8+$0x49A0];
	[tilespmem:s8+$0x4930] =	vst v3;
	v3 =	vmul.f32 v51, v53  }
0x1c7: {  	v58 =	vbroadcast v1, $0xE;
	v59 =	vld [tilespmem:s8+$0x49B0];
	[tilespmem:s8+$0x4940] =	vst v2;
	v2 =	vmul.f32 v52, v53  }
0x1c8: {  	v60 =	vld [tilespmem:s8+$0x49C0];
	[tilespmem:s8+$0x4950] =	vst v3;
	v3 =	vmul.f32 v54, v53  }
0x1c9: {  	v61 =	vld [tilespmem:s8+$0x49D0];
	[tilespmem:s8+$0x4960] =	vst v2;
	v2 =	vmul.f32 v55, v58  }
0x1ca: {  	v62 =	vld [tilespmem:s8+$0x49E0];
	[tilespmem:s8+$0x4970] =	vst v3;
	v3 =	vmul.f32 v56, v58  }
0x1cb: {  	v1 =	vbroadcast v1, $0xF;
	v63 =	vld [tilespmem:s8+$0x49F0];
	[tilespmem:s8+$0x4980] =	vst v2;
	v2 =	vmul.f32 v57, v58  }
0x1cc: {  	[tilespmem:s8+$0x4990] =	vst v3;
	v3 =	vmul.f32 v59, v58  }
0x1cd: {  	p0 =	sne.s32 s19, $0x7000;
	[tilespmem:s8+$0x49A0] =	vst v2;
	v2 =	vmul.f32 v60, v1  }
.Ltmp3:
0x1ce: {  	[tilespmem:s8+$0x49B0] =	vst v3;
	v3 =	vmul.f32 v61, v1;
	(pc) =	sbr.rel @p0 .LBB2_9-.Ltmp3, $4  }
0x1cf: {  	[tilespmem:s8+$0x49C0] =	vst v2;
	v2 =	vmul.f32 v62, v1  }
0x1d0: {  	[tilespmem:s8+$0x49D0] =	vst v3;
	v1 =	vmul.f32 v63, v1  }
0x1d1: {  	[tilespmem:s8+$0x49E0] =	vst v2  }
0x1d2: {  	s7 =	sadd.s32 $0x10, s7;
	s19 =	sadd.s32 $0x1000, s19;
	[tilespmem:s8+$0x49F0] =	vst v1  }
0x1d3: {  	s19 =	simm.s32 $0x0;
	s7 =	simm.s32 $0x580  }
.LBB2_11:
0x1d4: {  	v1 =	vld [tilespmem:s7+$0x0]  }
0x1d5: {  	s8 =	sshra.s32 s19, $0x2  }
0x1d6: {  	v2 =	vld [tilespmem:s8+$0x6600]  }
0x1d7: {  	v3 =	vld [tilespmem:s8+$0x6610]  }
0x1d8: {  	v4 =	vld [tilespmem:s8+$0x6620]  }
0x1d9: {  	v6 =	vld [tilespmem:s8+$0x6630];
	v5 =	vbroadcast v1, $0x0  }
0x1da: {  	v7 =	vld [tilespmem:s8+$0x6640]  }
0x1db: {  	v8 =	vld [tilespmem:s8+$0x6650];
	v2 =	vmul.f32 v5, v2  }
0x1dc: {  	v9 =	vld [tilespmem:s8+$0x6660];
	v3 =	vmul.f32 v3, v5  }
0x1dd: {  	v10 =	vld [tilespmem:s8+$0x6670];
	v46 =	vbroadcast v1, $0x1;
	[tilespmem:s8+$0x6600] =	vst v2;
	v2 =	vmul.f32 v4, v5  }
0x1de: {  	v47 =	vld [tilespmem:s8+$0x6680];
	[tilespmem:s8+$0x6610] =	vst v3;
	v3 =	vmul.f32 v6, v5  }
0x1df: {  	v48 =	vld [tilespmem:s8+$0x6690];
	[tilespmem:s8+$0x6620] =	vst v2;
	v2 =	vmul.f32 v7, v46  }
0x1e0: {  	v49 =	vld [tilespmem:s8+$0x66A0];
	[tilespmem:s8+$0x6630] =	vst v3;
	v3 =	vmul.f32 v8, v46  }
0x1e1: {  	v51 =	vld [tilespmem:s8+$0x66B0];
	v50 =	vbroadcast v1, $0x2;
	[tilespmem:s8+$0x6640] =	vst v2;
	v2 =	vmul.f32 v9, v46  }
0x1e2: {  	v52 =	vld [tilespmem:s8+$0x66C0];
	[tilespmem:s8+$0x6650] =	vst v3;
	v3 =	vmul.f32 v10, v46  }
0x1e3: {  	v53 =	vld [tilespmem:s8+$0x66D0];
	[tilespmem:s8+$0x6660] =	vst v2;
	v2 =	vmul.f32 v47, v50  }
0x1e4: {  	v54 =	vld [tilespmem:s8+$0x66E0];
	[tilespmem:s8+$0x6670] =	vst v3;
	v3 =	vmul.f32 v48, v50  }
0x1e5: {  	v56 =	vld [tilespmem:s8+$0x66F0];
	v55 =	vbroadcast v1, $0x3;
	[tilespmem:s8+$0x6680] =	vst v2;
	v2 =	vmul.f32 v49, v50  }
0x1e6: {  	v57 =	vld [tilespmem:s8+$0x6700];
	[tilespmem:s8+$0x6690] =	vst v3;
	v3 =	vmul.f32 v51, v50  }
0x1e7: {  	v58 =	vld [tilespmem:s8+$0x6710];
	[tilespmem:s8+$0x66A0] =	vst v2;
	v2 =	vmul.f32 v52, v55  }
0x1e8: {  	v59 =	vld [tilespmem:s8+$0x6720];
	[tilespmem:s8+$0x66B0] =	vst v3;
	v3 =	vmul.f32 v53, v55  }
0x1e9: {  	v61 =	vld [tilespmem:s8+$0x6730];
	v60 =	vbroadcast v1, $0x4;
	[tilespmem:s8+$0x66C0] =	vst v2;
	v2 =	vmul.f32 v54, v55  }
0x1ea: {  	v62 =	vld [tilespmem:s8+$0x6740];
	[tilespmem:s8+$0x66D0] =	vst v3;
	v3 =	vmul.f32 v56, v55  }
0x1eb: {  	v63 =	vld [tilespmem:s8+$0x6750];
	[tilespmem:s8+$0x66E0] =	vst v2;
	v2 =	vmul.f32 v57, v60  }
0x1ec: {  	v12 =	vld [tilespmem:s8+$0x6760];
	[tilespmem:s8+$0x66F0] =	vst v3;
	v3 =	vmul.f32 v58, v60  }
0x1ed: {  	v14 =	vld [tilespmem:s8+$0x6770];
	v13 =	vbroadcast v1, $0x5;
	[tilespmem:s8+$0x6700] =	vst v2;
	v2 =	vmul.f32 v59, v60  }
0x1ee: {  	v15 =	vld [tilespmem:s8+$0x6780];
	[tilespmem:s8+$0x6710] =	vst v3;
	v3 =	vmul.f32 v61, v60  }
0x1ef: {  	v16 =	vld [tilespmem:s8+$0x6790];
	[tilespmem:s8+$0x6720] =	vst v2;
	v2 =	vmul.f32 v62, v13  }
0x1f0: {  	v17 =	vld [tilespmem:s8+$0x67A0];
	[tilespmem:s8+$0x6730] =	vst v3;
	v3 =	vmul.f32 v63, v13  }
0x1f1: {  	v19 =	vld [tilespmem:s8+$0x67B0];
	v18 =	vbroadcast v1, $0x6;
	[tilespmem:s8+$0x6740] =	vst v2;
	v2 =	vmul.f32 v12, v13  }
0x1f2: {  	v20 =	vld [tilespmem:s8+$0x67C0];
	[tilespmem:s8+$0x6750] =	vst v3;
	v3 =	vmul.f32 v14, v13  }
0x1f3: {  	v21 =	vld [tilespmem:s8+$0x67D0];
	[tilespmem:s8+$0x6760] =	vst v2;
	v2 =	vmul.f32 v15, v18  }
0x1f4: {  	v22 =	vld [tilespmem:s8+$0x67E0];
	[tilespmem:s8+$0x6770] =	vst v3;
	v3 =	vmul.f32 v16, v18  }
0x1f5: {  	v24 =	vld [tilespmem:s8+$0x67F0];
	v23 =	vbroadcast v1, $0x7;
	[tilespmem:s8+$0x6780] =	vst v2;
	v2 =	vmul.f32 v17, v18  }
0x1f6: {  	v25 =	vld [tilespmem:s8+$0x6800];
	[tilespmem:s8+$0x6790] =	vst v3;
	v3 =	vmul.f32 v19, v18  }
0x1f7: {  	v26 =	vld [tilespmem:s8+$0x6810];
	[tilespmem:s8+$0x67A0] =	vst v2;
	v2 =	vmul.f32 v20, v23  }
0x1f8: {  	v27 =	vld [tilespmem:s8+$0x6820];
	[tilespmem:s8+$0x67B0] =	vst v3;
	v3 =	vmul.f32 v21, v23  }
0x1f9: {  	v29 =	vld [tilespmem:s8+$0x6830];
	v28 =	vbroadcast v1, $0x8;
	[tilespmem:s8+$0x67C0] =	vst v2;
	v2 =	vmul.f32 v22, v23  }
0x1fa: {  	v30 =	vld [tilespmem:s8+$0x6840];
	[tilespmem:s8+$0x67D0] =	vst v3;
	v3 =	vmul.f32 v24, v23  }
0x1fb: {  	v31 =	vld [tilespmem:s8+$0x6850];
	[tilespmem:s8+$0x67E0] =	vst v2;
	v2 =	vmul.f32 v25, v28  }
0x1fc: {  	v32 =	vld [tilespmem:s8+$0x6860];
	[tilespmem:s8+$0x67F0] =	vst v3;
	v3 =	vmul.f32 v26, v28  }
0x1fd: {  	v34 =	vld [tilespmem:s8+$0x6870];
	v33 =	vbroadcast v1, $0x9;
	[tilespmem:s8+$0x6800] =	vst v2;
	v2 =	vmul.f32 v27, v28  }
0x1fe: {  	v35 =	vld [tilespmem:s8+$0x6880];
	[tilespmem:s8+$0x6810] =	vst v3;
	v3 =	vmul.f32 v29, v28  }
0x1ff: {  	v36 =	vld [tilespmem:s8+$0x6890];
	[tilespmem:s8+$0x6820] =	vst v2;
	v2 =	vmul.f32 v30, v33  }
0x200: {  	v37 =	vld [tilespmem:s8+$0x68A0];
	[tilespmem:s8+$0x6830] =	vst v3;
	v3 =	vmul.f32 v31, v33  }
0x201: {  	v39 =	vld [tilespmem:s8+$0x68B0];
	v38 =	vbroadcast v1, $0xA;
	[tilespmem:s8+$0x6840] =	vst v2;
	v2 =	vmul.f32 v32, v33  }
0x202: {  	v40 =	vld [tilespmem:s8+$0x68C0];
	[tilespmem:s8+$0x6850] =	vst v3;
	v3 =	vmul.f32 v34, v33  }
0x203: {  	v41 =	vld [tilespmem:s8+$0x68D0];
	[tilespmem:s8+$0x6860] =	vst v2;
	v2 =	vmul.f32 v35, v38  }
0x204: {  	v42 =	vld [tilespmem:s8+$0x68E0];
	[tilespmem:s8+$0x6870] =	vst v3;
	v3 =	vmul.f32 v36, v38  }
0x205: {  	v44 =	vld [tilespmem:s8+$0x68F0];
	v43 =	vbroadcast v1, $0xB;
	[tilespmem:s8+$0x6880] =	vst v2;
	v2 =	vmul.f32 v37, v38  }
0x206: {  	v45 =	vld [tilespmem:s8+$0x6900];
	[tilespmem:s8+$0x6890] =	vst v3;
	v3 =	vmul.f32 v39, v38  }
0x207: {  	v46 =	vld [tilespmem:s8+$0x6910];
	[tilespmem:s8+$0x68A0] =	vst v2;
	v2 =	vmul.f32 v40, v43  }
0x208: {  	v47 =	vld [tilespmem:s8+$0x6920];
	[tilespmem:s8+$0x68B0] =	vst v3;
	v3 =	vmul.f32 v41, v43  }
0x209: {  	v48 =	vbroadcast v1, $0xC;
	v49 =	vld [tilespmem:s8+$0x6930];
	[tilespmem:s8+$0x68C0] =	vst v2;
	v2 =	vmul.f32 v42, v43  }
0x20a: {  	v50 =	vld [tilespmem:s8+$0x6940];
	[tilespmem:s8+$0x68D0] =	vst v3;
	v3 =	vmul.f32 v44, v43  }
0x20b: {  	v51 =	vld [tilespmem:s8+$0x6950];
	[tilespmem:s8+$0x68E0] =	vst v2;
	v2 =	vmul.f32 v45, v48  }
0x20c: {  	v52 =	vld [tilespmem:s8+$0x6960];
	[tilespmem:s8+$0x68F0] =	vst v3;
	v3 =	vmul.f32 v46, v48  }
0x20d: {  	v53 =	vbroadcast v1, $0xD;
	v54 =	vld [tilespmem:s8+$0x6970];
	[tilespmem:s8+$0x6900] =	vst v2;
	v2 =	vmul.f32 v47, v48  }
0x20e: {  	v55 =	vld [tilespmem:s8+$0x6980];
	[tilespmem:s8+$0x6910] =	vst v3;
	v3 =	vmul.f32 v49, v48  }
0x20f: {  	v56 =	vld [tilespmem:s8+$0x6990];
	[tilespmem:s8+$0x6920] =	vst v2;
	v2 =	vmul.f32 v50, v53  }
0x210: {  	v57 =	vld [tilespmem:s8+$0x69A0];
	[tilespmem:s8+$0x6930] =	vst v3;
	v3 =	vmul.f32 v51, v53  }
0x211: {  	v58 =	vbroadcast v1, $0xE;
	v59 =	vld [tilespmem:s8+$0x69B0];
	[tilespmem:s8+$0x6940] =	vst v2;
	v2 =	vmul.f32 v52, v53  }
0x212: {  	v60 =	vld [tilespmem:s8+$0x69C0];
	[tilespmem:s8+$0x6950] =	vst v3;
	v3 =	vmul.f32 v54, v53  }
0x213: {  	v61 =	vld [tilespmem:s8+$0x69D0];
	[tilespmem:s8+$0x6960] =	vst v2;
	v2 =	vmul.f32 v55, v58  }
0x214: {  	v62 =	vld [tilespmem:s8+$0x69E0];
	[tilespmem:s8+$0x6970] =	vst v3;
	v3 =	vmul.f32 v56, v58  }
0x215: {  	v1 =	vbroadcast v1, $0xF;
	v63 =	vld [tilespmem:s8+$0x69F0];
	[tilespmem:s8+$0x6980] =	vst v2;
	v2 =	vmul.f32 v57, v58  }
0x216: {  	[tilespmem:s8+$0x6990] =	vst v3;
	v3 =	vmul.f32 v59, v58  }
0x217: {  	p0 =	sne.s32 s19, $0x7000;
	[tilespmem:s8+$0x69A0] =	vst v2;
	v2 =	vmul.f32 v60, v1  }
.Ltmp4:
0x218: {  	[tilespmem:s8+$0x69B0] =	vst v3;
	v3 =	vmul.f32 v61, v1;
	(pc) =	sbr.rel @p0 .LBB2_11-.Ltmp4, $4  }
0x219: {  	[tilespmem:s8+$0x69C0] =	vst v2;
	v2 =	vmul.f32 v62, v1  }
0x21a: {  	[tilespmem:s8+$0x69D0] =	vst v3;
	v1 =	vmul.f32 v63, v1  }
0x21b: {  	[tilespmem:s8+$0x69E0] =	vst v2  }
0x21c: {  	s7 =	sadd.s32 $0x10, s7;
	s19 =	sadd.s32 $0x1000, s19;
	[tilespmem:s8+$0x69F0] =	vst v1  }
0x21d: {  	[spmem:s1] =	stream.indirect.scatter.add.f32 [tilespmem:s25], [sflag:$0x2], $0x40, s22, s24, $0xb8;
	[tilespmem:$0x14600] =	vst v63  }
0x21e: {  	_ =	swait.ge [sflag:s21], $0x2000  }
0x21f: {  	[sflag:s21] =	ssyncset.done $0x0  }
0x220: {  	[sflag:s21] =	ssyncadd.s32 $0xFFFFE000  }
0x221: {  	[spmem:s1] =	stream.indirect.scatter.add.f32 [tilespmem:s26], [sflag:$0x2], $0x40, s2, s24, $0xb8;
	[tilespmem:$0x14600] =	vst v63  }
0x222: {  	_ =	swait.ge [sflag:s21], $0x2000  }
0x223: {  	[sflag:s21] =	ssyncset.done $0x0  }
0x224: {  	[sflag:s21] =	ssyncadd.s32 $0xFFFFE000  }
0x225: {  	[spmem:s1] =	stream.indirect.scatter.add.f32 [tilespmem:s29], [sflag:$0x2], $0x40, s14, s24, $0xb8;
	[tilespmem:$0x14600] =	vst v63  }
0x226: {  	s18 =	sadd.s32 $0x1, s18;
	_ =	swait.ge [sflag:s21], $0x2000  }
0x227: {  	p0 =	sne.s32 s18, $0x28;
	[sflag:s21] =	ssyncset.done $0x0  }
.Ltmp5:
0x228: {  	[sflag:s21] =	ssyncadd.s32 $0xFFFFE000;
	(pc) =	sbr.rel @p0 .LBB2_4-.Ltmp5, $4  }
0x229: {  	[spmem:s1] =	stream.indirect.scatter.add.f32 [tilespmem:s31], [sflag:$0x2], $0x40, s15, s24, $0xb8;
	[tilespmem:$0x14600] =	vst v63  }
0x22a: {  	_ =	swait.ge [sflag:s21], $0x2000  }
0x22b: {  	[sflag:s21] =	ssyncset.done $0x0  }
0x22c: {  	[sflag:s21] =	ssyncadd.s32 $0xFFFFE000  }
0x22d: {  	[bflag:$0x0] =	sbarrier.arrive $0xFFFF  }
0x22e: {  	s7 =	rddreg [dreg:$0x4]  }
0x22f: {  	[tilespmem:s20], [sflag:$0x2] =	stream.linear.gather [spmem:s7], $0x2000, $0x38;
	[tilespmem:$0x14600] =	vst v63  }
0x230: {  	_ =	swait.ge [sflag:s21], $0x2000  }
0x231: {  	[sflag:s21] =	ssyncset.done $0x0  }
0x232: {  	s17 =	rddreg [dreg:$0x7];
	[sflag:s21] =	ssyncadd.s32 $0xFFFFE000  }
0x233: {  	[hbm4b:s17+s3] =	stream.linear.scatter [tilespmem:s20], [sflag:$0x2], $0x2000, $0x38;
	[tilespmem:$0x14600] =	vst v63  }
0x234: {  	_ =	swait.ge [sflag:s21], $0x2000  }
0x235: {  	[sflag:s21] =	ssyncset.done $0x0  }
0x236: {  	s18 =	rddreg [dreg:$0x5];
	[sflag:s21] =	ssyncadd.s32 $0xFFFFE000  }
0x237: {  	[tilespmem:s20], [sflag:$0x2] =	stream.linear.gather [spmem:s18], $0x2000, $0x38;
	[tilespmem:$0x14600] =	vst v63  }
0x238: {  	_ =	swait.ge [sflag:s21], $0x2000  }
0x239: {  	[sflag:s21] =	ssyncset.done $0x0  }
0x23a: {  	s19 =	rddreg [dreg:$0x8];
	[sflag:s21] =	ssyncadd.s32 $0xFFFFE000  }
0x23b: {  	[hbm4b:s19+s3] =	stream.linear.scatter [tilespmem:s20], [sflag:$0x2], $0x2000, $0x38;
	[tilespmem:$0x14600] =	vst v63  }
0x23c: {  	_ =	swait.ge [sflag:s21], $0x2000  }
0x23d: {  	[sflag:s21] =	ssyncset.done $0x0  }
0x23e: {  	s8 =	rddreg [dreg:$0x6];
	[sflag:s21] =	ssyncadd.s32 $0xFFFFE000  }
0x23f: {  	[tilespmem:s20], [sflag:$0x2] =	stream.linear.gather [spmem:s8], $0x2000, $0x38;
	[tilespmem:$0x14600] =	vst v63  }
0x240: {  	_ =	swait.ge [sflag:s21], $0x2000  }
0x241: {  	[sflag:s21] =	ssyncset.done $0x0  }
0x242: {  	s9 =	rddreg [dreg:$0x9];
	[sflag:s21] =	ssyncadd.s32 $0xFFFFE000  }
0x243: {  	[hbm4b:s9+s3] =	stream.linear.scatter [tilespmem:s20], [sflag:$0x2], $0x2000, $0x38;
	[tilespmem:$0x14600] =	vst v63  }
0x244: {  	_ =	swait.ge [sflag:s21], $0x2000  }
0x245: {  	[sflag:s21] =	ssyncset.done $0x0  }
0x246: {  	[sflag:s21] =	ssyncadd.s32 $0xFFFFE000  }
0x247: {  	[tilespmem:s20], [sflag:$0x2] =	stream.linear.gather [spmem:s10], $0x2000, $0x38;
	[tilespmem:$0x14600] =	vst v63  }
0x248: {  	_ =	swait.ge [sflag:s21], $0x2000  }
0x249: {  	[sflag:s21] =	ssyncset.done $0x0  }
0x24a: {  	s17 =	rddreg [dreg:$0xa];
	[sflag:s21] =	ssyncadd.s32 $0xFFFFE000  }
0x24b: {  	[hbm4b:s17+s3] =	stream.linear.scatter [tilespmem:s20], [sflag:$0x2], $0x2000, $0x38;
	[tilespmem:$0x14600] =	vst v63  }
0x24c: {  	_ =	swait.ge [sflag:s21], $0x2000  }
0x24d: {  	[sflag:s21] =	ssyncset.done $0x0  }
0x24e: {  	[sflag:s21] =	ssyncadd.s32 $0xFFFFE000  }
0x24f: {  	[tilespmem:s20], [sflag:$0x2] =	stream.linear.gather [spmem:s11], $0x2000, $0x38;
	[tilespmem:$0x14600] =	vst v63  }
0x250: {  	_ =	swait.ge [sflag:s21], $0x2000  }
0x251: {  	[sflag:s21] =	ssyncset.done $0x0  }
0x252: {  	s18 =	rddreg [dreg:$0xb];
	[sflag:s21] =	ssyncadd.s32 $0xFFFFE000  }
0x253: {  	[hbm4b:s18+s3] =	stream.linear.scatter [tilespmem:s20], [sflag:$0x2], $0x2000, $0x38;
	[tilespmem:$0x14600] =	vst v63  }
0x254: {  	_ =	swait.ge [sflag:s21], $0x2000  }
0x255: {  	s16 =	sadd.s32 $0x1, s16;
	s19 =	rddreg [dreg:$0xc]  }
0x256: {  	p0 =	sne.s32 s16, s19  }
.Ltmp6:
0x257: {  	_ = 	snop;
	(pc) =	sbr.rel @p0 .LBB2_1-.Ltmp6, $3  }
0x258: {  	_ =	sdelay $0x1  }
0x259: {  	[sflag:s21] =	ssyncset.done $0x0  }
0x25a: {  	[sflag:s21] =	ssyncadd.s32 $0xFFFFE000  }
0x25b: {  	_ =	sfence.sel $0x180000  }
0x25c: {  	[bflag:$0x0] =	sbarrier.arrive $0xFFFF  }
0x25d: {  	_ =	strace $0x90000047  }
0x25e: {  	s0 =	stileid.u32;
	[bflag:$0x2] =	sbarrier.arrive $0xFFFF  }
0x25f: {  	p0 =	sne.s32 s0, $0x0;
	s0 =	rddreg [dreg:$0x3]  }
0x260: {  	s0 =	sadd.s32 @!p0 $0x100000, s0  }
0x261: {  	[sflag:s0] =	ssyncadd.tile.s32 @!p0 $0x1;
	_ =	shalt  }
.Lfunc_end2:
_tile_overlayer_lowered:
.L_overlay_start_2:
0x262: {  	(tag) =	ssettag $0x2  }
0x263: {  	s0 =	rddreg [dreg:$0x0];
	s2 =	stileid.u32  }
0x264: {  	s1 =	rddreg [dreg:$0x1];
	p0 =	sne.s32 s2, $0x0  }
0x265: {  	s3 =	rddreg [dreg:$0x2];
	[bflag:$0x3] =	sbarrier.arrive $0xFFFF;
	s2 =	simm.s32 @!p0 $0x1C02  }
0x266: {  	[timem:s3], [sflag:s2] =	dma.local @!p0 [hbm:s0], s1  }
0x267: {  	s0 =	simm.s32 @!p0 $0x2  }
0x268: {  	_ =	swait.ge @!p0 [sflag:s0], s1  }
0x269: {  	s1 =	ssub.s32 @!p0 $0x0, s1;
	[sflag:s0] =	ssyncset.done @!p0 $0x0  }
0x26a: {  	[sflag:s0] =	ssyncadd.s32 @!p0 s1  }
0x26b: {  	[bflag:$0x3] =	sbarrier.arrive $0xFFFF  }
0x26c: {  	_ =	shalt  }

</sc_bundles>
